<compile_context>
chip_gen: v7x
topology: tpu7x:2x2x1
jax: 0.10.2.dev20260603
libtpu: 0.0.44.dev20260713+nightly
codegen_flags: <defaults>
</compile_context>

<pallas_src>
import jax
import jax.numpy as jnp
from jax import lax
from jax.experimental import pallas as pl
from jax.experimental.pallas import tpu as pltpu
from jax.experimental.pallas import tpu_sc as plsc

_NUM_SAMPLES = 50000
_NUM_FEATURES = 256
_BATCH = 256
_NUM_CLASSES = 1000
_TEMP = 0.05

_NC = 2
_NS = 16
_NRG = 4
_NCG = 4
_CPAD = 1024
_DUMP = 1000
_K = 256
_NCHUNK = 25
_CW = _NUM_FEATURES // _NCG


def _sc_body(features, labels, indexes, csum_out, cnt_out, tgt_out,
             acc, cacc, fbuf, lbl2, idxbuf, tgtbuf, fsem, lsem, sem):
  cid = lax.axis_index("c")
  sid = lax.axis_index("s")
  wid = sid * _NC + cid
  rl = sid // _NCG
  cg = sid % _NCG
  c0 = cg * _CW

  rg = cid * _NRG + rl
  nrow16 = _NUM_SAMPLES // 16
  lo16 = (rg * nrow16) // (_NC * _NRG)
  hi16 = ((rg + 1) * nrow16) // (_NC * _NRG)
  nq = hi16 - lo16

  def _zero(i, carry):
    for j in range(_CW // 16):
      acc[pl.ds(i * _CW + j * 16, 16)] = jnp.zeros((16,), jnp.float32)
    return carry
  lax.fori_loop(0, _CPAD, _zero, 0)

  def _zeroc(i, carry):
    cacc[pl.ds(i * 16, 16)] = jnp.zeros((16,), jnp.float32)
    return carry
  lax.fori_loop(0, _CPAD // 16, _zeroc, 0)

  @pl.when(wid == 0)
  def _targets():
    for off in (0, 128):
      pltpu.sync_copy(indexes.at[pl.ds(off, 128)], idxbuf)
      pltpu.async_copy(labels.at[idxbuf], tgtbuf, sem).wait()
      pltpu.sync_copy(tgtbuf, tgt_out.at[pl.ds(off, 128)])

  ones16 = jnp.ones((16,), jnp.float32)
  iota16 = lax.broadcasted_iota(jnp.int32, (16,), 0)
  is_cnt = cg == 0
  start = lo16 * 16
  end = hi16 * 16

  def _base(c):
    return jnp.minimum(start + c * _K, end - _K)

  def _fdst(slot):
    return fbuf.at[pl.ds(slot * _K, _K), pl.ds(0, _CW)]

  def _start_dmas(c, slot):
    b = _base(c)
    pltpu.make_async_copy(
        features.at[pl.ds(b, _K), pl.ds(c0, _CW)], _fdst(slot),
        fsem.at[slot]).start()
    pltpu.make_async_copy(labels.at[pl.ds(b, _K)], lbl2.at[slot],
                          lsem.at[slot]).start()

  def _wait_dmas(c, slot):
    b = _base(c)
    pltpu.make_async_copy(
        features.at[pl.ds(b, _K), pl.ds(c0, _CW)], _fdst(slot),
        fsem.at[slot]).wait()
    pltpu.make_async_copy(labels.at[pl.ds(b, _K)], lbl2.at[slot],
                          lsem.at[slot]).wait()

  def _process(c, slot):
    base = _base(c)
    cutoff = start + c * _K

    @plsc.parallel_loop(0, _K // 16, 1, unroll=4)
    def _rows16(q):
      lv = lbl2[slot, pl.ds(q * 16, 16)]
      rows = base + q * 16 + iota16
      lbl16 = jnp.where(rows >= cutoff, lv, _DUMP)
      lblbase16 = lbl16 * _CW
      rowg16 = slot * _K + q * 16 + iota16
      for c in range(_CW):
        c16 = (iota16 + c) & (_CW - 1)
        v = plsc.load_gather(fbuf, [rowg16, c16])
        plsc.addupdate_scatter(acc, [lblbase16 + c16], v)
      @pl.when(is_cnt)
      def _():
        pi16 = ((lbl16 & 1) << 9) + (lbl16 >> 1)
        plsc.addupdate_scatter(cacc, [pi16], ones16)

  _start_dmas(0, 0)

  def _pair(c2, carry):
    ca = 2 * c2
    cb = ca + 1
    _start_dmas(cb, 1)
    _wait_dmas(ca, 0)
    _process(ca, 0)

    @pl.when(cb + 1 < _NCHUNK)
    def _():
      _start_dmas(cb + 1, 0)
    _wait_dmas(cb, 1)
    _process(cb, 1)
    return carry
  lax.fori_loop(0, _NCHUNK // 2, _pair, 0)

  _wait_dmas(_NCHUNK - 1, 0)
  _process(_NCHUNK - 1, 0)

  pltpu.sync_copy(acc, csum_out.at[cid, sid])
  @pl.when(is_cnt)
  def _dump_cnt():
    pltpu.sync_copy(cacc, cnt_out.at[cid, rl])


@jax.jit
def _sc_stage(features, labels, indexes):
  mesh = plsc.VectorSubcoreMesh(core_axis_name="c", subcore_axis_name="s",
                                num_cores=_NC, num_subcores=_NS)
  return pl.kernel(
      _sc_body,
      out_type=(
          jax.ShapeDtypeStruct((_NC, _NS, _CPAD * _CW), jnp.float32),
          jax.ShapeDtypeStruct((_NC, _NRG, _CPAD), jnp.float32),
          jax.ShapeDtypeStruct((_BATCH,), jnp.int32),
      ),
      mesh=mesh,
      compiler_params=pltpu.CompilerParams(use_tc_tiling_on_sc=False,
                                           needs_layout_passes=False),
      scratch_types=[
          pltpu.VMEM((_CPAD * _CW,), jnp.float32),
          pltpu.VMEM((_CPAD,), jnp.float32),
          pltpu.VMEM((2 * _K, _CW), jnp.float32),
          pltpu.VMEM((2, _K), jnp.int32),
          pltpu.VMEM((128,), jnp.int32),
          pltpu.VMEM((128,), jnp.int32),
          pltpu.SemaphoreType.DMA((2,)),
          pltpu.SemaphoreType.DMA((2,)),
          pltpu.SemaphoreType.DMA,
      ],
  )(features, labels, indexes)


def _tc_body(inp_ref, csum_ref, cnt_ref, tgt_ref, out_ref):
  half = _CPAD // 2
  blocks = []
  for g in range(_NCG):
    blk = csum_ref[0, g]
    for cid in range(_NC):
      for rl in range(_NRG):
        if cid == 0 and rl == 0:
          continue
        blk = blk + csum_ref[cid, rl * _NCG + g]
    blocks.append(blk)
  csum_e = jnp.concatenate([b[:, 0:_CW] for b in blocks], axis=1)
  csum_o = jnp.concatenate([b[:, _CW:2 * _CW] for b in blocks], axis=1)
  inp = inp_ref[...]
  dims = (((1,), (1,)), ((), ()))
  sim_e = lax.dot_general(inp, csum_e, dims,
                          preferred_element_type=jnp.float32)
  sim_o = lax.dot_general(inp, csum_o, dims,
                          preferred_element_type=jnp.float32)
  sim = jnp.concatenate([sim_e, sim_o], axis=1)
  cnt2 = cnt_ref[0, 0]
  for cid in range(_NC):
    for rl in range(_NRG):
      if cid == 0 and rl == 0:
        continue
      cnt2 = cnt2 + cnt_ref[cid, rl]
  nums = cnt2.reshape(1, _CPAD)
  iota_p = lax.broadcasted_iota(jnp.int32, (1, _CPAD), 1)
  c_of_p = 2 * (iota_p & (half - 1)) + (iota_p >> 9)
  maskf = jnp.where(jnp.logical_and(nums > 0.5, c_of_p < _NUM_CLASSES),
                    1.0, 0.0).astype(jnp.float32)
  denom = _TEMP * jnp.where(nums > 0.5, nums, 1.0)
  exps = jnp.exp(sim / denom) * maskf
  sums = jnp.sum(exps, axis=1, keepdims=True) + 1e-6
  logp = jnp.log(exps / sums + 1e-6)
  tgt = tgt_ref[...]
  pos_t = ((tgt & 1) << 9) + (tgt >> 1)
  iota_bc = lax.broadcasted_iota(jnp.int32, (_BATCH, _CPAD), 1)
  onehot = jnp.where(iota_bc == pos_t, 1.0, 0.0)
  picked = jnp.sum(logp * onehot, axis=1, keepdims=True)
  out_ref[...] = -jnp.sum(picked, axis=0, keepdims=True) / float(_BATCH)


@jax.jit
def _tc_stage(inputs, csum_p, cnt_p, tgt):
  return pl.pallas_call(
      _tc_body,
      out_shape=jax.ShapeDtypeStruct((1, 1), jnp.float32),
  )(inputs, csum_p, cnt_p, tgt)


def kernel(inputs, indexes, features, labels):
  csum_p, cnt_p, tgt = _sc_stage(features, labels, indexes)
  csum_p = csum_p.reshape(_NC, _NS, _CPAD // 2, 2 * _CW)
  cnt_p = cnt_p.reshape(_NC, _NRG, _CPAD // 128, 128)
  loss = _tc_stage(inputs, csum_p, cnt_p, tgt.reshape(_BATCH, 1))
  return loss[0, 0]

# --- scband reference (transcript-rebuilt; emitter-appended) ---
"""Pipeline reference for scband-hybrid-memory-63745904607629 (READ-ONLY COPY).

The authoritative reference and input builder live on the scoring server;
editing this copy changes nothing except your own understanding.
"""

import jax, jax.numpy as jnp
import numpy as np

NUM_SAMPLES = 50000
NUM_FEATURES = 256
BATCH = 256
NUM_CLASSES = 1000
TEMP = 0.05


def _l2norm(x):
    return x / (jnp.linalg.norm(x, axis=1, keepdims=True) + 1e-12)


def setup_inputs(seed: int = 0) -> dict:
    key = jax.random.key(seed)
    k1, k2, k3, k4 = jax.random.split(key, 4)
    inputs = jax.random.normal(k1, (BATCH, NUM_FEATURES), dtype=jnp.float32)
    inputs = _l2norm(inputs)
    indexes = jax.random.randint(k2, (BATCH,), 0, NUM_SAMPLES, dtype=jnp.int32)
    # learned/buffer state: memory bank of instance features (L2-normalized, as maintained by momentum update)
    features = jax.random.normal(k3, (NUM_SAMPLES, NUM_FEATURES), dtype=jnp.float32)
    features = _l2norm(features)
    # pseudo cluster labels buffer (self.labels[-1])
    labels = jax.random.randint(k4, (NUM_SAMPLES,), 0, NUM_CLASSES, dtype=jnp.int32)
    return {"inputs": inputs, "indexes": indexes, "features": features, "labels": labels}


def reference(inputs, indexes, features, labels):
    # HM.forward: outputs = inputs @ features.T  (no grad to features, buffer)
    logits = (inputs @ features.T) / TEMP  # [B, num_samples]
    targets = labels[indexes]  # [B]
    C = NUM_CLASSES
    # sim.index_add_(0, labels, inputs.t())  -> segment-sum of logits.T rows by label
    sim = jax.ops.segment_sum(logits.T, labels, num_segments=C)  # [C, B]
    nums = jax.ops.segment_sum(jnp.ones((labels.shape[0], 1), dtype=jnp.float32), labels, num_segments=C)  # [C, 1]
    mask = (nums > 0).astype(jnp.float32)  # [C, 1]
    sim = sim / (mask * nums + (1.0 - mask))  # average within non-empty classes
    # masked softmax over classes (dim=1 of sim.T)
    exps = jnp.exp(sim.T)  # [B, C]
    masked_exps = exps * mask.T  # broadcast [1, C]
    masked_sums = jnp.sum(masked_exps, axis=1, keepdims=True) + 1e-6
    masked_sim = masked_exps / masked_sums
    logp = jnp.log(masked_sim + 1e-6)
    B = inputs.shape[0]
    loss = -jnp.mean(logp[jnp.arange(B), targets])  # F.nll_loss (mean reduction)
    return loss

if __name__ == "__main__":
    import jax
    _d = setup_inputs()
    print(jax.jit(kernel)(*tuple(_d.values())))

</pallas_src>

<mosaic_0001>
#map = affine_map<(d0, d1) -> (0, 0)>
#map1 = affine_map<(d0, d1) -> (0)>
#map2 = affine_map<(d0, d1) -> (0, 0, 0)>
module attributes {stable_mosaic.version = 14 : i64} {
  func.func @_sc_body(%arg0: i32, %arg1: i32, %arg2: memref<50000x256xf32, #tpu.memory_space<hbm>>, %arg3: memref<50000xi32, #tpu.memory_space<hbm>>, %arg4: memref<256xi32, #tpu.memory_space<hbm>>, %arg5: memref<2x16x65536xf32, #tpu.memory_space<hbm>>, %arg6: memref<2x4x1024xf32, #tpu.memory_space<hbm>>, %arg7: memref<256xi32, #tpu.memory_space<hbm>>, %arg8: memref<65536xf32, #tpu.memory_space<vmem>>, %arg9: memref<1024xf32, #tpu.memory_space<vmem>>, %arg10: memref<512x64xf32, #tpu.memory_space<vmem>>, %arg11: memref<2x256xi32, #tpu.memory_space<vmem>>, %arg12: memref<128xi32, #tpu.memory_space<vmem>>, %arg13: memref<128xi32, #tpu.memory_space<vmem>>, %arg14: memref<2x!tpu.dma_semaphore, #tpu.memory_space<semaphore_mem>>, %arg15: memref<2x!tpu.dma_semaphore, #tpu.memory_space<semaphore_mem>>, %arg16: memref<!tpu.dma_semaphore, #tpu.memory_space<semaphore_mem>>) attributes {dimension_semantics = [#tpu.dimension_semantics<core_parallel>, #tpu.dimension_semantics<subcore_parallel>], iteration_bounds = array<i64: 2, 16>, scalar_prefetch = 0 : i64, scratch_operands = 9 : i64, tpu.core_type = #tpu.core_type<sc_vector_subcore>, window_params = [{transform_indices = #map}, {transform_indices = #map1}, {transform_indices = #map1}, {transform_indices = #map2}, {transform_indices = #map2}, {transform_indices = #map1}]} {
    %mul3A = arith.constant 2 : i32
    %mul3A_0 = arith.muli %arg1, %mul3A : i32
    %add3A = arith.addi %mul3A_0, %arg0 : i32
    %jit3A = arith.constant 4 : i32
    %div3A = arith.divsi %arg1, %jit3A : i32
    %sign3A = arith.constant 0 : i32
    %sign3A_1 = arith.cmpi sgt, %arg1, %sign3A : i32
    %sign3A_2 = arith.extui %sign3A_1 : i1 to i32
    %sign3A_3 = arith.constant 0 : i32
    %sign3A_4 = arith.cmpi slt, %arg1, %sign3A_3 : i32
    %sign3A_5 = arith.extui %sign3A_4 : i1 to i32
    %sign3A_6 = arith.subi %sign3A_2, %sign3A_5 : i32
    %sign3A_7 = arith.constant 0 : i32
    %sign3A_8 = arith.cmpi sgt, %jit3A, %sign3A_7 : i32
    %sign3A_9 = arith.extui %sign3A_8 : i1 to i32
    %sign3A_10 = arith.constant 0 : i32
    %sign3A_11 = arith.cmpi slt, %jit3A, %sign3A_10 : i32
    %sign3A_12 = arith.extui %sign3A_11 : i1 to i32
    %sign3A_13 = arith.subi %sign3A_9, %sign3A_12 : i32
    %ne3A = arith.cmpi ne, %sign3A_6, %sign3A_13 : i32
    %rem3A = arith.remsi %arg1, %jit3A : i32
    %ne3A_14 = arith.constant 0 : i32
    %ne3A_15 = arith.cmpi ne, %rem3A, %ne3A_14 : i32
    %and3A = arith.andi %ne3A, %ne3A_15 : i1
    %sub3A = arith.constant 1 : i32
    %sub3A_16 = arith.subi %div3A, %sub3A : i32
    %select_n3A = arith.select %and3A, %sub3A_16, %div3A : i32
    %jit3A_17 = arith.constant 4 : i32
    %eq3A = arith.constant 0 : i32
    %eq3A_18 = arith.cmpi eq, %jit3A_17, %eq3A : i32
    %jit3A_19 = arith.constant 1 : i32
    %select_n3A_20 = arith.select %eq3A_18, %jit3A_19, %jit3A_17 : i32
    %rem3A_21 = arith.remsi %arg1, %select_n3A_20 : i32
    %ne3A_22 = arith.constant 0 : i32
    %ne3A_23 = arith.cmpi ne, %rem3A_21, %ne3A_22 : i32
    %lt3A = arith.constant 0 : i32
    %lt3A_24 = arith.cmpi slt, %rem3A_21, %lt3A : i32
    %lt3A_25 = arith.constant 0 : i32
    %lt3A_26 = arith.cmpi slt, %select_n3A_20, %lt3A_25 : i32
    %ne3A_27 = arith.xori %lt3A_24, %lt3A_26 : i1
    %and3A_28 = arith.andi %ne3A_27, %ne3A_23 : i1
    %add3A_29 = arith.addi %rem3A_21, %select_n3A_20 : i32
    %select_n3A_30 = arith.select %and3A_28, %add3A_29, %rem3A_21 : i32
    %mul3A_31 = arith.constant 64 : i32
    %mul3A_32 = arith.muli %select_n3A_30, %mul3A_31 : i32
    %mul3A_33 = arith.constant 4 : i32
    %mul3A_34 = arith.muli %arg0, %mul3A_33 : i32
    %add3A_35 = arith.addi %mul3A_34, %select_n3A : i32
    %mul3A_36 = arith.constant 3125 : i32
    %mul3A_37 = arith.muli %add3A_35, %mul3A_36 : i32
    %jit3A_38 = arith.constant 8 : i32
    %div3A_39 = arith.divsi %mul3A_37, %jit3A_38 : i32
    %sign3A_40 = arith.constant 0 : i32
    %sign3A_41 = arith.cmpi sgt, %mul3A_37, %sign3A_40 : i32
    %sign3A_42 = arith.extui %sign3A_41 : i1 to i32
    %sign3A_43 = arith.constant 0 : i32
    %sign3A_44 = arith.cmpi slt, %mul3A_37, %sign3A_43 : i32
    %sign3A_45 = arith.extui %sign3A_44 : i1 to i32
    %sign3A_46 = arith.subi %sign3A_42, %sign3A_45 : i32
    %sign3A_47 = arith.constant 0 : i32
    %sign3A_48 = arith.cmpi sgt, %jit3A_38, %sign3A_47 : i32
    %sign3A_49 = arith.extui %sign3A_48 : i1 to i32
    %sign3A_50 = arith.constant 0 : i32
    %sign3A_51 = arith.cmpi slt, %jit3A_38, %sign3A_50 : i32
    %sign3A_52 = arith.extui %sign3A_51 : i1 to i32
    %sign3A_53 = arith.subi %sign3A_49, %sign3A_52 : i32
    %ne3A_54 = arith.cmpi ne, %sign3A_46, %sign3A_53 : i32
    %rem3A_55 = arith.remsi %mul3A_37, %jit3A_38 : i32
    %ne3A_56 = arith.constant 0 : i32
    %ne3A_57 = arith.cmpi ne, %rem3A_55, %ne3A_56 : i32
    %and3A_58 = arith.andi %ne3A_54, %ne3A_57 : i1
    %sub3A_59 = arith.constant 1 : i32
    %sub3A_60 = arith.subi %div3A_39, %sub3A_59 : i32
    %select_n3A_61 = arith.select %and3A_58, %sub3A_60, %div3A_39 : i32
    %add3A_62 = arith.constant 1 : i32
    %add3A_63 = arith.addi %add3A_35, %add3A_62 : i32
    %mul3A_64 = arith.constant 3125 : i32
    %mul3A_65 = arith.muli %add3A_63, %mul3A_64 : i32
    %jit3A_66 = arith.constant 8 : i32
    %div3A_67 = arith.divsi %mul3A_65, %jit3A_66 : i32
    %sign3A_68 = arith.constant 0 : i32
    %sign3A_69 = arith.cmpi sgt, %mul3A_65, %sign3A_68 : i32
    %sign3A_70 = arith.extui %sign3A_69 : i1 to i32
    %sign3A_71 = arith.constant 0 : i32
    %sign3A_72 = arith.cmpi slt, %mul3A_65, %sign3A_71 : i32
    %sign3A_73 = arith.extui %sign3A_72 : i1 to i32
    %sign3A_74 = arith.subi %sign3A_70, %sign3A_73 : i32
    %sign3A_75 = arith.constant 0 : i32
    %sign3A_76 = arith.cmpi sgt, %jit3A_66, %sign3A_75 : i32
    %sign3A_77 = arith.extui %sign3A_76 : i1 to i32
    %sign3A_78 = arith.constant 0 : i32
    %sign3A_79 = arith.cmpi slt, %jit3A_66, %sign3A_78 : i32
    %sign3A_80 = arith.extui %sign3A_79 : i1 to i32
    %sign3A_81 = arith.subi %sign3A_77, %sign3A_80 : i32
    %ne3A_82 = arith.cmpi ne, %sign3A_74, %sign3A_81 : i32
    %rem3A_83 = arith.remsi %mul3A_65, %jit3A_66 : i32
    %ne3A_84 = arith.constant 0 : i32
    %ne3A_85 = arith.cmpi ne, %rem3A_83, %ne3A_84 : i32
    %and3A_86 = arith.andi %ne3A_82, %ne3A_85 : i1
    %sub3A_87 = arith.constant 1 : i32
    %sub3A_88 = arith.subi %div3A_67, %sub3A_87 : i32
    %select_n3A_89 = arith.select %and3A_86, %sub3A_88, %div3A_67 : i32
    %sub3A_90 = arith.subi %select_n3A_89, %select_n3A_61 : i32
    %scan3A = arith.constant 0 : i32
    %scan3A_91 = arith.constant 0 : i32
    %scan3A_92 = arith.constant 1024 : i32
    %scan3A_93 = arith.addi %scan3A_91, %scan3A_92 : i32
    %scan3A_94 = arith.constant 1 : i32
    scf.for %scan3A_183 = %scan3A_91 to %scan3A_93 step %scan3A_94  : i32 {
      %broadcast_in_dim3A_184 = arith.constant 0.000000e+00 : f32
      %broadcast_in_dim3A_185 = vector.broadcast %broadcast_in_dim3A_184 : f32 to vector<16xf32>
      %mul3A_186 = arith.constant 64 : i32
      %mul3A_187 = arith.muli %scan3A_183, %mul3A_186 : i32
      %add3A_188 = arith.constant 0 : i32
      %add3A_189 = arith.addi %mul3A_187, %add3A_188 : i32
      %swap3A = arith.index_cast %add3A_189 : i32 to index
      %swap3A_190 = tpu.vector_load %arg8[%swap3A] {strides = array<i32>} : memref<65536xf32, #tpu.memory_space<vmem>>, vector<16xf32>,
      tpu.vector_store %arg8[%swap3A], %broadcast_in_dim3A_185 {strides = array<i32>} : memref<65536xf32, #tpu.memory_space<vmem>>, vector<16xf32>,
      %broadcast_in_dim3A_191 = arith.constant 0.000000e+00 : f32
      %broadcast_in_dim3A_192 = vector.broadcast %broadcast_in_dim3A_191 : f32 to vector<16xf32>
      %mul3A_193 = arith.constant 64 : i32
      %mul3A_194 = arith.muli %scan3A_183, %mul3A_193 : i32
      %add3A_195 = arith.constant 16 : i32
      %add3A_196 = arith.addi %mul3A_194, %add3A_195 : i32
      %swap3A_197 = arith.index_cast %add3A_196 : i32 to index
      %swap3A_198 = tpu.vector_load %arg8[%swap3A_197] {strides = array<i32>} : memref<65536xf32, #tpu.memory_space<vmem>>, vector<16xf32>,
      tpu.vector_store %arg8[%swap3A_197], %broadcast_in_dim3A_192 {strides = array<i32>} : memref<65536xf32, #tpu.memory_space<vmem>>, vector<16xf32>,
      %broadcast_in_dim3A_199 = arith.constant 0.000000e+00 : f32
      %broadcast_in_dim3A_200 = vector.broadcast %broadcast_in_dim3A_199 : f32 to vector<16xf32>
      %mul3A_201 = arith.constant 64 : i32
      %mul3A_202 = arith.muli %scan3A_183, %mul3A_201 : i32
      %add3A_203 = arith.constant 32 : i32
      %add3A_204 = arith.addi %mul3A_202, %add3A_203 : i32
      %swap3A_205 = arith.index_cast %add3A_204 : i32 to index
      %swap3A_206 = tpu.vector_load %arg8[%swap3A_205] {strides = array<i32>} : memref<65536xf32, #tpu.memory_space<vmem>>, vector<16xf32>,
      tpu.vector_store %arg8[%swap3A_205], %broadcast_in_dim3A_200 {strides = array<i32>} : memref<65536xf32, #tpu.memory_space<vmem>>, vector<16xf32>,
      %broadcast_in_dim3A_207 = arith.constant 0.000000e+00 : f32
      %broadcast_in_dim3A_208 = vector.broadcast %broadcast_in_dim3A_207 : f32 to vector<16xf32>
      %mul3A_209 = arith.constant 64 : i32
      %mul3A_210 = arith.muli %scan3A_183, %mul3A_209 : i32
      %add3A_211 = arith.constant 48 : i32
      %add3A_212 = arith.addi %mul3A_210, %add3A_211 : i32
      %swap3A_213 = arith.index_cast %add3A_212 : i32 to index
      %swap3A_214 = tpu.vector_load %arg8[%swap3A_213] {strides = array<i32>} : memref<65536xf32, #tpu.memory_space<vmem>>, vector<16xf32>,
      tpu.vector_store %arg8[%swap3A_213], %broadcast_in_dim3A_208 {strides = array<i32>} : memref<65536xf32, #tpu.memory_space<vmem>>, vector<16xf32>,
    }
    %scan3A_95 = arith.constant 1024 : i32
    %scan3A_96 = arith.constant 0 : i32
    %scan3A_97 = arith.constant 0 : i32
    %scan3A_98 = arith.constant 64 : i32
    %scan3A_99 = arith.addi %scan3A_97, %scan3A_98 : i32
    %scan3A_100 = arith.constant 1 : i32
    scf.for %scan3A_183 = %scan3A_97 to %scan3A_99 step %scan3A_100  : i32 {
      %broadcast_in_dim3A_184 = arith.constant 0.000000e+00 : f32
      %broadcast_in_dim3A_185 = vector.broadcast %broadcast_in_dim3A_184 : f32 to vector<16xf32>
      %mul3A_186 = arith.constant 16 : i32
      %mul3A_187 = arith.muli %scan3A_183, %mul3A_186 : i32
      %swap3A = arith.index_cast %mul3A_187 : i32 to index
      %swap3A_188 = tpu.vector_load %arg9[%swap3A] {strides = array<i32>} : memref<1024xf32, #tpu.memory_space<vmem>>, vector<16xf32>,
      tpu.vector_store %arg9[%swap3A], %broadcast_in_dim3A_185 {strides = array<i32>} : memref<1024xf32, #tpu.memory_space<vmem>>, vector<16xf32>,
    }
    %scan3A_101 = arith.constant 64 : i32
    %eq3A_102 = arith.constant 0 : i32
    %eq3A_103 = arith.cmpi eq, %add3A, %eq3A_102 : i32
    %convert_element_type3A = arith.extui %eq3A_103 : i1 to i32
    %cond3A = arith.constant 0 : i32
    %cond3A_104 = arith.cmpi ne, %convert_element_type3A, %cond3A : i32
    scf.if %cond3A_104 {
      "tpu.region"() ({
        %run_scoped3A = tpu.sem_alloc : memref<!tpu.dma_semaphore, #tpu.memory_space<semaphore_mem>>
        %dma_start3A_191 = arith.constant 0 : i32
        %dma_start3A_192 = tpu.memref_slice %arg4[%dma_start3A_191] : memref<256xi32, #tpu.memory_space<hbm>> -> memref<128xi32, #tpu.memory_space<hbm>>
        %dma_start3A_193 = arith.constant 0 : i32
        %dma_start3A_194 = tpu.memref_slice %arg4[%dma_start3A_193] : memref<256xi32, #tpu.memory_space<hbm>> -> memref<128xi32, #tpu.memory_space<hbm>>
        tpu.enqueue_dma source(%dma_start3A_194 : memref<128xi32, #tpu.memory_space<hbm>>) target(%arg12 : memref<128xi32, #tpu.memory_space<vmem>>) target_semaphore(%run_scoped3A : memref<!tpu.dma_semaphore, #tpu.memory_space<semaphore_mem>>)
        %dma_wait3A_195 = arith.constant 0 : i32
        %dma_wait3A_196 = tpu.memref_slice %arg4[%dma_wait3A_195] : memref<256xi32, #tpu.memory_space<hbm>> -> memref<128xi32, #tpu.memory_space<hbm>>
        %dma_wait3A_197 = arith.constant 0 : i32
        %dma_wait3A_198 = tpu.memref_slice %arg4[%dma_wait3A_197] : memref<256xi32, #tpu.memory_space<hbm>> -> memref<128xi32, #tpu.memory_space<hbm>>
        tpu.wait_dma2 semaphore(%run_scoped3A : memref<!tpu.dma_semaphore, #tpu.memory_space<semaphore_mem>>) src(%dma_wait3A_198 : memref<128xi32, #tpu.memory_space<hbm>>) dst(%arg12 : memref<128xi32, #tpu.memory_space<vmem>>)
        tpu.yield
      }) : () -> ()
      %dma_start3A_183 = arith.constant 0 : i32
      %dma_start3A_184 = tpu.memref_slice %arg3[%dma_start3A_183] : memref<50000xi32, #tpu.memory_space<hbm>> -> memref<50000xi32, #tpu.memory_space<hbm>>
      tpu.enqueue_indirect_dma source(%dma_start3A_184 : memref<50000xi32, #tpu.memory_space<hbm>>) target(%arg13 : memref<128xi32, #tpu.memory_space<vmem>>) offsets(%arg12 : memref<128xi32, #tpu.memory_space<vmem>>) semaphore(%arg16 : memref<!tpu.dma_semaphore, #tpu.memory_space<semaphore_mem>>)
      %dma_wait3A_185 = arith.constant 0 : i32
      %dma_wait3A_186 = tpu.memref_slice %arg3[%dma_wait3A_185] : memref<50000xi32, #tpu.memory_space<hbm>> -> memref<50000xi32, #tpu.memory_space<hbm>>
      tpu.wait_indirect_dma semaphore(%arg16 : memref<!tpu.dma_semaphore, #tpu.memory_space<semaphore_mem>>) src(%dma_wait3A_186 : memref<50000xi32, #tpu.memory_space<hbm>>) dst(%arg13 : memref<128xi32, #tpu.memory_space<vmem>>)
      "tpu.region"() ({
        %run_scoped3A = tpu.sem_alloc : memref<!tpu.dma_semaphore, #tpu.memory_space<semaphore_mem>>
        %dma_start3A_191 = arith.constant 0 : i32
        %dma_start3A_192 = tpu.memref_slice %arg7[%dma_start3A_191] : memref<256xi32, #tpu.memory_space<hbm>> -> memref<128xi32, #tpu.memory_space<hbm>>
        %dma_start3A_193 = arith.constant 0 : i32
        %dma_start3A_194 = tpu.memref_slice %arg7[%dma_start3A_193] : memref<256xi32, #tpu.memory_space<hbm>> -> memref<128xi32, #tpu.memory_space<hbm>>
        tpu.enqueue_dma source(%arg13 : memref<128xi32, #tpu.memory_space<vmem>>) target(%dma_start3A_194 : memref<128xi32, #tpu.memory_space<hbm>>) target_semaphore(%run_scoped3A : memref<!tpu.dma_semaphore, #tpu.memory_space<semaphore_mem>>)
        %dma_wait3A_195 = arith.constant 0 : i32
        %dma_wait3A_196 = tpu.memref_slice %arg7[%dma_wait3A_195] : memref<256xi32, #tpu.memory_space<hbm>> -> memref<128xi32, #tpu.memory_space<hbm>>
        %dma_wait3A_197 = arith.constant 0 : i32
        %dma_wait3A_198 = tpu.memref_slice %arg7[%dma_wait3A_197] : memref<256xi32, #tpu.memory_space<hbm>> -> memref<128xi32, #tpu.memory_space<hbm>>
        tpu.wait_dma2 semaphore(%run_scoped3A : memref<!tpu.dma_semaphore, #tpu.memory_space<semaphore_mem>>) src(%arg13 : memref<128xi32, #tpu.memory_space<vmem>>) dst(%dma_wait3A_198 : memref<128xi32, #tpu.memory_space<hbm>>)
        tpu.yield
      }) : () -> ()
      "tpu.region"() ({
        %run_scoped3A = tpu.sem_alloc : memref<!tpu.dma_semaphore, #tpu.memory_space<semaphore_mem>>
        %dma_start3A_191 = arith.constant 128 : i32
        %dma_start3A_192 = tpu.memref_slice %arg4[%dma_start3A_191] : memref<256xi32, #tpu.memory_space<hbm>> -> memref<128xi32, #tpu.memory_space<hbm>>
        %dma_start3A_193 = arith.constant 128 : i32
        %dma_start3A_194 = tpu.memref_slice %arg4[%dma_start3A_193] : memref<256xi32, #tpu.memory_space<hbm>> -> memref<128xi32, #tpu.memory_space<hbm>>
        tpu.enqueue_dma source(%dma_start3A_194 : memref<128xi32, #tpu.memory_space<hbm>>) target(%arg12 : memref<128xi32, #tpu.memory_space<vmem>>) target_semaphore(%run_scoped3A : memref<!tpu.dma_semaphore, #tpu.memory_space<semaphore_mem>>)
        %dma_wait3A_195 = arith.constant 128 : i32
        %dma_wait3A_196 = tpu.memref_slice %arg4[%dma_wait3A_195] : memref<256xi32, #tpu.memory_space<hbm>> -> memref<128xi32, #tpu.memory_space<hbm>>
        %dma_wait3A_197 = arith.constant 128 : i32
        %dma_wait3A_198 = tpu.memref_slice %arg4[%dma_wait3A_197] : memref<256xi32, #tpu.memory_space<hbm>> -> memref<128xi32, #tpu.memory_space<hbm>>
        tpu.wait_dma2 semaphore(%run_scoped3A : memref<!tpu.dma_semaphore, #tpu.memory_space<semaphore_mem>>) src(%dma_wait3A_198 : memref<128xi32, #tpu.memory_space<hbm>>) dst(%arg12 : memref<128xi32, #tpu.memory_space<vmem>>)
        tpu.yield
      }) : () -> ()
      %dma_start3A_187 = arith.constant 0 : i32
      %dma_start3A_188 = tpu.memref_slice %arg3[%dma_start3A_187] : memref<50000xi32, #tpu.memory_space<hbm>> -> memref<50000xi32, #tpu.memory_space<hbm>>
      tpu.enqueue_indirect_dma source(%dma_start3A_188 : memref<50000xi32, #tpu.memory_space<hbm>>) target(%arg13 : memref<128xi32, #tpu.memory_space<vmem>>) offsets(%arg12 : memref<128xi32, #tpu.memory_space<vmem>>) semaphore(%arg16 : memref<!tpu.dma_semaphore, #tpu.memory_space<semaphore_mem>>)
      %dma_wait3A_189 = arith.constant 0 : i32
      %dma_wait3A_190 = tpu.memref_slice %arg3[%dma_wait3A_189] : memref<50000xi32, #tpu.memory_space<hbm>> -> memref<50000xi32, #tpu.memory_space<hbm>>
      tpu.wait_indirect_dma semaphore(%arg16 : memref<!tpu.dma_semaphore, #tpu.memory_space<semaphore_mem>>) src(%dma_wait3A_190 : memref<50000xi32, #tpu.memory_space<hbm>>) dst(%arg13 : memref<128xi32, #tpu.memory_space<vmem>>)
      "tpu.region"() ({
        %run_scoped3A = tpu.sem_alloc : memref<!tpu.dma_semaphore, #tpu.memory_space<semaphore_mem>>
        %dma_start3A_191 = arith.constant 128 : i32
        %dma_start3A_192 = tpu.memref_slice %arg7[%dma_start3A_191] : memref<256xi32, #tpu.memory_space<hbm>> -> memref<128xi32, #tpu.memory_space<hbm>>
        %dma_start3A_193 = arith.constant 128 : i32
        %dma_start3A_194 = tpu.memref_slice %arg7[%dma_start3A_193] : memref<256xi32, #tpu.memory_space<hbm>> -> memref<128xi32, #tpu.memory_space<hbm>>
        tpu.enqueue_dma source(%arg13 : memref<128xi32, #tpu.memory_space<vmem>>) target(%dma_start3A_194 : memref<128xi32, #tpu.memory_space<hbm>>) target_semaphore(%run_scoped3A : memref<!tpu.dma_semaphore, #tpu.memory_space<semaphore_mem>>)
        %dma_wait3A_195 = arith.constant 128 : i32
        %dma_wait3A_196 = tpu.memref_slice %arg7[%dma_wait3A_195] : memref<256xi32, #tpu.memory_space<hbm>> -> memref<128xi32, #tpu.memory_space<hbm>>
        %dma_wait3A_197 = arith.constant 128 : i32
        %dma_wait3A_198 = tpu.memref_slice %arg7[%dma_wait3A_197] : memref<256xi32, #tpu.memory_space<hbm>> -> memref<128xi32, #tpu.memory_space<hbm>>
        tpu.wait_dma2 semaphore(%run_scoped3A : memref<!tpu.dma_semaphore, #tpu.memory_space<semaphore_mem>>) src(%arg13 : memref<128xi32, #tpu.memory_space<vmem>>) dst(%dma_wait3A_198 : memref<128xi32, #tpu.memory_space<hbm>>)
        tpu.yield
      }) : () -> ()
    } else {
    }
    %broadcast_in_dim3A = arith.constant 1.000000e+00 : f32
    %broadcast_in_dim3A_105 = vector.broadcast %broadcast_in_dim3A : f32 to vector<16xf32>
    %iota3A = tpu.iota {dimensions = array<i32: 0>} : vector<16xi32>
    %eq3A_106 = arith.constant 0 : i32
    %eq3A_107 = arith.cmpi eq, %select_n3A_30, %eq3A_106 : i32
    %mul3A_108 = arith.constant 16 : i32
    %mul3A_109 = arith.muli %select_n3A_61, %mul3A_108 : i32
    %mul3A_110 = arith.constant 16 : i32
    %mul3A_111 = arith.muli %select_n3A_89, %mul3A_110 : i32
    %add3A_112 = arith.constant 0 : i32
    %add3A_113 = arith.addi %mul3A_109, %add3A_112 : i32
    %sub3A_114 = arith.constant 256 : i32
    %sub3A_115 = arith.subi %mul3A_111, %sub3A_114 : i32
    %min3A = arith.minsi %add3A_113, %sub3A_115 : i32
    %dma_start3A = arith.constant 0 : i32
    %dma_start3A_116 = arith.constant 0 : i32
    %dma_start3A_117 = arith.constant 0 : i32
    %dma_start3A_118 = tpu.memref_slice %arg10[%dma_start3A_116, %dma_start3A_117] : memref<512x64xf32, #tpu.memory_space<vmem>> -> memref<256x64xf32, #tpu.memory_space<vmem>>
    %dma_start3A_119 = tpu.memref_slice %arg2[%min3A, %mul3A_32] : memref<50000x256xf32, #tpu.memory_space<hbm>> -> memref<256x64xf32, #tpu.memory_space<hbm>>
    %dma_start3A_120 = tpu.memref_slice %arg14[%dma_start3A] : memref<2x!tpu.dma_semaphore, #tpu.memory_space<semaphore_mem>> -> memref<1x!tpu.dma_semaphore, #tpu.memory_space<semaphore_mem>>
    %dma_start3A_121 = tpu.memref_squeeze %dma_start3A_120 : memref<1x!tpu.dma_semaphore, #tpu.memory_space<semaphore_mem>> -> memref<!tpu.dma_semaphore, #tpu.memory_space<semaphore_mem>>
    %dma_start3A_122 = arith.constant 0 : i32
    %dma_start3A_123 = arith.constant 0 : i32
    %dma_start3A_124 = tpu.memref_slice %arg10[%dma_start3A_122, %dma_start3A_123] : memref<512x64xf32, #tpu.memory_space<vmem>> -> memref<256x64xf32, #tpu.memory_space<vmem>>
    %dma_start3A_125 = tpu.memref_slice %arg2[%min3A, %mul3A_32] : memref<50000x256xf32, #tpu.memory_space<hbm>> -> memref<256x64xf32, #tpu.memory_space<hbm>>
    tpu.enqueue_dma source(%dma_start3A_125 : memref<256x64xf32, #tpu.memory_space<hbm>>) target(%dma_start3A_124 : memref<256x64xf32, #tpu.memory_space<vmem>>) target_semaphore(%dma_start3A_121 : memref<!tpu.dma_semaphore, #tpu.memory_space<semaphore_mem>>)
    %dma_start3A_126 = arith.constant 0 : i32
    %dma_start3A_127 = arith.constant 0 : i32
    %dma_start3A_128 = arith.constant 0 : i32
    %dma_start3A_129 = tpu.memref_slice %arg11[%dma_start3A_126, %dma_start3A_128] : memref<2x256xi32, #tpu.memory_space<vmem>> -> memref<1x256xi32, #tpu.memory_space<vmem>>
    %dma_start3A_130 = tpu.memref_squeeze %dma_start3A_129 : memref<1x256xi32, #tpu.memory_space<vmem>> -> memref<256xi32, #tpu.memory_space<vmem>>
    %dma_start3A_131 = tpu.memref_slice %arg3[%min3A] : memref<50000xi32, #tpu.memory_space<hbm>> -> memref<256xi32, #tpu.memory_space<hbm>>
    %dma_start3A_132 = tpu.memref_slice %arg15[%dma_start3A_127] : memref<2x!tpu.dma_semaphore, #tpu.memory_space<semaphore_mem>> -> memref<1x!tpu.dma_semaphore, #tpu.memory_space<semaphore_mem>>
    %dma_start3A_133 = tpu.memref_squeeze %dma_start3A_132 : memref<1x!tpu.dma_semaphore, #tpu.memory_space<semaphore_mem>> -> memref<!tpu.dma_semaphore, #tpu.memory_space<semaphore_mem>>
    %dma_start3A_134 = arith.constant 0 : i32
    %dma_start3A_135 = tpu.memref_slice %arg11[%dma_start3A_126, %dma_start3A_134] : memref<2x256xi32, #tpu.memory_space<vmem>> -> memref<1x256xi32, #tpu.memory_space<vmem>>
    %dma_start3A_136 = tpu.memref_squeeze %dma_start3A_135 : memref<1x256xi32, #tpu.memory_space<vmem>> -> memref<256xi32, #tpu.memory_space<vmem>>
    %dma_start3A_137 = tpu.memref_slice %arg3[%min3A] : memref<50000xi32, #tpu.memory_space<hbm>> -> memref<256xi32, #tpu.memory_space<hbm>>
    tpu.enqueue_dma source(%dma_start3A_137 : memref<256xi32, #tpu.memory_space<hbm>>) target(%dma_start3A_136 : memref<256xi32, #tpu.memory_space<vmem>>) target_semaphore(%dma_start3A_133 : memref<!tpu.dma_semaphore, #tpu.memory_space<semaphore_mem>>)
    %scan3A_138 = arith.constant 0 : i32
    %scan3A_139 = arith.constant 0 : i32
    %scan3A_140 = arith.constant 12 : i32
    %scan3A_141 = arith.addi %scan3A_139, %scan3A_140 : i32
    %scan3A_142 = arith.constant 1 : i32
    scf.for %scan3A_183 = %scan3A_139 to %scan3A_141 step %scan3A_142  : i32 {
      %mul3A_184 = arith.constant 2 : i32
      %mul3A_185 = arith.muli %mul3A_184, %scan3A_183 : i32
      %add3A_186 = arith.constant 1 : i32
      %add3A_187 = arith.addi %mul3A_185, %add3A_186 : i32
      %mul3A_188 = arith.constant 256 : i32
      %mul3A_189 = arith.muli %add3A_187, %mul3A_188 : i32
      %add3A_190 = arith.addi %mul3A_109, %mul3A_189 : i32
      %sub3A_191 = arith.constant 256 : i32
      %sub3A_192 = arith.subi %mul3A_111, %sub3A_191 : i32
      %min3A_193 = arith.minsi %add3A_190, %sub3A_192 : i32
      %dma_start3A_194 = arith.constant 1 : i32
      %dma_start3A_195 = arith.constant 256 : i32
      %dma_start3A_196 = arith.constant 0 : i32
      %dma_start3A_197 = tpu.memref_slice %arg10[%dma_start3A_195, %dma_start3A_196] : memref<512x64xf32, #tpu.memory_space<vmem>> -> memref<256x64xf32, #tpu.memory_space<vmem>>
      %dma_start3A_198 = tpu.memref_slice %arg2[%min3A_193, %mul3A_32] : memref<50000x256xf32, #tpu.memory_space<hbm>> -> memref<256x64xf32, #tpu.memory_space<hbm>>
      %dma_start3A_199 = tpu.memref_slice %arg14[%dma_start3A_194] : memref<2x!tpu.dma_semaphore, #tpu.memory_space<semaphore_mem>> -> memref<1x!tpu.dma_semaphore, #tpu.memory_space<semaphore_mem>>
      %dma_start3A_200 = tpu.memref_squeeze %dma_start3A_199 : memref<1x!tpu.dma_semaphore, #tpu.memory_space<semaphore_mem>> -> memref<!tpu.dma_semaphore, #tpu.memory_space<semaphore_mem>>
      %dma_start3A_201 = arith.constant 256 : i32
      %dma_start3A_202 = arith.constant 0 : i32
      %dma_start3A_203 = tpu.memref_slice %arg10[%dma_start3A_201, %dma_start3A_202] : memref<512x64xf32, #tpu.memory_space<vmem>> -> memref<256x64xf32, #tpu.memory_space<vmem>>
      %dma_start3A_204 = tpu.memref_slice %arg2[%min3A_193, %mul3A_32] : memref<50000x256xf32, #tpu.memory_space<hbm>> -> memref<256x64xf32, #tpu.memory_space<hbm>>
      tpu.enqueue_dma source(%dma_start3A_204 : memref<256x64xf32, #tpu.memory_space<hbm>>) target(%dma_start3A_203 : memref<256x64xf32, #tpu.memory_space<vmem>>) target_semaphore(%dma_start3A_200 : memref<!tpu.dma_semaphore, #tpu.memory_space<semaphore_mem>>)
      %dma_start3A_205 = arith.constant 1 : i32
      %dma_start3A_206 = arith.constant 1 : i32
      %dma_start3A_207 = arith.constant 0 : i32
      %dma_start3A_208 = tpu.memref_slice %arg11[%dma_start3A_205, %dma_start3A_207] : memref<2x256xi32, #tpu.memory_space<vmem>> -> memref<1x256xi32, #tpu.memory_space<vmem>>
      %dma_start3A_209 = tpu.memref_squeeze %dma_start3A_208 : memref<1x256xi32, #tpu.memory_space<vmem>> -> memref<256xi32, #tpu.memory_space<vmem>>
      %dma_start3A_210 = tpu.memref_slice %arg3[%min3A_193] : memref<50000xi32, #tpu.memory_space<hbm>> -> memref<256xi32, #tpu.memory_space<hbm>>
      %dma_start3A_211 = tpu.memref_slice %arg15[%dma_start3A_206] : memref<2x!tpu.dma_semaphore, #tpu.memory_space<semaphore_mem>> -> memref<1x!tpu.dma_semaphore, #tpu.memory_space<semaphore_mem>>
      %dma_start3A_212 = tpu.memref_squeeze %dma_start3A_211 : memref<1x!tpu.dma_semaphore, #tpu.memory_space<semaphore_mem>> -> memref<!tpu.dma_semaphore, #tpu.memory_space<semaphore_mem>>
      %dma_start3A_213 = arith.constant 0 : i32
      %dma_start3A_214 = tpu.memref_slice %arg11[%dma_start3A_205, %dma_start3A_213] : memref<2x256xi32, #tpu.memory_space<vmem>> -> memref<1x256xi32, #tpu.memory_space<vmem>>
      %dma_start3A_215 = tpu.memref_squeeze %dma_start3A_214 : memref<1x256xi32, #tpu.memory_space<vmem>> -> memref<256xi32, #tpu.memory_space<vmem>>
      %dma_start3A_216 = tpu.memref_slice %arg3[%min3A_193] : memref<50000xi32, #tpu.memory_space<hbm>> -> memref<256xi32, #tpu.memory_space<hbm>>
      tpu.enqueue_dma source(%dma_start3A_216 : memref<256xi32, #tpu.memory_space<hbm>>) target(%dma_start3A_215 : memref<256xi32, #tpu.memory_space<vmem>>) target_semaphore(%dma_start3A_212 : memref<!tpu.dma_semaphore, #tpu.memory_space<semaphore_mem>>)
      %mul3A_217 = arith.constant 256 : i32
      %mul3A_218 = arith.muli %mul3A_185, %mul3A_217 : i32
      %add3A_219 = arith.addi %mul3A_109, %mul3A_218 : i32
      %sub3A_220 = arith.constant 256 : i32
      %sub3A_221 = arith.subi %mul3A_111, %sub3A_220 : i32
      %min3A_222 = arith.minsi %add3A_219, %sub3A_221 : i32
      %dma_wait3A_223 = arith.constant 0 : i32
      %dma_wait3A_224 = arith.constant 0 : i32
      %dma_wait3A_225 = arith.constant 0 : i32
      %dma_wait3A_226 = tpu.memref_slice %arg10[%dma_wait3A_224, %dma_wait3A_225] : memref<512x64xf32, #tpu.memory_space<vmem>> -> memref<256x64xf32, #tpu.memory_space<vmem>>
      %dma_wait3A_227 = tpu.memref_slice %arg2[%min3A_222, %mul3A_32] : memref<50000x256xf32, #tpu.memory_space<hbm>> -> memref<256x64xf32, #tpu.memory_space<hbm>>
      %dma_wait3A_228 = tpu.memref_slice %arg14[%dma_wait3A_223] : memref<2x!tpu.dma_semaphore, #tpu.memory_space<semaphore_mem>> -> memref<1x!tpu.dma_semaphore, #tpu.memory_space<semaphore_mem>>
      %dma_wait3A_229 = tpu.memref_squeeze %dma_wait3A_228 : memref<1x!tpu.dma_semaphore, #tpu.memory_space<semaphore_mem>> -> memref<!tpu.dma_semaphore, #tpu.memory_space<semaphore_mem>>
      %dma_wait3A_230 = arith.constant 0 : i32
      %dma_wait3A_231 = arith.constant 0 : i32
      %dma_wait3A_232 = tpu.memref_slice %arg10[%dma_wait3A_230, %dma_wait3A_231] : memref<512x64xf32, #tpu.memory_space<vmem>> -> memref<256x64xf32, #tpu.memory_space<vmem>>
      %dma_wait3A_233 = tpu.memref_slice %arg2[%min3A_222, %mul3A_32] : memref<50000x256xf32, #tpu.memory_space<hbm>> -> memref<256x64xf32, #tpu.memory_space<hbm>>
      tpu.wait_dma2 semaphore(%dma_wait3A_229 : memref<!tpu.dma_semaphore, #tpu.memory_space<semaphore_mem>>) src(%dma_wait3A_233 : memref<256x64xf32, #tpu.memory_space<hbm>>) dst(%dma_wait3A_232 : memref<256x64xf32, #tpu.memory_space<vmem>>)
      %dma_wait3A_234 = arith.constant 0 : i32
      %dma_wait3A_235 = arith.constant 0 : i32
      %dma_wait3A_236 = arith.constant 0 : i32
      %dma_wait3A_237 = tpu.memref_slice %arg11[%dma_wait3A_234, %dma_wait3A_236] : memref<2x256xi32, #tpu.memory_space<vmem>> -> memref<1x256xi32, #tpu.memory_space<vmem>>
      %dma_wait3A_238 = tpu.memref_squeeze %dma_wait3A_237 : memref<1x256xi32, #tpu.memory_space<vmem>> -> memref<256xi32, #tpu.memory_space<vmem>>
      %dma_wait3A_239 = tpu.memref_slice %arg3[%min3A_222] : memref<50000xi32, #tpu.memory_space<hbm>> -> memref<256xi32, #tpu.memory_space<hbm>>
      %dma_wait3A_240 = tpu.memref_slice %arg15[%dma_wait3A_235] : memref<2x!tpu.dma_semaphore, #tpu.memory_space<semaphore_mem>> -> memref<1x!tpu.dma_semaphore, #tpu.memory_space<semaphore_mem>>
      %dma_wait3A_241 = tpu.memref_squeeze %dma_wait3A_240 : memref<1x!tpu.dma_semaphore, #tpu.memory_space<semaphore_mem>> -> memref<!tpu.dma_semaphore, #tpu.memory_space<semaphore_mem>>
      %dma_wait3A_242 = arith.constant 0 : i32
      %dma_wait3A_243 = tpu.memref_slice %arg11[%dma_wait3A_234, %dma_wait3A_242] : memref<2x256xi32, #tpu.memory_space<vmem>> -> memref<1x256xi32, #tpu.memory_space<vmem>>
      %dma_wait3A_244 = tpu.memref_squeeze %dma_wait3A_243 : memref<1x256xi32, #tpu.memory_space<vmem>> -> memref<256xi32, #tpu.memory_space<vmem>>
      %dma_wait3A_245 = tpu.memref_slice %arg3[%min3A_222] : memref<50000xi32, #tpu.memory_space<hbm>> -> memref<256xi32, #tpu.memory_space<hbm>>
      tpu.wait_dma2 semaphore(%dma_wait3A_241 : memref<!tpu.dma_semaphore, #tpu.memory_space<semaphore_mem>>) src(%dma_wait3A_245 : memref<256xi32, #tpu.memory_space<hbm>>) dst(%dma_wait3A_244 : memref<256xi32, #tpu.memory_space<vmem>>)
      %mul3A_246 = arith.constant 256 : i32
      %mul3A_247 = arith.muli %mul3A_185, %mul3A_246 : i32
      %add3A_248 = arith.addi %mul3A_109, %mul3A_247 : i32
      %sub3A_249 = arith.constant 256 : i32
      %sub3A_250 = arith.subi %mul3A_111, %sub3A_249 : i32
      %min3A_251 = arith.minsi %add3A_248, %sub3A_250 : i32
      %mul3A_252 = arith.constant 256 : i32
      %mul3A_253 = arith.muli %mul3A_185, %mul3A_252 : i32
      %add3A_254 = arith.addi %mul3A_109, %mul3A_253 : i32
      %parallel_loop3A_255 = arith.constant 0 : i32
      %parallel_loop3A_256 = arith.constant 16 : i32
      %parallel_loop3A_257 = arith.constant 1 : i32
      scf.for %parallel_loop3A_306 = %parallel_loop3A_255 to %parallel_loop3A_256 step %parallel_loop3A_257  : i32 {
        %parallel_loop3A_307 = arith.constant 16 : i32
        %parallel_loop3A_308 = arith.muli %parallel_loop3A_306, %parallel_loop3A_307 : i32
        %parallel_loop3A_309 = arith.constant 0 : i32
        %parallel_loop3A_310 = arith.index_cast %parallel_loop3A_309 : i32 to index
        %parallel_loop3A_311 = arith.index_cast %parallel_loop3A_308 : i32 to index
        %parallel_loop3A_312 = tpu.vector_load %arg11[%parallel_loop3A_310, %parallel_loop3A_311] {strides = array<i32>} : memref<2x256xi32, #tpu.memory_space<vmem>>, vector<16xi32>,
        %parallel_loop3A_313 = arith.constant 16 : i32
        %parallel_loop3A_314 = arith.muli %parallel_loop3A_306, %parallel_loop3A_313 : i32
        %parallel_loop3A_315 = arith.addi %min3A_251, %parallel_loop3A_314 : i32
        %parallel_loop3A_316 = vector.broadcast %parallel_loop3A_315 : i32 to vector<16xi32>
        %parallel_loop3A_317 = arith.addi %parallel_loop3A_316, %iota3A : vector<16xi32>
        %parallel_loop3A_318 = vector.broadcast %add3A_254 : i32 to vector<16xi32>
        %parallel_loop3A_319 = arith.cmpi sge, %parallel_loop3A_317, %parallel_loop3A_318 : vector<16xi32>
        %parallel_loop3A_320 = arith.constant 1000 : i32
        %parallel_loop3A_321 = vector.broadcast %parallel_loop3A_320 : i32 to vector<16xi32>
        %parallel_loop3A_322 = arith.select %parallel_loop3A_319, %parallel_loop3A_312, %parallel_loop3A_321 : vector<16xi1>, vector<16xi32>
        %parallel_loop3A_323 = arith.constant 64 : i32
        %parallel_loop3A_324 = vector.broadcast %parallel_loop3A_323 : i32 to vector<16xi32>
        %parallel_loop3A_325 = arith.muli %parallel_loop3A_322, %parallel_loop3A_324 : vector<16xi32>
        %parallel_loop3A_326 = arith.constant 16 : i32
        %parallel_loop3A_327 = arith.muli %parallel_loop3A_306, %parallel_loop3A_326 : i32
        %parallel_loop3A_328 = arith.constant 0 : i32
        %parallel_loop3A_329 = arith.addi %parallel_loop3A_328, %parallel_loop3A_327 : i32
        %parallel_loop3A_330 = vector.broadcast %parallel_loop3A_329 : i32 to vector<16xi32>
        %parallel_loop3A_331 = arith.addi %parallel_loop3A_330, %iota3A : vector<16xi32>
        %parallel_loop3A_332 = arith.constant 0 : i32
        %parallel_loop3A_333 = vector.broadcast %parallel_loop3A_332 : i32 to vector<16xi32>
        %parallel_loop3A_334 = arith.addi %iota3A, %parallel_loop3A_333 : vector<16xi32>
        %parallel_loop3A_335 = arith.constant 63 : i32
        %parallel_loop3A_336 = vector.broadcast %parallel_loop3A_335 : i32 to vector<16xi32>
        %parallel_loop3A_337 = arith.andi %parallel_loop3A_334, %parallel_loop3A_336 : vector<16xi32>
        %parallel_loop3A_338 = tpu.vector_load_idx %arg10[%parallel_loop3A_331, %parallel_loop3A_337] : memref<512x64xf32, #tpu.memory_space<vmem>>[vector<16xi32>, vector<16xi32>], vector<16xf32>,
        %parallel_loop3A_339 = arith.addi %parallel_loop3A_325, %parallel_loop3A_337 : vector<16xi32>
        tpu.vector_store_idx %arg8[%parallel_loop3A_339], %parallel_loop3A_338 {add = true} : memref<65536xf32, #tpu.memory_space<vmem>>[vector<16xi32>], vector<16xf32>,
        %parallel_loop3A_340 = arith.constant 1 : i32
        %parallel_loop3A_341 = vector.broadcast %parallel_loop3A_340 : i32 to vector<16xi32>
        %parallel_loop3A_342 = arith.addi %iota3A, %parallel_loop3A_341 : vector<16xi32>
        %parallel_loop3A_343 = arith.constant 63 : i32
        %parallel_loop3A_344 = vector.broadcast %parallel_loop3A_343 : i32 to vector<16xi32>
        %parallel_loop3A_345 = arith.andi %parallel_loop3A_342, %parallel_loop3A_344 : vector<16xi32>
        %parallel_loop3A_346 = tpu.vector_load_idx %arg10[%parallel_loop3A_331, %parallel_loop3A_345] : memref<512x64xf32, #tpu.memory_space<vmem>>[vector<16xi32>, vector<16xi32>], vector<16xf32>,
        %parallel_loop3A_347 = arith.addi %parallel_loop3A_325, %parallel_loop3A_345 : vector<16xi32>
        tpu.vector_store_idx %arg8[%parallel_loop3A_347], %parallel_loop3A_346 {add = true} : memref<65536xf32, #tpu.memory_space<vmem>>[vector<16xi32>], vector<16xf32>,
        %parallel_loop3A_348 = arith.constant 2 : i32
        %parallel_loop3A_349 = vector.broadcast %parallel_loop3A_348 : i32 to vector<16xi32>
        %parallel_loop3A_350 = arith.addi %iota3A, %parallel_loop3A_349 : vector<16xi32>
        %parallel_loop3A_351 = arith.constant 63 : i32
        %parallel_loop3A_352 = vector.broadcast %parallel_loop3A_351 : i32 to vector<16xi32>
        %parallel_loop3A_353 = arith.andi %parallel_loop3A_350, %parallel_loop3A_352 : vector<16xi32>
        %parallel_loop3A_354 = tpu.vector_load_idx %arg10[%parallel_loop3A_331, %parallel_loop3A_353] : memref<512x64xf32, #tpu.memory_space<vmem>>[vector<16xi32>, vector<16xi32>], vector<16xf32>,
        %parallel_loop3A_355 = arith.addi %parallel_loop3A_325, %parallel_loop3A_353 : vector<16xi32>
        tpu.vector_store_idx %arg8[%parallel_loop3A_355], %parallel_loop3A_354 {add = true} : memref<65536xf32, #tpu.memory_space<vmem>>[vector<16xi32>], vector<16xf32>,
        %parallel_loop3A_356 = arith.constant 3 : i32
        %parallel_loop3A_357 = vector.broadcast %parallel_loop3A_356 : i32 to vector<16xi32>
        %parallel_loop3A_358 = arith.addi %iota3A, %parallel_loop3A_357 : vector<16xi32>
        %parallel_loop3A_359 = arith.constant 63 : i32
        %parallel_loop3A_360 = vector.broadcast %parallel_loop3A_359 : i32 to vector<16xi32>
        %parallel_loop3A_361 = arith.andi %parallel_loop3A_358, %parallel_loop3A_360 : vector<16xi32>
        %parallel_loop3A_362 = tpu.vector_load_idx %arg10[%parallel_loop3A_331, %parallel_loop3A_361] : memref<512x64xf32, #tpu.memory_space<vmem>>[vector<16xi32>, vector<16xi32>], vector<16xf32>,
        %parallel_loop3A_363 = arith.addi %parallel_loop3A_325, %parallel_loop3A_361 : vector<16xi32>
        tpu.vector_store_idx %arg8[%parallel_loop3A_363], %parallel_loop3A_362 {add = true} : memref<65536xf32, #tpu.memory_space<vmem>>[vector<16xi32>], vector<16xf32>,
        %parallel_loop3A_364 = arith.constant 4 : i32
        %parallel_loop3A_365 = vector.broadcast %parallel_loop3A_364 : i32 to vector<16xi32>
        %parallel_loop3A_366 = arith.addi %iota3A, %parallel_loop3A_365 : vector<16xi32>
        %parallel_loop3A_367 = arith.constant 63 : i32
        %parallel_loop3A_368 = vector.broadcast %parallel_loop3A_367 : i32 to vector<16xi32>
        %parallel_loop3A_369 = arith.andi %parallel_loop3A_366, %parallel_loop3A_368 : vector<16xi32>
        %parallel_loop3A_370 = tpu.vector_load_idx %arg10[%parallel_loop3A_331, %parallel_loop3A_369] : memref<512x64xf32, #tpu.memory_space<vmem>>[vector<16xi32>, vector<16xi32>], vector<16xf32>,
        %parallel_loop3A_371 = arith.addi %parallel_loop3A_325, %parallel_loop3A_369 : vector<16xi32>
        tpu.vector_store_idx %arg8[%parallel_loop3A_371], %parallel_loop3A_370 {add = true} : memref<65536xf32, #tpu.memory_space<vmem>>[vector<16xi32>], vector<16xf32>,
        %parallel_loop3A_372 = arith.constant 5 : i32
        %parallel_loop3A_373 = vector.broadcast %parallel_loop3A_372 : i32 to vector<16xi32>
        %parallel_loop3A_374 = arith.addi %iota3A, %parallel_loop3A_373 : vector<16xi32>
        %parallel_loop3A_375 = arith.constant 63 : i32
        %parallel_loop3A_376 = vector.broadcast %parallel_loop3A_375 : i32 to vector<16xi32>
        %parallel_loop3A_377 = arith.andi %parallel_loop3A_374, %parallel_loop3A_376 : vector<16xi32>
        %parallel_loop3A_378 = tpu.vector_load_idx %arg10[%parallel_loop3A_331, %parallel_loop3A_377] : memref<512x64xf32, #tpu.memory_space<vmem>>[vector<16xi32>, vector<16xi32>], vector<16xf32>,
        %parallel_loop3A_379 = arith.addi %parallel_loop3A_325, %parallel_loop3A_377 : vector<16xi32>
        tpu.vector_store_idx %arg8[%parallel_loop3A_379], %parallel_loop3A_378 {add = true} : memref<65536xf32, #tpu.memory_space<vmem>>[vector<16xi32>], vector<16xf32>,
        %parallel_loop3A_380 = arith.constant 6 : i32
        %parallel_loop3A_381 = vector.broadcast %parallel_loop3A_380 : i32 to vector<16xi32>
        %parallel_loop3A_382 = arith.addi %iota3A, %parallel_loop3A_381 : vector<16xi32>
        %parallel_loop3A_383 = arith.constant 63 : i32
        %parallel_loop3A_384 = vector.broadcast %parallel_loop3A_383 : i32 to vector<16xi32>
        %parallel_loop3A_385 = arith.andi %parallel_loop3A_382, %parallel_loop3A_384 : vector<16xi32>
        %parallel_loop3A_386 = tpu.vector_load_idx %arg10[%parallel_loop3A_331, %parallel_loop3A_385] : memref<512x64xf32, #tpu.memory_space<vmem>>[vector<16xi32>, vector<16xi32>], vector<16xf32>,
        %parallel_loop3A_387 = arith.addi %parallel_loop3A_325, %parallel_loop3A_385 : vector<16xi32>
        tpu.vector_store_idx %arg8[%parallel_loop3A_387], %parallel_loop3A_386 {add = true} : memref<65536xf32, #tpu.memory_space<vmem>>[vector<16xi32>], vector<16xf32>,
        %parallel_loop3A_388 = arith.constant 7 : i32
        %parallel_loop3A_389 = vector.broadcast %parallel_loop3A_388 : i32 to vector<16xi32>
        %parallel_loop3A_390 = arith.addi %iota3A, %parallel_loop3A_389 : vector<16xi32>
        %parallel_loop3A_391 = arith.constant 63 : i32
        %parallel_loop3A_392 = vector.broadcast %parallel_loop3A_391 : i32 to vector<16xi32>
        %parallel_loop3A_393 = arith.andi %parallel_loop3A_390, %parallel_loop3A_392 : vector<16xi32>
        %parallel_loop3A_394 = tpu.vector_load_idx %arg10[%parallel_loop3A_331, %parallel_loop3A_393] : memref<512x64xf32, #tpu.memory_space<vmem>>[vector<16xi32>, vector<16xi32>], vector<16xf32>,
        %parallel_loop3A_395 = arith.addi %parallel_loop3A_325, %parallel_loop3A_393 : vector<16xi32>
        tpu.vector_store_idx %arg8[%parallel_loop3A_395], %parallel_loop3A_394 {add = true} : memref<65536xf32, #tpu.memory_space<vmem>>[vector<16xi32>], vector<16xf32>,
        %parallel_loop3A_396 = arith.constant 8 : i32
        %parallel_loop3A_397 = vector.broadcast %parallel_loop3A_396 : i32 to vector<16xi32>
        %parallel_loop3A_398 = arith.addi %iota3A, %parallel_loop3A_397 : vector<16xi32>
        %parallel_loop3A_399 = arith.constant 63 : i32
        %parallel_loop3A_400 = vector.broadcast %parallel_loop3A_399 : i32 to vector<16xi32>
        %parallel_loop3A_401 = arith.andi %parallel_loop3A_398, %parallel_loop3A_400 : vector<16xi32>
        %parallel_loop3A_402 = tpu.vector_load_idx %arg10[%parallel_loop3A_331, %parallel_loop3A_401] : memref<512x64xf32, #tpu.memory_space<vmem>>[vector<16xi32>, vector<16xi32>], vector<16xf32>,
        %parallel_loop3A_403 = arith.addi %parallel_loop3A_325, %parallel_loop3A_401 : vector<16xi32>
        tpu.vector_store_idx %arg8[%parallel_loop3A_403], %parallel_loop3A_402 {add = true} : memref<65536xf32, #tpu.memory_space<vmem>>[vector<16xi32>], vector<16xf32>,
        %parallel_loop3A_404 = arith.constant 9 : i32
        %parallel_loop3A_405 = vector.broadcast %parallel_loop3A_404 : i32 to vector<16xi32>
        %parallel_loop3A_406 = arith.addi %iota3A, %parallel_loop3A_405 : vector<16xi32>
        %parallel_loop3A_407 = arith.constant 63 : i32
        %parallel_loop3A_408 = vector.broadcast %parallel_loop3A_407 : i32 to vector<16xi32>
        %parallel_loop3A_409 = arith.andi %parallel_loop3A_406, %parallel_loop3A_408 : vector<16xi32>
        %parallel_loop3A_410 = tpu.vector_load_idx %arg10[%parallel_loop3A_331, %parallel_loop3A_409] : memref<512x64xf32, #tpu.memory_space<vmem>>[vector<16xi32>, vector<16xi32>], vector<16xf32>,
        %parallel_loop3A_411 = arith.addi %parallel_loop3A_325, %parallel_loop3A_409 : vector<16xi32>
        tpu.vector_store_idx %arg8[%parallel_loop3A_411], %parallel_loop3A_410 {add = true} : memref<65536xf32, #tpu.memory_space<vmem>>[vector<16xi32>], vector<16xf32>,
        %parallel_loop3A_412 = arith.constant 10 : i32
        %parallel_loop3A_413 = vector.broadcast %parallel_loop3A_412 : i32 to vector<16xi32>
        %parallel_loop3A_414 = arith.addi %iota3A, %parallel_loop3A_413 : vector<16xi32>
        %parallel_loop3A_415 = arith.constant 63 : i32
        %parallel_loop3A_416 = vector.broadcast %parallel_loop3A_415 : i32 to vector<16xi32>
        %parallel_loop3A_417 = arith.andi %parallel_loop3A_414, %parallel_loop3A_416 : vector<16xi32>
        %parallel_loop3A_418 = tpu.vector_load_idx %arg10[%parallel_loop3A_331, %parallel_loop3A_417] : memref<512x64xf32, #tpu.memory_space<vmem>>[vector<16xi32>, vector<16xi32>], vector<16xf32>,
        %parallel_loop3A_419 = arith.addi %parallel_loop3A_325, %parallel_loop3A_417 : vector<16xi32>
        tpu.vector_store_idx %arg8[%parallel_loop3A_419], %parallel_loop3A_418 {add = true} : memref<65536xf32, #tpu.memory_space<vmem>>[vector<16xi32>], vector<16xf32>,
        %parallel_loop3A_420 = arith.constant 11 : i32
        %parallel_loop3A_421 = vector.broadcast %parallel_loop3A_420 : i32 to vector<16xi32>
        %parallel_loop3A_422 = arith.addi %iota3A, %parallel_loop3A_421 : vector<16xi32>
        %parallel_loop3A_423 = arith.constant 63 : i32
        %parallel_loop3A_424 = vector.broadcast %parallel_loop3A_423 : i32 to vector<16xi32>
        %parallel_loop3A_425 = arith.andi %parallel_loop3A_422, %parallel_loop3A_424 : vector<16xi32>
        %parallel_loop3A_426 = tpu.vector_load_idx %arg10[%parallel_loop3A_331, %parallel_loop3A_425] : memref<512x64xf32, #tpu.memory_space<vmem>>[vector<16xi32>, vector<16xi32>], vector<16xf32>,
        %parallel_loop3A_427 = arith.addi %parallel_loop3A_325, %parallel_loop3A_425 : vector<16xi32>
        tpu.vector_store_idx %arg8[%parallel_loop3A_427], %parallel_loop3A_426 {add = true} : memref<65536xf32, #tpu.memory_space<vmem>>[vector<16xi32>], vector<16xf32>,
        %parallel_loop3A_428 = arith.constant 12 : i32
        %parallel_loop3A_429 = vector.broadcast %parallel_loop3A_428 : i32 to vector<16xi32>
        %parallel_loop3A_430 = arith.addi %iota3A, %parallel_loop3A_429 : vector<16xi32>
        %parallel_loop3A_431 = arith.constant 63 : i32
        %parallel_loop3A_432 = vector.broadcast %parallel_loop3A_431 : i32 to vector<16xi32>
        %parallel_loop3A_433 = arith.andi %parallel_loop3A_430, %parallel_loop3A_432 : vector<16xi32>
        %parallel_loop3A_434 = tpu.vector_load_idx %arg10[%parallel_loop3A_331, %parallel_loop3A_433] : memref<512x64xf32, #tpu.memory_space<vmem>>[vector<16xi32>, vector<16xi32>], vector<16xf32>,
        %parallel_loop3A_435 = arith.addi %parallel_loop3A_325, %parallel_loop3A_433 : vector<16xi32>
        tpu.vector_store_idx %arg8[%parallel_loop3A_435], %parallel_loop3A_434 {add = true} : memref<65536xf32, #tpu.memory_space<vmem>>[vector<16xi32>], vector<16xf32>,
        %parallel_loop3A_436 = arith.constant 13 : i32
        %parallel_loop3A_437 = vector.broadcast %parallel_loop3A_436 : i32 to vector<16xi32>
        %parallel_loop3A_438 = arith.addi %iota3A, %parallel_loop3A_437 : vector<16xi32>
        %parallel_loop3A_439 = arith.constant 63 : i32
        %parallel_loop3A_440 = vector.broadcast %parallel_loop3A_439 : i32 to vector<16xi32>
        %parallel_loop3A_441 = arith.andi %parallel_loop3A_438, %parallel_loop3A_440 : vector<16xi32>
        %parallel_loop3A_442 = tpu.vector_load_idx %arg10[%parallel_loop3A_331, %parallel_loop3A_441] : memref<512x64xf32, #tpu.memory_space<vmem>>[vector<16xi32>, vector<16xi32>], vector<16xf32>,
        %parallel_loop3A_443 = arith.addi %parallel_loop3A_325, %parallel_loop3A_441 : vector<16xi32>
        tpu.vector_store_idx %arg8[%parallel_loop3A_443], %parallel_loop3A_442 {add = true} : memref<65536xf32, #tpu.memory_space<vmem>>[vector<16xi32>], vector<16xf32>,
        %parallel_loop3A_444 = arith.constant 14 : i32
        %parallel_loop3A_445 = vector.broadcast %parallel_loop3A_444 : i32 to vector<16xi32>
        %parallel_loop3A_446 = arith.addi %iota3A, %parallel_loop3A_445 : vector<16xi32>
        %parallel_loop3A_447 = arith.constant 63 : i32
        %parallel_loop3A_448 = vector.broadcast %parallel_loop3A_447 : i32 to vector<16xi32>
        %parallel_loop3A_449 = arith.andi %parallel_loop3A_446, %parallel_loop3A_448 : vector<16xi32>
        %parallel_loop3A_450 = tpu.vector_load_idx %arg10[%parallel_loop3A_331, %parallel_loop3A_449] : memref<512x64xf32, #tpu.memory_space<vmem>>[vector<16xi32>, vector<16xi32>], vector<16xf32>,
        %parallel_loop3A_451 = arith.addi %parallel_loop3A_325, %parallel_loop3A_449 : vector<16xi32>
        tpu.vector_store_idx %arg8[%parallel_loop3A_451], %parallel_loop3A_450 {add = true} : memref<65536xf32, #tpu.memory_space<vmem>>[vector<16xi32>], vector<16xf32>,
        %parallel_loop3A_452 = arith.constant 15 : i32
        %parallel_loop3A_453 = vector.broadcast %parallel_loop3A_452 : i32 to vector<16xi32>
        %parallel_loop3A_454 = arith.addi %iota3A, %parallel_loop3A_453 : vector<16xi32>
        %parallel_loop3A_455 = arith.constant 63 : i32
        %parallel_loop3A_456 = vector.broadcast %parallel_loop3A_455 : i32 to vector<16xi32>
        %parallel_loop3A_457 = arith.andi %parallel_loop3A_454, %parallel_loop3A_456 : vector<16xi32>
        %parallel_loop3A_458 = tpu.vector_load_idx %arg10[%parallel_loop3A_331, %parallel_loop3A_457] : memref<512x64xf32, #tpu.memory_space<vmem>>[vector<16xi32>, vector<16xi32>], vector<16xf32>,
        %parallel_loop3A_459 = arith.addi %parallel_loop3A_325, %parallel_loop3A_457 : vector<16xi32>
        tpu.vector_store_idx %arg8[%parallel_loop3A_459], %parallel_loop3A_458 {add = true} : memref<65536xf32, #tpu.memory_space<vmem>>[vector<16xi32>], vector<16xf32>,
        %parallel_loop3A_460 = arith.constant 16 : i32
        %parallel_loop3A_461 = vector.broadcast %parallel_loop3A_460 : i32 to vector<16xi32>
        %parallel_loop3A_462 = arith.addi %iota3A, %parallel_loop3A_461 : vector<16xi32>
        %parallel_loop3A_463 = arith.constant 63 : i32
        %parallel_loop3A_464 = vector.broadcast %parallel_loop3A_463 : i32 to vector<16xi32>
        %parallel_loop3A_465 = arith.andi %parallel_loop3A_462, %parallel_loop3A_464 : vector<16xi32>
        %parallel_loop3A_466 = tpu.vector_load_idx %arg10[%parallel_loop3A_331, %parallel_loop3A_465] : memref<512x64xf32, #tpu.memory_space<vmem>>[vector<16xi32>, vector<16xi32>], vector<16xf32>,
        %parallel_loop3A_467 = arith.addi %parallel_loop3A_325, %parallel_loop3A_465 : vector<16xi32>
        tpu.vector_store_idx %arg8[%parallel_loop3A_467], %parallel_loop3A_466 {add = true} : memref<65536xf32, #tpu.memory_space<vmem>>[vector<16xi32>], vector<16xf32>,
        %parallel_loop3A_468 = arith.constant 17 : i32
        %parallel_loop3A_469 = vector.broadcast %parallel_loop3A_468 : i32 to vector<16xi32>
        %parallel_loop3A_470 = arith.addi %iota3A, %parallel_loop3A_469 : vector<16xi32>
        %parallel_loop3A_471 = arith.constant 63 : i32
        %parallel_loop3A_472 = vector.broadcast %parallel_loop3A_471 : i32 to vector<16xi32>
        %parallel_loop3A_473 = arith.andi %parallel_loop3A_470, %parallel_loop3A_472 : vector<16xi32>
        %parallel_loop3A_474 = tpu.vector_load_idx %arg10[%parallel_loop3A_331, %parallel_loop3A_473] : memref<512x64xf32, #tpu.memory_space<vmem>>[vector<16xi32>, vector<16xi32>], vector<16xf32>,
        %parallel_loop3A_475 = arith.addi %parallel_loop3A_325, %parallel_loop3A_473 : vector<16xi32>
        tpu.vector_store_idx %arg8[%parallel_loop3A_475], %parallel_loop3A_474 {add = true} : memref<65536xf32, #tpu.memory_space<vmem>>[vector<16xi32>], vector<16xf32>,
        %parallel_loop3A_476 = arith.constant 18 : i32
        %parallel_loop3A_477 = vector.broadcast %parallel_loop3A_476 : i32 to vector<16xi32>
        %parallel_loop3A_478 = arith.addi %iota3A, %parallel_loop3A_477 : vector<16xi32>
        %parallel_loop3A_479 = arith.constant 63 : i32
        %parallel_loop3A_480 = vector.broadcast %parallel_loop3A_479 : i32 to vector<16xi32>
        %parallel_loop3A_481 = arith.andi %parallel_loop3A_478, %parallel_loop3A_480 : vector<16xi32>
        %parallel_loop3A_482 = tpu.vector_load_idx %arg10[%parallel_loop3A_331, %parallel_loop3A_481] : memref<512x64xf32, #tpu.memory_space<vmem>>[vector<16xi32>, vector<16xi32>], vector<16xf32>,
        %parallel_loop3A_483 = arith.addi %parallel_loop3A_325, %parallel_loop3A_481 : vector<16xi32>
        tpu.vector_store_idx %arg8[%parallel_loop3A_483], %parallel_loop3A_482 {add = true} : memref<65536xf32, #tpu.memory_space<vmem>>[vector<16xi32>], vector<16xf32>,
        %parallel_loop3A_484 = arith.constant 19 : i32
        %parallel_loop3A_485 = vector.broadcast %parallel_loop3A_484 : i32 to vector<16xi32>
        %parallel_loop3A_486 = arith.addi %iota3A, %parallel_loop3A_485 : vector<16xi32>
        %parallel_loop3A_487 = arith.constant 63 : i32
        %parallel_loop3A_488 = vector.broadcast %parallel_loop3A_487 : i32 to vector<16xi32>
        %parallel_loop3A_489 = arith.andi %parallel_loop3A_486, %parallel_loop3A_488 : vector<16xi32>
        %parallel_loop3A_490 = tpu.vector_load_idx %arg10[%parallel_loop3A_331, %parallel_loop3A_489] : memref<512x64xf32, #tpu.memory_space<vmem>>[vector<16xi32>, vector<16xi32>], vector<16xf32>,
        %parallel_loop3A_491 = arith.addi %parallel_loop3A_325, %parallel_loop3A_489 : vector<16xi32>
        tpu.vector_store_idx %arg8[%parallel_loop3A_491], %parallel_loop3A_490 {add = true} : memref<65536xf32, #tpu.memory_space<vmem>>[vector<16xi32>], vector<16xf32>,
        %parallel_loop3A_492 = arith.constant 20 : i32
        %parallel_loop3A_493 = vector.broadcast %parallel_loop3A_492 : i32 to vector<16xi32>
        %parallel_loop3A_494 = arith.addi %iota3A, %parallel_loop3A_493 : vector<16xi32>
        %parallel_loop3A_495 = arith.constant 63 : i32
        %parallel_loop3A_496 = vector.broadcast %parallel_loop3A_495 : i32 to vector<16xi32>
        %parallel_loop3A_497 = arith.andi %parallel_loop3A_494, %parallel_loop3A_496 : vector<16xi32>
        %parallel_loop3A_498 = tpu.vector_load_idx %arg10[%parallel_loop3A_331, %parallel_loop3A_497] : memref<512x64xf32, #tpu.memory_space<vmem>>[vector<16xi32>, vector<16xi32>], vector<16xf32>,
        %parallel_loop3A_499 = arith.addi %parallel_loop3A_325, %parallel_loop3A_497 : vector<16xi32>
        tpu.vector_store_idx %arg8[%parallel_loop3A_499], %parallel_loop3A_498 {add = true} : memref<65536xf32, #tpu.memory_space<vmem>>[vector<16xi32>], vector<16xf32>,
        %parallel_loop3A_500 = arith.constant 21 : i32
        %parallel_loop3A_501 = vector.broadcast %parallel_loop3A_500 : i32 to vector<16xi32>
        %parallel_loop3A_502 = arith.addi %iota3A, %parallel_loop3A_501 : vector<16xi32>
        %parallel_loop3A_503 = arith.constant 63 : i32
        %parallel_loop3A_504 = vector.broadcast %parallel_loop3A_503 : i32 to vector<16xi32>
        %parallel_loop3A_505 = arith.andi %parallel_loop3A_502, %parallel_loop3A_504 : vector<16xi32>
        %parallel_loop3A_506 = tpu.vector_load_idx %arg10[%parallel_loop3A_331, %parallel_loop3A_505] : memref<512x64xf32, #tpu.memory_space<vmem>>[vector<16xi32>, vector<16xi32>], vector<16xf32>,
        %parallel_loop3A_507 = arith.addi %parallel_loop3A_325, %parallel_loop3A_505 : vector<16xi32>
        tpu.vector_store_idx %arg8[%parallel_loop3A_507], %parallel_loop3A_506 {add = true} : memref<65536xf32, #tpu.memory_space<vmem>>[vector<16xi32>], vector<16xf32>,
        %parallel_loop3A_508 = arith.constant 22 : i32
        %parallel_loop3A_509 = vector.broadcast %parallel_loop3A_508 : i32 to vector<16xi32>
        %parallel_loop3A_510 = arith.addi %iota3A, %parallel_loop3A_509 : vector<16xi32>
        %parallel_loop3A_511 = arith.constant 63 : i32
        %parallel_loop3A_512 = vector.broadcast %parallel_loop3A_511 : i32 to vector<16xi32>
        %parallel_loop3A_513 = arith.andi %parallel_loop3A_510, %parallel_loop3A_512 : vector<16xi32>
        %parallel_loop3A_514 = tpu.vector_load_idx %arg10[%parallel_loop3A_331, %parallel_loop3A_513] : memref<512x64xf32, #tpu.memory_space<vmem>>[vector<16xi32>, vector<16xi32>], vector<16xf32>,
        %parallel_loop3A_515 = arith.addi %parallel_loop3A_325, %parallel_loop3A_513 : vector<16xi32>
        tpu.vector_store_idx %arg8[%parallel_loop3A_515], %parallel_loop3A_514 {add = true} : memref<65536xf32, #tpu.memory_space<vmem>>[vector<16xi32>], vector<16xf32>,
        %parallel_loop3A_516 = arith.constant 23 : i32
        %parallel_loop3A_517 = vector.broadcast %parallel_loop3A_516 : i32 to vector<16xi32>
        %parallel_loop3A_518 = arith.addi %iota3A, %parallel_loop3A_517 : vector<16xi32>
        %parallel_loop3A_519 = arith.constant 63 : i32
        %parallel_loop3A_520 = vector.broadcast %parallel_loop3A_519 : i32 to vector<16xi32>
        %parallel_loop3A_521 = arith.andi %parallel_loop3A_518, %parallel_loop3A_520 : vector<16xi32>
        %parallel_loop3A_522 = tpu.vector_load_idx %arg10[%parallel_loop3A_331, %parallel_loop3A_521] : memref<512x64xf32, #tpu.memory_space<vmem>>[vector<16xi32>, vector<16xi32>], vector<16xf32>,
        %parallel_loop3A_523 = arith.addi %parallel_loop3A_325, %parallel_loop3A_521 : vector<16xi32>
        tpu.vector_store_idx %arg8[%parallel_loop3A_523], %parallel_loop3A_522 {add = true} : memref<65536xf32, #tpu.memory_space<vmem>>[vector<16xi32>], vector<16xf32>,
        %parallel_loop3A_524 = arith.constant 24 : i32
        %parallel_loop3A_525 = vector.broadcast %parallel_loop3A_524 : i32 to vector<16xi32>
        %parallel_loop3A_526 = arith.addi %iota3A, %parallel_loop3A_525 : vector<16xi32>
        %parallel_loop3A_527 = arith.constant 63 : i32
        %parallel_loop3A_528 = vector.broadcast %parallel_loop3A_527 : i32 to vector<16xi32>
        %parallel_loop3A_529 = arith.andi %parallel_loop3A_526, %parallel_loop3A_528 : vector<16xi32>
        %parallel_loop3A_530 = tpu.vector_load_idx %arg10[%parallel_loop3A_331, %parallel_loop3A_529] : memref<512x64xf32, #tpu.memory_space<vmem>>[vector<16xi32>, vector<16xi32>], vector<16xf32>,
        %parallel_loop3A_531 = arith.addi %parallel_loop3A_325, %parallel_loop3A_529 : vector<16xi32>
        tpu.vector_store_idx %arg8[%parallel_loop3A_531], %parallel_loop3A_530 {add = true} : memref<65536xf32, #tpu.memory_space<vmem>>[vector<16xi32>], vector<16xf32>,
        %parallel_loop3A_532 = arith.constant 25 : i32
        %parallel_loop3A_533 = vector.broadcast %parallel_loop3A_532 : i32 to vector<16xi32>
        %parallel_loop3A_534 = arith.addi %iota3A, %parallel_loop3A_533 : vector<16xi32>
        %parallel_loop3A_535 = arith.constant 63 : i32
        %parallel_loop3A_536 = vector.broadcast %parallel_loop3A_535 : i32 to vector<16xi32>
        %parallel_loop3A_537 = arith.andi %parallel_loop3A_534, %parallel_loop3A_536 : vector<16xi32>
        %parallel_loop3A_538 = tpu.vector_load_idx %arg10[%parallel_loop3A_331, %parallel_loop3A_537] : memref<512x64xf32, #tpu.memory_space<vmem>>[vector<16xi32>, vector<16xi32>], vector<16xf32>,
        %parallel_loop3A_539 = arith.addi %parallel_loop3A_325, %parallel_loop3A_537 : vector<16xi32>
        tpu.vector_store_idx %arg8[%parallel_loop3A_539], %parallel_loop3A_538 {add = true} : memref<65536xf32, #tpu.memory_space<vmem>>[vector<16xi32>], vector<16xf32>,
        %parallel_loop3A_540 = arith.constant 26 : i32
        %parallel_loop3A_541 = vector.broadcast %parallel_loop3A_540 : i32 to vector<16xi32>
        %parallel_loop3A_542 = arith.addi %iota3A, %parallel_loop3A_541 : vector<16xi32>
        %parallel_loop3A_543 = arith.constant 63 : i32
        %parallel_loop3A_544 = vector.broadcast %parallel_loop3A_543 : i32 to vector<16xi32>
        %parallel_loop3A_545 = arith.andi %parallel_loop3A_542, %parallel_loop3A_544 : vector<16xi32>
        %parallel_loop3A_546 = tpu.vector_load_idx %arg10[%parallel_loop3A_331, %parallel_loop3A_545] : memref<512x64xf32, #tpu.memory_space<vmem>>[vector<16xi32>, vector<16xi32>], vector<16xf32>,
        %parallel_loop3A_547 = arith.addi %parallel_loop3A_325, %parallel_loop3A_545 : vector<16xi32>
        tpu.vector_store_idx %arg8[%parallel_loop3A_547], %parallel_loop3A_546 {add = true} : memref<65536xf32, #tpu.memory_space<vmem>>[vector<16xi32>], vector<16xf32>,
        %parallel_loop3A_548 = arith.constant 27 : i32
        %parallel_loop3A_549 = vector.broadcast %parallel_loop3A_548 : i32 to vector<16xi32>
        %parallel_loop3A_550 = arith.addi %iota3A, %parallel_loop3A_549 : vector<16xi32>
        %parallel_loop3A_551 = arith.constant 63 : i32
        %parallel_loop3A_552 = vector.broadcast %parallel_loop3A_551 : i32 to vector<16xi32>
        %parallel_loop3A_553 = arith.andi %parallel_loop3A_550, %parallel_loop3A_552 : vector<16xi32>
        %parallel_loop3A_554 = tpu.vector_load_idx %arg10[%parallel_loop3A_331, %parallel_loop3A_553] : memref<512x64xf32, #tpu.memory_space<vmem>>[vector<16xi32>, vector<16xi32>], vector<16xf32>,
        %parallel_loop3A_555 = arith.addi %parallel_loop3A_325, %parallel_loop3A_553 : vector<16xi32>
        tpu.vector_store_idx %arg8[%parallel_loop3A_555], %parallel_loop3A_554 {add = true} : memref<65536xf32, #tpu.memory_space<vmem>>[vector<16xi32>], vector<16xf32>,
        %parallel_loop3A_556 = arith.constant 28 : i32
        %parallel_loop3A_557 = vector.broadcast %parallel_loop3A_556 : i32 to vector<16xi32>
        %parallel_loop3A_558 = arith.addi %iota3A, %parallel_loop3A_557 : vector<16xi32>
        %parallel_loop3A_559 = arith.constant 63 : i32
        %parallel_loop3A_560 = vector.broadcast %parallel_loop3A_559 : i32 to vector<16xi32>
        %parallel_loop3A_561 = arith.andi %parallel_loop3A_558, %parallel_loop3A_560 : vector<16xi32>
        %parallel_loop3A_562 = tpu.vector_load_idx %arg10[%parallel_loop3A_331, %parallel_loop3A_561] : memref<512x64xf32, #tpu.memory_space<vmem>>[vector<16xi32>, vector<16xi32>], vector<16xf32>,
        %parallel_loop3A_563 = arith.addi %parallel_loop3A_325, %parallel_loop3A_561 : vector<16xi32>
        tpu.vector_store_idx %arg8[%parallel_loop3A_563], %parallel_loop3A_562 {add = true} : memref<65536xf32, #tpu.memory_space<vmem>>[vector<16xi32>], vector<16xf32>,
        %parallel_loop3A_564 = arith.constant 29 : i32
        %parallel_loop3A_565 = vector.broadcast %parallel_loop3A_564 : i32 to vector<16xi32>
        %parallel_loop3A_566 = arith.addi %iota3A, %parallel_loop3A_565 : vector<16xi32>
        %parallel_loop3A_567 = arith.constant 63 : i32
        %parallel_loop3A_568 = vector.broadcast %parallel_loop3A_567 : i32 to vector<16xi32>
        %parallel_loop3A_569 = arith.andi %parallel_loop3A_566, %parallel_loop3A_568 : vector<16xi32>
        %parallel_loop3A_570 = tpu.vector_load_idx %arg10[%parallel_loop3A_331, %parallel_loop3A_569] : memref<512x64xf32, #tpu.memory_space<vmem>>[vector<16xi32>, vector<16xi32>], vector<16xf32>,
        %parallel_loop3A_571 = arith.addi %parallel_loop3A_325, %parallel_loop3A_569 : vector<16xi32>
        tpu.vector_store_idx %arg8[%parallel_loop3A_571], %parallel_loop3A_570 {add = true} : memref<65536xf32, #tpu.memory_space<vmem>>[vector<16xi32>], vector<16xf32>,
        %parallel_loop3A_572 = arith.constant 30 : i32
        %parallel_loop3A_573 = vector.broadcast %parallel_loop3A_572 : i32 to vector<16xi32>
        %parallel_loop3A_574 = arith.addi %iota3A, %parallel_loop3A_573 : vector<16xi32>
        %parallel_loop3A_575 = arith.constant 63 : i32
        %parallel_loop3A_576 = vector.broadcast %parallel_loop3A_575 : i32 to vector<16xi32>
        %parallel_loop3A_577 = arith.andi %parallel_loop3A_574, %parallel_loop3A_576 : vector<16xi32>
        %parallel_loop3A_578 = tpu.vector_load_idx %arg10[%parallel_loop3A_331, %parallel_loop3A_577] : memref<512x64xf32, #tpu.memory_space<vmem>>[vector<16xi32>, vector<16xi32>], vector<16xf32>,
        %parallel_loop3A_579 = arith.addi %parallel_loop3A_325, %parallel_loop3A_577 : vector<16xi32>
        tpu.vector_store_idx %arg8[%parallel_loop3A_579], %parallel_loop3A_578 {add = true} : memref<65536xf32, #tpu.memory_space<vmem>>[vector<16xi32>], vector<16xf32>,
        %parallel_loop3A_580 = arith.constant 31 : i32
        %parallel_loop3A_581 = vector.broadcast %parallel_loop3A_580 : i32 to vector<16xi32>
        %parallel_loop3A_582 = arith.addi %iota3A, %parallel_loop3A_581 : vector<16xi32>
        %parallel_loop3A_583 = arith.constant 63 : i32
        %parallel_loop3A_584 = vector.broadcast %parallel_loop3A_583 : i32 to vector<16xi32>
        %parallel_loop3A_585 = arith.andi %parallel_loop3A_582, %parallel_loop3A_584 : vector<16xi32>
        %parallel_loop3A_586 = tpu.vector_load_idx %arg10[%parallel_loop3A_331, %parallel_loop3A_585] : memref<512x64xf32, #tpu.memory_space<vmem>>[vector<16xi32>, vector<16xi32>], vector<16xf32>,
        %parallel_loop3A_587 = arith.addi %parallel_loop3A_325, %parallel_loop3A_585 : vector<16xi32>
        tpu.vector_store_idx %arg8[%parallel_loop3A_587], %parallel_loop3A_586 {add = true} : memref<65536xf32, #tpu.memory_space<vmem>>[vector<16xi32>], vector<16xf32>,
        %parallel_loop3A_588 = arith.constant 32 : i32
        %parallel_loop3A_589 = vector.broadcast %parallel_loop3A_588 : i32 to vector<16xi32>
        %parallel_loop3A_590 = arith.addi %iota3A, %parallel_loop3A_589 : vector<16xi32>
        %parallel_loop3A_591 = arith.constant 63 : i32
        %parallel_loop3A_592 = vector.broadcast %parallel_loop3A_591 : i32 to vector<16xi32>
        %parallel_loop3A_593 = arith.andi %parallel_loop3A_590, %parallel_loop3A_592 : vector<16xi32>
        %parallel_loop3A_594 = tpu.vector_load_idx %arg10[%parallel_loop3A_331, %parallel_loop3A_593] : memref<512x64xf32, #tpu.memory_space<vmem>>[vector<16xi32>, vector<16xi32>], vector<16xf32>,
        %parallel_loop3A_595 = arith.addi %parallel_loop3A_325, %parallel_loop3A_593 : vector<16xi32>
        tpu.vector_store_idx %arg8[%parallel_loop3A_595], %parallel_loop3A_594 {add = true} : memref<65536xf32, #tpu.memory_space<vmem>>[vector<16xi32>], vector<16xf32>,
        %parallel_loop3A_596 = arith.constant 33 : i32
        %parallel_loop3A_597 = vector.broadcast %parallel_loop3A_596 : i32 to vector<16xi32>
        %parallel_loop3A_598 = arith.addi %iota3A, %parallel_loop3A_597 : vector<16xi32>
        %parallel_loop3A_599 = arith.constant 63 : i32
        %parallel_loop3A_600 = vector.broadcast %parallel_loop3A_599 : i32 to vector<16xi32>
        %parallel_loop3A_601 = arith.andi %parallel_loop3A_598, %parallel_loop3A_600 : vector<16xi32>
        %parallel_loop3A_602 = tpu.vector_load_idx %arg10[%parallel_loop3A_331, %parallel_loop3A_601] : memref<512x64xf32, #tpu.memory_space<vmem>>[vector<16xi32>, vector<16xi32>], vector<16xf32>,
        %parallel_loop3A_603 = arith.addi %parallel_loop3A_325, %parallel_loop3A_601 : vector<16xi32>
        tpu.vector_store_idx %arg8[%parallel_loop3A_603], %parallel_loop3A_602 {add = true} : memref<65536xf32, #tpu.memory_space<vmem>>[vector<16xi32>], vector<16xf32>,
        %parallel_loop3A_604 = arith.constant 34 : i32
        %parallel_loop3A_605 = vector.broadcast %parallel_loop3A_604 : i32 to vector<16xi32>
        %parallel_loop3A_606 = arith.addi %iota3A, %parallel_loop3A_605 : vector<16xi32>
        %parallel_loop3A_607 = arith.constant 63 : i32
        %parallel_loop3A_608 = vector.broadcast %parallel_loop3A_607 : i32 to vector<16xi32>
        %parallel_loop3A_609 = arith.andi %parallel_loop3A_606, %parallel_loop3A_608 : vector<16xi32>
        %parallel_loop3A_610 = tpu.vector_load_idx %arg10[%parallel_loop3A_331, %parallel_loop3A_609] : memref<512x64xf32, #tpu.memory_space<vmem>>[vector<16xi32>, vector<16xi32>], vector<16xf32>,
        %parallel_loop3A_611 = arith.addi %parallel_loop3A_325, %parallel_loop3A_609 : vector<16xi32>
        tpu.vector_store_idx %arg8[%parallel_loop3A_611], %parallel_loop3A_610 {add = true} : memref<65536xf32, #tpu.memory_space<vmem>>[vector<16xi32>], vector<16xf32>,
        %parallel_loop3A_612 = arith.constant 35 : i32
        %parallel_loop3A_613 = vector.broadcast %parallel_loop3A_612 : i32 to vector<16xi32>
        %parallel_loop3A_614 = arith.addi %iota3A, %parallel_loop3A_613 : vector<16xi32>
        %parallel_loop3A_615 = arith.constant 63 : i32
        %parallel_loop3A_616 = vector.broadcast %parallel_loop3A_615 : i32 to vector<16xi32>
        %parallel_loop3A_617 = arith.andi %parallel_loop3A_614, %parallel_loop3A_616 : vector<16xi32>
        %parallel_loop3A_618 = tpu.vector_load_idx %arg10[%parallel_loop3A_331, %parallel_loop3A_617] : memref<512x64xf32, #tpu.memory_space<vmem>>[vector<16xi32>, vector<16xi32>], vector<16xf32>,
        %parallel_loop3A_619 = arith.addi %parallel_loop3A_325, %parallel_loop3A_617 : vector<16xi32>
        tpu.vector_store_idx %arg8[%parallel_loop3A_619], %parallel_loop3A_618 {add = true} : memref<65536xf32, #tpu.memory_space<vmem>>[vector<16xi32>], vector<16xf32>,
        %parallel_loop3A_620 = arith.constant 36 : i32
        %parallel_loop3A_621 = vector.broadcast %parallel_loop3A_620 : i32 to vector<16xi32>
        %parallel_loop3A_622 = arith.addi %iota3A, %parallel_loop3A_621 : vector<16xi32>
        %parallel_loop3A_623 = arith.constant 63 : i32
        %parallel_loop3A_624 = vector.broadcast %parallel_loop3A_623 : i32 to vector<16xi32>
        %parallel_loop3A_625 = arith.andi %parallel_loop3A_622, %parallel_loop3A_624 : vector<16xi32>
        %parallel_loop3A_626 = tpu.vector_load_idx %arg10[%parallel_loop3A_331, %parallel_loop3A_625] : memref<512x64xf32, #tpu.memory_space<vmem>>[vector<16xi32>, vector<16xi32>], vector<16xf32>,
        %parallel_loop3A_627 = arith.addi %parallel_loop3A_325, %parallel_loop3A_625 : vector<16xi32>
        tpu.vector_store_idx %arg8[%parallel_loop3A_627], %parallel_loop3A_626 {add = true} : memref<65536xf32, #tpu.memory_space<vmem>>[vector<16xi32>], vector<16xf32>,
        %parallel_loop3A_628 = arith.constant 37 : i32
        %parallel_loop3A_629 = vector.broadcast %parallel_loop3A_628 : i32 to vector<16xi32>
        %parallel_loop3A_630 = arith.addi %iota3A, %parallel_loop3A_629 : vector<16xi32>
        %parallel_loop3A_631 = arith.constant 63 : i32
        %parallel_loop3A_632 = vector.broadcast %parallel_loop3A_631 : i32 to vector<16xi32>
        %parallel_loop3A_633 = arith.andi %parallel_loop3A_630, %parallel_loop3A_632 : vector<16xi32>
        %parallel_loop3A_634 = tpu.vector_load_idx %arg10[%parallel_loop3A_331, %parallel_loop3A_633] : memref<512x64xf32, #tpu.memory_space<vmem>>[vector<16xi32>, vector<16xi32>], vector<16xf32>,
        %parallel_loop3A_635 = arith.addi %parallel_loop3A_325, %parallel_loop3A_633 : vector<16xi32>
        tpu.vector_store_idx %arg8[%parallel_loop3A_635], %parallel_loop3A_634 {add = true} : memref<65536xf32, #tpu.memory_space<vmem>>[vector<16xi32>], vector<16xf32>,
        %parallel_loop3A_636 = arith.constant 38 : i32
        %parallel_loop3A_637 = vector.broadcast %parallel_loop3A_636 : i32 to vector<16xi32>
        %parallel_loop3A_638 = arith.addi %iota3A, %parallel_loop3A_637 : vector<16xi32>
        %parallel_loop3A_639 = arith.constant 63 : i32
        %parallel_loop3A_640 = vector.broadcast %parallel_loop3A_639 : i32 to vector<16xi32>
        %parallel_loop3A_641 = arith.andi %parallel_loop3A_638, %parallel_loop3A_640 : vector<16xi32>
        %parallel_loop3A_642 = tpu.vector_load_idx %arg10[%parallel_loop3A_331, %parallel_loop3A_641] : memref<512x64xf32, #tpu.memory_space<vmem>>[vector<16xi32>, vector<16xi32>], vector<16xf32>,
        %parallel_loop3A_643 = arith.addi %parallel_loop3A_325, %parallel_loop3A_641 : vector<16xi32>
        tpu.vector_store_idx %arg8[%parallel_loop3A_643], %parallel_loop3A_642 {add = true} : memref<65536xf32, #tpu.memory_space<vmem>>[vector<16xi32>], vector<16xf32>,
        %parallel_loop3A_644 = arith.constant 39 : i32
        %parallel_loop3A_645 = vector.broadcast %parallel_loop3A_644 : i32 to vector<16xi32>
        %parallel_loop3A_646 = arith.addi %iota3A, %parallel_loop3A_645 : vector<16xi32>
        %parallel_loop3A_647 = arith.constant 63 : i32
        %parallel_loop3A_648 = vector.broadcast %parallel_loop3A_647 : i32 to vector<16xi32>
        %parallel_loop3A_649 = arith.andi %parallel_loop3A_646, %parallel_loop3A_648 : vector<16xi32>
        %parallel_loop3A_650 = tpu.vector_load_idx %arg10[%parallel_loop3A_331, %parallel_loop3A_649] : memref<512x64xf32, #tpu.memory_space<vmem>>[vector<16xi32>, vector<16xi32>], vector<16xf32>,
        %parallel_loop3A_651 = arith.addi %parallel_loop3A_325, %parallel_loop3A_649 : vector<16xi32>
        tpu.vector_store_idx %arg8[%parallel_loop3A_651], %parallel_loop3A_650 {add = true} : memref<65536xf32, #tpu.memory_space<vmem>>[vector<16xi32>], vector<16xf32>,
        %parallel_loop3A_652 = arith.constant 40 : i32
        %parallel_loop3A_653 = vector.broadcast %parallel_loop3A_652 : i32 to vector<16xi32>
        %parallel_loop3A_654 = arith.addi %iota3A, %parallel_loop3A_653 : vector<16xi32>
        %parallel_loop3A_655 = arith.constant 63 : i32
        %parallel_loop3A_656 = vector.broadcast %parallel_loop3A_655 : i32 to vector<16xi32>
        %parallel_loop3A_657 = arith.andi %parallel_loop3A_654, %parallel_loop3A_656 : vector<16xi32>
        %parallel_loop3A_658 = tpu.vector_load_idx %arg10[%parallel_loop3A_331, %parallel_loop3A_657] : memref<512x64xf32, #tpu.memory_space<vmem>>[vector<16xi32>, vector<16xi32>], vector<16xf32>,
        %parallel_loop3A_659 = arith.addi %parallel_loop3A_325, %parallel_loop3A_657 : vector<16xi32>
        tpu.vector_store_idx %arg8[%parallel_loop3A_659], %parallel_loop3A_658 {add = true} : memref<65536xf32, #tpu.memory_space<vmem>>[vector<16xi32>], vector<16xf32>,
        %parallel_loop3A_660 = arith.constant 41 : i32
        %parallel_loop3A_661 = vector.broadcast %parallel_loop3A_660 : i32 to vector<16xi32>
        %parallel_loop3A_662 = arith.addi %iota3A, %parallel_loop3A_661 : vector<16xi32>
        %parallel_loop3A_663 = arith.constant 63 : i32
        %parallel_loop3A_664 = vector.broadcast %parallel_loop3A_663 : i32 to vector<16xi32>
        %parallel_loop3A_665 = arith.andi %parallel_loop3A_662, %parallel_loop3A_664 : vector<16xi32>
        %parallel_loop3A_666 = tpu.vector_load_idx %arg10[%parallel_loop3A_331, %parallel_loop3A_665] : memref<512x64xf32, #tpu.memory_space<vmem>>[vector<16xi32>, vector<16xi32>], vector<16xf32>,
        %parallel_loop3A_667 = arith.addi %parallel_loop3A_325, %parallel_loop3A_665 : vector<16xi32>
        tpu.vector_store_idx %arg8[%parallel_loop3A_667], %parallel_loop3A_666 {add = true} : memref<65536xf32, #tpu.memory_space<vmem>>[vector<16xi32>], vector<16xf32>,
        %parallel_loop3A_668 = arith.constant 42 : i32
        %parallel_loop3A_669 = vector.broadcast %parallel_loop3A_668 : i32 to vector<16xi32>
        %parallel_loop3A_670 = arith.addi %iota3A, %parallel_loop3A_669 : vector<16xi32>
        %parallel_loop3A_671 = arith.constant 63 : i32
        %parallel_loop3A_672 = vector.broadcast %parallel_loop3A_671 : i32 to vector<16xi32>
        %parallel_loop3A_673 = arith.andi %parallel_loop3A_670, %parallel_loop3A_672 : vector<16xi32>
        %parallel_loop3A_674 = tpu.vector_load_idx %arg10[%parallel_loop3A_331, %parallel_loop3A_673] : memref<512x64xf32, #tpu.memory_space<vmem>>[vector<16xi32>, vector<16xi32>], vector<16xf32>,
        %parallel_loop3A_675 = arith.addi %parallel_loop3A_325, %parallel_loop3A_673 : vector<16xi32>
        tpu.vector_store_idx %arg8[%parallel_loop3A_675], %parallel_loop3A_674 {add = true} : memref<65536xf32, #tpu.memory_space<vmem>>[vector<16xi32>], vector<16xf32>,
        %parallel_loop3A_676 = arith.constant 43 : i32
        %parallel_loop3A_677 = vector.broadcast %parallel_loop3A_676 : i32 to vector<16xi32>
        %parallel_loop3A_678 = arith.addi %iota3A, %parallel_loop3A_677 : vector<16xi32>
        %parallel_loop3A_679 = arith.constant 63 : i32
        %parallel_loop3A_680 = vector.broadcast %parallel_loop3A_679 : i32 to vector<16xi32>
        %parallel_loop3A_681 = arith.andi %parallel_loop3A_678, %parallel_loop3A_680 : vector<16xi32>
        %parallel_loop3A_682 = tpu.vector_load_idx %arg10[%parallel_loop3A_331, %parallel_loop3A_681] : memref<512x64xf32, #tpu.memory_space<vmem>>[vector<16xi32>, vector<16xi32>], vector<16xf32>,
        %parallel_loop3A_683 = arith.addi %parallel_loop3A_325, %parallel_loop3A_681 : vector<16xi32>
        tpu.vector_store_idx %arg8[%parallel_loop3A_683], %parallel_loop3A_682 {add = true} : memref<65536xf32, #tpu.memory_space<vmem>>[vector<16xi32>], vector<16xf32>,
        %parallel_loop3A_684 = arith.constant 44 : i32
        %parallel_loop3A_685 = vector.broadcast %parallel_loop3A_684 : i32 to vector<16xi32>
        %parallel_loop3A_686 = arith.addi %iota3A, %parallel_loop3A_685 : vector<16xi32>
        %parallel_loop3A_687 = arith.constant 63 : i32
        %parallel_loop3A_688 = vector.broadcast %parallel_loop3A_687 : i32 to vector<16xi32>
        %parallel_loop3A_689 = arith.andi %parallel_loop3A_686, %parallel_loop3A_688 : vector<16xi32>
        %parallel_loop3A_690 = tpu.vector_load_idx %arg10[%parallel_loop3A_331, %parallel_loop3A_689] : memref<512x64xf32, #tpu.memory_space<vmem>>[vector<16xi32>, vector<16xi32>], vector<16xf32>,
        %parallel_loop3A_691 = arith.addi %parallel_loop3A_325, %parallel_loop3A_689 : vector<16xi32>
        tpu.vector_store_idx %arg8[%parallel_loop3A_691], %parallel_loop3A_690 {add = true} : memref<65536xf32, #tpu.memory_space<vmem>>[vector<16xi32>], vector<16xf32>,
        %parallel_loop3A_692 = arith.constant 45 : i32
        %parallel_loop3A_693 = vector.broadcast %parallel_loop3A_692 : i32 to vector<16xi32>
        %parallel_loop3A_694 = arith.addi %iota3A, %parallel_loop3A_693 : vector<16xi32>
        %parallel_loop3A_695 = arith.constant 63 : i32
        %parallel_loop3A_696 = vector.broadcast %parallel_loop3A_695 : i32 to vector<16xi32>
        %parallel_loop3A_697 = arith.andi %parallel_loop3A_694, %parallel_loop3A_696 : vector<16xi32>
        %parallel_loop3A_698 = tpu.vector_load_idx %arg10[%parallel_loop3A_331, %parallel_loop3A_697] : memref<512x64xf32, #tpu.memory_space<vmem>>[vector<16xi32>, vector<16xi32>], vector<16xf32>,
        %parallel_loop3A_699 = arith.addi %parallel_loop3A_325, %parallel_loop3A_697 : vector<16xi32>
        tpu.vector_store_idx %arg8[%parallel_loop3A_699], %parallel_loop3A_698 {add = true} : memref<65536xf32, #tpu.memory_space<vmem>>[vector<16xi32>], vector<16xf32>,
        %parallel_loop3A_700 = arith.constant 46 : i32
        %parallel_loop3A_701 = vector.broadcast %parallel_loop3A_700 : i32 to vector<16xi32>
        %parallel_loop3A_702 = arith.addi %iota3A, %parallel_loop3A_701 : vector<16xi32>
        %parallel_loop3A_703 = arith.constant 63 : i32
        %parallel_loop3A_704 = vector.broadcast %parallel_loop3A_703 : i32 to vector<16xi32>
        %parallel_loop3A_705 = arith.andi %parallel_loop3A_702, %parallel_loop3A_704 : vector<16xi32>
        %parallel_loop3A_706 = tpu.vector_load_idx %arg10[%parallel_loop3A_331, %parallel_loop3A_705] : memref<512x64xf32, #tpu.memory_space<vmem>>[vector<16xi32>, vector<16xi32>], vector<16xf32>,
        %parallel_loop3A_707 = arith.addi %parallel_loop3A_325, %parallel_loop3A_705 : vector<16xi32>
        tpu.vector_store_idx %arg8[%parallel_loop3A_707], %parallel_loop3A_706 {add = true} : memref<65536xf32, #tpu.memory_space<vmem>>[vector<16xi32>], vector<16xf32>,
        %parallel_loop3A_708 = arith.constant 47 : i32
        %parallel_loop3A_709 = vector.broadcast %parallel_loop3A_708 : i32 to vector<16xi32>
        %parallel_loop3A_710 = arith.addi %iota3A, %parallel_loop3A_709 : vector<16xi32>
        %parallel_loop3A_711 = arith.constant 63 : i32
        %parallel_loop3A_712 = vector.broadcast %parallel_loop3A_711 : i32 to vector<16xi32>
        %parallel_loop3A_713 = arith.andi %parallel_loop3A_710, %parallel_loop3A_712 : vector<16xi32>
        %parallel_loop3A_714 = tpu.vector_load_idx %arg10[%parallel_loop3A_331, %parallel_loop3A_713] : memref<512x64xf32, #tpu.memory_space<vmem>>[vector<16xi32>, vector<16xi32>], vector<16xf32>,
        %parallel_loop3A_715 = arith.addi %parallel_loop3A_325, %parallel_loop3A_713 : vector<16xi32>
        tpu.vector_store_idx %arg8[%parallel_loop3A_715], %parallel_loop3A_714 {add = true} : memref<65536xf32, #tpu.memory_space<vmem>>[vector<16xi32>], vector<16xf32>,
        %parallel_loop3A_716 = arith.constant 48 : i32
        %parallel_loop3A_717 = vector.broadcast %parallel_loop3A_716 : i32 to vector<16xi32>
        %parallel_loop3A_718 = arith.addi %iota3A, %parallel_loop3A_717 : vector<16xi32>
        %parallel_loop3A_719 = arith.constant 63 : i32
        %parallel_loop3A_720 = vector.broadcast %parallel_loop3A_719 : i32 to vector<16xi32>
        %parallel_loop3A_721 = arith.andi %parallel_loop3A_718, %parallel_loop3A_720 : vector<16xi32>
        %parallel_loop3A_722 = tpu.vector_load_idx %arg10[%parallel_loop3A_331, %parallel_loop3A_721] : memref<512x64xf32, #tpu.memory_space<vmem>>[vector<16xi32>, vector<16xi32>], vector<16xf32>,
        %parallel_loop3A_723 = arith.addi %parallel_loop3A_325, %parallel_loop3A_721 : vector<16xi32>
        tpu.vector_store_idx %arg8[%parallel_loop3A_723], %parallel_loop3A_722 {add = true} : memref<65536xf32, #tpu.memory_space<vmem>>[vector<16xi32>], vector<16xf32>,
        %parallel_loop3A_724 = arith.constant 49 : i32
        %parallel_loop3A_725 = vector.broadcast %parallel_loop3A_724 : i32 to vector<16xi32>
        %parallel_loop3A_726 = arith.addi %iota3A, %parallel_loop3A_725 : vector<16xi32>
        %parallel_loop3A_727 = arith.constant 63 : i32
        %parallel_loop3A_728 = vector.broadcast %parallel_loop3A_727 : i32 to vector<16xi32>
        %parallel_loop3A_729 = arith.andi %parallel_loop3A_726, %parallel_loop3A_728 : vector<16xi32>
        %parallel_loop3A_730 = tpu.vector_load_idx %arg10[%parallel_loop3A_331, %parallel_loop3A_729] : memref<512x64xf32, #tpu.memory_space<vmem>>[vector<16xi32>, vector<16xi32>], vector<16xf32>,
        %parallel_loop3A_731 = arith.addi %parallel_loop3A_325, %parallel_loop3A_729 : vector<16xi32>
        tpu.vector_store_idx %arg8[%parallel_loop3A_731], %parallel_loop3A_730 {add = true} : memref<65536xf32, #tpu.memory_space<vmem>>[vector<16xi32>], vector<16xf32>,
        %parallel_loop3A_732 = arith.constant 50 : i32
        %parallel_loop3A_733 = vector.broadcast %parallel_loop3A_732 : i32 to vector<16xi32>
        %parallel_loop3A_734 = arith.addi %iota3A, %parallel_loop3A_733 : vector<16xi32>
        %parallel_loop3A_735 = arith.constant 63 : i32
        %parallel_loop3A_736 = vector.broadcast %parallel_loop3A_735 : i32 to vector<16xi32>
        %parallel_loop3A_737 = arith.andi %parallel_loop3A_734, %parallel_loop3A_736 : vector<16xi32>
        %parallel_loop3A_738 = tpu.vector_load_idx %arg10[%parallel_loop3A_331, %parallel_loop3A_737] : memref<512x64xf32, #tpu.memory_space<vmem>>[vector<16xi32>, vector<16xi32>], vector<16xf32>,
        %parallel_loop3A_739 = arith.addi %parallel_loop3A_325, %parallel_loop3A_737 : vector<16xi32>
        tpu.vector_store_idx %arg8[%parallel_loop3A_739], %parallel_loop3A_738 {add = true} : memref<65536xf32, #tpu.memory_space<vmem>>[vector<16xi32>], vector<16xf32>,
        %parallel_loop3A_740 = arith.constant 51 : i32
        %parallel_loop3A_741 = vector.broadcast %parallel_loop3A_740 : i32 to vector<16xi32>
        %parallel_loop3A_742 = arith.addi %iota3A, %parallel_loop3A_741 : vector<16xi32>
        %parallel_loop3A_743 = arith.constant 63 : i32
        %parallel_loop3A_744 = vector.broadcast %parallel_loop3A_743 : i32 to vector<16xi32>
        %parallel_loop3A_745 = arith.andi %parallel_loop3A_742, %parallel_loop3A_744 : vector<16xi32>
        %parallel_loop3A_746 = tpu.vector_load_idx %arg10[%parallel_loop3A_331, %parallel_loop3A_745] : memref<512x64xf32, #tpu.memory_space<vmem>>[vector<16xi32>, vector<16xi32>], vector<16xf32>,
        %parallel_loop3A_747 = arith.addi %parallel_loop3A_325, %parallel_loop3A_745 : vector<16xi32>
        tpu.vector_store_idx %arg8[%parallel_loop3A_747], %parallel_loop3A_746 {add = true} : memref<65536xf32, #tpu.memory_space<vmem>>[vector<16xi32>], vector<16xf32>,
        %parallel_loop3A_748 = arith.constant 52 : i32
        %parallel_loop3A_749 = vector.broadcast %parallel_loop3A_748 : i32 to vector<16xi32>
        %parallel_loop3A_750 = arith.addi %iota3A, %parallel_loop3A_749 : vector<16xi32>
        %parallel_loop3A_751 = arith.constant 63 : i32
        %parallel_loop3A_752 = vector.broadcast %parallel_loop3A_751 : i32 to vector<16xi32>
        %parallel_loop3A_753 = arith.andi %parallel_loop3A_750, %parallel_loop3A_752 : vector<16xi32>
        %parallel_loop3A_754 = tpu.vector_load_idx %arg10[%parallel_loop3A_331, %parallel_loop3A_753] : memref<512x64xf32, #tpu.memory_space<vmem>>[vector<16xi32>, vector<16xi32>], vector<16xf32>,
        %parallel_loop3A_755 = arith.addi %parallel_loop3A_325, %parallel_loop3A_753 : vector<16xi32>
        tpu.vector_store_idx %arg8[%parallel_loop3A_755], %parallel_loop3A_754 {add = true} : memref<65536xf32, #tpu.memory_space<vmem>>[vector<16xi32>], vector<16xf32>,
        %parallel_loop3A_756 = arith.constant 53 : i32
        %parallel_loop3A_757 = vector.broadcast %parallel_loop3A_756 : i32 to vector<16xi32>
        %parallel_loop3A_758 = arith.addi %iota3A, %parallel_loop3A_757 : vector<16xi32>
        %parallel_loop3A_759 = arith.constant 63 : i32
        %parallel_loop3A_760 = vector.broadcast %parallel_loop3A_759 : i32 to vector<16xi32>
        %parallel_loop3A_761 = arith.andi %parallel_loop3A_758, %parallel_loop3A_760 : vector<16xi32>
        %parallel_loop3A_762 = tpu.vector_load_idx %arg10[%parallel_loop3A_331, %parallel_loop3A_761] : memref<512x64xf32, #tpu.memory_space<vmem>>[vector<16xi32>, vector<16xi32>], vector<16xf32>,
        %parallel_loop3A_763 = arith.addi %parallel_loop3A_325, %parallel_loop3A_761 : vector<16xi32>
        tpu.vector_store_idx %arg8[%parallel_loop3A_763], %parallel_loop3A_762 {add = true} : memref<65536xf32, #tpu.memory_space<vmem>>[vector<16xi32>], vector<16xf32>,
        %parallel_loop3A_764 = arith.constant 54 : i32
        %parallel_loop3A_765 = vector.broadcast %parallel_loop3A_764 : i32 to vector<16xi32>
        %parallel_loop3A_766 = arith.addi %iota3A, %parallel_loop3A_765 : vector<16xi32>
        %parallel_loop3A_767 = arith.constant 63 : i32
        %parallel_loop3A_768 = vector.broadcast %parallel_loop3A_767 : i32 to vector<16xi32>
        %parallel_loop3A_769 = arith.andi %parallel_loop3A_766, %parallel_loop3A_768 : vector<16xi32>
        %parallel_loop3A_770 = tpu.vector_load_idx %arg10[%parallel_loop3A_331, %parallel_loop3A_769] : memref<512x64xf32, #tpu.memory_space<vmem>>[vector<16xi32>, vector<16xi32>], vector<16xf32>,
        %parallel_loop3A_771 = arith.addi %parallel_loop3A_325, %parallel_loop3A_769 : vector<16xi32>
        tpu.vector_store_idx %arg8[%parallel_loop3A_771], %parallel_loop3A_770 {add = true} : memref<65536xf32, #tpu.memory_space<vmem>>[vector<16xi32>], vector<16xf32>,
        %parallel_loop3A_772 = arith.constant 55 : i32
        %parallel_loop3A_773 = vector.broadcast %parallel_loop3A_772 : i32 to vector<16xi32>
        %parallel_loop3A_774 = arith.addi %iota3A, %parallel_loop3A_773 : vector<16xi32>
        %parallel_loop3A_775 = arith.constant 63 : i32
        %parallel_loop3A_776 = vector.broadcast %parallel_loop3A_775 : i32 to vector<16xi32>
        %parallel_loop3A_777 = arith.andi %parallel_loop3A_774, %parallel_loop3A_776 : vector<16xi32>
        %parallel_loop3A_778 = tpu.vector_load_idx %arg10[%parallel_loop3A_331, %parallel_loop3A_777] : memref<512x64xf32, #tpu.memory_space<vmem>>[vector<16xi32>, vector<16xi32>], vector<16xf32>,
        %parallel_loop3A_779 = arith.addi %parallel_loop3A_325, %parallel_loop3A_777 : vector<16xi32>
        tpu.vector_store_idx %arg8[%parallel_loop3A_779], %parallel_loop3A_778 {add = true} : memref<65536xf32, #tpu.memory_space<vmem>>[vector<16xi32>], vector<16xf32>,
        %parallel_loop3A_780 = arith.constant 56 : i32
        %parallel_loop3A_781 = vector.broadcast %parallel_loop3A_780 : i32 to vector<16xi32>
        %parallel_loop3A_782 = arith.addi %iota3A, %parallel_loop3A_781 : vector<16xi32>
        %parallel_loop3A_783 = arith.constant 63 : i32
        %parallel_loop3A_784 = vector.broadcast %parallel_loop3A_783 : i32 to vector<16xi32>
        %parallel_loop3A_785 = arith.andi %parallel_loop3A_782, %parallel_loop3A_784 : vector<16xi32>
        %parallel_loop3A_786 = tpu.vector_load_idx %arg10[%parallel_loop3A_331, %parallel_loop3A_785] : memref<512x64xf32, #tpu.memory_space<vmem>>[vector<16xi32>, vector<16xi32>], vector<16xf32>,
        %parallel_loop3A_787 = arith.addi %parallel_loop3A_325, %parallel_loop3A_785 : vector<16xi32>
        tpu.vector_store_idx %arg8[%parallel_loop3A_787], %parallel_loop3A_786 {add = true} : memref<65536xf32, #tpu.memory_space<vmem>>[vector<16xi32>], vector<16xf32>,
        %parallel_loop3A_788 = arith.constant 57 : i32
        %parallel_loop3A_789 = vector.broadcast %parallel_loop3A_788 : i32 to vector<16xi32>
        %parallel_loop3A_790 = arith.addi %iota3A, %parallel_loop3A_789 : vector<16xi32>
        %parallel_loop3A_791 = arith.constant 63 : i32
        %parallel_loop3A_792 = vector.broadcast %parallel_loop3A_791 : i32 to vector<16xi32>
        %parallel_loop3A_793 = arith.andi %parallel_loop3A_790, %parallel_loop3A_792 : vector<16xi32>
        %parallel_loop3A_794 = tpu.vector_load_idx %arg10[%parallel_loop3A_331, %parallel_loop3A_793] : memref<512x64xf32, #tpu.memory_space<vmem>>[vector<16xi32>, vector<16xi32>], vector<16xf32>,
        %parallel_loop3A_795 = arith.addi %parallel_loop3A_325, %parallel_loop3A_793 : vector<16xi32>
        tpu.vector_store_idx %arg8[%parallel_loop3A_795], %parallel_loop3A_794 {add = true} : memref<65536xf32, #tpu.memory_space<vmem>>[vector<16xi32>], vector<16xf32>,
        %parallel_loop3A_796 = arith.constant 58 : i32
        %parallel_loop3A_797 = vector.broadcast %parallel_loop3A_796 : i32 to vector<16xi32>
        %parallel_loop3A_798 = arith.addi %iota3A, %parallel_loop3A_797 : vector<16xi32>
        %parallel_loop3A_799 = arith.constant 63 : i32
        %parallel_loop3A_800 = vector.broadcast %parallel_loop3A_799 : i32 to vector<16xi32>
        %parallel_loop3A_801 = arith.andi %parallel_loop3A_798, %parallel_loop3A_800 : vector<16xi32>
        %parallel_loop3A_802 = tpu.vector_load_idx %arg10[%parallel_loop3A_331, %parallel_loop3A_801] : memref<512x64xf32, #tpu.memory_space<vmem>>[vector<16xi32>, vector<16xi32>], vector<16xf32>,
        %parallel_loop3A_803 = arith.addi %parallel_loop3A_325, %parallel_loop3A_801 : vector<16xi32>
        tpu.vector_store_idx %arg8[%parallel_loop3A_803], %parallel_loop3A_802 {add = true} : memref<65536xf32, #tpu.memory_space<vmem>>[vector<16xi32>], vector<16xf32>,
        %parallel_loop3A_804 = arith.constant 59 : i32
        %parallel_loop3A_805 = vector.broadcast %parallel_loop3A_804 : i32 to vector<16xi32>
        %parallel_loop3A_806 = arith.addi %iota3A, %parallel_loop3A_805 : vector<16xi32>
        %parallel_loop3A_807 = arith.constant 63 : i32
        %parallel_loop3A_808 = vector.broadcast %parallel_loop3A_807 : i32 to vector<16xi32>
        %parallel_loop3A_809 = arith.andi %parallel_loop3A_806, %parallel_loop3A_808 : vector<16xi32>
        %parallel_loop3A_810 = tpu.vector_load_idx %arg10[%parallel_loop3A_331, %parallel_loop3A_809] : memref<512x64xf32, #tpu.memory_space<vmem>>[vector<16xi32>, vector<16xi32>], vector<16xf32>,
        %parallel_loop3A_811 = arith.addi %parallel_loop3A_325, %parallel_loop3A_809 : vector<16xi32>
        tpu.vector_store_idx %arg8[%parallel_loop3A_811], %parallel_loop3A_810 {add = true} : memref<65536xf32, #tpu.memory_space<vmem>>[vector<16xi32>], vector<16xf32>,
        %parallel_loop3A_812 = arith.constant 60 : i32
        %parallel_loop3A_813 = vector.broadcast %parallel_loop3A_812 : i32 to vector<16xi32>
        %parallel_loop3A_814 = arith.addi %iota3A, %parallel_loop3A_813 : vector<16xi32>
        %parallel_loop3A_815 = arith.constant 63 : i32
        %parallel_loop3A_816 = vector.broadcast %parallel_loop3A_815 : i32 to vector<16xi32>
        %parallel_loop3A_817 = arith.andi %parallel_loop3A_814, %parallel_loop3A_816 : vector<16xi32>
        %parallel_loop3A_818 = tpu.vector_load_idx %arg10[%parallel_loop3A_331, %parallel_loop3A_817] : memref<512x64xf32, #tpu.memory_space<vmem>>[vector<16xi32>, vector<16xi32>], vector<16xf32>,
        %parallel_loop3A_819 = arith.addi %parallel_loop3A_325, %parallel_loop3A_817 : vector<16xi32>
        tpu.vector_store_idx %arg8[%parallel_loop3A_819], %parallel_loop3A_818 {add = true} : memref<65536xf32, #tpu.memory_space<vmem>>[vector<16xi32>], vector<16xf32>,
        %parallel_loop3A_820 = arith.constant 61 : i32
        %parallel_loop3A_821 = vector.broadcast %parallel_loop3A_820 : i32 to vector<16xi32>
        %parallel_loop3A_822 = arith.addi %iota3A, %parallel_loop3A_821 : vector<16xi32>
        %parallel_loop3A_823 = arith.constant 63 : i32
        %parallel_loop3A_824 = vector.broadcast %parallel_loop3A_823 : i32 to vector<16xi32>
        %parallel_loop3A_825 = arith.andi %parallel_loop3A_822, %parallel_loop3A_824 : vector<16xi32>
        %parallel_loop3A_826 = tpu.vector_load_idx %arg10[%parallel_loop3A_331, %parallel_loop3A_825] : memref<512x64xf32, #tpu.memory_space<vmem>>[vector<16xi32>, vector<16xi32>], vector<16xf32>,
        %parallel_loop3A_827 = arith.addi %parallel_loop3A_325, %parallel_loop3A_825 : vector<16xi32>
        tpu.vector_store_idx %arg8[%parallel_loop3A_827], %parallel_loop3A_826 {add = true} : memref<65536xf32, #tpu.memory_space<vmem>>[vector<16xi32>], vector<16xf32>,
        %parallel_loop3A_828 = arith.constant 62 : i32
        %parallel_loop3A_829 = vector.broadcast %parallel_loop3A_828 : i32 to vector<16xi32>
        %parallel_loop3A_830 = arith.addi %iota3A, %parallel_loop3A_829 : vector<16xi32>
        %parallel_loop3A_831 = arith.constant 63 : i32
        %parallel_loop3A_832 = vector.broadcast %parallel_loop3A_831 : i32 to vector<16xi32>
        %parallel_loop3A_833 = arith.andi %parallel_loop3A_830, %parallel_loop3A_832 : vector<16xi32>
        %parallel_loop3A_834 = tpu.vector_load_idx %arg10[%parallel_loop3A_331, %parallel_loop3A_833] : memref<512x64xf32, #tpu.memory_space<vmem>>[vector<16xi32>, vector<16xi32>], vector<16xf32>,
        %parallel_loop3A_835 = arith.addi %parallel_loop3A_325, %parallel_loop3A_833 : vector<16xi32>
        tpu.vector_store_idx %arg8[%parallel_loop3A_835], %parallel_loop3A_834 {add = true} : memref<65536xf32, #tpu.memory_space<vmem>>[vector<16xi32>], vector<16xf32>,
        %parallel_loop3A_836 = arith.constant 63 : i32
        %parallel_loop3A_837 = vector.broadcast %parallel_loop3A_836 : i32 to vector<16xi32>
        %parallel_loop3A_838 = arith.addi %iota3A, %parallel_loop3A_837 : vector<16xi32>
        %parallel_loop3A_839 = arith.constant 63 : i32
        %parallel_loop3A_840 = vector.broadcast %parallel_loop3A_839 : i32 to vector<16xi32>
        %parallel_loop3A_841 = arith.andi %parallel_loop3A_838, %parallel_loop3A_840 : vector<16xi32>
        %parallel_loop3A_842 = tpu.vector_load_idx %arg10[%parallel_loop3A_331, %parallel_loop3A_841] : memref<512x64xf32, #tpu.memory_space<vmem>>[vector<16xi32>, vector<16xi32>], vector<16xf32>,
        %parallel_loop3A_843 = arith.addi %parallel_loop3A_325, %parallel_loop3A_841 : vector<16xi32>
        tpu.vector_store_idx %arg8[%parallel_loop3A_843], %parallel_loop3A_842 {add = true} : memref<65536xf32, #tpu.memory_space<vmem>>[vector<16xi32>], vector<16xf32>,
        %parallel_loop3A_844 = arith.extui %eq3A_107 : i1 to i32
        %parallel_loop3A_845 = arith.constant 0 : i32
        %parallel_loop3A_846 = arith.cmpi ne, %parallel_loop3A_844, %parallel_loop3A_845 : i32
        scf.if %parallel_loop3A_846 {
          %parallel_loop3A_847 = arith.constant 1 : i32
          %parallel_loop3A_848 = vector.broadcast %parallel_loop3A_847 : i32 to vector<16xi32>
          %parallel_loop3A_849 = arith.andi %parallel_loop3A_322, %parallel_loop3A_848 : vector<16xi32>
          %parallel_loop3A_850 = arith.constant 9 : i32
          %parallel_loop3A_851 = vector.broadcast %parallel_loop3A_850 : i32 to vector<16xi32>
          %parallel_loop3A_852 = arith.shli %parallel_loop3A_849, %parallel_loop3A_851 : vector<16xi32>
          %parallel_loop3A_853 = arith.constant 1 : i32
          %parallel_loop3A_854 = vector.broadcast %parallel_loop3A_853 : i32 to vector<16xi32>
          %parallel_loop3A_855 = arith.shrsi %parallel_loop3A_322, %parallel_loop3A_854 : vector<16xi32>
          %parallel_loop3A_856 = arith.addi %parallel_loop3A_852, %parallel_loop3A_855 : vector<16xi32>
          tpu.vector_store_idx %arg9[%parallel_loop3A_856], %broadcast_in_dim3A_105 {add = true} : memref<1024xf32, #tpu.memory_space<vmem>>[vector<16xi32>], vector<16xf32>,
        } else {
        }
      } {sc.loop_unroll_factor = 4 : i64, sc.parallel_access}
      %add3A_258 = arith.constant 1 : i32
      %add3A_259 = arith.addi %add3A_187, %add3A_258 : i32
      %lt3A_260 = arith.constant 25 : i32
      %lt3A_261 = arith.cmpi slt, %add3A_259, %lt3A_260 : i32
      %convert_element_type3A_262 = arith.extui %lt3A_261 : i1 to i32
      %cond3A_263 = arith.constant 0 : i32
      %cond3A_264 = arith.cmpi ne, %convert_element_type3A_262, %cond3A_263 : i32
      scf.if %cond3A_264 {
        %add3A_306 = arith.constant 1 : i32
        %add3A_307 = arith.addi %add3A_187, %add3A_306 : i32
        %mul3A_308 = arith.constant 256 : i32
        %mul3A_309 = arith.muli %add3A_307, %mul3A_308 : i32
        %add3A_310 = arith.addi %mul3A_109, %mul3A_309 : i32
        %sub3A_311 = arith.constant 256 : i32
        %sub3A_312 = arith.subi %mul3A_111, %sub3A_311 : i32
        %min3A_313 = arith.minsi %add3A_310, %sub3A_312 : i32
        %dma_start3A_314 = arith.constant 0 : i32
        %dma_start3A_315 = arith.constant 0 : i32
        %dma_start3A_316 = arith.constant 0 : i32
        %dma_start3A_317 = tpu.memref_slice %arg10[%dma_start3A_315, %dma_start3A_316] : memref<512x64xf32, #tpu.memory_space<vmem>> -> memref<256x64xf32, #tpu.memory_space<vmem>>
        %dma_start3A_318 = tpu.memref_slice %arg2[%min3A_313, %mul3A_32] : memref<50000x256xf32, #tpu.memory_space<hbm>> -> memref<256x64xf32, #tpu.memory_space<hbm>>
        %dma_start3A_319 = tpu.memref_slice %arg14[%dma_start3A_314] : memref<2x!tpu.dma_semaphore, #tpu.memory_space<semaphore_mem>> -> memref<1x!tpu.dma_semaphore, #tpu.memory_space<semaphore_mem>>
        %dma_start3A_320 = tpu.memref_squeeze %dma_start3A_319 : memref<1x!tpu.dma_semaphore, #tpu.memory_space<semaphore_mem>> -> memref<!tpu.dma_semaphore, #tpu.memory_space<semaphore_mem>>
        %dma_start3A_321 = arith.constant 0 : i32
        %dma_start3A_322 = arith.constant 0 : i32
        %dma_start3A_323 = tpu.memref_slice %arg10[%dma_start3A_321, %dma_start3A_322] : memref<512x64xf32, #tpu.memory_space<vmem>> -> memref<256x64xf32, #tpu.memory_space<vmem>>
        %dma_start3A_324 = tpu.memref_slice %arg2[%min3A_313, %mul3A_32] : memref<50000x256xf32, #tpu.memory_space<hbm>> -> memref<256x64xf32, #tpu.memory_space<hbm>>
        tpu.enqueue_dma source(%dma_start3A_324 : memref<256x64xf32, #tpu.memory_space<hbm>>) target(%dma_start3A_323 : memref<256x64xf32, #tpu.memory_space<vmem>>) target_semaphore(%dma_start3A_320 : memref<!tpu.dma_semaphore, #tpu.memory_space<semaphore_mem>>)
        %dma_start3A_325 = arith.constant 0 : i32
        %dma_start3A_326 = arith.constant 0 : i32
        %dma_start3A_327 = arith.constant 0 : i32
        %dma_start3A_328 = tpu.memref_slice %arg11[%dma_start3A_325, %dma_start3A_327] : memref<2x256xi32, #tpu.memory_space<vmem>> -> memref<1x256xi32, #tpu.memory_space<vmem>>
        %dma_start3A_329 = tpu.memref_squeeze %dma_start3A_328 : memref<1x256xi32, #tpu.memory_space<vmem>> -> memref<256xi32, #tpu.memory_space<vmem>>
        %dma_start3A_330 = tpu.memref_slice %arg3[%min3A_313] : memref<50000xi32, #tpu.memory_space<hbm>> -> memref<256xi32, #tpu.memory_space<hbm>>
        %dma_start3A_331 = tpu.memref_slice %arg15[%dma_start3A_326] : memref<2x!tpu.dma_semaphore, #tpu.memory_space<semaphore_mem>> -> memref<1x!tpu.dma_semaphore, #tpu.memory_space<semaphore_mem>>
        %dma_start3A_332 = tpu.memref_squeeze %dma_start3A_331 : memref<1x!tpu.dma_semaphore, #tpu.memory_space<semaphore_mem>> -> memref<!tpu.dma_semaphore, #tpu.memory_space<semaphore_mem>>
        %dma_start3A_333 = arith.constant 0 : i32
        %dma_start3A_334 = tpu.memref_slice %arg11[%dma_start3A_325, %dma_start3A_333] : memref<2x256xi32, #tpu.memory_space<vmem>> -> memref<1x256xi32, #tpu.memory_space<vmem>>
        %dma_start3A_335 = tpu.memref_squeeze %dma_start3A_334 : memref<1x256xi32, #tpu.memory_space<vmem>> -> memref<256xi32, #tpu.memory_space<vmem>>
        %dma_start3A_336 = tpu.memref_slice %arg3[%min3A_313] : memref<50000xi32, #tpu.memory_space<hbm>> -> memref<256xi32, #tpu.memory_space<hbm>>
        tpu.enqueue_dma source(%dma_start3A_336 : memref<256xi32, #tpu.memory_space<hbm>>) target(%dma_start3A_335 : memref<256xi32, #tpu.memory_space<vmem>>) target_semaphore(%dma_start3A_332 : memref<!tpu.dma_semaphore, #tpu.memory_space<semaphore_mem>>)
      } else {
      }
      %mul3A_265 = arith.constant 256 : i32
      %mul3A_266 = arith.muli %add3A_187, %mul3A_265 : i32
      %add3A_267 = arith.addi %mul3A_109, %mul3A_266 : i32
      %sub3A_268 = arith.constant 256 : i32
      %sub3A_269 = arith.subi %mul3A_111, %sub3A_268 : i32
      %min3A_270 = arith.minsi %add3A_267, %sub3A_269 : i32
      %dma_wait3A_271 = arith.constant 1 : i32
      %dma_wait3A_272 = arith.constant 256 : i32
      %dma_wait3A_273 = arith.constant 0 : i32
      %dma_wait3A_274 = tpu.memref_slice %arg10[%dma_wait3A_272, %dma_wait3A_273] : memref<512x64xf32, #tpu.memory_space<vmem>> -> memref<256x64xf32, #tpu.memory_space<vmem>>
      %dma_wait3A_275 = tpu.memref_slice %arg2[%min3A_270, %mul3A_32] : memref<50000x256xf32, #tpu.memory_space<hbm>> -> memref<256x64xf32, #tpu.memory_space<hbm>>
      %dma_wait3A_276 = tpu.memref_slice %arg14[%dma_wait3A_271] : memref<2x!tpu.dma_semaphore, #tpu.memory_space<semaphore_mem>> -> memref<1x!tpu.dma_semaphore, #tpu.memory_space<semaphore_mem>>
      %dma_wait3A_277 = tpu.memref_squeeze %dma_wait3A_276 : memref<1x!tpu.dma_semaphore, #tpu.memory_space<semaphore_mem>> -> memref<!tpu.dma_semaphore, #tpu.memory_space<semaphore_mem>>
      %dma_wait3A_278 = arith.constant 256 : i32
      %dma_wait3A_279 = arith.constant 0 : i32
      %dma_wait3A_280 = tpu.memref_slice %arg10[%dma_wait3A_278, %dma_wait3A_279] : memref<512x64xf32, #tpu.memory_space<vmem>> -> memref<256x64xf32, #tpu.memory_space<vmem>>
      %dma_wait3A_281 = tpu.memref_slice %arg2[%min3A_270, %mul3A_32] : memref<50000x256xf32, #tpu.memory_space<hbm>> -> memref<256x64xf32, #tpu.memory_space<hbm>>
      tpu.wait_dma2 semaphore(%dma_wait3A_277 : memref<!tpu.dma_semaphore, #tpu.memory_space<semaphore_mem>>) src(%dma_wait3A_281 : memref<256x64xf32, #tpu.memory_space<hbm>>) dst(%dma_wait3A_280 : memref<256x64xf32, #tpu.memory_space<vmem>>)
      %dma_wait3A_282 = arith.constant 1 : i32
      %dma_wait3A_283 = arith.constant 1 : i32
      %dma_wait3A_284 = arith.constant 0 : i32
      %dma_wait3A_285 = tpu.memref_slice %arg11[%dma_wait3A_282, %dma_wait3A_284] : memref<2x256xi32, #tpu.memory_space<vmem>> -> memref<1x256xi32, #tpu.memory_space<vmem>>
      %dma_wait3A_286 = tpu.memref_squeeze %dma_wait3A_285 : memref<1x256xi32, #tpu.memory_space<vmem>> -> memref<256xi32, #tpu.memory_space<vmem>>
      %dma_wait3A_287 = tpu.memref_slice %arg3[%min3A_270] : memref<50000xi32, #tpu.memory_space<hbm>> -> memref<256xi32, #tpu.memory_space<hbm>>
      %dma_wait3A_288 = tpu.memref_slice %arg15[%dma_wait3A_283] : memref<2x!tpu.dma_semaphore, #tpu.memory_space<semaphore_mem>> -> memref<1x!tpu.dma_semaphore, #tpu.memory_space<semaphore_mem>>
      %dma_wait3A_289 = tpu.memref_squeeze %dma_wait3A_288 : memref<1x!tpu.dma_semaphore, #tpu.memory_space<semaphore_mem>> -> memref<!tpu.dma_semaphore, #tpu.memory_space<semaphore_mem>>
      %dma_wait3A_290 = arith.constant 0 : i32
      %dma_wait3A_291 = tpu.memref_slice %arg11[%dma_wait3A_282, %dma_wait3A_290] : memref<2x256xi32, #tpu.memory_space<vmem>> -> memref<1x256xi32, #tpu.memory_space<vmem>>
      %dma_wait3A_292 = tpu.memref_squeeze %dma_wait3A_291 : memref<1x256xi32, #tpu.memory_space<vmem>> -> memref<256xi32, #tpu.memory_space<vmem>>
      %dma_wait3A_293 = tpu.memref_slice %arg3[%min3A_270] : memref<50000xi32, #tpu.memory_space<hbm>> -> memref<256xi32, #tpu.memory_space<hbm>>
      tpu.wait_dma2 semaphore(%dma_wait3A_289 : memref<!tpu.dma_semaphore, #tpu.memory_space<semaphore_mem>>) src(%dma_wait3A_293 : memref<256xi32, #tpu.memory_space<hbm>>) dst(%dma_wait3A_292 : memref<256xi32, #tpu.memory_space<vmem>>)
      %mul3A_294 = arith.constant 256 : i32
      %mul3A_295 = arith.muli %add3A_187, %mul3A_294 : i32
      %add3A_296 = arith.addi %mul3A_109, %mul3A_295 : i32
      %sub3A_297 = arith.constant 256 : i32
      %sub3A_298 = arith.subi %mul3A_111, %sub3A_297 : i32
      %min3A_299 = arith.minsi %add3A_296, %sub3A_298 : i32
      %mul3A_300 = arith.constant 256 : i32
      %mul3A_301 = arith.muli %add3A_187, %mul3A_300 : i32
      %add3A_302 = arith.addi %mul3A_109, %mul3A_301 : i32
      %parallel_loop3A_303 = arith.constant 0 : i32
      %parallel_loop3A_304 = arith.constant 16 : i32
      %parallel_loop3A_305 = arith.constant 1 : i32
      scf.for %parallel_loop3A_306 = %parallel_loop3A_303 to %parallel_loop3A_304 step %parallel_loop3A_305  : i32 {
        %parallel_loop3A_307 = arith.constant 16 : i32
        %parallel_loop3A_308 = arith.muli %parallel_loop3A_306, %parallel_loop3A_307 : i32
        %parallel_loop3A_309 = arith.constant 1 : i32
        %parallel_loop3A_310 = arith.index_cast %parallel_loop3A_309 : i32 to index
        %parallel_loop3A_311 = arith.index_cast %parallel_loop3A_308 : i32 to index
        %parallel_loop3A_312 = tpu.vector_load %arg11[%parallel_loop3A_310, %parallel_loop3A_311] {strides = array<i32>} : memref<2x256xi32, #tpu.memory_space<vmem>>, vector<16xi32>,
        %parallel_loop3A_313 = arith.constant 16 : i32
        %parallel_loop3A_314 = arith.muli %parallel_loop3A_306, %parallel_loop3A_313 : i32
        %parallel_loop3A_315 = arith.addi %min3A_299, %parallel_loop3A_314 : i32
        %parallel_loop3A_316 = vector.broadcast %parallel_loop3A_315 : i32 to vector<16xi32>
        %parallel_loop3A_317 = arith.addi %parallel_loop3A_316, %iota3A : vector<16xi32>
        %parallel_loop3A_318 = vector.broadcast %add3A_302 : i32 to vector<16xi32>
        %parallel_loop3A_319 = arith.cmpi sge, %parallel_loop3A_317, %parallel_loop3A_318 : vector<16xi32>
        %parallel_loop3A_320 = arith.constant 1000 : i32
        %parallel_loop3A_321 = vector.broadcast %parallel_loop3A_320 : i32 to vector<16xi32>
        %parallel_loop3A_322 = arith.select %parallel_loop3A_319, %parallel_loop3A_312, %parallel_loop3A_321 : vector<16xi1>, vector<16xi32>
        %parallel_loop3A_323 = arith.constant 64 : i32
        %parallel_loop3A_324 = vector.broadcast %parallel_loop3A_323 : i32 to vector<16xi32>
        %parallel_loop3A_325 = arith.muli %parallel_loop3A_322, %parallel_loop3A_324 : vector<16xi32>
        %parallel_loop3A_326 = arith.constant 16 : i32
        %parallel_loop3A_327 = arith.muli %parallel_loop3A_306, %parallel_loop3A_326 : i32
        %parallel_loop3A_328 = arith.constant 256 : i32
        %parallel_loop3A_329 = arith.addi %parallel_loop3A_328, %parallel_loop3A_327 : i32
        %parallel_loop3A_330 = vector.broadcast %parallel_loop3A_329 : i32 to vector<16xi32>
        %parallel_loop3A_331 = arith.addi %parallel_loop3A_330, %iota3A : vector<16xi32>
        %parallel_loop3A_332 = arith.constant 0 : i32
        %parallel_loop3A_333 = vector.broadcast %parallel_loop3A_332 : i32 to vector<16xi32>
        %parallel_loop3A_334 = arith.addi %iota3A, %parallel_loop3A_333 : vector<16xi32>
        %parallel_loop3A_335 = arith.constant 63 : i32
        %parallel_loop3A_336 = vector.broadcast %parallel_loop3A_335 : i32 to vector<16xi32>
        %parallel_loop3A_337 = arith.andi %parallel_loop3A_334, %parallel_loop3A_336 : vector<16xi32>
        %parallel_loop3A_338 = tpu.vector_load_idx %arg10[%parallel_loop3A_331, %parallel_loop3A_337] : memref<512x64xf32, #tpu.memory_space<vmem>>[vector<16xi32>, vector<16xi32>], vector<16xf32>,
        %parallel_loop3A_339 = arith.addi %parallel_loop3A_325, %parallel_loop3A_337 : vector<16xi32>
        tpu.vector_store_idx %arg8[%parallel_loop3A_339], %parallel_loop3A_338 {add = true} : memref<65536xf32, #tpu.memory_space<vmem>>[vector<16xi32>], vector<16xf32>,
        %parallel_loop3A_340 = arith.constant 1 : i32
        %parallel_loop3A_341 = vector.broadcast %parallel_loop3A_340 : i32 to vector<16xi32>
        %parallel_loop3A_342 = arith.addi %iota3A, %parallel_loop3A_341 : vector<16xi32>
        %parallel_loop3A_343 = arith.constant 63 : i32
        %parallel_loop3A_344 = vector.broadcast %parallel_loop3A_343 : i32 to vector<16xi32>
        %parallel_loop3A_345 = arith.andi %parallel_loop3A_342, %parallel_loop3A_344 : vector<16xi32>
        %parallel_loop3A_346 = tpu.vector_load_idx %arg10[%parallel_loop3A_331, %parallel_loop3A_345] : memref<512x64xf32, #tpu.memory_space<vmem>>[vector<16xi32>, vector<16xi32>], vector<16xf32>,
        %parallel_loop3A_347 = arith.addi %parallel_loop3A_325, %parallel_loop3A_345 : vector<16xi32>
        tpu.vector_store_idx %arg8[%parallel_loop3A_347], %parallel_loop3A_346 {add = true} : memref<65536xf32, #tpu.memory_space<vmem>>[vector<16xi32>], vector<16xf32>,
        %parallel_loop3A_348 = arith.constant 2 : i32
        %parallel_loop3A_349 = vector.broadcast %parallel_loop3A_348 : i32 to vector<16xi32>
        %parallel_loop3A_350 = arith.addi %iota3A, %parallel_loop3A_349 : vector<16xi32>
        %parallel_loop3A_351 = arith.constant 63 : i32
        %parallel_loop3A_352 = vector.broadcast %parallel_loop3A_351 : i32 to vector<16xi32>
        %parallel_loop3A_353 = arith.andi %parallel_loop3A_350, %parallel_loop3A_352 : vector<16xi32>
        %parallel_loop3A_354 = tpu.vector_load_idx %arg10[%parallel_loop3A_331, %parallel_loop3A_353] : memref<512x64xf32, #tpu.memory_space<vmem>>[vector<16xi32>, vector<16xi32>], vector<16xf32>,
        %parallel_loop3A_355 = arith.addi %parallel_loop3A_325, %parallel_loop3A_353 : vector<16xi32>
        tpu.vector_store_idx %arg8[%parallel_loop3A_355], %parallel_loop3A_354 {add = true} : memref<65536xf32, #tpu.memory_space<vmem>>[vector<16xi32>], vector<16xf32>,
        %parallel_loop3A_356 = arith.constant 3 : i32
        %parallel_loop3A_357 = vector.broadcast %parallel_loop3A_356 : i32 to vector<16xi32>
        %parallel_loop3A_358 = arith.addi %iota3A, %parallel_loop3A_357 : vector<16xi32>
        %parallel_loop3A_359 = arith.constant 63 : i32
        %parallel_loop3A_360 = vector.broadcast %parallel_loop3A_359 : i32 to vector<16xi32>
        %parallel_loop3A_361 = arith.andi %parallel_loop3A_358, %parallel_loop3A_360 : vector<16xi32>
        %parallel_loop3A_362 = tpu.vector_load_idx %arg10[%parallel_loop3A_331, %parallel_loop3A_361] : memref<512x64xf32, #tpu.memory_space<vmem>>[vector<16xi32>, vector<16xi32>], vector<16xf32>,
        %parallel_loop3A_363 = arith.addi %parallel_loop3A_325, %parallel_loop3A_361 : vector<16xi32>
        tpu.vector_store_idx %arg8[%parallel_loop3A_363], %parallel_loop3A_362 {add = true} : memref<65536xf32, #tpu.memory_space<vmem>>[vector<16xi32>], vector<16xf32>,
        %parallel_loop3A_364 = arith.constant 4 : i32
        %parallel_loop3A_365 = vector.broadcast %parallel_loop3A_364 : i32 to vector<16xi32>
        %parallel_loop3A_366 = arith.addi %iota3A, %parallel_loop3A_365 : vector<16xi32>
        %parallel_loop3A_367 = arith.constant 63 : i32
        %parallel_loop3A_368 = vector.broadcast %parallel_loop3A_367 : i32 to vector<16xi32>
        %parallel_loop3A_369 = arith.andi %parallel_loop3A_366, %parallel_loop3A_368 : vector<16xi32>
        %parallel_loop3A_370 = tpu.vector_load_idx %arg10[%parallel_loop3A_331, %parallel_loop3A_369] : memref<512x64xf32, #tpu.memory_space<vmem>>[vector<16xi32>, vector<16xi32>], vector<16xf32>,
        %parallel_loop3A_371 = arith.addi %parallel_loop3A_325, %parallel_loop3A_369 : vector<16xi32>
        tpu.vector_store_idx %arg8[%parallel_loop3A_371], %parallel_loop3A_370 {add = true} : memref<65536xf32, #tpu.memory_space<vmem>>[vector<16xi32>], vector<16xf32>,
        %parallel_loop3A_372 = arith.constant 5 : i32
        %parallel_loop3A_373 = vector.broadcast %parallel_loop3A_372 : i32 to vector<16xi32>
        %parallel_loop3A_374 = arith.addi %iota3A, %parallel_loop3A_373 : vector<16xi32>
        %parallel_loop3A_375 = arith.constant 63 : i32
        %parallel_loop3A_376 = vector.broadcast %parallel_loop3A_375 : i32 to vector<16xi32>
        %parallel_loop3A_377 = arith.andi %parallel_loop3A_374, %parallel_loop3A_376 : vector<16xi32>
        %parallel_loop3A_378 = tpu.vector_load_idx %arg10[%parallel_loop3A_331, %parallel_loop3A_377] : memref<512x64xf32, #tpu.memory_space<vmem>>[vector<16xi32>, vector<16xi32>], vector<16xf32>,
        %parallel_loop3A_379 = arith.addi %parallel_loop3A_325, %parallel_loop3A_377 : vector<16xi32>
        tpu.vector_store_idx %arg8[%parallel_loop3A_379], %parallel_loop3A_378 {add = true} : memref<65536xf32, #tpu.memory_space<vmem>>[vector<16xi32>], vector<16xf32>,
        %parallel_loop3A_380 = arith.constant 6 : i32
        %parallel_loop3A_381 = vector.broadcast %parallel_loop3A_380 : i32 to vector<16xi32>
        %parallel_loop3A_382 = arith.addi %iota3A, %parallel_loop3A_381 : vector<16xi32>
        %parallel_loop3A_383 = arith.constant 63 : i32
        %parallel_loop3A_384 = vector.broadcast %parallel_loop3A_383 : i32 to vector<16xi32>
        %parallel_loop3A_385 = arith.andi %parallel_loop3A_382, %parallel_loop3A_384 : vector<16xi32>
        %parallel_loop3A_386 = tpu.vector_load_idx %arg10[%parallel_loop3A_331, %parallel_loop3A_385] : memref<512x64xf32, #tpu.memory_space<vmem>>[vector<16xi32>, vector<16xi32>], vector<16xf32>,
        %parallel_loop3A_387 = arith.addi %parallel_loop3A_325, %parallel_loop3A_385 : vector<16xi32>
        tpu.vector_store_idx %arg8[%parallel_loop3A_387], %parallel_loop3A_386 {add = true} : memref<65536xf32, #tpu.memory_space<vmem>>[vector<16xi32>], vector<16xf32>,
        %parallel_loop3A_388 = arith.constant 7 : i32
        %parallel_loop3A_389 = vector.broadcast %parallel_loop3A_388 : i32 to vector<16xi32>
        %parallel_loop3A_390 = arith.addi %iota3A, %parallel_loop3A_389 : vector<16xi32>
        %parallel_loop3A_391 = arith.constant 63 : i32
        %parallel_loop3A_392 = vector.broadcast %parallel_loop3A_391 : i32 to vector<16xi32>
        %parallel_loop3A_393 = arith.andi %parallel_loop3A_390, %parallel_loop3A_392 : vector<16xi32>
        %parallel_loop3A_394 = tpu.vector_load_idx %arg10[%parallel_loop3A_331, %parallel_loop3A_393] : memref<512x64xf32, #tpu.memory_space<vmem>>[vector<16xi32>, vector<16xi32>], vector<16xf32>,
        %parallel_loop3A_395 = arith.addi %parallel_loop3A_325, %parallel_loop3A_393 : vector<16xi32>
        tpu.vector_store_idx %arg8[%parallel_loop3A_395], %parallel_loop3A_394 {add = true} : memref<65536xf32, #tpu.memory_space<vmem>>[vector<16xi32>], vector<16xf32>,
        %parallel_loop3A_396 = arith.constant 8 : i32
        %parallel_loop3A_397 = vector.broadcast %parallel_loop3A_396 : i32 to vector<16xi32>
        %parallel_loop3A_398 = arith.addi %iota3A, %parallel_loop3A_397 : vector<16xi32>
        %parallel_loop3A_399 = arith.constant 63 : i32
        %parallel_loop3A_400 = vector.broadcast %parallel_loop3A_399 : i32 to vector<16xi32>
        %parallel_loop3A_401 = arith.andi %parallel_loop3A_398, %parallel_loop3A_400 : vector<16xi32>
        %parallel_loop3A_402 = tpu.vector_load_idx %arg10[%parallel_loop3A_331, %parallel_loop3A_401] : memref<512x64xf32, #tpu.memory_space<vmem>>[vector<16xi32>, vector<16xi32>], vector<16xf32>,
        %parallel_loop3A_403 = arith.addi %parallel_loop3A_325, %parallel_loop3A_401 : vector<16xi32>
        tpu.vector_store_idx %arg8[%parallel_loop3A_403], %parallel_loop3A_402 {add = true} : memref<65536xf32, #tpu.memory_space<vmem>>[vector<16xi32>], vector<16xf32>,
        %parallel_loop3A_404 = arith.constant 9 : i32
        %parallel_loop3A_405 = vector.broadcast %parallel_loop3A_404 : i32 to vector<16xi32>
        %parallel_loop3A_406 = arith.addi %iota3A, %parallel_loop3A_405 : vector<16xi32>
        %parallel_loop3A_407 = arith.constant 63 : i32
        %parallel_loop3A_408 = vector.broadcast %parallel_loop3A_407 : i32 to vector<16xi32>
        %parallel_loop3A_409 = arith.andi %parallel_loop3A_406, %parallel_loop3A_408 : vector<16xi32>
        %parallel_loop3A_410 = tpu.vector_load_idx %arg10[%parallel_loop3A_331, %parallel_loop3A_409] : memref<512x64xf32, #tpu.memory_space<vmem>>[vector<16xi32>, vector<16xi32>], vector<16xf32>,
        %parallel_loop3A_411 = arith.addi %parallel_loop3A_325, %parallel_loop3A_409 : vector<16xi32>
        tpu.vector_store_idx %arg8[%parallel_loop3A_411], %parallel_loop3A_410 {add = true} : memref<65536xf32, #tpu.memory_space<vmem>>[vector<16xi32>], vector<16xf32>,
        %parallel_loop3A_412 = arith.constant 10 : i32
        %parallel_loop3A_413 = vector.broadcast %parallel_loop3A_412 : i32 to vector<16xi32>
        %parallel_loop3A_414 = arith.addi %iota3A, %parallel_loop3A_413 : vector<16xi32>
        %parallel_loop3A_415 = arith.constant 63 : i32
        %parallel_loop3A_416 = vector.broadcast %parallel_loop3A_415 : i32 to vector<16xi32>
        %parallel_loop3A_417 = arith.andi %parallel_loop3A_414, %parallel_loop3A_416 : vector<16xi32>
        %parallel_loop3A_418 = tpu.vector_load_idx %arg10[%parallel_loop3A_331, %parallel_loop3A_417] : memref<512x64xf32, #tpu.memory_space<vmem>>[vector<16xi32>, vector<16xi32>], vector<16xf32>,
        %parallel_loop3A_419 = arith.addi %parallel_loop3A_325, %parallel_loop3A_417 : vector<16xi32>
        tpu.vector_store_idx %arg8[%parallel_loop3A_419], %parallel_loop3A_418 {add = true} : memref<65536xf32, #tpu.memory_space<vmem>>[vector<16xi32>], vector<16xf32>,
        %parallel_loop3A_420 = arith.constant 11 : i32
        %parallel_loop3A_421 = vector.broadcast %parallel_loop3A_420 : i32 to vector<16xi32>
        %parallel_loop3A_422 = arith.addi %iota3A, %parallel_loop3A_421 : vector<16xi32>
        %parallel_loop3A_423 = arith.constant 63 : i32
        %parallel_loop3A_424 = vector.broadcast %parallel_loop3A_423 : i32 to vector<16xi32>
        %parallel_loop3A_425 = arith.andi %parallel_loop3A_422, %parallel_loop3A_424 : vector<16xi32>
        %parallel_loop3A_426 = tpu.vector_load_idx %arg10[%parallel_loop3A_331, %parallel_loop3A_425] : memref<512x64xf32, #tpu.memory_space<vmem>>[vector<16xi32>, vector<16xi32>], vector<16xf32>,
        %parallel_loop3A_427 = arith.addi %parallel_loop3A_325, %parallel_loop3A_425 : vector<16xi32>
        tpu.vector_store_idx %arg8[%parallel_loop3A_427], %parallel_loop3A_426 {add = true} : memref<65536xf32, #tpu.memory_space<vmem>>[vector<16xi32>], vector<16xf32>,
        %parallel_loop3A_428 = arith.constant 12 : i32
        %parallel_loop3A_429 = vector.broadcast %parallel_loop3A_428 : i32 to vector<16xi32>
        %parallel_loop3A_430 = arith.addi %iota3A, %parallel_loop3A_429 : vector<16xi32>
        %parallel_loop3A_431 = arith.constant 63 : i32
        %parallel_loop3A_432 = vector.broadcast %parallel_loop3A_431 : i32 to vector<16xi32>
        %parallel_loop3A_433 = arith.andi %parallel_loop3A_430, %parallel_loop3A_432 : vector<16xi32>
        %parallel_loop3A_434 = tpu.vector_load_idx %arg10[%parallel_loop3A_331, %parallel_loop3A_433] : memref<512x64xf32, #tpu.memory_space<vmem>>[vector<16xi32>, vector<16xi32>], vector<16xf32>,
        %parallel_loop3A_435 = arith.addi %parallel_loop3A_325, %parallel_loop3A_433 : vector<16xi32>
        tpu.vector_store_idx %arg8[%parallel_loop3A_435], %parallel_loop3A_434 {add = true} : memref<65536xf32, #tpu.memory_space<vmem>>[vector<16xi32>], vector<16xf32>,
        %parallel_loop3A_436 = arith.constant 13 : i32
        %parallel_loop3A_437 = vector.broadcast %parallel_loop3A_436 : i32 to vector<16xi32>
        %parallel_loop3A_438 = arith.addi %iota3A, %parallel_loop3A_437 : vector<16xi32>
        %parallel_loop3A_439 = arith.constant 63 : i32
        %parallel_loop3A_440 = vector.broadcast %parallel_loop3A_439 : i32 to vector<16xi32>
        %parallel_loop3A_441 = arith.andi %parallel_loop3A_438, %parallel_loop3A_440 : vector<16xi32>
        %parallel_loop3A_442 = tpu.vector_load_idx %arg10[%parallel_loop3A_331, %parallel_loop3A_441] : memref<512x64xf32, #tpu.memory_space<vmem>>[vector<16xi32>, vector<16xi32>], vector<16xf32>,
        %parallel_loop3A_443 = arith.addi %parallel_loop3A_325, %parallel_loop3A_441 : vector<16xi32>
        tpu.vector_store_idx %arg8[%parallel_loop3A_443], %parallel_loop3A_442 {add = true} : memref<65536xf32, #tpu.memory_space<vmem>>[vector<16xi32>], vector<16xf32>,
        %parallel_loop3A_444 = arith.constant 14 : i32
        %parallel_loop3A_445 = vector.broadcast %parallel_loop3A_444 : i32 to vector<16xi32>
        %parallel_loop3A_446 = arith.addi %iota3A, %parallel_loop3A_445 : vector<16xi32>
        %parallel_loop3A_447 = arith.constant 63 : i32
        %parallel_loop3A_448 = vector.broadcast %parallel_loop3A_447 : i32 to vector<16xi32>
        %parallel_loop3A_449 = arith.andi %parallel_loop3A_446, %parallel_loop3A_448 : vector<16xi32>
        %parallel_loop3A_450 = tpu.vector_load_idx %arg10[%parallel_loop3A_331, %parallel_loop3A_449] : memref<512x64xf32, #tpu.memory_space<vmem>>[vector<16xi32>, vector<16xi32>], vector<16xf32>,
        %parallel_loop3A_451 = arith.addi %parallel_loop3A_325, %parallel_loop3A_449 : vector<16xi32>
        tpu.vector_store_idx %arg8[%parallel_loop3A_451], %parallel_loop3A_450 {add = true} : memref<65536xf32, #tpu.memory_space<vmem>>[vector<16xi32>], vector<16xf32>,
        %parallel_loop3A_452 = arith.constant 15 : i32
        %parallel_loop3A_453 = vector.broadcast %parallel_loop3A_452 : i32 to vector<16xi32>
        %parallel_loop3A_454 = arith.addi %iota3A, %parallel_loop3A_453 : vector<16xi32>
        %parallel_loop3A_455 = arith.constant 63 : i32
        %parallel_loop3A_456 = vector.broadcast %parallel_loop3A_455 : i32 to vector<16xi32>
        %parallel_loop3A_457 = arith.andi %parallel_loop3A_454, %parallel_loop3A_456 : vector<16xi32>
        %parallel_loop3A_458 = tpu.vector_load_idx %arg10[%parallel_loop3A_331, %parallel_loop3A_457] : memref<512x64xf32, #tpu.memory_space<vmem>>[vector<16xi32>, vector<16xi32>], vector<16xf32>,
        %parallel_loop3A_459 = arith.addi %parallel_loop3A_325, %parallel_loop3A_457 : vector<16xi32>
        tpu.vector_store_idx %arg8[%parallel_loop3A_459], %parallel_loop3A_458 {add = true} : memref<65536xf32, #tpu.memory_space<vmem>>[vector<16xi32>], vector<16xf32>,
        %parallel_loop3A_460 = arith.constant 16 : i32
        %parallel_loop3A_461 = vector.broadcast %parallel_loop3A_460 : i32 to vector<16xi32>
        %parallel_loop3A_462 = arith.addi %iota3A, %parallel_loop3A_461 : vector<16xi32>
        %parallel_loop3A_463 = arith.constant 63 : i32
        %parallel_loop3A_464 = vector.broadcast %parallel_loop3A_463 : i32 to vector<16xi32>
        %parallel_loop3A_465 = arith.andi %parallel_loop3A_462, %parallel_loop3A_464 : vector<16xi32>
        %parallel_loop3A_466 = tpu.vector_load_idx %arg10[%parallel_loop3A_331, %parallel_loop3A_465] : memref<512x64xf32, #tpu.memory_space<vmem>>[vector<16xi32>, vector<16xi32>], vector<16xf32>,
        %parallel_loop3A_467 = arith.addi %parallel_loop3A_325, %parallel_loop3A_465 : vector<16xi32>
        tpu.vector_store_idx %arg8[%parallel_loop3A_467], %parallel_loop3A_466 {add = true} : memref<65536xf32, #tpu.memory_space<vmem>>[vector<16xi32>], vector<16xf32>,
        %parallel_loop3A_468 = arith.constant 17 : i32
        %parallel_loop3A_469 = vector.broadcast %parallel_loop3A_468 : i32 to vector<16xi32>
        %parallel_loop3A_470 = arith.addi %iota3A, %parallel_loop3A_469 : vector<16xi32>
        %parallel_loop3A_471 = arith.constant 63 : i32
        %parallel_loop3A_472 = vector.broadcast %parallel_loop3A_471 : i32 to vector<16xi32>
        %parallel_loop3A_473 = arith.andi %parallel_loop3A_470, %parallel_loop3A_472 : vector<16xi32>
        %parallel_loop3A_474 = tpu.vector_load_idx %arg10[%parallel_loop3A_331, %parallel_loop3A_473] : memref<512x64xf32, #tpu.memory_space<vmem>>[vector<16xi32>, vector<16xi32>], vector<16xf32>,
        %parallel_loop3A_475 = arith.addi %parallel_loop3A_325, %parallel_loop3A_473 : vector<16xi32>
        tpu.vector_store_idx %arg8[%parallel_loop3A_475], %parallel_loop3A_474 {add = true} : memref<65536xf32, #tpu.memory_space<vmem>>[vector<16xi32>], vector<16xf32>,
        %parallel_loop3A_476 = arith.constant 18 : i32
        %parallel_loop3A_477 = vector.broadcast %parallel_loop3A_476 : i32 to vector<16xi32>
        %parallel_loop3A_478 = arith.addi %iota3A, %parallel_loop3A_477 : vector<16xi32>
        %parallel_loop3A_479 = arith.constant 63 : i32
        %parallel_loop3A_480 = vector.broadcast %parallel_loop3A_479 : i32 to vector<16xi32>
        %parallel_loop3A_481 = arith.andi %parallel_loop3A_478, %parallel_loop3A_480 : vector<16xi32>
        %parallel_loop3A_482 = tpu.vector_load_idx %arg10[%parallel_loop3A_331, %parallel_loop3A_481] : memref<512x64xf32, #tpu.memory_space<vmem>>[vector<16xi32>, vector<16xi32>], vector<16xf32>,
        %parallel_loop3A_483 = arith.addi %parallel_loop3A_325, %parallel_loop3A_481 : vector<16xi32>
        tpu.vector_store_idx %arg8[%parallel_loop3A_483], %parallel_loop3A_482 {add = true} : memref<65536xf32, #tpu.memory_space<vmem>>[vector<16xi32>], vector<16xf32>,
        %parallel_loop3A_484 = arith.constant 19 : i32
        %parallel_loop3A_485 = vector.broadcast %parallel_loop3A_484 : i32 to vector<16xi32>
        %parallel_loop3A_486 = arith.addi %iota3A, %parallel_loop3A_485 : vector<16xi32>
        %parallel_loop3A_487 = arith.constant 63 : i32
        %parallel_loop3A_488 = vector.broadcast %parallel_loop3A_487 : i32 to vector<16xi32>
        %parallel_loop3A_489 = arith.andi %parallel_loop3A_486, %parallel_loop3A_488 : vector<16xi32>
        %parallel_loop3A_490 = tpu.vector_load_idx %arg10[%parallel_loop3A_331, %parallel_loop3A_489] : memref<512x64xf32, #tpu.memory_space<vmem>>[vector<16xi32>, vector<16xi32>], vector<16xf32>,
        %parallel_loop3A_491 = arith.addi %parallel_loop3A_325, %parallel_loop3A_489 : vector<16xi32>
        tpu.vector_store_idx %arg8[%parallel_loop3A_491], %parallel_loop3A_490 {add = true} : memref<65536xf32, #tpu.memory_space<vmem>>[vector<16xi32>], vector<16xf32>,
        %parallel_loop3A_492 = arith.constant 20 : i32
        %parallel_loop3A_493 = vector.broadcast %parallel_loop3A_492 : i32 to vector<16xi32>
        %parallel_loop3A_494 = arith.addi %iota3A, %parallel_loop3A_493 : vector<16xi32>
        %parallel_loop3A_495 = arith.constant 63 : i32
        %parallel_loop3A_496 = vector.broadcast %parallel_loop3A_495 : i32 to vector<16xi32>
        %parallel_loop3A_497 = arith.andi %parallel_loop3A_494, %parallel_loop3A_496 : vector<16xi32>
        %parallel_loop3A_498 = tpu.vector_load_idx %arg10[%parallel_loop3A_331, %parallel_loop3A_497] : memref<512x64xf32, #tpu.memory_space<vmem>>[vector<16xi32>, vector<16xi32>], vector<16xf32>,
        %parallel_loop3A_499 = arith.addi %parallel_loop3A_325, %parallel_loop3A_497 : vector<16xi32>
        tpu.vector_store_idx %arg8[%parallel_loop3A_499], %parallel_loop3A_498 {add = true} : memref<65536xf32, #tpu.memory_space<vmem>>[vector<16xi32>], vector<16xf32>,
        %parallel_loop3A_500 = arith.constant 21 : i32
        %parallel_loop3A_501 = vector.broadcast %parallel_loop3A_500 : i32 to vector<16xi32>
        %parallel_loop3A_502 = arith.addi %iota3A, %parallel_loop3A_501 : vector<16xi32>
        %parallel_loop3A_503 = arith.constant 63 : i32
        %parallel_loop3A_504 = vector.broadcast %parallel_loop3A_503 : i32 to vector<16xi32>
        %parallel_loop3A_505 = arith.andi %parallel_loop3A_502, %parallel_loop3A_504 : vector<16xi32>
        %parallel_loop3A_506 = tpu.vector_load_idx %arg10[%parallel_loop3A_331, %parallel_loop3A_505] : memref<512x64xf32, #tpu.memory_space<vmem>>[vector<16xi32>, vector<16xi32>], vector<16xf32>,
        %parallel_loop3A_507 = arith.addi %parallel_loop3A_325, %parallel_loop3A_505 : vector<16xi32>
        tpu.vector_store_idx %arg8[%parallel_loop3A_507], %parallel_loop3A_506 {add = true} : memref<65536xf32, #tpu.memory_space<vmem>>[vector<16xi32>], vector<16xf32>,
        %parallel_loop3A_508 = arith.constant 22 : i32
        %parallel_loop3A_509 = vector.broadcast %parallel_loop3A_508 : i32 to vector<16xi32>
        %parallel_loop3A_510 = arith.addi %iota3A, %parallel_loop3A_509 : vector<16xi32>
        %parallel_loop3A_511 = arith.constant 63 : i32
        %parallel_loop3A_512 = vector.broadcast %parallel_loop3A_511 : i32 to vector<16xi32>
        %parallel_loop3A_513 = arith.andi %parallel_loop3A_510, %parallel_loop3A_512 : vector<16xi32>
        %parallel_loop3A_514 = tpu.vector_load_idx %arg10[%parallel_loop3A_331, %parallel_loop3A_513] : memref<512x64xf32, #tpu.memory_space<vmem>>[vector<16xi32>, vector<16xi32>], vector<16xf32>,
        %parallel_loop3A_515 = arith.addi %parallel_loop3A_325, %parallel_loop3A_513 : vector<16xi32>
        tpu.vector_store_idx %arg8[%parallel_loop3A_515], %parallel_loop3A_514 {add = true} : memref<65536xf32, #tpu.memory_space<vmem>>[vector<16xi32>], vector<16xf32>,
        %parallel_loop3A_516 = arith.constant 23 : i32
        %parallel_loop3A_517 = vector.broadcast %parallel_loop3A_516 : i32 to vector<16xi32>
        %parallel_loop3A_518 = arith.addi %iota3A, %parallel_loop3A_517 : vector<16xi32>
        %parallel_loop3A_519 = arith.constant 63 : i32
        %parallel_loop3A_520 = vector.broadcast %parallel_loop3A_519 : i32 to vector<16xi32>
        %parallel_loop3A_521 = arith.andi %parallel_loop3A_518, %parallel_loop3A_520 : vector<16xi32>
        %parallel_loop3A_522 = tpu.vector_load_idx %arg10[%parallel_loop3A_331, %parallel_loop3A_521] : memref<512x64xf32, #tpu.memory_space<vmem>>[vector<16xi32>, vector<16xi32>], vector<16xf32>,
        %parallel_loop3A_523 = arith.addi %parallel_loop3A_325, %parallel_loop3A_521 : vector<16xi32>
        tpu.vector_store_idx %arg8[%parallel_loop3A_523], %parallel_loop3A_522 {add = true} : memref<65536xf32, #tpu.memory_space<vmem>>[vector<16xi32>], vector<16xf32>,
        %parallel_loop3A_524 = arith.constant 24 : i32
        %parallel_loop3A_525 = vector.broadcast %parallel_loop3A_524 : i32 to vector<16xi32>
        %parallel_loop3A_526 = arith.addi %iota3A, %parallel_loop3A_525 : vector<16xi32>
        %parallel_loop3A_527 = arith.constant 63 : i32
        %parallel_loop3A_528 = vector.broadcast %parallel_loop3A_527 : i32 to vector<16xi32>
        %parallel_loop3A_529 = arith.andi %parallel_loop3A_526, %parallel_loop3A_528 : vector<16xi32>
        %parallel_loop3A_530 = tpu.vector_load_idx %arg10[%parallel_loop3A_331, %parallel_loop3A_529] : memref<512x64xf32, #tpu.memory_space<vmem>>[vector<16xi32>, vector<16xi32>], vector<16xf32>,
        %parallel_loop3A_531 = arith.addi %parallel_loop3A_325, %parallel_loop3A_529 : vector<16xi32>
        tpu.vector_store_idx %arg8[%parallel_loop3A_531], %parallel_loop3A_530 {add = true} : memref<65536xf32, #tpu.memory_space<vmem>>[vector<16xi32>], vector<16xf32>,
        %parallel_loop3A_532 = arith.constant 25 : i32
        %parallel_loop3A_533 = vector.broadcast %parallel_loop3A_532 : i32 to vector<16xi32>
        %parallel_loop3A_534 = arith.addi %iota3A, %parallel_loop3A_533 : vector<16xi32>
        %parallel_loop3A_535 = arith.constant 63 : i32
        %parallel_loop3A_536 = vector.broadcast %parallel_loop3A_535 : i32 to vector<16xi32>
        %parallel_loop3A_537 = arith.andi %parallel_loop3A_534, %parallel_loop3A_536 : vector<16xi32>
        %parallel_loop3A_538 = tpu.vector_load_idx %arg10[%parallel_loop3A_331, %parallel_loop3A_537] : memref<512x64xf32, #tpu.memory_space<vmem>>[vector<16xi32>, vector<16xi32>], vector<16xf32>,
        %parallel_loop3A_539 = arith.addi %parallel_loop3A_325, %parallel_loop3A_537 : vector<16xi32>
        tpu.vector_store_idx %arg8[%parallel_loop3A_539], %parallel_loop3A_538 {add = true} : memref<65536xf32, #tpu.memory_space<vmem>>[vector<16xi32>], vector<16xf32>,
        %parallel_loop3A_540 = arith.constant 26 : i32
        %parallel_loop3A_541 = vector.broadcast %parallel_loop3A_540 : i32 to vector<16xi32>
        %parallel_loop3A_542 = arith.addi %iota3A, %parallel_loop3A_541 : vector<16xi32>
        %parallel_loop3A_543 = arith.constant 63 : i32
        %parallel_loop3A_544 = vector.broadcast %parallel_loop3A_543 : i32 to vector<16xi32>
        %parallel_loop3A_545 = arith.andi %parallel_loop3A_542, %parallel_loop3A_544 : vector<16xi32>
        %parallel_loop3A_546 = tpu.vector_load_idx %arg10[%parallel_loop3A_331, %parallel_loop3A_545] : memref<512x64xf32, #tpu.memory_space<vmem>>[vector<16xi32>, vector<16xi32>], vector<16xf32>,
        %parallel_loop3A_547 = arith.addi %parallel_loop3A_325, %parallel_loop3A_545 : vector<16xi32>
        tpu.vector_store_idx %arg8[%parallel_loop3A_547], %parallel_loop3A_546 {add = true} : memref<65536xf32, #tpu.memory_space<vmem>>[vector<16xi32>], vector<16xf32>,
        %parallel_loop3A_548 = arith.constant 27 : i32
        %parallel_loop3A_549 = vector.broadcast %parallel_loop3A_548 : i32 to vector<16xi32>
        %parallel_loop3A_550 = arith.addi %iota3A, %parallel_loop3A_549 : vector<16xi32>
        %parallel_loop3A_551 = arith.constant 63 : i32
        %parallel_loop3A_552 = vector.broadcast %parallel_loop3A_551 : i32 to vector<16xi32>
        %parallel_loop3A_553 = arith.andi %parallel_loop3A_550, %parallel_loop3A_552 : vector<16xi32>
        %parallel_loop3A_554 = tpu.vector_load_idx %arg10[%parallel_loop3A_331, %parallel_loop3A_553] : memref<512x64xf32, #tpu.memory_space<vmem>>[vector<16xi32>, vector<16xi32>], vector<16xf32>,
        %parallel_loop3A_555 = arith.addi %parallel_loop3A_325, %parallel_loop3A_553 : vector<16xi32>
        tpu.vector_store_idx %arg8[%parallel_loop3A_555], %parallel_loop3A_554 {add = true} : memref<65536xf32, #tpu.memory_space<vmem>>[vector<16xi32>], vector<16xf32>,
        %parallel_loop3A_556 = arith.constant 28 : i32
        %parallel_loop3A_557 = vector.broadcast %parallel_loop3A_556 : i32 to vector<16xi32>
        %parallel_loop3A_558 = arith.addi %iota3A, %parallel_loop3A_557 : vector<16xi32>
        %parallel_loop3A_559 = arith.constant 63 : i32
        %parallel_loop3A_560 = vector.broadcast %parallel_loop3A_559 : i32 to vector<16xi32>
        %parallel_loop3A_561 = arith.andi %parallel_loop3A_558, %parallel_loop3A_560 : vector<16xi32>
        %parallel_loop3A_562 = tpu.vector_load_idx %arg10[%parallel_loop3A_331, %parallel_loop3A_561] : memref<512x64xf32, #tpu.memory_space<vmem>>[vector<16xi32>, vector<16xi32>], vector<16xf32>,
        %parallel_loop3A_563 = arith.addi %parallel_loop3A_325, %parallel_loop3A_561 : vector<16xi32>
        tpu.vector_store_idx %arg8[%parallel_loop3A_563], %parallel_loop3A_562 {add = true} : memref<65536xf32, #tpu.memory_space<vmem>>[vector<16xi32>], vector<16xf32>,
        %parallel_loop3A_564 = arith.constant 29 : i32
        %parallel_loop3A_565 = vector.broadcast %parallel_loop3A_564 : i32 to vector<16xi32>
        %parallel_loop3A_566 = arith.addi %iota3A, %parallel_loop3A_565 : vector<16xi32>
        %parallel_loop3A_567 = arith.constant 63 : i32
        %parallel_loop3A_568 = vector.broadcast %parallel_loop3A_567 : i32 to vector<16xi32>
        %parallel_loop3A_569 = arith.andi %parallel_loop3A_566, %parallel_loop3A_568 : vector<16xi32>
        %parallel_loop3A_570 = tpu.vector_load_idx %arg10[%parallel_loop3A_331, %parallel_loop3A_569] : memref<512x64xf32, #tpu.memory_space<vmem>>[vector<16xi32>, vector<16xi32>], vector<16xf32>,
        %parallel_loop3A_571 = arith.addi %parallel_loop3A_325, %parallel_loop3A_569 : vector<16xi32>
        tpu.vector_store_idx %arg8[%parallel_loop3A_571], %parallel_loop3A_570 {add = true} : memref<65536xf32, #tpu.memory_space<vmem>>[vector<16xi32>], vector<16xf32>,
        %parallel_loop3A_572 = arith.constant 30 : i32
        %parallel_loop3A_573 = vector.broadcast %parallel_loop3A_572 : i32 to vector<16xi32>
        %parallel_loop3A_574 = arith.addi %iota3A, %parallel_loop3A_573 : vector<16xi32>
        %parallel_loop3A_575 = arith.constant 63 : i32
        %parallel_loop3A_576 = vector.broadcast %parallel_loop3A_575 : i32 to vector<16xi32>
        %parallel_loop3A_577 = arith.andi %parallel_loop3A_574, %parallel_loop3A_576 : vector<16xi32>
        %parallel_loop3A_578 = tpu.vector_load_idx %arg10[%parallel_loop3A_331, %parallel_loop3A_577] : memref<512x64xf32, #tpu.memory_space<vmem>>[vector<16xi32>, vector<16xi32>], vector<16xf32>,
        %parallel_loop3A_579 = arith.addi %parallel_loop3A_325, %parallel_loop3A_577 : vector<16xi32>
        tpu.vector_store_idx %arg8[%parallel_loop3A_579], %parallel_loop3A_578 {add = true} : memref<65536xf32, #tpu.memory_space<vmem>>[vector<16xi32>], vector<16xf32>,
        %parallel_loop3A_580 = arith.constant 31 : i32
        %parallel_loop3A_581 = vector.broadcast %parallel_loop3A_580 : i32 to vector<16xi32>
        %parallel_loop3A_582 = arith.addi %iota3A, %parallel_loop3A_581 : vector<16xi32>
        %parallel_loop3A_583 = arith.constant 63 : i32
        %parallel_loop3A_584 = vector.broadcast %parallel_loop3A_583 : i32 to vector<16xi32>
        %parallel_loop3A_585 = arith.andi %parallel_loop3A_582, %parallel_loop3A_584 : vector<16xi32>
        %parallel_loop3A_586 = tpu.vector_load_idx %arg10[%parallel_loop3A_331, %parallel_loop3A_585] : memref<512x64xf32, #tpu.memory_space<vmem>>[vector<16xi32>, vector<16xi32>], vector<16xf32>,
        %parallel_loop3A_587 = arith.addi %parallel_loop3A_325, %parallel_loop3A_585 : vector<16xi32>
        tpu.vector_store_idx %arg8[%parallel_loop3A_587], %parallel_loop3A_586 {add = true} : memref<65536xf32, #tpu.memory_space<vmem>>[vector<16xi32>], vector<16xf32>,
        %parallel_loop3A_588 = arith.constant 32 : i32
        %parallel_loop3A_589 = vector.broadcast %parallel_loop3A_588 : i32 to vector<16xi32>
        %parallel_loop3A_590 = arith.addi %iota3A, %parallel_loop3A_589 : vector<16xi32>
        %parallel_loop3A_591 = arith.constant 63 : i32
        %parallel_loop3A_592 = vector.broadcast %parallel_loop3A_591 : i32 to vector<16xi32>
        %parallel_loop3A_593 = arith.andi %parallel_loop3A_590, %parallel_loop3A_592 : vector<16xi32>
        %parallel_loop3A_594 = tpu.vector_load_idx %arg10[%parallel_loop3A_331, %parallel_loop3A_593] : memref<512x64xf32, #tpu.memory_space<vmem>>[vector<16xi32>, vector<16xi32>], vector<16xf32>,
        %parallel_loop3A_595 = arith.addi %parallel_loop3A_325, %parallel_loop3A_593 : vector<16xi32>
        tpu.vector_store_idx %arg8[%parallel_loop3A_595], %parallel_loop3A_594 {add = true} : memref<65536xf32, #tpu.memory_space<vmem>>[vector<16xi32>], vector<16xf32>,
        %parallel_loop3A_596 = arith.constant 33 : i32
        %parallel_loop3A_597 = vector.broadcast %parallel_loop3A_596 : i32 to vector<16xi32>
        %parallel_loop3A_598 = arith.addi %iota3A, %parallel_loop3A_597 : vector<16xi32>
        %parallel_loop3A_599 = arith.constant 63 : i32
        %parallel_loop3A_600 = vector.broadcast %parallel_loop3A_599 : i32 to vector<16xi32>
        %parallel_loop3A_601 = arith.andi %parallel_loop3A_598, %parallel_loop3A_600 : vector<16xi32>
        %parallel_loop3A_602 = tpu.vector_load_idx %arg10[%parallel_loop3A_331, %parallel_loop3A_601] : memref<512x64xf32, #tpu.memory_space<vmem>>[vector<16xi32>, vector<16xi32>], vector<16xf32>,
        %parallel_loop3A_603 = arith.addi %parallel_loop3A_325, %parallel_loop3A_601 : vector<16xi32>
        tpu.vector_store_idx %arg8[%parallel_loop3A_603], %parallel_loop3A_602 {add = true} : memref<65536xf32, #tpu.memory_space<vmem>>[vector<16xi32>], vector<16xf32>,
        %parallel_loop3A_604 = arith.constant 34 : i32
        %parallel_loop3A_605 = vector.broadcast %parallel_loop3A_604 : i32 to vector<16xi32>
        %parallel_loop3A_606 = arith.addi %iota3A, %parallel_loop3A_605 : vector<16xi32>
        %parallel_loop3A_607 = arith.constant 63 : i32
        %parallel_loop3A_608 = vector.broadcast %parallel_loop3A_607 : i32 to vector<16xi32>
        %parallel_loop3A_609 = arith.andi %parallel_loop3A_606, %parallel_loop3A_608 : vector<16xi32>
        %parallel_loop3A_610 = tpu.vector_load_idx %arg10[%parallel_loop3A_331, %parallel_loop3A_609] : memref<512x64xf32, #tpu.memory_space<vmem>>[vector<16xi32>, vector<16xi32>], vector<16xf32>,
        %parallel_loop3A_611 = arith.addi %parallel_loop3A_325, %parallel_loop3A_609 : vector<16xi32>
        tpu.vector_store_idx %arg8[%parallel_loop3A_611], %parallel_loop3A_610 {add = true} : memref<65536xf32, #tpu.memory_space<vmem>>[vector<16xi32>], vector<16xf32>,
        %parallel_loop3A_612 = arith.constant 35 : i32
        %parallel_loop3A_613 = vector.broadcast %parallel_loop3A_612 : i32 to vector<16xi32>
        %parallel_loop3A_614 = arith.addi %iota3A, %parallel_loop3A_613 : vector<16xi32>
        %parallel_loop3A_615 = arith.constant 63 : i32
        %parallel_loop3A_616 = vector.broadcast %parallel_loop3A_615 : i32 to vector<16xi32>
        %parallel_loop3A_617 = arith.andi %parallel_loop3A_614, %parallel_loop3A_616 : vector<16xi32>
        %parallel_loop3A_618 = tpu.vector_load_idx %arg10[%parallel_loop3A_331, %parallel_loop3A_617] : memref<512x64xf32, #tpu.memory_space<vmem>>[vector<16xi32>, vector<16xi32>], vector<16xf32>,
        %parallel_loop3A_619 = arith.addi %parallel_loop3A_325, %parallel_loop3A_617 : vector<16xi32>
        tpu.vector_store_idx %arg8[%parallel_loop3A_619], %parallel_loop3A_618 {add = true} : memref<65536xf32, #tpu.memory_space<vmem>>[vector<16xi32>], vector<16xf32>,
        %parallel_loop3A_620 = arith.constant 36 : i32
        %parallel_loop3A_621 = vector.broadcast %parallel_loop3A_620 : i32 to vector<16xi32>
        %parallel_loop3A_622 = arith.addi %iota3A, %parallel_loop3A_621 : vector<16xi32>
        %parallel_loop3A_623 = arith.constant 63 : i32
        %parallel_loop3A_624 = vector.broadcast %parallel_loop3A_623 : i32 to vector<16xi32>
        %parallel_loop3A_625 = arith.andi %parallel_loop3A_622, %parallel_loop3A_624 : vector<16xi32>
        %parallel_loop3A_626 = tpu.vector_load_idx %arg10[%parallel_loop3A_331, %parallel_loop3A_625] : memref<512x64xf32, #tpu.memory_space<vmem>>[vector<16xi32>, vector<16xi32>], vector<16xf32>,
        %parallel_loop3A_627 = arith.addi %parallel_loop3A_325, %parallel_loop3A_625 : vector<16xi32>
        tpu.vector_store_idx %arg8[%parallel_loop3A_627], %parallel_loop3A_626 {add = true} : memref<65536xf32, #tpu.memory_space<vmem>>[vector<16xi32>], vector<16xf32>,
        %parallel_loop3A_628 = arith.constant 37 : i32
        %parallel_loop3A_629 = vector.broadcast %parallel_loop3A_628 : i32 to vector<16xi32>
        %parallel_loop3A_630 = arith.addi %iota3A, %parallel_loop3A_629 : vector<16xi32>
        %parallel_loop3A_631 = arith.constant 63 : i32
        %parallel_loop3A_632 = vector.broadcast %parallel_loop3A_631 : i32 to vector<16xi32>
        %parallel_loop3A_633 = arith.andi %parallel_loop3A_630, %parallel_loop3A_632 : vector<16xi32>
        %parallel_loop3A_634 = tpu.vector_load_idx %arg10[%parallel_loop3A_331, %parallel_loop3A_633] : memref<512x64xf32, #tpu.memory_space<vmem>>[vector<16xi32>, vector<16xi32>], vector<16xf32>,
        %parallel_loop3A_635 = arith.addi %parallel_loop3A_325, %parallel_loop3A_633 : vector<16xi32>
        tpu.vector_store_idx %arg8[%parallel_loop3A_635], %parallel_loop3A_634 {add = true} : memref<65536xf32, #tpu.memory_space<vmem>>[vector<16xi32>], vector<16xf32>,
        %parallel_loop3A_636 = arith.constant 38 : i32
        %parallel_loop3A_637 = vector.broadcast %parallel_loop3A_636 : i32 to vector<16xi32>
        %parallel_loop3A_638 = arith.addi %iota3A, %parallel_loop3A_637 : vector<16xi32>
        %parallel_loop3A_639 = arith.constant 63 : i32
        %parallel_loop3A_640 = vector.broadcast %parallel_loop3A_639 : i32 to vector<16xi32>
        %parallel_loop3A_641 = arith.andi %parallel_loop3A_638, %parallel_loop3A_640 : vector<16xi32>
        %parallel_loop3A_642 = tpu.vector_load_idx %arg10[%parallel_loop3A_331, %parallel_loop3A_641] : memref<512x64xf32, #tpu.memory_space<vmem>>[vector<16xi32>, vector<16xi32>], vector<16xf32>,
        %parallel_loop3A_643 = arith.addi %parallel_loop3A_325, %parallel_loop3A_641 : vector<16xi32>
        tpu.vector_store_idx %arg8[%parallel_loop3A_643], %parallel_loop3A_642 {add = true} : memref<65536xf32, #tpu.memory_space<vmem>>[vector<16xi32>], vector<16xf32>,
        %parallel_loop3A_644 = arith.constant 39 : i32
        %parallel_loop3A_645 = vector.broadcast %parallel_loop3A_644 : i32 to vector<16xi32>
        %parallel_loop3A_646 = arith.addi %iota3A, %parallel_loop3A_645 : vector<16xi32>
        %parallel_loop3A_647 = arith.constant 63 : i32
        %parallel_loop3A_648 = vector.broadcast %parallel_loop3A_647 : i32 to vector<16xi32>
        %parallel_loop3A_649 = arith.andi %parallel_loop3A_646, %parallel_loop3A_648 : vector<16xi32>
        %parallel_loop3A_650 = tpu.vector_load_idx %arg10[%parallel_loop3A_331, %parallel_loop3A_649] : memref<512x64xf32, #tpu.memory_space<vmem>>[vector<16xi32>, vector<16xi32>], vector<16xf32>,
        %parallel_loop3A_651 = arith.addi %parallel_loop3A_325, %parallel_loop3A_649 : vector<16xi32>
        tpu.vector_store_idx %arg8[%parallel_loop3A_651], %parallel_loop3A_650 {add = true} : memref<65536xf32, #tpu.memory_space<vmem>>[vector<16xi32>], vector<16xf32>,
        %parallel_loop3A_652 = arith.constant 40 : i32
        %parallel_loop3A_653 = vector.broadcast %parallel_loop3A_652 : i32 to vector<16xi32>
        %parallel_loop3A_654 = arith.addi %iota3A, %parallel_loop3A_653 : vector<16xi32>
        %parallel_loop3A_655 = arith.constant 63 : i32
        %parallel_loop3A_656 = vector.broadcast %parallel_loop3A_655 : i32 to vector<16xi32>
        %parallel_loop3A_657 = arith.andi %parallel_loop3A_654, %parallel_loop3A_656 : vector<16xi32>
        %parallel_loop3A_658 = tpu.vector_load_idx %arg10[%parallel_loop3A_331, %parallel_loop3A_657] : memref<512x64xf32, #tpu.memory_space<vmem>>[vector<16xi32>, vector<16xi32>], vector<16xf32>,
        %parallel_loop3A_659 = arith.addi %parallel_loop3A_325, %parallel_loop3A_657 : vector<16xi32>
        tpu.vector_store_idx %arg8[%parallel_loop3A_659], %parallel_loop3A_658 {add = true} : memref<65536xf32, #tpu.memory_space<vmem>>[vector<16xi32>], vector<16xf32>,
        %parallel_loop3A_660 = arith.constant 41 : i32
        %parallel_loop3A_661 = vector.broadcast %parallel_loop3A_660 : i32 to vector<16xi32>
        %parallel_loop3A_662 = arith.addi %iota3A, %parallel_loop3A_661 : vector<16xi32>
        %parallel_loop3A_663 = arith.constant 63 : i32
        %parallel_loop3A_664 = vector.broadcast %parallel_loop3A_663 : i32 to vector<16xi32>
        %parallel_loop3A_665 = arith.andi %parallel_loop3A_662, %parallel_loop3A_664 : vector<16xi32>
        %parallel_loop3A_666 = tpu.vector_load_idx %arg10[%parallel_loop3A_331, %parallel_loop3A_665] : memref<512x64xf32, #tpu.memory_space<vmem>>[vector<16xi32>, vector<16xi32>], vector<16xf32>,
        %parallel_loop3A_667 = arith.addi %parallel_loop3A_325, %parallel_loop3A_665 : vector<16xi32>
        tpu.vector_store_idx %arg8[%parallel_loop3A_667], %parallel_loop3A_666 {add = true} : memref<65536xf32, #tpu.memory_space<vmem>>[vector<16xi32>], vector<16xf32>,
        %parallel_loop3A_668 = arith.constant 42 : i32
        %parallel_loop3A_669 = vector.broadcast %parallel_loop3A_668 : i32 to vector<16xi32>
        %parallel_loop3A_670 = arith.addi %iota3A, %parallel_loop3A_669 : vector<16xi32>
        %parallel_loop3A_671 = arith.constant 63 : i32
        %parallel_loop3A_672 = vector.broadcast %parallel_loop3A_671 : i32 to vector<16xi32>
        %parallel_loop3A_673 = arith.andi %parallel_loop3A_670, %parallel_loop3A_672 : vector<16xi32>
        %parallel_loop3A_674 = tpu.vector_load_idx %arg10[%parallel_loop3A_331, %parallel_loop3A_673] : memref<512x64xf32, #tpu.memory_space<vmem>>[vector<16xi32>, vector<16xi32>], vector<16xf32>,
        %parallel_loop3A_675 = arith.addi %parallel_loop3A_325, %parallel_loop3A_673 : vector<16xi32>
        tpu.vector_store_idx %arg8[%parallel_loop3A_675], %parallel_loop3A_674 {add = true} : memref<65536xf32, #tpu.memory_space<vmem>>[vector<16xi32>], vector<16xf32>,
        %parallel_loop3A_676 = arith.constant 43 : i32
        %parallel_loop3A_677 = vector.broadcast %parallel_loop3A_676 : i32 to vector<16xi32>
        %parallel_loop3A_678 = arith.addi %iota3A, %parallel_loop3A_677 : vector<16xi32>
        %parallel_loop3A_679 = arith.constant 63 : i32
        %parallel_loop3A_680 = vector.broadcast %parallel_loop3A_679 : i32 to vector<16xi32>
        %parallel_loop3A_681 = arith.andi %parallel_loop3A_678, %parallel_loop3A_680 : vector<16xi32>
        %parallel_loop3A_682 = tpu.vector_load_idx %arg10[%parallel_loop3A_331, %parallel_loop3A_681] : memref<512x64xf32, #tpu.memory_space<vmem>>[vector<16xi32>, vector<16xi32>], vector<16xf32>,
        %parallel_loop3A_683 = arith.addi %parallel_loop3A_325, %parallel_loop3A_681 : vector<16xi32>
        tpu.vector_store_idx %arg8[%parallel_loop3A_683], %parallel_loop3A_682 {add = true} : memref<65536xf32, #tpu.memory_space<vmem>>[vector<16xi32>], vector<16xf32>,
        %parallel_loop3A_684 = arith.constant 44 : i32
        %parallel_loop3A_685 = vector.broadcast %parallel_loop3A_684 : i32 to vector<16xi32>
        %parallel_loop3A_686 = arith.addi %iota3A, %parallel_loop3A_685 : vector<16xi32>
        %parallel_loop3A_687 = arith.constant 63 : i32
        %parallel_loop3A_688 = vector.broadcast %parallel_loop3A_687 : i32 to vector<16xi32>
        %parallel_loop3A_689 = arith.andi %parallel_loop3A_686, %parallel_loop3A_688 : vector<16xi32>
        %parallel_loop3A_690 = tpu.vector_load_idx %arg10[%parallel_loop3A_331, %parallel_loop3A_689] : memref<512x64xf32, #tpu.memory_space<vmem>>[vector<16xi32>, vector<16xi32>], vector<16xf32>,
        %parallel_loop3A_691 = arith.addi %parallel_loop3A_325, %parallel_loop3A_689 : vector<16xi32>
        tpu.vector_store_idx %arg8[%parallel_loop3A_691], %parallel_loop3A_690 {add = true} : memref<65536xf32, #tpu.memory_space<vmem>>[vector<16xi32>], vector<16xf32>,
        %parallel_loop3A_692 = arith.constant 45 : i32
        %parallel_loop3A_693 = vector.broadcast %parallel_loop3A_692 : i32 to vector<16xi32>
        %parallel_loop3A_694 = arith.addi %iota3A, %parallel_loop3A_693 : vector<16xi32>
        %parallel_loop3A_695 = arith.constant 63 : i32
        %parallel_loop3A_696 = vector.broadcast %parallel_loop3A_695 : i32 to vector<16xi32>
        %parallel_loop3A_697 = arith.andi %parallel_loop3A_694, %parallel_loop3A_696 : vector<16xi32>
        %parallel_loop3A_698 = tpu.vector_load_idx %arg10[%parallel_loop3A_331, %parallel_loop3A_697] : memref<512x64xf32, #tpu.memory_space<vmem>>[vector<16xi32>, vector<16xi32>], vector<16xf32>,
        %parallel_loop3A_699 = arith.addi %parallel_loop3A_325, %parallel_loop3A_697 : vector<16xi32>
        tpu.vector_store_idx %arg8[%parallel_loop3A_699], %parallel_loop3A_698 {add = true} : memref<65536xf32, #tpu.memory_space<vmem>>[vector<16xi32>], vector<16xf32>,
        %parallel_loop3A_700 = arith.constant 46 : i32
        %parallel_loop3A_701 = vector.broadcast %parallel_loop3A_700 : i32 to vector<16xi32>
        %parallel_loop3A_702 = arith.addi %iota3A, %parallel_loop3A_701 : vector<16xi32>
        %parallel_loop3A_703 = arith.constant 63 : i32
        %parallel_loop3A_704 = vector.broadcast %parallel_loop3A_703 : i32 to vector<16xi32>
        %parallel_loop3A_705 = arith.andi %parallel_loop3A_702, %parallel_loop3A_704 : vector<16xi32>
        %parallel_loop3A_706 = tpu.vector_load_idx %arg10[%parallel_loop3A_331, %parallel_loop3A_705] : memref<512x64xf32, #tpu.memory_space<vmem>>[vector<16xi32>, vector<16xi32>], vector<16xf32>,
        %parallel_loop3A_707 = arith.addi %parallel_loop3A_325, %parallel_loop3A_705 : vector<16xi32>
        tpu.vector_store_idx %arg8[%parallel_loop3A_707], %parallel_loop3A_706 {add = true} : memref<65536xf32, #tpu.memory_space<vmem>>[vector<16xi32>], vector<16xf32>,
        %parallel_loop3A_708 = arith.constant 47 : i32
        %parallel_loop3A_709 = vector.broadcast %parallel_loop3A_708 : i32 to vector<16xi32>
        %parallel_loop3A_710 = arith.addi %iota3A, %parallel_loop3A_709 : vector<16xi32>
        %parallel_loop3A_711 = arith.constant 63 : i32
        %parallel_loop3A_712 = vector.broadcast %parallel_loop3A_711 : i32 to vector<16xi32>
        %parallel_loop3A_713 = arith.andi %parallel_loop3A_710, %parallel_loop3A_712 : vector<16xi32>
        %parallel_loop3A_714 = tpu.vector_load_idx %arg10[%parallel_loop3A_331, %parallel_loop3A_713] : memref<512x64xf32, #tpu.memory_space<vmem>>[vector<16xi32>, vector<16xi32>], vector<16xf32>,
        %parallel_loop3A_715 = arith.addi %parallel_loop3A_325, %parallel_loop3A_713 : vector<16xi32>
        tpu.vector_store_idx %arg8[%parallel_loop3A_715], %parallel_loop3A_714 {add = true} : memref<65536xf32, #tpu.memory_space<vmem>>[vector<16xi32>], vector<16xf32>,
        %parallel_loop3A_716 = arith.constant 48 : i32
        %parallel_loop3A_717 = vector.broadcast %parallel_loop3A_716 : i32 to vector<16xi32>
        %parallel_loop3A_718 = arith.addi %iota3A, %parallel_loop3A_717 : vector<16xi32>
        %parallel_loop3A_719 = arith.constant 63 : i32
        %parallel_loop3A_720 = vector.broadcast %parallel_loop3A_719 : i32 to vector<16xi32>
        %parallel_loop3A_721 = arith.andi %parallel_loop3A_718, %parallel_loop3A_720 : vector<16xi32>
        %parallel_loop3A_722 = tpu.vector_load_idx %arg10[%parallel_loop3A_331, %parallel_loop3A_721] : memref<512x64xf32, #tpu.memory_space<vmem>>[vector<16xi32>, vector<16xi32>], vector<16xf32>,
        %parallel_loop3A_723 = arith.addi %parallel_loop3A_325, %parallel_loop3A_721 : vector<16xi32>
        tpu.vector_store_idx %arg8[%parallel_loop3A_723], %parallel_loop3A_722 {add = true} : memref<65536xf32, #tpu.memory_space<vmem>>[vector<16xi32>], vector<16xf32>,
        %parallel_loop3A_724 = arith.constant 49 : i32
        %parallel_loop3A_725 = vector.broadcast %parallel_loop3A_724 : i32 to vector<16xi32>
        %parallel_loop3A_726 = arith.addi %iota3A, %parallel_loop3A_725 : vector<16xi32>
        %parallel_loop3A_727 = arith.constant 63 : i32
        %parallel_loop3A_728 = vector.broadcast %parallel_loop3A_727 : i32 to vector<16xi32>
        %parallel_loop3A_729 = arith.andi %parallel_loop3A_726, %parallel_loop3A_728 : vector<16xi32>
        %parallel_loop3A_730 = tpu.vector_load_idx %arg10[%parallel_loop3A_331, %parallel_loop3A_729] : memref<512x64xf32, #tpu.memory_space<vmem>>[vector<16xi32>, vector<16xi32>], vector<16xf32>,
        %parallel_loop3A_731 = arith.addi %parallel_loop3A_325, %parallel_loop3A_729 : vector<16xi32>
        tpu.vector_store_idx %arg8[%parallel_loop3A_731], %parallel_loop3A_730 {add = true} : memref<65536xf32, #tpu.memory_space<vmem>>[vector<16xi32>], vector<16xf32>,
        %parallel_loop3A_732 = arith.constant 50 : i32
        %parallel_loop3A_733 = vector.broadcast %parallel_loop3A_732 : i32 to vector<16xi32>
        %parallel_loop3A_734 = arith.addi %iota3A, %parallel_loop3A_733 : vector<16xi32>
        %parallel_loop3A_735 = arith.constant 63 : i32
        %parallel_loop3A_736 = vector.broadcast %parallel_loop3A_735 : i32 to vector<16xi32>
        %parallel_loop3A_737 = arith.andi %parallel_loop3A_734, %parallel_loop3A_736 : vector<16xi32>
        %parallel_loop3A_738 = tpu.vector_load_idx %arg10[%parallel_loop3A_331, %parallel_loop3A_737] : memref<512x64xf32, #tpu.memory_space<vmem>>[vector<16xi32>, vector<16xi32>], vector<16xf32>,
        %parallel_loop3A_739 = arith.addi %parallel_loop3A_325, %parallel_loop3A_737 : vector<16xi32>
        tpu.vector_store_idx %arg8[%parallel_loop3A_739], %parallel_loop3A_738 {add = true} : memref<65536xf32, #tpu.memory_space<vmem>>[vector<16xi32>], vector<16xf32>,
        %parallel_loop3A_740 = arith.constant 51 : i32
        %parallel_loop3A_741 = vector.broadcast %parallel_loop3A_740 : i32 to vector<16xi32>
        %parallel_loop3A_742 = arith.addi %iota3A, %parallel_loop3A_741 : vector<16xi32>
        %parallel_loop3A_743 = arith.constant 63 : i32
        %parallel_loop3A_744 = vector.broadcast %parallel_loop3A_743 : i32 to vector<16xi32>
        %parallel_loop3A_745 = arith.andi %parallel_loop3A_742, %parallel_loop3A_744 : vector<16xi32>
        %parallel_loop3A_746 = tpu.vector_load_idx %arg10[%parallel_loop3A_331, %parallel_loop3A_745] : memref<512x64xf32, #tpu.memory_space<vmem>>[vector<16xi32>, vector<16xi32>], vector<16xf32>,
        %parallel_loop3A_747 = arith.addi %parallel_loop3A_325, %parallel_loop3A_745 : vector<16xi32>
        tpu.vector_store_idx %arg8[%parallel_loop3A_747], %parallel_loop3A_746 {add = true} : memref<65536xf32, #tpu.memory_space<vmem>>[vector<16xi32>], vector<16xf32>,
        %parallel_loop3A_748 = arith.constant 52 : i32
        %parallel_loop3A_749 = vector.broadcast %parallel_loop3A_748 : i32 to vector<16xi32>
        %parallel_loop3A_750 = arith.addi %iota3A, %parallel_loop3A_749 : vector<16xi32>
        %parallel_loop3A_751 = arith.constant 63 : i32
        %parallel_loop3A_752 = vector.broadcast %parallel_loop3A_751 : i32 to vector<16xi32>
        %parallel_loop3A_753 = arith.andi %parallel_loop3A_750, %parallel_loop3A_752 : vector<16xi32>
        %parallel_loop3A_754 = tpu.vector_load_idx %arg10[%parallel_loop3A_331, %parallel_loop3A_753] : memref<512x64xf32, #tpu.memory_space<vmem>>[vector<16xi32>, vector<16xi32>], vector<16xf32>,
        %parallel_loop3A_755 = arith.addi %parallel_loop3A_325, %parallel_loop3A_753 : vector<16xi32>
        tpu.vector_store_idx %arg8[%parallel_loop3A_755], %parallel_loop3A_754 {add = true} : memref<65536xf32, #tpu.memory_space<vmem>>[vector<16xi32>], vector<16xf32>,
        %parallel_loop3A_756 = arith.constant 53 : i32
        %parallel_loop3A_757 = vector.broadcast %parallel_loop3A_756 : i32 to vector<16xi32>
        %parallel_loop3A_758 = arith.addi %iota3A, %parallel_loop3A_757 : vector<16xi32>
        %parallel_loop3A_759 = arith.constant 63 : i32
        %parallel_loop3A_760 = vector.broadcast %parallel_loop3A_759 : i32 to vector<16xi32>
        %parallel_loop3A_761 = arith.andi %parallel_loop3A_758, %parallel_loop3A_760 : vector<16xi32>
        %parallel_loop3A_762 = tpu.vector_load_idx %arg10[%parallel_loop3A_331, %parallel_loop3A_761] : memref<512x64xf32, #tpu.memory_space<vmem>>[vector<16xi32>, vector<16xi32>], vector<16xf32>,
        %parallel_loop3A_763 = arith.addi %parallel_loop3A_325, %parallel_loop3A_761 : vector<16xi32>
        tpu.vector_store_idx %arg8[%parallel_loop3A_763], %parallel_loop3A_762 {add = true} : memref<65536xf32, #tpu.memory_space<vmem>>[vector<16xi32>], vector<16xf32>,
        %parallel_loop3A_764 = arith.constant 54 : i32
        %parallel_loop3A_765 = vector.broadcast %parallel_loop3A_764 : i32 to vector<16xi32>
        %parallel_loop3A_766 = arith.addi %iota3A, %parallel_loop3A_765 : vector<16xi32>
        %parallel_loop3A_767 = arith.constant 63 : i32
        %parallel_loop3A_768 = vector.broadcast %parallel_loop3A_767 : i32 to vector<16xi32>
        %parallel_loop3A_769 = arith.andi %parallel_loop3A_766, %parallel_loop3A_768 : vector<16xi32>
        %parallel_loop3A_770 = tpu.vector_load_idx %arg10[%parallel_loop3A_331, %parallel_loop3A_769] : memref<512x64xf32, #tpu.memory_space<vmem>>[vector<16xi32>, vector<16xi32>], vector<16xf32>,
        %parallel_loop3A_771 = arith.addi %parallel_loop3A_325, %parallel_loop3A_769 : vector<16xi32>
        tpu.vector_store_idx %arg8[%parallel_loop3A_771], %parallel_loop3A_770 {add = true} : memref<65536xf32, #tpu.memory_space<vmem>>[vector<16xi32>], vector<16xf32>,
        %parallel_loop3A_772 = arith.constant 55 : i32
        %parallel_loop3A_773 = vector.broadcast %parallel_loop3A_772 : i32 to vector<16xi32>
        %parallel_loop3A_774 = arith.addi %iota3A, %parallel_loop3A_773 : vector<16xi32>
        %parallel_loop3A_775 = arith.constant 63 : i32
        %parallel_loop3A_776 = vector.broadcast %parallel_loop3A_775 : i32 to vector<16xi32>
        %parallel_loop3A_777 = arith.andi %parallel_loop3A_774, %parallel_loop3A_776 : vector<16xi32>
        %parallel_loop3A_778 = tpu.vector_load_idx %arg10[%parallel_loop3A_331, %parallel_loop3A_777] : memref<512x64xf32, #tpu.memory_space<vmem>>[vector<16xi32>, vector<16xi32>], vector<16xf32>,
        %parallel_loop3A_779 = arith.addi %parallel_loop3A_325, %parallel_loop3A_777 : vector<16xi32>
        tpu.vector_store_idx %arg8[%parallel_loop3A_779], %parallel_loop3A_778 {add = true} : memref<65536xf32, #tpu.memory_space<vmem>>[vector<16xi32>], vector<16xf32>,
        %parallel_loop3A_780 = arith.constant 56 : i32
        %parallel_loop3A_781 = vector.broadcast %parallel_loop3A_780 : i32 to vector<16xi32>
        %parallel_loop3A_782 = arith.addi %iota3A, %parallel_loop3A_781 : vector<16xi32>
        %parallel_loop3A_783 = arith.constant 63 : i32
        %parallel_loop3A_784 = vector.broadcast %parallel_loop3A_783 : i32 to vector<16xi32>
        %parallel_loop3A_785 = arith.andi %parallel_loop3A_782, %parallel_loop3A_784 : vector<16xi32>
        %parallel_loop3A_786 = tpu.vector_load_idx %arg10[%parallel_loop3A_331, %parallel_loop3A_785] : memref<512x64xf32, #tpu.memory_space<vmem>>[vector<16xi32>, vector<16xi32>], vector<16xf32>,
        %parallel_loop3A_787 = arith.addi %parallel_loop3A_325, %parallel_loop3A_785 : vector<16xi32>
        tpu.vector_store_idx %arg8[%parallel_loop3A_787], %parallel_loop3A_786 {add = true} : memref<65536xf32, #tpu.memory_space<vmem>>[vector<16xi32>], vector<16xf32>,
        %parallel_loop3A_788 = arith.constant 57 : i32
        %parallel_loop3A_789 = vector.broadcast %parallel_loop3A_788 : i32 to vector<16xi32>
        %parallel_loop3A_790 = arith.addi %iota3A, %parallel_loop3A_789 : vector<16xi32>
        %parallel_loop3A_791 = arith.constant 63 : i32
        %parallel_loop3A_792 = vector.broadcast %parallel_loop3A_791 : i32 to vector<16xi32>
        %parallel_loop3A_793 = arith.andi %parallel_loop3A_790, %parallel_loop3A_792 : vector<16xi32>
        %parallel_loop3A_794 = tpu.vector_load_idx %arg10[%parallel_loop3A_331, %parallel_loop3A_793] : memref<512x64xf32, #tpu.memory_space<vmem>>[vector<16xi32>, vector<16xi32>], vector<16xf32>,
        %parallel_loop3A_795 = arith.addi %parallel_loop3A_325, %parallel_loop3A_793 : vector<16xi32>
        tpu.vector_store_idx %arg8[%parallel_loop3A_795], %parallel_loop3A_794 {add = true} : memref<65536xf32, #tpu.memory_space<vmem>>[vector<16xi32>], vector<16xf32>,
        %parallel_loop3A_796 = arith.constant 58 : i32
        %parallel_loop3A_797 = vector.broadcast %parallel_loop3A_796 : i32 to vector<16xi32>
        %parallel_loop3A_798 = arith.addi %iota3A, %parallel_loop3A_797 : vector<16xi32>
        %parallel_loop3A_799 = arith.constant 63 : i32
        %parallel_loop3A_800 = vector.broadcast %parallel_loop3A_799 : i32 to vector<16xi32>
        %parallel_loop3A_801 = arith.andi %parallel_loop3A_798, %parallel_loop3A_800 : vector<16xi32>
        %parallel_loop3A_802 = tpu.vector_load_idx %arg10[%parallel_loop3A_331, %parallel_loop3A_801] : memref<512x64xf32, #tpu.memory_space<vmem>>[vector<16xi32>, vector<16xi32>], vector<16xf32>,
        %parallel_loop3A_803 = arith.addi %parallel_loop3A_325, %parallel_loop3A_801 : vector<16xi32>
        tpu.vector_store_idx %arg8[%parallel_loop3A_803], %parallel_loop3A_802 {add = true} : memref<65536xf32, #tpu.memory_space<vmem>>[vector<16xi32>], vector<16xf32>,
        %parallel_loop3A_804 = arith.constant 59 : i32
        %parallel_loop3A_805 = vector.broadcast %parallel_loop3A_804 : i32 to vector<16xi32>
        %parallel_loop3A_806 = arith.addi %iota3A, %parallel_loop3A_805 : vector<16xi32>
        %parallel_loop3A_807 = arith.constant 63 : i32
        %parallel_loop3A_808 = vector.broadcast %parallel_loop3A_807 : i32 to vector<16xi32>
        %parallel_loop3A_809 = arith.andi %parallel_loop3A_806, %parallel_loop3A_808 : vector<16xi32>
        %parallel_loop3A_810 = tpu.vector_load_idx %arg10[%parallel_loop3A_331, %parallel_loop3A_809] : memref<512x64xf32, #tpu.memory_space<vmem>>[vector<16xi32>, vector<16xi32>], vector<16xf32>,
        %parallel_loop3A_811 = arith.addi %parallel_loop3A_325, %parallel_loop3A_809 : vector<16xi32>
        tpu.vector_store_idx %arg8[%parallel_loop3A_811], %parallel_loop3A_810 {add = true} : memref<65536xf32, #tpu.memory_space<vmem>>[vector<16xi32>], vector<16xf32>,
        %parallel_loop3A_812 = arith.constant 60 : i32
        %parallel_loop3A_813 = vector.broadcast %parallel_loop3A_812 : i32 to vector<16xi32>
        %parallel_loop3A_814 = arith.addi %iota3A, %parallel_loop3A_813 : vector<16xi32>
        %parallel_loop3A_815 = arith.constant 63 : i32
        %parallel_loop3A_816 = vector.broadcast %parallel_loop3A_815 : i32 to vector<16xi32>
        %parallel_loop3A_817 = arith.andi %parallel_loop3A_814, %parallel_loop3A_816 : vector<16xi32>
        %parallel_loop3A_818 = tpu.vector_load_idx %arg10[%parallel_loop3A_331, %parallel_loop3A_817] : memref<512x64xf32, #tpu.memory_space<vmem>>[vector<16xi32>, vector<16xi32>], vector<16xf32>,
        %parallel_loop3A_819 = arith.addi %parallel_loop3A_325, %parallel_loop3A_817 : vector<16xi32>
        tpu.vector_store_idx %arg8[%parallel_loop3A_819], %parallel_loop3A_818 {add = true} : memref<65536xf32, #tpu.memory_space<vmem>>[vector<16xi32>], vector<16xf32>,
        %parallel_loop3A_820 = arith.constant 61 : i32
        %parallel_loop3A_821 = vector.broadcast %parallel_loop3A_820 : i32 to vector<16xi32>
        %parallel_loop3A_822 = arith.addi %iota3A, %parallel_loop3A_821 : vector<16xi32>
        %parallel_loop3A_823 = arith.constant 63 : i32
        %parallel_loop3A_824 = vector.broadcast %parallel_loop3A_823 : i32 to vector<16xi32>
        %parallel_loop3A_825 = arith.andi %parallel_loop3A_822, %parallel_loop3A_824 : vector<16xi32>
        %parallel_loop3A_826 = tpu.vector_load_idx %arg10[%parallel_loop3A_331, %parallel_loop3A_825] : memref<512x64xf32, #tpu.memory_space<vmem>>[vector<16xi32>, vector<16xi32>], vector<16xf32>,
        %parallel_loop3A_827 = arith.addi %parallel_loop3A_325, %parallel_loop3A_825 : vector<16xi32>
        tpu.vector_store_idx %arg8[%parallel_loop3A_827], %parallel_loop3A_826 {add = true} : memref<65536xf32, #tpu.memory_space<vmem>>[vector<16xi32>], vector<16xf32>,
        %parallel_loop3A_828 = arith.constant 62 : i32
        %parallel_loop3A_829 = vector.broadcast %parallel_loop3A_828 : i32 to vector<16xi32>
        %parallel_loop3A_830 = arith.addi %iota3A, %parallel_loop3A_829 : vector<16xi32>
        %parallel_loop3A_831 = arith.constant 63 : i32
        %parallel_loop3A_832 = vector.broadcast %parallel_loop3A_831 : i32 to vector<16xi32>
        %parallel_loop3A_833 = arith.andi %parallel_loop3A_830, %parallel_loop3A_832 : vector<16xi32>
        %parallel_loop3A_834 = tpu.vector_load_idx %arg10[%parallel_loop3A_331, %parallel_loop3A_833] : memref<512x64xf32, #tpu.memory_space<vmem>>[vector<16xi32>, vector<16xi32>], vector<16xf32>,
        %parallel_loop3A_835 = arith.addi %parallel_loop3A_325, %parallel_loop3A_833 : vector<16xi32>
        tpu.vector_store_idx %arg8[%parallel_loop3A_835], %parallel_loop3A_834 {add = true} : memref<65536xf32, #tpu.memory_space<vmem>>[vector<16xi32>], vector<16xf32>,
        %parallel_loop3A_836 = arith.constant 63 : i32
        %parallel_loop3A_837 = vector.broadcast %parallel_loop3A_836 : i32 to vector<16xi32>
        %parallel_loop3A_838 = arith.addi %iota3A, %parallel_loop3A_837 : vector<16xi32>
        %parallel_loop3A_839 = arith.constant 63 : i32
        %parallel_loop3A_840 = vector.broadcast %parallel_loop3A_839 : i32 to vector<16xi32>
        %parallel_loop3A_841 = arith.andi %parallel_loop3A_838, %parallel_loop3A_840 : vector<16xi32>
        %parallel_loop3A_842 = tpu.vector_load_idx %arg10[%parallel_loop3A_331, %parallel_loop3A_841] : memref<512x64xf32, #tpu.memory_space<vmem>>[vector<16xi32>, vector<16xi32>], vector<16xf32>,
        %parallel_loop3A_843 = arith.addi %parallel_loop3A_325, %parallel_loop3A_841 : vector<16xi32>
        tpu.vector_store_idx %arg8[%parallel_loop3A_843], %parallel_loop3A_842 {add = true} : memref<65536xf32, #tpu.memory_space<vmem>>[vector<16xi32>], vector<16xf32>,
        %parallel_loop3A_844 = arith.extui %eq3A_107 : i1 to i32
        %parallel_loop3A_845 = arith.constant 0 : i32
        %parallel_loop3A_846 = arith.cmpi ne, %parallel_loop3A_844, %parallel_loop3A_845 : i32
        scf.if %parallel_loop3A_846 {
          %parallel_loop3A_847 = arith.constant 1 : i32
          %parallel_loop3A_848 = vector.broadcast %parallel_loop3A_847 : i32 to vector<16xi32>
          %parallel_loop3A_849 = arith.andi %parallel_loop3A_322, %parallel_loop3A_848 : vector<16xi32>
          %parallel_loop3A_850 = arith.constant 9 : i32
          %parallel_loop3A_851 = vector.broadcast %parallel_loop3A_850 : i32 to vector<16xi32>
          %parallel_loop3A_852 = arith.shli %parallel_loop3A_849, %parallel_loop3A_851 : vector<16xi32>
          %parallel_loop3A_853 = arith.constant 1 : i32
          %parallel_loop3A_854 = vector.broadcast %parallel_loop3A_853 : i32 to vector<16xi32>
          %parallel_loop3A_855 = arith.shrsi %parallel_loop3A_322, %parallel_loop3A_854 : vector<16xi32>
          %parallel_loop3A_856 = arith.addi %parallel_loop3A_852, %parallel_loop3A_855 : vector<16xi32>
          tpu.vector_store_idx %arg9[%parallel_loop3A_856], %broadcast_in_dim3A_105 {add = true} : memref<1024xf32, #tpu.memory_space<vmem>>[vector<16xi32>], vector<16xf32>,
        } else {
        }
      } {sc.loop_unroll_factor = 4 : i64, sc.parallel_access}
    }
    %scan3A_143 = arith.constant 12 : i32
    %add3A_144 = arith.constant 6144 : i32
    %add3A_145 = arith.addi %mul3A_109, %add3A_144 : i32
    %sub3A_146 = arith.constant 256 : i32
    %sub3A_147 = arith.subi %mul3A_111, %sub3A_146 : i32
    %min3A_148 = arith.minsi %add3A_145, %sub3A_147 : i32
    %dma_wait3A = arith.constant 0 : i32
    %dma_wait3A_149 = arith.constant 0 : i32
    %dma_wait3A_150 = arith.constant 0 : i32
    %dma_wait3A_151 = tpu.memref_slice %arg10[%dma_wait3A_149, %dma_wait3A_150] : memref<512x64xf32, #tpu.memory_space<vmem>> -> memref<256x64xf32, #tpu.memory_space<vmem>>
    %dma_wait3A_152 = tpu.memref_slice %arg2[%min3A_148, %mul3A_32] : memref<50000x256xf32, #tpu.memory_space<hbm>> -> memref<256x64xf32, #tpu.memory_space<hbm>>
    %dma_wait3A_153 = tpu.memref_slice %arg14[%dma_wait3A] : memref<2x!tpu.dma_semaphore, #tpu.memory_space<semaphore_mem>> -> memref<1x!tpu.dma_semaphore, #tpu.memory_space<semaphore_mem>>
    %dma_wait3A_154 = tpu.memref_squeeze %dma_wait3A_153 : memref<1x!tpu.dma_semaphore, #tpu.memory_space<semaphore_mem>> -> memref<!tpu.dma_semaphore, #tpu.memory_space<semaphore_mem>>
    %dma_wait3A_155 = arith.constant 0 : i32
    %dma_wait3A_156 = arith.constant 0 : i32
    %dma_wait3A_157 = tpu.memref_slice %arg10[%dma_wait3A_155, %dma_wait3A_156] : memref<512x64xf32, #tpu.memory_space<vmem>> -> memref<256x64xf32, #tpu.memory_space<vmem>>
    %dma_wait3A_158 = tpu.memref_slice %arg2[%min3A_148, %mul3A_32] : memref<50000x256xf32, #tpu.memory_space<hbm>> -> memref<256x64xf32, #tpu.memory_space<hbm>>
    tpu.wait_dma2 semaphore(%dma_wait3A_154 : memref<!tpu.dma_semaphore, #tpu.memory_space<semaphore_mem>>) src(%dma_wait3A_158 : memref<256x64xf32, #tpu.memory_space<hbm>>) dst(%dma_wait3A_157 : memref<256x64xf32, #tpu.memory_space<vmem>>)
    %dma_wait3A_159 = arith.constant 0 : i32
    %dma_wait3A_160 = arith.constant 0 : i32
    %dma_wait3A_161 = arith.constant 0 : i32
    %dma_wait3A_162 = tpu.memref_slice %arg11[%dma_wait3A_159, %dma_wait3A_161] : memref<2x256xi32, #tpu.memory_space<vmem>> -> memref<1x256xi32, #tpu.memory_space<vmem>>
    %dma_wait3A_163 = tpu.memref_squeeze %dma_wait3A_162 : memref<1x256xi32, #tpu.memory_space<vmem>> -> memref<256xi32, #tpu.memory_space<vmem>>
    %dma_wait3A_164 = tpu.memref_slice %arg3[%min3A_148] : memref<50000xi32, #tpu.memory_space<hbm>> -> memref<256xi32, #tpu.memory_space<hbm>>
    %dma_wait3A_165 = tpu.memref_slice %arg15[%dma_wait3A_160] : memref<2x!tpu.dma_semaphore, #tpu.memory_space<semaphore_mem>> -> memref<1x!tpu.dma_semaphore, #tpu.memory_space<semaphore_mem>>
    %dma_wait3A_166 = tpu.memref_squeeze %dma_wait3A_165 : memref<1x!tpu.dma_semaphore, #tpu.memory_space<semaphore_mem>> -> memref<!tpu.dma_semaphore, #tpu.memory_space<semaphore_mem>>
    %dma_wait3A_167 = arith.constant 0 : i32
    %dma_wait3A_168 = tpu.memref_slice %arg11[%dma_wait3A_159, %dma_wait3A_167] : memref<2x256xi32, #tpu.memory_space<vmem>> -> memref<1x256xi32, #tpu.memory_space<vmem>>
    %dma_wait3A_169 = tpu.memref_squeeze %dma_wait3A_168 : memref<1x256xi32, #tpu.memory_space<vmem>> -> memref<256xi32, #tpu.memory_space<vmem>>
    %dma_wait3A_170 = tpu.memref_slice %arg3[%min3A_148] : memref<50000xi32, #tpu.memory_space<hbm>> -> memref<256xi32, #tpu.memory_space<hbm>>
    tpu.wait_dma2 semaphore(%dma_wait3A_166 : memref<!tpu.dma_semaphore, #tpu.memory_space<semaphore_mem>>) src(%dma_wait3A_170 : memref<256xi32, #tpu.memory_space<hbm>>) dst(%dma_wait3A_169 : memref<256xi32, #tpu.memory_space<vmem>>)
    %add3A_171 = arith.constant 6144 : i32
    %add3A_172 = arith.addi %mul3A_109, %add3A_171 : i32
    %sub3A_173 = arith.constant 256 : i32
    %sub3A_174 = arith.subi %mul3A_111, %sub3A_173 : i32
    %min3A_175 = arith.minsi %add3A_172, %sub3A_174 : i32
    %add3A_176 = arith.constant 6144 : i32
    %add3A_177 = arith.addi %mul3A_109, %add3A_176 : i32
    %parallel_loop3A = arith.constant 0 : i32
    %parallel_loop3A_178 = arith.constant 16 : i32
    %parallel_loop3A_179 = arith.constant 1 : i32
    scf.for %parallel_loop3A_183 = %parallel_loop3A to %parallel_loop3A_178 step %parallel_loop3A_179  : i32 {
      %parallel_loop3A_184 = arith.constant 16 : i32
      %parallel_loop3A_185 = arith.muli %parallel_loop3A_183, %parallel_loop3A_184 : i32
      %parallel_loop3A_186 = arith.constant 0 : i32
      %parallel_loop3A_187 = arith.index_cast %parallel_loop3A_186 : i32 to index
      %parallel_loop3A_188 = arith.index_cast %parallel_loop3A_185 : i32 to index
      %parallel_loop3A_189 = tpu.vector_load %arg11[%parallel_loop3A_187, %parallel_loop3A_188] {strides = array<i32>} : memref<2x256xi32, #tpu.memory_space<vmem>>, vector<16xi32>,
      %parallel_loop3A_190 = arith.constant 16 : i32
      %parallel_loop3A_191 = arith.muli %parallel_loop3A_183, %parallel_loop3A_190 : i32
      %parallel_loop3A_192 = arith.addi %min3A_175, %parallel_loop3A_191 : i32
      %parallel_loop3A_193 = vector.broadcast %parallel_loop3A_192 : i32 to vector<16xi32>
      %parallel_loop3A_194 = arith.addi %parallel_loop3A_193, %iota3A : vector<16xi32>
      %parallel_loop3A_195 = vector.broadcast %add3A_177 : i32 to vector<16xi32>
      %parallel_loop3A_196 = arith.cmpi sge, %parallel_loop3A_194, %parallel_loop3A_195 : vector<16xi32>
      %parallel_loop3A_197 = arith.constant 1000 : i32
      %parallel_loop3A_198 = vector.broadcast %parallel_loop3A_197 : i32 to vector<16xi32>
      %parallel_loop3A_199 = arith.select %parallel_loop3A_196, %parallel_loop3A_189, %parallel_loop3A_198 : vector<16xi1>, vector<16xi32>
      %parallel_loop3A_200 = arith.constant 64 : i32
      %parallel_loop3A_201 = vector.broadcast %parallel_loop3A_200 : i32 to vector<16xi32>
      %parallel_loop3A_202 = arith.muli %parallel_loop3A_199, %parallel_loop3A_201 : vector<16xi32>
      %parallel_loop3A_203 = arith.constant 16 : i32
      %parallel_loop3A_204 = arith.muli %parallel_loop3A_183, %parallel_loop3A_203 : i32
      %parallel_loop3A_205 = arith.constant 0 : i32
      %parallel_loop3A_206 = arith.addi %parallel_loop3A_205, %parallel_loop3A_204 : i32
      %parallel_loop3A_207 = vector.broadcast %parallel_loop3A_206 : i32 to vector<16xi32>
      %parallel_loop3A_208 = arith.addi %parallel_loop3A_207, %iota3A : vector<16xi32>
      %parallel_loop3A_209 = arith.constant 0 : i32
      %parallel_loop3A_210 = vector.broadcast %parallel_loop3A_209 : i32 to vector<16xi32>
      %parallel_loop3A_211 = arith.addi %iota3A, %parallel_loop3A_210 : vector<16xi32>
      %parallel_loop3A_212 = arith.constant 63 : i32
      %parallel_loop3A_213 = vector.broadcast %parallel_loop3A_212 : i32 to vector<16xi32>
      %parallel_loop3A_214 = arith.andi %parallel_loop3A_211, %parallel_loop3A_213 : vector<16xi32>
      %parallel_loop3A_215 = tpu.vector_load_idx %arg10[%parallel_loop3A_208, %parallel_loop3A_214] : memref<512x64xf32, #tpu.memory_space<vmem>>[vector<16xi32>, vector<16xi32>], vector<16xf32>,
      %parallel_loop3A_216 = arith.addi %parallel_loop3A_202, %parallel_loop3A_214 : vector<16xi32>
      tpu.vector_store_idx %arg8[%parallel_loop3A_216], %parallel_loop3A_215 {add = true} : memref<65536xf32, #tpu.memory_space<vmem>>[vector<16xi32>], vector<16xf32>,
      %parallel_loop3A_217 = arith.constant 1 : i32
      %parallel_loop3A_218 = vector.broadcast %parallel_loop3A_217 : i32 to vector<16xi32>
      %parallel_loop3A_219 = arith.addi %iota3A, %parallel_loop3A_218 : vector<16xi32>
      %parallel_loop3A_220 = arith.constant 63 : i32
      %parallel_loop3A_221 = vector.broadcast %parallel_loop3A_220 : i32 to vector<16xi32>
      %parallel_loop3A_222 = arith.andi %parallel_loop3A_219, %parallel_loop3A_221 : vector<16xi32>
      %parallel_loop3A_223 = tpu.vector_load_idx %arg10[%parallel_loop3A_208, %parallel_loop3A_222] : memref<512x64xf32, #tpu.memory_space<vmem>>[vector<16xi32>, vector<16xi32>], vector<16xf32>,
      %parallel_loop3A_224 = arith.addi %parallel_loop3A_202, %parallel_loop3A_222 : vector<16xi32>
      tpu.vector_store_idx %arg8[%parallel_loop3A_224], %parallel_loop3A_223 {add = true} : memref<65536xf32, #tpu.memory_space<vmem>>[vector<16xi32>], vector<16xf32>,
      %parallel_loop3A_225 = arith.constant 2 : i32
      %parallel_loop3A_226 = vector.broadcast %parallel_loop3A_225 : i32 to vector<16xi32>
      %parallel_loop3A_227 = arith.addi %iota3A, %parallel_loop3A_226 : vector<16xi32>
      %parallel_loop3A_228 = arith.constant 63 : i32
      %parallel_loop3A_229 = vector.broadcast %parallel_loop3A_228 : i32 to vector<16xi32>
      %parallel_loop3A_230 = arith.andi %parallel_loop3A_227, %parallel_loop3A_229 : vector<16xi32>
      %parallel_loop3A_231 = tpu.vector_load_idx %arg10[%parallel_loop3A_208, %parallel_loop3A_230] : memref<512x64xf32, #tpu.memory_space<vmem>>[vector<16xi32>, vector<16xi32>], vector<16xf32>,
      %parallel_loop3A_232 = arith.addi %parallel_loop3A_202, %parallel_loop3A_230 : vector<16xi32>
      tpu.vector_store_idx %arg8[%parallel_loop3A_232], %parallel_loop3A_231 {add = true} : memref<65536xf32, #tpu.memory_space<vmem>>[vector<16xi32>], vector<16xf32>,
      %parallel_loop3A_233 = arith.constant 3 : i32
      %parallel_loop3A_234 = vector.broadcast %parallel_loop3A_233 : i32 to vector<16xi32>
      %parallel_loop3A_235 = arith.addi %iota3A, %parallel_loop3A_234 : vector<16xi32>
      %parallel_loop3A_236 = arith.constant 63 : i32
      %parallel_loop3A_237 = vector.broadcast %parallel_loop3A_236 : i32 to vector<16xi32>
      %parallel_loop3A_238 = arith.andi %parallel_loop3A_235, %parallel_loop3A_237 : vector<16xi32>
      %parallel_loop3A_239 = tpu.vector_load_idx %arg10[%parallel_loop3A_208, %parallel_loop3A_238] : memref<512x64xf32, #tpu.memory_space<vmem>>[vector<16xi32>, vector<16xi32>], vector<16xf32>,
      %parallel_loop3A_240 = arith.addi %parallel_loop3A_202, %parallel_loop3A_238 : vector<16xi32>
      tpu.vector_store_idx %arg8[%parallel_loop3A_240], %parallel_loop3A_239 {add = true} : memref<65536xf32, #tpu.memory_space<vmem>>[vector<16xi32>], vector<16xf32>,
      %parallel_loop3A_241 = arith.constant 4 : i32
      %parallel_loop3A_242 = vector.broadcast %parallel_loop3A_241 : i32 to vector<16xi32>
      %parallel_loop3A_243 = arith.addi %iota3A, %parallel_loop3A_242 : vector<16xi32>
      %parallel_loop3A_244 = arith.constant 63 : i32
      %parallel_loop3A_245 = vector.broadcast %parallel_loop3A_244 : i32 to vector<16xi32>
      %parallel_loop3A_246 = arith.andi %parallel_loop3A_243, %parallel_loop3A_245 : vector<16xi32>
      %parallel_loop3A_247 = tpu.vector_load_idx %arg10[%parallel_loop3A_208, %parallel_loop3A_246] : memref<512x64xf32, #tpu.memory_space<vmem>>[vector<16xi32>, vector<16xi32>], vector<16xf32>,
      %parallel_loop3A_248 = arith.addi %parallel_loop3A_202, %parallel_loop3A_246 : vector<16xi32>
      tpu.vector_store_idx %arg8[%parallel_loop3A_248], %parallel_loop3A_247 {add = true} : memref<65536xf32, #tpu.memory_space<vmem>>[vector<16xi32>], vector<16xf32>,
      %parallel_loop3A_249 = arith.constant 5 : i32
      %parallel_loop3A_250 = vector.broadcast %parallel_loop3A_249 : i32 to vector<16xi32>
      %parallel_loop3A_251 = arith.addi %iota3A, %parallel_loop3A_250 : vector<16xi32>
      %parallel_loop3A_252 = arith.constant 63 : i32
      %parallel_loop3A_253 = vector.broadcast %parallel_loop3A_252 : i32 to vector<16xi32>
      %parallel_loop3A_254 = arith.andi %parallel_loop3A_251, %parallel_loop3A_253 : vector<16xi32>
      %parallel_loop3A_255 = tpu.vector_load_idx %arg10[%parallel_loop3A_208, %parallel_loop3A_254] : memref<512x64xf32, #tpu.memory_space<vmem>>[vector<16xi32>, vector<16xi32>], vector<16xf32>,
      %parallel_loop3A_256 = arith.addi %parallel_loop3A_202, %parallel_loop3A_254 : vector<16xi32>
      tpu.vector_store_idx %arg8[%parallel_loop3A_256], %parallel_loop3A_255 {add = true} : memref<65536xf32, #tpu.memory_space<vmem>>[vector<16xi32>], vector<16xf32>,
      %parallel_loop3A_257 = arith.constant 6 : i32
      %parallel_loop3A_258 = vector.broadcast %parallel_loop3A_257 : i32 to vector<16xi32>
      %parallel_loop3A_259 = arith.addi %iota3A, %parallel_loop3A_258 : vector<16xi32>
      %parallel_loop3A_260 = arith.constant 63 : i32
      %parallel_loop3A_261 = vector.broadcast %parallel_loop3A_260 : i32 to vector<16xi32>
      %parallel_loop3A_262 = arith.andi %parallel_loop3A_259, %parallel_loop3A_261 : vector<16xi32>
      %parallel_loop3A_263 = tpu.vector_load_idx %arg10[%parallel_loop3A_208, %parallel_loop3A_262] : memref<512x64xf32, #tpu.memory_space<vmem>>[vector<16xi32>, vector<16xi32>], vector<16xf32>,
      %parallel_loop3A_264 = arith.addi %parallel_loop3A_202, %parallel_loop3A_262 : vector<16xi32>
      tpu.vector_store_idx %arg8[%parallel_loop3A_264], %parallel_loop3A_263 {add = true} : memref<65536xf32, #tpu.memory_space<vmem>>[vector<16xi32>], vector<16xf32>,
      %parallel_loop3A_265 = arith.constant 7 : i32
      %parallel_loop3A_266 = vector.broadcast %parallel_loop3A_265 : i32 to vector<16xi32>
      %parallel_loop3A_267 = arith.addi %iota3A, %parallel_loop3A_266 : vector<16xi32>
      %parallel_loop3A_268 = arith.constant 63 : i32
      %parallel_loop3A_269 = vector.broadcast %parallel_loop3A_268 : i32 to vector<16xi32>
      %parallel_loop3A_270 = arith.andi %parallel_loop3A_267, %parallel_loop3A_269 : vector<16xi32>
      %parallel_loop3A_271 = tpu.vector_load_idx %arg10[%parallel_loop3A_208, %parallel_loop3A_270] : memref<512x64xf32, #tpu.memory_space<vmem>>[vector<16xi32>, vector<16xi32>], vector<16xf32>,
      %parallel_loop3A_272 = arith.addi %parallel_loop3A_202, %parallel_loop3A_270 : vector<16xi32>
      tpu.vector_store_idx %arg8[%parallel_loop3A_272], %parallel_loop3A_271 {add = true} : memref<65536xf32, #tpu.memory_space<vmem>>[vector<16xi32>], vector<16xf32>,
      %parallel_loop3A_273 = arith.constant 8 : i32
      %parallel_loop3A_274 = vector.broadcast %parallel_loop3A_273 : i32 to vector<16xi32>
      %parallel_loop3A_275 = arith.addi %iota3A, %parallel_loop3A_274 : vector<16xi32>
      %parallel_loop3A_276 = arith.constant 63 : i32
      %parallel_loop3A_277 = vector.broadcast %parallel_loop3A_276 : i32 to vector<16xi32>
      %parallel_loop3A_278 = arith.andi %parallel_loop3A_275, %parallel_loop3A_277 : vector<16xi32>
      %parallel_loop3A_279 = tpu.vector_load_idx %arg10[%parallel_loop3A_208, %parallel_loop3A_278] : memref<512x64xf32, #tpu.memory_space<vmem>>[vector<16xi32>, vector<16xi32>], vector<16xf32>,
      %parallel_loop3A_280 = arith.addi %parallel_loop3A_202, %parallel_loop3A_278 : vector<16xi32>
      tpu.vector_store_idx %arg8[%parallel_loop3A_280], %parallel_loop3A_279 {add = true} : memref<65536xf32, #tpu.memory_space<vmem>>[vector<16xi32>], vector<16xf32>,
      %parallel_loop3A_281 = arith.constant 9 : i32
      %parallel_loop3A_282 = vector.broadcast %parallel_loop3A_281 : i32 to vector<16xi32>
      %parallel_loop3A_283 = arith.addi %iota3A, %parallel_loop3A_282 : vector<16xi32>
      %parallel_loop3A_284 = arith.constant 63 : i32
      %parallel_loop3A_285 = vector.broadcast %parallel_loop3A_284 : i32 to vector<16xi32>
      %parallel_loop3A_286 = arith.andi %parallel_loop3A_283, %parallel_loop3A_285 : vector<16xi32>
      %parallel_loop3A_287 = tpu.vector_load_idx %arg10[%parallel_loop3A_208, %parallel_loop3A_286] : memref<512x64xf32, #tpu.memory_space<vmem>>[vector<16xi32>, vector<16xi32>], vector<16xf32>,
      %parallel_loop3A_288 = arith.addi %parallel_loop3A_202, %parallel_loop3A_286 : vector<16xi32>
      tpu.vector_store_idx %arg8[%parallel_loop3A_288], %parallel_loop3A_287 {add = true} : memref<65536xf32, #tpu.memory_space<vmem>>[vector<16xi32>], vector<16xf32>,
      %parallel_loop3A_289 = arith.constant 10 : i32
      %parallel_loop3A_290 = vector.broadcast %parallel_loop3A_289 : i32 to vector<16xi32>
      %parallel_loop3A_291 = arith.addi %iota3A, %parallel_loop3A_290 : vector<16xi32>
      %parallel_loop3A_292 = arith.constant 63 : i32
      %parallel_loop3A_293 = vector.broadcast %parallel_loop3A_292 : i32 to vector<16xi32>
      %parallel_loop3A_294 = arith.andi %parallel_loop3A_291, %parallel_loop3A_293 : vector<16xi32>
      %parallel_loop3A_295 = tpu.vector_load_idx %arg10[%parallel_loop3A_208, %parallel_loop3A_294] : memref<512x64xf32, #tpu.memory_space<vmem>>[vector<16xi32>, vector<16xi32>], vector<16xf32>,
      %parallel_loop3A_296 = arith.addi %parallel_loop3A_202, %parallel_loop3A_294 : vector<16xi32>
      tpu.vector_store_idx %arg8[%parallel_loop3A_296], %parallel_loop3A_295 {add = true} : memref<65536xf32, #tpu.memory_space<vmem>>[vector<16xi32>], vector<16xf32>,
      %parallel_loop3A_297 = arith.constant 11 : i32
      %parallel_loop3A_298 = vector.broadcast %parallel_loop3A_297 : i32 to vector<16xi32>
      %parallel_loop3A_299 = arith.addi %iota3A, %parallel_loop3A_298 : vector<16xi32>
      %parallel_loop3A_300 = arith.constant 63 : i32
      %parallel_loop3A_301 = vector.broadcast %parallel_loop3A_300 : i32 to vector<16xi32>
      %parallel_loop3A_302 = arith.andi %parallel_loop3A_299, %parallel_loop3A_301 : vector<16xi32>
      %parallel_loop3A_303 = tpu.vector_load_idx %arg10[%parallel_loop3A_208, %parallel_loop3A_302] : memref<512x64xf32, #tpu.memory_space<vmem>>[vector<16xi32>, vector<16xi32>], vector<16xf32>,
      %parallel_loop3A_304 = arith.addi %parallel_loop3A_202, %parallel_loop3A_302 : vector<16xi32>
      tpu.vector_store_idx %arg8[%parallel_loop3A_304], %parallel_loop3A_303 {add = true} : memref<65536xf32, #tpu.memory_space<vmem>>[vector<16xi32>], vector<16xf32>,
      %parallel_loop3A_305 = arith.constant 12 : i32
      %parallel_loop3A_306 = vector.broadcast %parallel_loop3A_305 : i32 to vector<16xi32>
      %parallel_loop3A_307 = arith.addi %iota3A, %parallel_loop3A_306 : vector<16xi32>
      %parallel_loop3A_308 = arith.constant 63 : i32
      %parallel_loop3A_309 = vector.broadcast %parallel_loop3A_308 : i32 to vector<16xi32>
      %parallel_loop3A_310 = arith.andi %parallel_loop3A_307, %parallel_loop3A_309 : vector<16xi32>
      %parallel_loop3A_311 = tpu.vector_load_idx %arg10[%parallel_loop3A_208, %parallel_loop3A_310] : memref<512x64xf32, #tpu.memory_space<vmem>>[vector<16xi32>, vector<16xi32>], vector<16xf32>,
      %parallel_loop3A_312 = arith.addi %parallel_loop3A_202, %parallel_loop3A_310 : vector<16xi32>
      tpu.vector_store_idx %arg8[%parallel_loop3A_312], %parallel_loop3A_311 {add = true} : memref<65536xf32, #tpu.memory_space<vmem>>[vector<16xi32>], vector<16xf32>,
      %parallel_loop3A_313 = arith.constant 13 : i32
      %parallel_loop3A_314 = vector.broadcast %parallel_loop3A_313 : i32 to vector<16xi32>
      %parallel_loop3A_315 = arith.addi %iota3A, %parallel_loop3A_314 : vector<16xi32>
      %parallel_loop3A_316 = arith.constant 63 : i32
      %parallel_loop3A_317 = vector.broadcast %parallel_loop3A_316 : i32 to vector<16xi32>
      %parallel_loop3A_318 = arith.andi %parallel_loop3A_315, %parallel_loop3A_317 : vector<16xi32>
      %parallel_loop3A_319 = tpu.vector_load_idx %arg10[%parallel_loop3A_208, %parallel_loop3A_318] : memref<512x64xf32, #tpu.memory_space<vmem>>[vector<16xi32>, vector<16xi32>], vector<16xf32>,
      %parallel_loop3A_320 = arith.addi %parallel_loop3A_202, %parallel_loop3A_318 : vector<16xi32>
      tpu.vector_store_idx %arg8[%parallel_loop3A_320], %parallel_loop3A_319 {add = true} : memref<65536xf32, #tpu.memory_space<vmem>>[vector<16xi32>], vector<16xf32>,
      %parallel_loop3A_321 = arith.constant 14 : i32
      %parallel_loop3A_322 = vector.broadcast %parallel_loop3A_321 : i32 to vector<16xi32>
      %parallel_loop3A_323 = arith.addi %iota3A, %parallel_loop3A_322 : vector<16xi32>
      %parallel_loop3A_324 = arith.constant 63 : i32
      %parallel_loop3A_325 = vector.broadcast %parallel_loop3A_324 : i32 to vector<16xi32>
      %parallel_loop3A_326 = arith.andi %parallel_loop3A_323, %parallel_loop3A_325 : vector<16xi32>
      %parallel_loop3A_327 = tpu.vector_load_idx %arg10[%parallel_loop3A_208, %parallel_loop3A_326] : memref<512x64xf32, #tpu.memory_space<vmem>>[vector<16xi32>, vector<16xi32>], vector<16xf32>,
      %parallel_loop3A_328 = arith.addi %parallel_loop3A_202, %parallel_loop3A_326 : vector<16xi32>
      tpu.vector_store_idx %arg8[%parallel_loop3A_328], %parallel_loop3A_327 {add = true} : memref<65536xf32, #tpu.memory_space<vmem>>[vector<16xi32>], vector<16xf32>,
      %parallel_loop3A_329 = arith.constant 15 : i32
      %parallel_loop3A_330 = vector.broadcast %parallel_loop3A_329 : i32 to vector<16xi32>
      %parallel_loop3A_331 = arith.addi %iota3A, %parallel_loop3A_330 : vector<16xi32>
      %parallel_loop3A_332 = arith.constant 63 : i32
      %parallel_loop3A_333 = vector.broadcast %parallel_loop3A_332 : i32 to vector<16xi32>
      %parallel_loop3A_334 = arith.andi %parallel_loop3A_331, %parallel_loop3A_333 : vector<16xi32>
      %parallel_loop3A_335 = tpu.vector_load_idx %arg10[%parallel_loop3A_208, %parallel_loop3A_334] : memref<512x64xf32, #tpu.memory_space<vmem>>[vector<16xi32>, vector<16xi32>], vector<16xf32>,
      %parallel_loop3A_336 = arith.addi %parallel_loop3A_202, %parallel_loop3A_334 : vector<16xi32>
      tpu.vector_store_idx %arg8[%parallel_loop3A_336], %parallel_loop3A_335 {add = true} : memref<65536xf32, #tpu.memory_space<vmem>>[vector<16xi32>], vector<16xf32>,
      %parallel_loop3A_337 = arith.constant 16 : i32
      %parallel_loop3A_338 = vector.broadcast %parallel_loop3A_337 : i32 to vector<16xi32>
      %parallel_loop3A_339 = arith.addi %iota3A, %parallel_loop3A_338 : vector<16xi32>
      %parallel_loop3A_340 = arith.constant 63 : i32
      %parallel_loop3A_341 = vector.broadcast %parallel_loop3A_340 : i32 to vector<16xi32>
      %parallel_loop3A_342 = arith.andi %parallel_loop3A_339, %parallel_loop3A_341 : vector<16xi32>
      %parallel_loop3A_343 = tpu.vector_load_idx %arg10[%parallel_loop3A_208, %parallel_loop3A_342] : memref<512x64xf32, #tpu.memory_space<vmem>>[vector<16xi32>, vector<16xi32>], vector<16xf32>,
      %parallel_loop3A_344 = arith.addi %parallel_loop3A_202, %parallel_loop3A_342 : vector<16xi32>
      tpu.vector_store_idx %arg8[%parallel_loop3A_344], %parallel_loop3A_343 {add = true} : memref<65536xf32, #tpu.memory_space<vmem>>[vector<16xi32>], vector<16xf32>,
      %parallel_loop3A_345 = arith.constant 17 : i32
      %parallel_loop3A_346 = vector.broadcast %parallel_loop3A_345 : i32 to vector<16xi32>
      %parallel_loop3A_347 = arith.addi %iota3A, %parallel_loop3A_346 : vector<16xi32>
      %parallel_loop3A_348 = arith.constant 63 : i32
      %parallel_loop3A_349 = vector.broadcast %parallel_loop3A_348 : i32 to vector<16xi32>
      %parallel_loop3A_350 = arith.andi %parallel_loop3A_347, %parallel_loop3A_349 : vector<16xi32>
      %parallel_loop3A_351 = tpu.vector_load_idx %arg10[%parallel_loop3A_208, %parallel_loop3A_350] : memref<512x64xf32, #tpu.memory_space<vmem>>[vector<16xi32>, vector<16xi32>], vector<16xf32>,
      %parallel_loop3A_352 = arith.addi %parallel_loop3A_202, %parallel_loop3A_350 : vector<16xi32>
      tpu.vector_store_idx %arg8[%parallel_loop3A_352], %parallel_loop3A_351 {add = true} : memref<65536xf32, #tpu.memory_space<vmem>>[vector<16xi32>], vector<16xf32>,
      %parallel_loop3A_353 = arith.constant 18 : i32
      %parallel_loop3A_354 = vector.broadcast %parallel_loop3A_353 : i32 to vector<16xi32>
      %parallel_loop3A_355 = arith.addi %iota3A, %parallel_loop3A_354 : vector<16xi32>
      %parallel_loop3A_356 = arith.constant 63 : i32
      %parallel_loop3A_357 = vector.broadcast %parallel_loop3A_356 : i32 to vector<16xi32>
      %parallel_loop3A_358 = arith.andi %parallel_loop3A_355, %parallel_loop3A_357 : vector<16xi32>
      %parallel_loop3A_359 = tpu.vector_load_idx %arg10[%parallel_loop3A_208, %parallel_loop3A_358] : memref<512x64xf32, #tpu.memory_space<vmem>>[vector<16xi32>, vector<16xi32>], vector<16xf32>,
      %parallel_loop3A_360 = arith.addi %parallel_loop3A_202, %parallel_loop3A_358 : vector<16xi32>
      tpu.vector_store_idx %arg8[%parallel_loop3A_360], %parallel_loop3A_359 {add = true} : memref<65536xf32, #tpu.memory_space<vmem>>[vector<16xi32>], vector<16xf32>,
      %parallel_loop3A_361 = arith.constant 19 : i32
      %parallel_loop3A_362 = vector.broadcast %parallel_loop3A_361 : i32 to vector<16xi32>
      %parallel_loop3A_363 = arith.addi %iota3A, %parallel_loop3A_362 : vector<16xi32>
      %parallel_loop3A_364 = arith.constant 63 : i32
      %parallel_loop3A_365 = vector.broadcast %parallel_loop3A_364 : i32 to vector<16xi32>
      %parallel_loop3A_366 = arith.andi %parallel_loop3A_363, %parallel_loop3A_365 : vector<16xi32>
      %parallel_loop3A_367 = tpu.vector_load_idx %arg10[%parallel_loop3A_208, %parallel_loop3A_366] : memref<512x64xf32, #tpu.memory_space<vmem>>[vector<16xi32>, vector<16xi32>], vector<16xf32>,
      %parallel_loop3A_368 = arith.addi %parallel_loop3A_202, %parallel_loop3A_366 : vector<16xi32>
      tpu.vector_store_idx %arg8[%parallel_loop3A_368], %parallel_loop3A_367 {add = true} : memref<65536xf32, #tpu.memory_space<vmem>>[vector<16xi32>], vector<16xf32>,
      %parallel_loop3A_369 = arith.constant 20 : i32
      %parallel_loop3A_370 = vector.broadcast %parallel_loop3A_369 : i32 to vector<16xi32>
      %parallel_loop3A_371 = arith.addi %iota3A, %parallel_loop3A_370 : vector<16xi32>
      %parallel_loop3A_372 = arith.constant 63 : i32
      %parallel_loop3A_373 = vector.broadcast %parallel_loop3A_372 : i32 to vector<16xi32>
      %parallel_loop3A_374 = arith.andi %parallel_loop3A_371, %parallel_loop3A_373 : vector<16xi32>
      %parallel_loop3A_375 = tpu.vector_load_idx %arg10[%parallel_loop3A_208, %parallel_loop3A_374] : memref<512x64xf32, #tpu.memory_space<vmem>>[vector<16xi32>, vector<16xi32>], vector<16xf32>,
      %parallel_loop3A_376 = arith.addi %parallel_loop3A_202, %parallel_loop3A_374 : vector<16xi32>
      tpu.vector_store_idx %arg8[%parallel_loop3A_376], %parallel_loop3A_375 {add = true} : memref<65536xf32, #tpu.memory_space<vmem>>[vector<16xi32>], vector<16xf32>,
      %parallel_loop3A_377 = arith.constant 21 : i32
      %parallel_loop3A_378 = vector.broadcast %parallel_loop3A_377 : i32 to vector<16xi32>
      %parallel_loop3A_379 = arith.addi %iota3A, %parallel_loop3A_378 : vector<16xi32>
      %parallel_loop3A_380 = arith.constant 63 : i32
      %parallel_loop3A_381 = vector.broadcast %parallel_loop3A_380 : i32 to vector<16xi32>
      %parallel_loop3A_382 = arith.andi %parallel_loop3A_379, %parallel_loop3A_381 : vector<16xi32>
      %parallel_loop3A_383 = tpu.vector_load_idx %arg10[%parallel_loop3A_208, %parallel_loop3A_382] : memref<512x64xf32, #tpu.memory_space<vmem>>[vector<16xi32>, vector<16xi32>], vector<16xf32>,
      %parallel_loop3A_384 = arith.addi %parallel_loop3A_202, %parallel_loop3A_382 : vector<16xi32>
      tpu.vector_store_idx %arg8[%parallel_loop3A_384], %parallel_loop3A_383 {add = true} : memref<65536xf32, #tpu.memory_space<vmem>>[vector<16xi32>], vector<16xf32>,
      %parallel_loop3A_385 = arith.constant 22 : i32
      %parallel_loop3A_386 = vector.broadcast %parallel_loop3A_385 : i32 to vector<16xi32>
      %parallel_loop3A_387 = arith.addi %iota3A, %parallel_loop3A_386 : vector<16xi32>
      %parallel_loop3A_388 = arith.constant 63 : i32
      %parallel_loop3A_389 = vector.broadcast %parallel_loop3A_388 : i32 to vector<16xi32>
      %parallel_loop3A_390 = arith.andi %parallel_loop3A_387, %parallel_loop3A_389 : vector<16xi32>
      %parallel_loop3A_391 = tpu.vector_load_idx %arg10[%parallel_loop3A_208, %parallel_loop3A_390] : memref<512x64xf32, #tpu.memory_space<vmem>>[vector<16xi32>, vector<16xi32>], vector<16xf32>,
      %parallel_loop3A_392 = arith.addi %parallel_loop3A_202, %parallel_loop3A_390 : vector<16xi32>
      tpu.vector_store_idx %arg8[%parallel_loop3A_392], %parallel_loop3A_391 {add = true} : memref<65536xf32, #tpu.memory_space<vmem>>[vector<16xi32>], vector<16xf32>,
      %parallel_loop3A_393 = arith.constant 23 : i32
      %parallel_loop3A_394 = vector.broadcast %parallel_loop3A_393 : i32 to vector<16xi32>
      %parallel_loop3A_395 = arith.addi %iota3A, %parallel_loop3A_394 : vector<16xi32>
      %parallel_loop3A_396 = arith.constant 63 : i32
      %parallel_loop3A_397 = vector.broadcast %parallel_loop3A_396 : i32 to vector<16xi32>
      %parallel_loop3A_398 = arith.andi %parallel_loop3A_395, %parallel_loop3A_397 : vector<16xi32>
      %parallel_loop3A_399 = tpu.vector_load_idx %arg10[%parallel_loop3A_208, %parallel_loop3A_398] : memref<512x64xf32, #tpu.memory_space<vmem>>[vector<16xi32>, vector<16xi32>], vector<16xf32>,
      %parallel_loop3A_400 = arith.addi %parallel_loop3A_202, %parallel_loop3A_398 : vector<16xi32>
      tpu.vector_store_idx %arg8[%parallel_loop3A_400], %parallel_loop3A_399 {add = true} : memref<65536xf32, #tpu.memory_space<vmem>>[vector<16xi32>], vector<16xf32>,
      %parallel_loop3A_401 = arith.constant 24 : i32
      %parallel_loop3A_402 = vector.broadcast %parallel_loop3A_401 : i32 to vector<16xi32>
      %parallel_loop3A_403 = arith.addi %iota3A, %parallel_loop3A_402 : vector<16xi32>
      %parallel_loop3A_404 = arith.constant 63 : i32
      %parallel_loop3A_405 = vector.broadcast %parallel_loop3A_404 : i32 to vector<16xi32>
      %parallel_loop3A_406 = arith.andi %parallel_loop3A_403, %parallel_loop3A_405 : vector<16xi32>
      %parallel_loop3A_407 = tpu.vector_load_idx %arg10[%parallel_loop3A_208, %parallel_loop3A_406] : memref<512x64xf32, #tpu.memory_space<vmem>>[vector<16xi32>, vector<16xi32>], vector<16xf32>,
      %parallel_loop3A_408 = arith.addi %parallel_loop3A_202, %parallel_loop3A_406 : vector<16xi32>
      tpu.vector_store_idx %arg8[%parallel_loop3A_408], %parallel_loop3A_407 {add = true} : memref<65536xf32, #tpu.memory_space<vmem>>[vector<16xi32>], vector<16xf32>,
      %parallel_loop3A_409 = arith.constant 25 : i32
      %parallel_loop3A_410 = vector.broadcast %parallel_loop3A_409 : i32 to vector<16xi32>
      %parallel_loop3A_411 = arith.addi %iota3A, %parallel_loop3A_410 : vector<16xi32>
      %parallel_loop3A_412 = arith.constant 63 : i32
      %parallel_loop3A_413 = vector.broadcast %parallel_loop3A_412 : i32 to vector<16xi32>
      %parallel_loop3A_414 = arith.andi %parallel_loop3A_411, %parallel_loop3A_413 : vector<16xi32>
      %parallel_loop3A_415 = tpu.vector_load_idx %arg10[%parallel_loop3A_208, %parallel_loop3A_414] : memref<512x64xf32, #tpu.memory_space<vmem>>[vector<16xi32>, vector<16xi32>], vector<16xf32>,
      %parallel_loop3A_416 = arith.addi %parallel_loop3A_202, %parallel_loop3A_414 : vector<16xi32>
      tpu.vector_store_idx %arg8[%parallel_loop3A_416], %parallel_loop3A_415 {add = true} : memref<65536xf32, #tpu.memory_space<vmem>>[vector<16xi32>], vector<16xf32>,
      %parallel_loop3A_417 = arith.constant 26 : i32
      %parallel_loop3A_418 = vector.broadcast %parallel_loop3A_417 : i32 to vector<16xi32>
      %parallel_loop3A_419 = arith.addi %iota3A, %parallel_loop3A_418 : vector<16xi32>
      %parallel_loop3A_420 = arith.constant 63 : i32
      %parallel_loop3A_421 = vector.broadcast %parallel_loop3A_420 : i32 to vector<16xi32>
      %parallel_loop3A_422 = arith.andi %parallel_loop3A_419, %parallel_loop3A_421 : vector<16xi32>
      %parallel_loop3A_423 = tpu.vector_load_idx %arg10[%parallel_loop3A_208, %parallel_loop3A_422] : memref<512x64xf32, #tpu.memory_space<vmem>>[vector<16xi32>, vector<16xi32>], vector<16xf32>,
      %parallel_loop3A_424 = arith.addi %parallel_loop3A_202, %parallel_loop3A_422 : vector<16xi32>
      tpu.vector_store_idx %arg8[%parallel_loop3A_424], %parallel_loop3A_423 {add = true} : memref<65536xf32, #tpu.memory_space<vmem>>[vector<16xi32>], vector<16xf32>,
      %parallel_loop3A_425 = arith.constant 27 : i32
      %parallel_loop3A_426 = vector.broadcast %parallel_loop3A_425 : i32 to vector<16xi32>
      %parallel_loop3A_427 = arith.addi %iota3A, %parallel_loop3A_426 : vector<16xi32>
      %parallel_loop3A_428 = arith.constant 63 : i32
      %parallel_loop3A_429 = vector.broadcast %parallel_loop3A_428 : i32 to vector<16xi32>
      %parallel_loop3A_430 = arith.andi %parallel_loop3A_427, %parallel_loop3A_429 : vector<16xi32>
      %parallel_loop3A_431 = tpu.vector_load_idx %arg10[%parallel_loop3A_208, %parallel_loop3A_430] : memref<512x64xf32, #tpu.memory_space<vmem>>[vector<16xi32>, vector<16xi32>], vector<16xf32>,
      %parallel_loop3A_432 = arith.addi %parallel_loop3A_202, %parallel_loop3A_430 : vector<16xi32>
      tpu.vector_store_idx %arg8[%parallel_loop3A_432], %parallel_loop3A_431 {add = true} : memref<65536xf32, #tpu.memory_space<vmem>>[vector<16xi32>], vector<16xf32>,
      %parallel_loop3A_433 = arith.constant 28 : i32
      %parallel_loop3A_434 = vector.broadcast %parallel_loop3A_433 : i32 to vector<16xi32>
      %parallel_loop3A_435 = arith.addi %iota3A, %parallel_loop3A_434 : vector<16xi32>
      %parallel_loop3A_436 = arith.constant 63 : i32
      %parallel_loop3A_437 = vector.broadcast %parallel_loop3A_436 : i32 to vector<16xi32>
      %parallel_loop3A_438 = arith.andi %parallel_loop3A_435, %parallel_loop3A_437 : vector<16xi32>
      %parallel_loop3A_439 = tpu.vector_load_idx %arg10[%parallel_loop3A_208, %parallel_loop3A_438] : memref<512x64xf32, #tpu.memory_space<vmem>>[vector<16xi32>, vector<16xi32>], vector<16xf32>,
      %parallel_loop3A_440 = arith.addi %parallel_loop3A_202, %parallel_loop3A_438 : vector<16xi32>
      tpu.vector_store_idx %arg8[%parallel_loop3A_440], %parallel_loop3A_439 {add = true} : memref<65536xf32, #tpu.memory_space<vmem>>[vector<16xi32>], vector<16xf32>,
      %parallel_loop3A_441 = arith.constant 29 : i32
      %parallel_loop3A_442 = vector.broadcast %parallel_loop3A_441 : i32 to vector<16xi32>
      %parallel_loop3A_443 = arith.addi %iota3A, %parallel_loop3A_442 : vector<16xi32>
      %parallel_loop3A_444 = arith.constant 63 : i32
      %parallel_loop3A_445 = vector.broadcast %parallel_loop3A_444 : i32 to vector<16xi32>
      %parallel_loop3A_446 = arith.andi %parallel_loop3A_443, %parallel_loop3A_445 : vector<16xi32>
      %parallel_loop3A_447 = tpu.vector_load_idx %arg10[%parallel_loop3A_208, %parallel_loop3A_446] : memref<512x64xf32, #tpu.memory_space<vmem>>[vector<16xi32>, vector<16xi32>], vector<16xf32>,
      %parallel_loop3A_448 = arith.addi %parallel_loop3A_202, %parallel_loop3A_446 : vector<16xi32>
      tpu.vector_store_idx %arg8[%parallel_loop3A_448], %parallel_loop3A_447 {add = true} : memref<65536xf32, #tpu.memory_space<vmem>>[vector<16xi32>], vector<16xf32>,
      %parallel_loop3A_449 = arith.constant 30 : i32
      %parallel_loop3A_450 = vector.broadcast %parallel_loop3A_449 : i32 to vector<16xi32>
      %parallel_loop3A_451 = arith.addi %iota3A, %parallel_loop3A_450 : vector<16xi32>
      %parallel_loop3A_452 = arith.constant 63 : i32
      %parallel_loop3A_453 = vector.broadcast %parallel_loop3A_452 : i32 to vector<16xi32>
      %parallel_loop3A_454 = arith.andi %parallel_loop3A_451, %parallel_loop3A_453 : vector<16xi32>
      %parallel_loop3A_455 = tpu.vector_load_idx %arg10[%parallel_loop3A_208, %parallel_loop3A_454] : memref<512x64xf32, #tpu.memory_space<vmem>>[vector<16xi32>, vector<16xi32>], vector<16xf32>,
      %parallel_loop3A_456 = arith.addi %parallel_loop3A_202, %parallel_loop3A_454 : vector<16xi32>
      tpu.vector_store_idx %arg8[%parallel_loop3A_456], %parallel_loop3A_455 {add = true} : memref<65536xf32, #tpu.memory_space<vmem>>[vector<16xi32>], vector<16xf32>,
      %parallel_loop3A_457 = arith.constant 31 : i32
      %parallel_loop3A_458 = vector.broadcast %parallel_loop3A_457 : i32 to vector<16xi32>
      %parallel_loop3A_459 = arith.addi %iota3A, %parallel_loop3A_458 : vector<16xi32>
      %parallel_loop3A_460 = arith.constant 63 : i32
      %parallel_loop3A_461 = vector.broadcast %parallel_loop3A_460 : i32 to vector<16xi32>
      %parallel_loop3A_462 = arith.andi %parallel_loop3A_459, %parallel_loop3A_461 : vector<16xi32>
      %parallel_loop3A_463 = tpu.vector_load_idx %arg10[%parallel_loop3A_208, %parallel_loop3A_462] : memref<512x64xf32, #tpu.memory_space<vmem>>[vector<16xi32>, vector<16xi32>], vector<16xf32>,
      %parallel_loop3A_464 = arith.addi %parallel_loop3A_202, %parallel_loop3A_462 : vector<16xi32>
      tpu.vector_store_idx %arg8[%parallel_loop3A_464], %parallel_loop3A_463 {add = true} : memref<65536xf32, #tpu.memory_space<vmem>>[vector<16xi32>], vector<16xf32>,
      %parallel_loop3A_465 = arith.constant 32 : i32
      %parallel_loop3A_466 = vector.broadcast %parallel_loop3A_465 : i32 to vector<16xi32>
      %parallel_loop3A_467 = arith.addi %iota3A, %parallel_loop3A_466 : vector<16xi32>
      %parallel_loop3A_468 = arith.constant 63 : i32
      %parallel_loop3A_469 = vector.broadcast %parallel_loop3A_468 : i32 to vector<16xi32>
      %parallel_loop3A_470 = arith.andi %parallel_loop3A_467, %parallel_loop3A_469 : vector<16xi32>
      %parallel_loop3A_471 = tpu.vector_load_idx %arg10[%parallel_loop3A_208, %parallel_loop3A_470] : memref<512x64xf32, #tpu.memory_space<vmem>>[vector<16xi32>, vector<16xi32>], vector<16xf32>,
      %parallel_loop3A_472 = arith.addi %parallel_loop3A_202, %parallel_loop3A_470 : vector<16xi32>
      tpu.vector_store_idx %arg8[%parallel_loop3A_472], %parallel_loop3A_471 {add = true} : memref<65536xf32, #tpu.memory_space<vmem>>[vector<16xi32>], vector<16xf32>,
      %parallel_loop3A_473 = arith.constant 33 : i32
      %parallel_loop3A_474 = vector.broadcast %parallel_loop3A_473 : i32 to vector<16xi32>
      %parallel_loop3A_475 = arith.addi %iota3A, %parallel_loop3A_474 : vector<16xi32>
      %parallel_loop3A_476 = arith.constant 63 : i32
      %parallel_loop3A_477 = vector.broadcast %parallel_loop3A_476 : i32 to vector<16xi32>
      %parallel_loop3A_478 = arith.andi %parallel_loop3A_475, %parallel_loop3A_477 : vector<16xi32>
      %parallel_loop3A_479 = tpu.vector_load_idx %arg10[%parallel_loop3A_208, %parallel_loop3A_478] : memref<512x64xf32, #tpu.memory_space<vmem>>[vector<16xi32>, vector<16xi32>], vector<16xf32>,
      %parallel_loop3A_480 = arith.addi %parallel_loop3A_202, %parallel_loop3A_478 : vector<16xi32>
      tpu.vector_store_idx %arg8[%parallel_loop3A_480], %parallel_loop3A_479 {add = true} : memref<65536xf32, #tpu.memory_space<vmem>>[vector<16xi32>], vector<16xf32>,
      %parallel_loop3A_481 = arith.constant 34 : i32
      %parallel_loop3A_482 = vector.broadcast %parallel_loop3A_481 : i32 to vector<16xi32>
      %parallel_loop3A_483 = arith.addi %iota3A, %parallel_loop3A_482 : vector<16xi32>
      %parallel_loop3A_484 = arith.constant 63 : i32
      %parallel_loop3A_485 = vector.broadcast %parallel_loop3A_484 : i32 to vector<16xi32>
      %parallel_loop3A_486 = arith.andi %parallel_loop3A_483, %parallel_loop3A_485 : vector<16xi32>
      %parallel_loop3A_487 = tpu.vector_load_idx %arg10[%parallel_loop3A_208, %parallel_loop3A_486] : memref<512x64xf32, #tpu.memory_space<vmem>>[vector<16xi32>, vector<16xi32>], vector<16xf32>,
      %parallel_loop3A_488 = arith.addi %parallel_loop3A_202, %parallel_loop3A_486 : vector<16xi32>
      tpu.vector_store_idx %arg8[%parallel_loop3A_488], %parallel_loop3A_487 {add = true} : memref<65536xf32, #tpu.memory_space<vmem>>[vector<16xi32>], vector<16xf32>,
      %parallel_loop3A_489 = arith.constant 35 : i32
      %parallel_loop3A_490 = vector.broadcast %parallel_loop3A_489 : i32 to vector<16xi32>
      %parallel_loop3A_491 = arith.addi %iota3A, %parallel_loop3A_490 : vector<16xi32>
      %parallel_loop3A_492 = arith.constant 63 : i32
      %parallel_loop3A_493 = vector.broadcast %parallel_loop3A_492 : i32 to vector<16xi32>
      %parallel_loop3A_494 = arith.andi %parallel_loop3A_491, %parallel_loop3A_493 : vector<16xi32>
      %parallel_loop3A_495 = tpu.vector_load_idx %arg10[%parallel_loop3A_208, %parallel_loop3A_494] : memref<512x64xf32, #tpu.memory_space<vmem>>[vector<16xi32>, vector<16xi32>], vector<16xf32>,
      %parallel_loop3A_496 = arith.addi %parallel_loop3A_202, %parallel_loop3A_494 : vector<16xi32>
      tpu.vector_store_idx %arg8[%parallel_loop3A_496], %parallel_loop3A_495 {add = true} : memref<65536xf32, #tpu.memory_space<vmem>>[vector<16xi32>], vector<16xf32>,
      %parallel_loop3A_497 = arith.constant 36 : i32
      %parallel_loop3A_498 = vector.broadcast %parallel_loop3A_497 : i32 to vector<16xi32>
      %parallel_loop3A_499 = arith.addi %iota3A, %parallel_loop3A_498 : vector<16xi32>
      %parallel_loop3A_500 = arith.constant 63 : i32
      %parallel_loop3A_501 = vector.broadcast %parallel_loop3A_500 : i32 to vector<16xi32>
      %parallel_loop3A_502 = arith.andi %parallel_loop3A_499, %parallel_loop3A_501 : vector<16xi32>
      %parallel_loop3A_503 = tpu.vector_load_idx %arg10[%parallel_loop3A_208, %parallel_loop3A_502] : memref<512x64xf32, #tpu.memory_space<vmem>>[vector<16xi32>, vector<16xi32>], vector<16xf32>,
      %parallel_loop3A_504 = arith.addi %parallel_loop3A_202, %parallel_loop3A_502 : vector<16xi32>
      tpu.vector_store_idx %arg8[%parallel_loop3A_504], %parallel_loop3A_503 {add = true} : memref<65536xf32, #tpu.memory_space<vmem>>[vector<16xi32>], vector<16xf32>,
      %parallel_loop3A_505 = arith.constant 37 : i32
      %parallel_loop3A_506 = vector.broadcast %parallel_loop3A_505 : i32 to vector<16xi32>
      %parallel_loop3A_507 = arith.addi %iota3A, %parallel_loop3A_506 : vector<16xi32>
      %parallel_loop3A_508 = arith.constant 63 : i32
      %parallel_loop3A_509 = vector.broadcast %parallel_loop3A_508 : i32 to vector<16xi32>
      %parallel_loop3A_510 = arith.andi %parallel_loop3A_507, %parallel_loop3A_509 : vector<16xi32>
      %parallel_loop3A_511 = tpu.vector_load_idx %arg10[%parallel_loop3A_208, %parallel_loop3A_510] : memref<512x64xf32, #tpu.memory_space<vmem>>[vector<16xi32>, vector<16xi32>], vector<16xf32>,
      %parallel_loop3A_512 = arith.addi %parallel_loop3A_202, %parallel_loop3A_510 : vector<16xi32>
      tpu.vector_store_idx %arg8[%parallel_loop3A_512], %parallel_loop3A_511 {add = true} : memref<65536xf32, #tpu.memory_space<vmem>>[vector<16xi32>], vector<16xf32>,
      %parallel_loop3A_513 = arith.constant 38 : i32
      %parallel_loop3A_514 = vector.broadcast %parallel_loop3A_513 : i32 to vector<16xi32>
      %parallel_loop3A_515 = arith.addi %iota3A, %parallel_loop3A_514 : vector<16xi32>
      %parallel_loop3A_516 = arith.constant 63 : i32
      %parallel_loop3A_517 = vector.broadcast %parallel_loop3A_516 : i32 to vector<16xi32>
      %parallel_loop3A_518 = arith.andi %parallel_loop3A_515, %parallel_loop3A_517 : vector<16xi32>
      %parallel_loop3A_519 = tpu.vector_load_idx %arg10[%parallel_loop3A_208, %parallel_loop3A_518] : memref<512x64xf32, #tpu.memory_space<vmem>>[vector<16xi32>, vector<16xi32>], vector<16xf32>,
      %parallel_loop3A_520 = arith.addi %parallel_loop3A_202, %parallel_loop3A_518 : vector<16xi32>
      tpu.vector_store_idx %arg8[%parallel_loop3A_520], %parallel_loop3A_519 {add = true} : memref<65536xf32, #tpu.memory_space<vmem>>[vector<16xi32>], vector<16xf32>,
      %parallel_loop3A_521 = arith.constant 39 : i32
      %parallel_loop3A_522 = vector.broadcast %parallel_loop3A_521 : i32 to vector<16xi32>
      %parallel_loop3A_523 = arith.addi %iota3A, %parallel_loop3A_522 : vector<16xi32>
      %parallel_loop3A_524 = arith.constant 63 : i32
      %parallel_loop3A_525 = vector.broadcast %parallel_loop3A_524 : i32 to vector<16xi32>
      %parallel_loop3A_526 = arith.andi %parallel_loop3A_523, %parallel_loop3A_525 : vector<16xi32>
      %parallel_loop3A_527 = tpu.vector_load_idx %arg10[%parallel_loop3A_208, %parallel_loop3A_526] : memref<512x64xf32, #tpu.memory_space<vmem>>[vector<16xi32>, vector<16xi32>], vector<16xf32>,
      %parallel_loop3A_528 = arith.addi %parallel_loop3A_202, %parallel_loop3A_526 : vector<16xi32>
      tpu.vector_store_idx %arg8[%parallel_loop3A_528], %parallel_loop3A_527 {add = true} : memref<65536xf32, #tpu.memory_space<vmem>>[vector<16xi32>], vector<16xf32>,
      %parallel_loop3A_529 = arith.constant 40 : i32
      %parallel_loop3A_530 = vector.broadcast %parallel_loop3A_529 : i32 to vector<16xi32>
      %parallel_loop3A_531 = arith.addi %iota3A, %parallel_loop3A_530 : vector<16xi32>
      %parallel_loop3A_532 = arith.constant 63 : i32
      %parallel_loop3A_533 = vector.broadcast %parallel_loop3A_532 : i32 to vector<16xi32>
      %parallel_loop3A_534 = arith.andi %parallel_loop3A_531, %parallel_loop3A_533 : vector<16xi32>
      %parallel_loop3A_535 = tpu.vector_load_idx %arg10[%parallel_loop3A_208, %parallel_loop3A_534] : memref<512x64xf32, #tpu.memory_space<vmem>>[vector<16xi32>, vector<16xi32>], vector<16xf32>,
      %parallel_loop3A_536 = arith.addi %parallel_loop3A_202, %parallel_loop3A_534 : vector<16xi32>
      tpu.vector_store_idx %arg8[%parallel_loop3A_536], %parallel_loop3A_535 {add = true} : memref<65536xf32, #tpu.memory_space<vmem>>[vector<16xi32>], vector<16xf32>,
      %parallel_loop3A_537 = arith.constant 41 : i32
      %parallel_loop3A_538 = vector.broadcast %parallel_loop3A_537 : i32 to vector<16xi32>
      %parallel_loop3A_539 = arith.addi %iota3A, %parallel_loop3A_538 : vector<16xi32>
      %parallel_loop3A_540 = arith.constant 63 : i32
      %parallel_loop3A_541 = vector.broadcast %parallel_loop3A_540 : i32 to vector<16xi32>
      %parallel_loop3A_542 = arith.andi %parallel_loop3A_539, %parallel_loop3A_541 : vector<16xi32>
      %parallel_loop3A_543 = tpu.vector_load_idx %arg10[%parallel_loop3A_208, %parallel_loop3A_542] : memref<512x64xf32, #tpu.memory_space<vmem>>[vector<16xi32>, vector<16xi32>], vector<16xf32>,
      %parallel_loop3A_544 = arith.addi %parallel_loop3A_202, %parallel_loop3A_542 : vector<16xi32>
      tpu.vector_store_idx %arg8[%parallel_loop3A_544], %parallel_loop3A_543 {add = true} : memref<65536xf32, #tpu.memory_space<vmem>>[vector<16xi32>], vector<16xf32>,
      %parallel_loop3A_545 = arith.constant 42 : i32
      %parallel_loop3A_546 = vector.broadcast %parallel_loop3A_545 : i32 to vector<16xi32>
      %parallel_loop3A_547 = arith.addi %iota3A, %parallel_loop3A_546 : vector<16xi32>
      %parallel_loop3A_548 = arith.constant 63 : i32
      %parallel_loop3A_549 = vector.broadcast %parallel_loop3A_548 : i32 to vector<16xi32>
      %parallel_loop3A_550 = arith.andi %parallel_loop3A_547, %parallel_loop3A_549 : vector<16xi32>
      %parallel_loop3A_551 = tpu.vector_load_idx %arg10[%parallel_loop3A_208, %parallel_loop3A_550] : memref<512x64xf32, #tpu.memory_space<vmem>>[vector<16xi32>, vector<16xi32>], vector<16xf32>,
      %parallel_loop3A_552 = arith.addi %parallel_loop3A_202, %parallel_loop3A_550 : vector<16xi32>
      tpu.vector_store_idx %arg8[%parallel_loop3A_552], %parallel_loop3A_551 {add = true} : memref<65536xf32, #tpu.memory_space<vmem>>[vector<16xi32>], vector<16xf32>,
      %parallel_loop3A_553 = arith.constant 43 : i32
      %parallel_loop3A_554 = vector.broadcast %parallel_loop3A_553 : i32 to vector<16xi32>
      %parallel_loop3A_555 = arith.addi %iota3A, %parallel_loop3A_554 : vector<16xi32>
      %parallel_loop3A_556 = arith.constant 63 : i32
      %parallel_loop3A_557 = vector.broadcast %parallel_loop3A_556 : i32 to vector<16xi32>
      %parallel_loop3A_558 = arith.andi %parallel_loop3A_555, %parallel_loop3A_557 : vector<16xi32>
      %parallel_loop3A_559 = tpu.vector_load_idx %arg10[%parallel_loop3A_208, %parallel_loop3A_558] : memref<512x64xf32, #tpu.memory_space<vmem>>[vector<16xi32>, vector<16xi32>], vector<16xf32>,
      %parallel_loop3A_560 = arith.addi %parallel_loop3A_202, %parallel_loop3A_558 : vector<16xi32>
      tpu.vector_store_idx %arg8[%parallel_loop3A_560], %parallel_loop3A_559 {add = true} : memref<65536xf32, #tpu.memory_space<vmem>>[vector<16xi32>], vector<16xf32>,
      %parallel_loop3A_561 = arith.constant 44 : i32
      %parallel_loop3A_562 = vector.broadcast %parallel_loop3A_561 : i32 to vector<16xi32>
      %parallel_loop3A_563 = arith.addi %iota3A, %parallel_loop3A_562 : vector<16xi32>
      %parallel_loop3A_564 = arith.constant 63 : i32
      %parallel_loop3A_565 = vector.broadcast %parallel_loop3A_564 : i32 to vector<16xi32>
      %parallel_loop3A_566 = arith.andi %parallel_loop3A_563, %parallel_loop3A_565 : vector<16xi32>
      %parallel_loop3A_567 = tpu.vector_load_idx %arg10[%parallel_loop3A_208, %parallel_loop3A_566] : memref<512x64xf32, #tpu.memory_space<vmem>>[vector<16xi32>, vector<16xi32>], vector<16xf32>,
      %parallel_loop3A_568 = arith.addi %parallel_loop3A_202, %parallel_loop3A_566 : vector<16xi32>
      tpu.vector_store_idx %arg8[%parallel_loop3A_568], %parallel_loop3A_567 {add = true} : memref<65536xf32, #tpu.memory_space<vmem>>[vector<16xi32>], vector<16xf32>,
      %parallel_loop3A_569 = arith.constant 45 : i32
      %parallel_loop3A_570 = vector.broadcast %parallel_loop3A_569 : i32 to vector<16xi32>
      %parallel_loop3A_571 = arith.addi %iota3A, %parallel_loop3A_570 : vector<16xi32>
      %parallel_loop3A_572 = arith.constant 63 : i32
      %parallel_loop3A_573 = vector.broadcast %parallel_loop3A_572 : i32 to vector<16xi32>
      %parallel_loop3A_574 = arith.andi %parallel_loop3A_571, %parallel_loop3A_573 : vector<16xi32>
      %parallel_loop3A_575 = tpu.vector_load_idx %arg10[%parallel_loop3A_208, %parallel_loop3A_574] : memref<512x64xf32, #tpu.memory_space<vmem>>[vector<16xi32>, vector<16xi32>], vector<16xf32>,
      %parallel_loop3A_576 = arith.addi %parallel_loop3A_202, %parallel_loop3A_574 : vector<16xi32>
      tpu.vector_store_idx %arg8[%parallel_loop3A_576], %parallel_loop3A_575 {add = true} : memref<65536xf32, #tpu.memory_space<vmem>>[vector<16xi32>], vector<16xf32>,
      %parallel_loop3A_577 = arith.constant 46 : i32
      %parallel_loop3A_578 = vector.broadcast %parallel_loop3A_577 : i32 to vector<16xi32>
      %parallel_loop3A_579 = arith.addi %iota3A, %parallel_loop3A_578 : vector<16xi32>
      %parallel_loop3A_580 = arith.constant 63 : i32
      %parallel_loop3A_581 = vector.broadcast %parallel_loop3A_580 : i32 to vector<16xi32>
      %parallel_loop3A_582 = arith.andi %parallel_loop3A_579, %parallel_loop3A_581 : vector<16xi32>
      %parallel_loop3A_583 = tpu.vector_load_idx %arg10[%parallel_loop3A_208, %parallel_loop3A_582] : memref<512x64xf32, #tpu.memory_space<vmem>>[vector<16xi32>, vector<16xi32>], vector<16xf32>,
      %parallel_loop3A_584 = arith.addi %parallel_loop3A_202, %parallel_loop3A_582 : vector<16xi32>
      tpu.vector_store_idx %arg8[%parallel_loop3A_584], %parallel_loop3A_583 {add = true} : memref<65536xf32, #tpu.memory_space<vmem>>[vector<16xi32>], vector<16xf32>,
      %parallel_loop3A_585 = arith.constant 47 : i32
      %parallel_loop3A_586 = vector.broadcast %parallel_loop3A_585 : i32 to vector<16xi32>
      %parallel_loop3A_587 = arith.addi %iota3A, %parallel_loop3A_586 : vector<16xi32>
      %parallel_loop3A_588 = arith.constant 63 : i32
      %parallel_loop3A_589 = vector.broadcast %parallel_loop3A_588 : i32 to vector<16xi32>
      %parallel_loop3A_590 = arith.andi %parallel_loop3A_587, %parallel_loop3A_589 : vector<16xi32>
      %parallel_loop3A_591 = tpu.vector_load_idx %arg10[%parallel_loop3A_208, %parallel_loop3A_590] : memref<512x64xf32, #tpu.memory_space<vmem>>[vector<16xi32>, vector<16xi32>], vector<16xf32>,
      %parallel_loop3A_592 = arith.addi %parallel_loop3A_202, %parallel_loop3A_590 : vector<16xi32>
      tpu.vector_store_idx %arg8[%parallel_loop3A_592], %parallel_loop3A_591 {add = true} : memref<65536xf32, #tpu.memory_space<vmem>>[vector<16xi32>], vector<16xf32>,
      %parallel_loop3A_593 = arith.constant 48 : i32
      %parallel_loop3A_594 = vector.broadcast %parallel_loop3A_593 : i32 to vector<16xi32>
      %parallel_loop3A_595 = arith.addi %iota3A, %parallel_loop3A_594 : vector<16xi32>
      %parallel_loop3A_596 = arith.constant 63 : i32
      %parallel_loop3A_597 = vector.broadcast %parallel_loop3A_596 : i32 to vector<16xi32>
      %parallel_loop3A_598 = arith.andi %parallel_loop3A_595, %parallel_loop3A_597 : vector<16xi32>
      %parallel_loop3A_599 = tpu.vector_load_idx %arg10[%parallel_loop3A_208, %parallel_loop3A_598] : memref<512x64xf32, #tpu.memory_space<vmem>>[vector<16xi32>, vector<16xi32>], vector<16xf32>,
      %parallel_loop3A_600 = arith.addi %parallel_loop3A_202, %parallel_loop3A_598 : vector<16xi32>
      tpu.vector_store_idx %arg8[%parallel_loop3A_600], %parallel_loop3A_599 {add = true} : memref<65536xf32, #tpu.memory_space<vmem>>[vector<16xi32>], vector<16xf32>,
      %parallel_loop3A_601 = arith.constant 49 : i32
      %parallel_loop3A_602 = vector.broadcast %parallel_loop3A_601 : i32 to vector<16xi32>
      %parallel_loop3A_603 = arith.addi %iota3A, %parallel_loop3A_602 : vector<16xi32>
      %parallel_loop3A_604 = arith.constant 63 : i32
      %parallel_loop3A_605 = vector.broadcast %parallel_loop3A_604 : i32 to vector<16xi32>
      %parallel_loop3A_606 = arith.andi %parallel_loop3A_603, %parallel_loop3A_605 : vector<16xi32>
      %parallel_loop3A_607 = tpu.vector_load_idx %arg10[%parallel_loop3A_208, %parallel_loop3A_606] : memref<512x64xf32, #tpu.memory_space<vmem>>[vector<16xi32>, vector<16xi32>], vector<16xf32>,
      %parallel_loop3A_608 = arith.addi %parallel_loop3A_202, %parallel_loop3A_606 : vector<16xi32>
      tpu.vector_store_idx %arg8[%parallel_loop3A_608], %parallel_loop3A_607 {add = true} : memref<65536xf32, #tpu.memory_space<vmem>>[vector<16xi32>], vector<16xf32>,
      %parallel_loop3A_609 = arith.constant 50 : i32
      %parallel_loop3A_610 = vector.broadcast %parallel_loop3A_609 : i32 to vector<16xi32>
      %parallel_loop3A_611 = arith.addi %iota3A, %parallel_loop3A_610 : vector<16xi32>
      %parallel_loop3A_612 = arith.constant 63 : i32
      %parallel_loop3A_613 = vector.broadcast %parallel_loop3A_612 : i32 to vector<16xi32>
      %parallel_loop3A_614 = arith.andi %parallel_loop3A_611, %parallel_loop3A_613 : vector<16xi32>
      %parallel_loop3A_615 = tpu.vector_load_idx %arg10[%parallel_loop3A_208, %parallel_loop3A_614] : memref<512x64xf32, #tpu.memory_space<vmem>>[vector<16xi32>, vector<16xi32>], vector<16xf32>,
      %parallel_loop3A_616 = arith.addi %parallel_loop3A_202, %parallel_loop3A_614 : vector<16xi32>
      tpu.vector_store_idx %arg8[%parallel_loop3A_616], %parallel_loop3A_615 {add = true} : memref<65536xf32, #tpu.memory_space<vmem>>[vector<16xi32>], vector<16xf32>,
      %parallel_loop3A_617 = arith.constant 51 : i32
      %parallel_loop3A_618 = vector.broadcast %parallel_loop3A_617 : i32 to vector<16xi32>
      %parallel_loop3A_619 = arith.addi %iota3A, %parallel_loop3A_618 : vector<16xi32>
      %parallel_loop3A_620 = arith.constant 63 : i32
      %parallel_loop3A_621 = vector.broadcast %parallel_loop3A_620 : i32 to vector<16xi32>
      %parallel_loop3A_622 = arith.andi %parallel_loop3A_619, %parallel_loop3A_621 : vector<16xi32>
      %parallel_loop3A_623 = tpu.vector_load_idx %arg10[%parallel_loop3A_208, %parallel_loop3A_622] : memref<512x64xf32, #tpu.memory_space<vmem>>[vector<16xi32>, vector<16xi32>], vector<16xf32>,
      %parallel_loop3A_624 = arith.addi %parallel_loop3A_202, %parallel_loop3A_622 : vector<16xi32>
      tpu.vector_store_idx %arg8[%parallel_loop3A_624], %parallel_loop3A_623 {add = true} : memref<65536xf32, #tpu.memory_space<vmem>>[vector<16xi32>], vector<16xf32>,
      %parallel_loop3A_625 = arith.constant 52 : i32
      %parallel_loop3A_626 = vector.broadcast %parallel_loop3A_625 : i32 to vector<16xi32>
      %parallel_loop3A_627 = arith.addi %iota3A, %parallel_loop3A_626 : vector<16xi32>
      %parallel_loop3A_628 = arith.constant 63 : i32
      %parallel_loop3A_629 = vector.broadcast %parallel_loop3A_628 : i32 to vector<16xi32>
      %parallel_loop3A_630 = arith.andi %parallel_loop3A_627, %parallel_loop3A_629 : vector<16xi32>
      %parallel_loop3A_631 = tpu.vector_load_idx %arg10[%parallel_loop3A_208, %parallel_loop3A_630] : memref<512x64xf32, #tpu.memory_space<vmem>>[vector<16xi32>, vector<16xi32>], vector<16xf32>,
      %parallel_loop3A_632 = arith.addi %parallel_loop3A_202, %parallel_loop3A_630 : vector<16xi32>
      tpu.vector_store_idx %arg8[%parallel_loop3A_632], %parallel_loop3A_631 {add = true} : memref<65536xf32, #tpu.memory_space<vmem>>[vector<16xi32>], vector<16xf32>,
      %parallel_loop3A_633 = arith.constant 53 : i32
      %parallel_loop3A_634 = vector.broadcast %parallel_loop3A_633 : i32 to vector<16xi32>
      %parallel_loop3A_635 = arith.addi %iota3A, %parallel_loop3A_634 : vector<16xi32>
      %parallel_loop3A_636 = arith.constant 63 : i32
      %parallel_loop3A_637 = vector.broadcast %parallel_loop3A_636 : i32 to vector<16xi32>
      %parallel_loop3A_638 = arith.andi %parallel_loop3A_635, %parallel_loop3A_637 : vector<16xi32>
      %parallel_loop3A_639 = tpu.vector_load_idx %arg10[%parallel_loop3A_208, %parallel_loop3A_638] : memref<512x64xf32, #tpu.memory_space<vmem>>[vector<16xi32>, vector<16xi32>], vector<16xf32>,
      %parallel_loop3A_640 = arith.addi %parallel_loop3A_202, %parallel_loop3A_638 : vector<16xi32>
      tpu.vector_store_idx %arg8[%parallel_loop3A_640], %parallel_loop3A_639 {add = true} : memref<65536xf32, #tpu.memory_space<vmem>>[vector<16xi32>], vector<16xf32>,
      %parallel_loop3A_641 = arith.constant 54 : i32
      %parallel_loop3A_642 = vector.broadcast %parallel_loop3A_641 : i32 to vector<16xi32>
      %parallel_loop3A_643 = arith.addi %iota3A, %parallel_loop3A_642 : vector<16xi32>
      %parallel_loop3A_644 = arith.constant 63 : i32
      %parallel_loop3A_645 = vector.broadcast %parallel_loop3A_644 : i32 to vector<16xi32>
      %parallel_loop3A_646 = arith.andi %parallel_loop3A_643, %parallel_loop3A_645 : vector<16xi32>
      %parallel_loop3A_647 = tpu.vector_load_idx %arg10[%parallel_loop3A_208, %parallel_loop3A_646] : memref<512x64xf32, #tpu.memory_space<vmem>>[vector<16xi32>, vector<16xi32>], vector<16xf32>,
      %parallel_loop3A_648 = arith.addi %parallel_loop3A_202, %parallel_loop3A_646 : vector<16xi32>
      tpu.vector_store_idx %arg8[%parallel_loop3A_648], %parallel_loop3A_647 {add = true} : memref<65536xf32, #tpu.memory_space<vmem>>[vector<16xi32>], vector<16xf32>,
      %parallel_loop3A_649 = arith.constant 55 : i32
      %parallel_loop3A_650 = vector.broadcast %parallel_loop3A_649 : i32 to vector<16xi32>
      %parallel_loop3A_651 = arith.addi %iota3A, %parallel_loop3A_650 : vector<16xi32>
      %parallel_loop3A_652 = arith.constant 63 : i32
      %parallel_loop3A_653 = vector.broadcast %parallel_loop3A_652 : i32 to vector<16xi32>
      %parallel_loop3A_654 = arith.andi %parallel_loop3A_651, %parallel_loop3A_653 : vector<16xi32>
      %parallel_loop3A_655 = tpu.vector_load_idx %arg10[%parallel_loop3A_208, %parallel_loop3A_654] : memref<512x64xf32, #tpu.memory_space<vmem>>[vector<16xi32>, vector<16xi32>], vector<16xf32>,
      %parallel_loop3A_656 = arith.addi %parallel_loop3A_202, %parallel_loop3A_654 : vector<16xi32>
      tpu.vector_store_idx %arg8[%parallel_loop3A_656], %parallel_loop3A_655 {add = true} : memref<65536xf32, #tpu.memory_space<vmem>>[vector<16xi32>], vector<16xf32>,
      %parallel_loop3A_657 = arith.constant 56 : i32
      %parallel_loop3A_658 = vector.broadcast %parallel_loop3A_657 : i32 to vector<16xi32>
      %parallel_loop3A_659 = arith.addi %iota3A, %parallel_loop3A_658 : vector<16xi32>
      %parallel_loop3A_660 = arith.constant 63 : i32
      %parallel_loop3A_661 = vector.broadcast %parallel_loop3A_660 : i32 to vector<16xi32>
      %parallel_loop3A_662 = arith.andi %parallel_loop3A_659, %parallel_loop3A_661 : vector<16xi32>
      %parallel_loop3A_663 = tpu.vector_load_idx %arg10[%parallel_loop3A_208, %parallel_loop3A_662] : memref<512x64xf32, #tpu.memory_space<vmem>>[vector<16xi32>, vector<16xi32>], vector<16xf32>,
      %parallel_loop3A_664 = arith.addi %parallel_loop3A_202, %parallel_loop3A_662 : vector<16xi32>
      tpu.vector_store_idx %arg8[%parallel_loop3A_664], %parallel_loop3A_663 {add = true} : memref<65536xf32, #tpu.memory_space<vmem>>[vector<16xi32>], vector<16xf32>,
      %parallel_loop3A_665 = arith.constant 57 : i32
      %parallel_loop3A_666 = vector.broadcast %parallel_loop3A_665 : i32 to vector<16xi32>
      %parallel_loop3A_667 = arith.addi %iota3A, %parallel_loop3A_666 : vector<16xi32>
      %parallel_loop3A_668 = arith.constant 63 : i32
      %parallel_loop3A_669 = vector.broadcast %parallel_loop3A_668 : i32 to vector<16xi32>
      %parallel_loop3A_670 = arith.andi %parallel_loop3A_667, %parallel_loop3A_669 : vector<16xi32>
      %parallel_loop3A_671 = tpu.vector_load_idx %arg10[%parallel_loop3A_208, %parallel_loop3A_670] : memref<512x64xf32, #tpu.memory_space<vmem>>[vector<16xi32>, vector<16xi32>], vector<16xf32>,
      %parallel_loop3A_672 = arith.addi %parallel_loop3A_202, %parallel_loop3A_670 : vector<16xi32>
      tpu.vector_store_idx %arg8[%parallel_loop3A_672], %parallel_loop3A_671 {add = true} : memref<65536xf32, #tpu.memory_space<vmem>>[vector<16xi32>], vector<16xf32>,
      %parallel_loop3A_673 = arith.constant 58 : i32
      %parallel_loop3A_674 = vector.broadcast %parallel_loop3A_673 : i32 to vector<16xi32>
      %parallel_loop3A_675 = arith.addi %iota3A, %parallel_loop3A_674 : vector<16xi32>
      %parallel_loop3A_676 = arith.constant 63 : i32
      %parallel_loop3A_677 = vector.broadcast %parallel_loop3A_676 : i32 to vector<16xi32>
      %parallel_loop3A_678 = arith.andi %parallel_loop3A_675, %parallel_loop3A_677 : vector<16xi32>
      %parallel_loop3A_679 = tpu.vector_load_idx %arg10[%parallel_loop3A_208, %parallel_loop3A_678] : memref<512x64xf32, #tpu.memory_space<vmem>>[vector<16xi32>, vector<16xi32>], vector<16xf32>,
      %parallel_loop3A_680 = arith.addi %parallel_loop3A_202, %parallel_loop3A_678 : vector<16xi32>
      tpu.vector_store_idx %arg8[%parallel_loop3A_680], %parallel_loop3A_679 {add = true} : memref<65536xf32, #tpu.memory_space<vmem>>[vector<16xi32>], vector<16xf32>,
      %parallel_loop3A_681 = arith.constant 59 : i32
      %parallel_loop3A_682 = vector.broadcast %parallel_loop3A_681 : i32 to vector<16xi32>
      %parallel_loop3A_683 = arith.addi %iota3A, %parallel_loop3A_682 : vector<16xi32>
      %parallel_loop3A_684 = arith.constant 63 : i32
      %parallel_loop3A_685 = vector.broadcast %parallel_loop3A_684 : i32 to vector<16xi32>
      %parallel_loop3A_686 = arith.andi %parallel_loop3A_683, %parallel_loop3A_685 : vector<16xi32>
      %parallel_loop3A_687 = tpu.vector_load_idx %arg10[%parallel_loop3A_208, %parallel_loop3A_686] : memref<512x64xf32, #tpu.memory_space<vmem>>[vector<16xi32>, vector<16xi32>], vector<16xf32>,
      %parallel_loop3A_688 = arith.addi %parallel_loop3A_202, %parallel_loop3A_686 : vector<16xi32>
      tpu.vector_store_idx %arg8[%parallel_loop3A_688], %parallel_loop3A_687 {add = true} : memref<65536xf32, #tpu.memory_space<vmem>>[vector<16xi32>], vector<16xf32>,
      %parallel_loop3A_689 = arith.constant 60 : i32
      %parallel_loop3A_690 = vector.broadcast %parallel_loop3A_689 : i32 to vector<16xi32>
      %parallel_loop3A_691 = arith.addi %iota3A, %parallel_loop3A_690 : vector<16xi32>
      %parallel_loop3A_692 = arith.constant 63 : i32
      %parallel_loop3A_693 = vector.broadcast %parallel_loop3A_692 : i32 to vector<16xi32>
      %parallel_loop3A_694 = arith.andi %parallel_loop3A_691, %parallel_loop3A_693 : vector<16xi32>
      %parallel_loop3A_695 = tpu.vector_load_idx %arg10[%parallel_loop3A_208, %parallel_loop3A_694] : memref<512x64xf32, #tpu.memory_space<vmem>>[vector<16xi32>, vector<16xi32>], vector<16xf32>,
      %parallel_loop3A_696 = arith.addi %parallel_loop3A_202, %parallel_loop3A_694 : vector<16xi32>
      tpu.vector_store_idx %arg8[%parallel_loop3A_696], %parallel_loop3A_695 {add = true} : memref<65536xf32, #tpu.memory_space<vmem>>[vector<16xi32>], vector<16xf32>,
      %parallel_loop3A_697 = arith.constant 61 : i32
      %parallel_loop3A_698 = vector.broadcast %parallel_loop3A_697 : i32 to vector<16xi32>
      %parallel_loop3A_699 = arith.addi %iota3A, %parallel_loop3A_698 : vector<16xi32>
      %parallel_loop3A_700 = arith.constant 63 : i32
      %parallel_loop3A_701 = vector.broadcast %parallel_loop3A_700 : i32 to vector<16xi32>
      %parallel_loop3A_702 = arith.andi %parallel_loop3A_699, %parallel_loop3A_701 : vector<16xi32>
      %parallel_loop3A_703 = tpu.vector_load_idx %arg10[%parallel_loop3A_208, %parallel_loop3A_702] : memref<512x64xf32, #tpu.memory_space<vmem>>[vector<16xi32>, vector<16xi32>], vector<16xf32>,
      %parallel_loop3A_704 = arith.addi %parallel_loop3A_202, %parallel_loop3A_702 : vector<16xi32>
      tpu.vector_store_idx %arg8[%parallel_loop3A_704], %parallel_loop3A_703 {add = true} : memref<65536xf32, #tpu.memory_space<vmem>>[vector<16xi32>], vector<16xf32>,
      %parallel_loop3A_705 = arith.constant 62 : i32
      %parallel_loop3A_706 = vector.broadcast %parallel_loop3A_705 : i32 to vector<16xi32>
      %parallel_loop3A_707 = arith.addi %iota3A, %parallel_loop3A_706 : vector<16xi32>
      %parallel_loop3A_708 = arith.constant 63 : i32
      %parallel_loop3A_709 = vector.broadcast %parallel_loop3A_708 : i32 to vector<16xi32>
      %parallel_loop3A_710 = arith.andi %parallel_loop3A_707, %parallel_loop3A_709 : vector<16xi32>
      %parallel_loop3A_711 = tpu.vector_load_idx %arg10[%parallel_loop3A_208, %parallel_loop3A_710] : memref<512x64xf32, #tpu.memory_space<vmem>>[vector<16xi32>, vector<16xi32>], vector<16xf32>,
      %parallel_loop3A_712 = arith.addi %parallel_loop3A_202, %parallel_loop3A_710 : vector<16xi32>
      tpu.vector_store_idx %arg8[%parallel_loop3A_712], %parallel_loop3A_711 {add = true} : memref<65536xf32, #tpu.memory_space<vmem>>[vector<16xi32>], vector<16xf32>,
      %parallel_loop3A_713 = arith.constant 63 : i32
      %parallel_loop3A_714 = vector.broadcast %parallel_loop3A_713 : i32 to vector<16xi32>
      %parallel_loop3A_715 = arith.addi %iota3A, %parallel_loop3A_714 : vector<16xi32>
      %parallel_loop3A_716 = arith.constant 63 : i32
      %parallel_loop3A_717 = vector.broadcast %parallel_loop3A_716 : i32 to vector<16xi32>
      %parallel_loop3A_718 = arith.andi %parallel_loop3A_715, %parallel_loop3A_717 : vector<16xi32>
      %parallel_loop3A_719 = tpu.vector_load_idx %arg10[%parallel_loop3A_208, %parallel_loop3A_718] : memref<512x64xf32, #tpu.memory_space<vmem>>[vector<16xi32>, vector<16xi32>], vector<16xf32>,
      %parallel_loop3A_720 = arith.addi %parallel_loop3A_202, %parallel_loop3A_718 : vector<16xi32>
      tpu.vector_store_idx %arg8[%parallel_loop3A_720], %parallel_loop3A_719 {add = true} : memref<65536xf32, #tpu.memory_space<vmem>>[vector<16xi32>], vector<16xf32>,
      %parallel_loop3A_721 = arith.extui %eq3A_107 : i1 to i32
      %parallel_loop3A_722 = arith.constant 0 : i32
      %parallel_loop3A_723 = arith.cmpi ne, %parallel_loop3A_721, %parallel_loop3A_722 : i32
      scf.if %parallel_loop3A_723 {
        %parallel_loop3A_724 = arith.constant 1 : i32
        %parallel_loop3A_725 = vector.broadcast %parallel_loop3A_724 : i32 to vector<16xi32>
        %parallel_loop3A_726 = arith.andi %parallel_loop3A_199, %parallel_loop3A_725 : vector<16xi32>
        %parallel_loop3A_727 = arith.constant 9 : i32
        %parallel_loop3A_728 = vector.broadcast %parallel_loop3A_727 : i32 to vector<16xi32>
        %parallel_loop3A_729 = arith.shli %parallel_loop3A_726, %parallel_loop3A_728 : vector<16xi32>
        %parallel_loop3A_730 = arith.constant 1 : i32
        %parallel_loop3A_731 = vector.broadcast %parallel_loop3A_730 : i32 to vector<16xi32>
        %parallel_loop3A_732 = arith.shrsi %parallel_loop3A_199, %parallel_loop3A_731 : vector<16xi32>
        %parallel_loop3A_733 = arith.addi %parallel_loop3A_729, %parallel_loop3A_732 : vector<16xi32>
        tpu.vector_store_idx %arg9[%parallel_loop3A_733], %broadcast_in_dim3A_105 {add = true} : memref<1024xf32, #tpu.memory_space<vmem>>[vector<16xi32>], vector<16xf32>,
      } else {
      }
    } {sc.loop_unroll_factor = 4 : i64, sc.parallel_access}
    "tpu.region"() ({
      %run_scoped3A = tpu.sem_alloc : memref<!tpu.dma_semaphore, #tpu.memory_space<semaphore_mem>>
      %dma_start3A_183 = arith.constant 0 : i32
      %dma_start3A_184 = tpu.memref_slice %arg5[%arg0, %arg1, %dma_start3A_183] : memref<2x16x65536xf32, #tpu.memory_space<hbm>> -> memref<1x1x65536xf32, #tpu.memory_space<hbm>>
      %dma_start3A_185 = tpu.memref_squeeze %dma_start3A_184 : memref<1x1x65536xf32, #tpu.memory_space<hbm>> -> memref<65536xf32, #tpu.memory_space<hbm>>
      %dma_start3A_186 = arith.constant 0 : i32
      %dma_start3A_187 = tpu.memref_slice %arg5[%arg0, %arg1, %dma_start3A_186] : memref<2x16x65536xf32, #tpu.memory_space<hbm>> -> memref<1x1x65536xf32, #tpu.memory_space<hbm>>
      %dma_start3A_188 = tpu.memref_squeeze %dma_start3A_187 : memref<1x1x65536xf32, #tpu.memory_space<hbm>> -> memref<65536xf32, #tpu.memory_space<hbm>>
      tpu.enqueue_dma source(%arg8 : memref<65536xf32, #tpu.memory_space<vmem>>) target(%dma_start3A_188 : memref<65536xf32, #tpu.memory_space<hbm>>) target_semaphore(%run_scoped3A : memref<!tpu.dma_semaphore, #tpu.memory_space<semaphore_mem>>)
      %dma_wait3A_189 = arith.constant 0 : i32
      %dma_wait3A_190 = tpu.memref_slice %arg5[%arg0, %arg1, %dma_wait3A_189] : memref<2x16x65536xf32, #tpu.memory_space<hbm>> -> memref<1x1x65536xf32, #tpu.memory_space<hbm>>
      %dma_wait3A_191 = tpu.memref_squeeze %dma_wait3A_190 : memref<1x1x65536xf32, #tpu.memory_space<hbm>> -> memref<65536xf32, #tpu.memory_space<hbm>>
      %dma_wait3A_192 = arith.constant 0 : i32
      %dma_wait3A_193 = tpu.memref_slice %arg5[%arg0, %arg1, %dma_wait3A_192] : memref<2x16x65536xf32, #tpu.memory_space<hbm>> -> memref<1x1x65536xf32, #tpu.memory_space<hbm>>
      %dma_wait3A_194 = tpu.memref_squeeze %dma_wait3A_193 : memref<1x1x65536xf32, #tpu.memory_space<hbm>> -> memref<65536xf32, #tpu.memory_space<hbm>>
      tpu.wait_dma2 semaphore(%run_scoped3A : memref<!tpu.dma_semaphore, #tpu.memory_space<semaphore_mem>>) src(%arg8 : memref<65536xf32, #tpu.memory_space<vmem>>) dst(%dma_wait3A_194 : memref<65536xf32, #tpu.memory_space<hbm>>)
      tpu.yield
    }) : () -> ()
    %convert_element_type3A_180 = arith.extui %eq3A_107 : i1 to i32
    %cond3A_181 = arith.constant 0 : i32
    %cond3A_182 = arith.cmpi ne, %convert_element_type3A_180, %cond3A_181 : i32
    scf.if %cond3A_182 {
      "tpu.region"() ({
        %run_scoped3A = tpu.sem_alloc : memref<!tpu.dma_semaphore, #tpu.memory_space<semaphore_mem>>
        %dma_start3A_183 = arith.constant 0 : i32
        %dma_start3A_184 = tpu.memref_slice %arg6[%arg0, %select_n3A, %dma_start3A_183] : memref<2x4x1024xf32, #tpu.memory_space<hbm>> -> memref<1x1x1024xf32, #tpu.memory_space<hbm>>
        %dma_start3A_185 = tpu.memref_squeeze %dma_start3A_184 : memref<1x1x1024xf32, #tpu.memory_space<hbm>> -> memref<1024xf32, #tpu.memory_space<hbm>>
        %dma_start3A_186 = arith.constant 0 : i32
        %dma_start3A_187 = tpu.memref_slice %arg6[%arg0, %select_n3A, %dma_start3A_186] : memref<2x4x1024xf32, #tpu.memory_space<hbm>> -> memref<1x1x1024xf32, #tpu.memory_space<hbm>>
        %dma_start3A_188 = tpu.memref_squeeze %dma_start3A_187 : memref<1x1x1024xf32, #tpu.memory_space<hbm>> -> memref<1024xf32, #tpu.memory_space<hbm>>
        tpu.enqueue_dma source(%arg9 : memref<1024xf32, #tpu.memory_space<vmem>>) target(%dma_start3A_188 : memref<1024xf32, #tpu.memory_space<hbm>>) target_semaphore(%run_scoped3A : memref<!tpu.dma_semaphore, #tpu.memory_space<semaphore_mem>>)
        %dma_wait3A_189 = arith.constant 0 : i32
        %dma_wait3A_190 = tpu.memref_slice %arg6[%arg0, %select_n3A, %dma_wait3A_189] : memref<2x4x1024xf32, #tpu.memory_space<hbm>> -> memref<1x1x1024xf32, #tpu.memory_space<hbm>>
        %dma_wait3A_191 = tpu.memref_squeeze %dma_wait3A_190 : memref<1x1x1024xf32, #tpu.memory_space<hbm>> -> memref<1024xf32, #tpu.memory_space<hbm>>
        %dma_wait3A_192 = arith.constant 0 : i32
        %dma_wait3A_193 = tpu.memref_slice %arg6[%arg0, %select_n3A, %dma_wait3A_192] : memref<2x4x1024xf32, #tpu.memory_space<hbm>> -> memref<1x1x1024xf32, #tpu.memory_space<hbm>>
        %dma_wait3A_194 = tpu.memref_squeeze %dma_wait3A_193 : memref<1x1x1024xf32, #tpu.memory_space<hbm>> -> memref<1024xf32, #tpu.memory_space<hbm>>
        tpu.wait_dma2 semaphore(%run_scoped3A : memref<!tpu.dma_semaphore, #tpu.memory_space<semaphore_mem>>) src(%arg9 : memref<1024xf32, #tpu.memory_space<vmem>>) dst(%dma_wait3A_194 : memref<1024xf32, #tpu.memory_space<hbm>>)
        tpu.yield
      }) : () -> ()
    } else {
    }
    return
  }
}

</mosaic_0001>

<sc_bundles>
// kernel: _sc_stage.3.cloned.1.call-start
scs
__scs_entry_jumppad:
0x0: {  	(pc) =	sbr.rel $0x88, $3  }
0x1: {  	(tag) =	ssettag $0x0;
	lr =	simm.s32 $0x1  }
0x2: {  	[smem:$0x3F9E] =	sst lr;
	_ =	strace $0xD0000000  }
0x3: {  	_ = 	snop  }
0x4: {  	_ = 	snop  }
0x5: {  	_ = 	snop  }
0x6: {  	_ = 	snop  }
0x7: {  	_ = 	snop  }
__scs_overlays_trampoline_lowered:
0x8: {  	[smem:$0x3FAD] =	sst s0  }
0x9: {  	[smem:$0x3FAE] =	sst s1  }
0xa: {  	[smem:$0x3FAF] =	sst s2  }
0xb: {  	[smem:$0x3FB0] =	sst s3  }
0xc: {  	[smem:$0x3FB1] =	sst s4  }
0xd: {  	[smem:$0x3FB2] =	sst s5  }
0xe: {  	[smem:$0x3FB3] =	sst s6  }
0xf: {  	[smem:$0x3FB4] =	sst s7  }
0x10: {  	[smem:$0x3FB5] =	sst s8  }
0x11: {  	[smem:$0x3FB6] =	sst s9;
	s0 =	simm.s32 @!p0 $0x0  }
0x12: {  	s1 =	sld [smem:$0x3F9C];
	s0 =	simm.s32 @p0 $0x1  }
0x13: {  	[smem:$0x3FB7] =	sst s0;
	s0 =	simm.s32 @!p1 $0x0  }
0x14: {  	s2 =	sld [smem:$0x3F9B];
	s0 =	simm.s32 @p1 $0x1  }
0x15: {  	[smem:$0x3FB8] =	sst s0;
	s0 =	simm.s32 @!p2 $0x0  }
0x16: {  	s3 =	sld [smem:$0x3FDB];
	s0 =	simm.s32 @p2 $0x1  }
0x17: {  	s4 =	simm.s32 $0x1BF5;
	[smem:$0x3FBA] =	sst s0  }
0x18: {  	s0 =	sld [smem:$0x3F9D];
	_ =	swait.ge [sflag:s4], $0x0  }
0x19: {  	s7 =	sld [smem:$0x3F9E]  }
0x1a: {  	s8 =	sadd.s32 $0xFFFFE003, lr  }
0x1b: {  	s9 =	sadd.s32 $0xFFFFFEF7, lr;
	s5 =	simm.s32 $0xFFFFFFFF;
	p2 =	slt.u32 s8, $0xFFFFF086  }
0x1c: {  	p1 =	slt.u32 s9, $0xF7A;
	s5 =	simm.s32 @!p2 $0x0  }
0x1d: {  	s5 =	simm.s32 @p1 $0x1;
	p0 =	seq.s32 s7, s2  }
0x1e: {  	s7 =	smul.u32 @!p0 $0xF7A, s2;
	p2 =	seq.s32 @!p0 s5, $0x0  }
0x1f: {  	s9 =	smul.u32 $0xF7A, s1;
	s8 =	simm.s32 @!p0 $0x1BF5;
	p2 =	por !p2, p0  }
0x20: {  	[sflag:s8] =	ssyncset.s32 @!p0 $0xFFFFF086;
	s6 =	sadd.s32 @!p0 s3, s7;
	s7 =	simm.s32 @!p0 $0x108  }
0x21: {  	s3 =	sadd.s32 s3, s9;
	s6 =	sadd.s32 @!p0 $0x88, s6;
	s7 =	simm.s32 @p2 $0x1082  }
0x22: {  	[simem:s7], [sflag:s8] =	dma.local @!p0 [hbm:s6], $0xF7A  }
0x23: {  	s9 =	sor.u32 $0xD0000000, s2;
	s6 =	simm.s32 $0x108;
	_ =	swait.ge @!p0 [sflag:s8], $0x0  }
0x24: {  	s3 =	sadd.s32 $0x88, s3;
	s6 =	simm.s32 @!p1 $0x1082;
	[sflag:s4] =	ssyncset.s32 $0xFFFFF086  }
0x25: {  	[simem:s6], [sflag:s4] =	dma.local [hbm:s3], $0xF7A  }
0x26: {  	[smem:$0x3F9E] =	sst s1;
	(tag) =	ssettag s2;
	_ =	strace s9  }
0x27: {  	s1 =	sld [smem:$0x3FAE]  }
0x28: {  	s2 =	sld [smem:$0x3FAF]  }
0x29: {  	s4 =	sld [smem:$0x3FB1]  }
0x2a: {  	p0 =	seq.s32 s5, $0x0;
	s5 =	sld [smem:$0x3FB2]  }
0x2b: {  	s6 =	sld [smem:$0x3FB3]  }
0x2c: {  	s7 =	sld [smem:$0x3FB4]  }
0x2d: {  	s3 =	simm.s32 $0x108;
	s8 =	sld [smem:$0x3FB5]  }
0x2e: {  	s3 =	simm.s32 @!p0 $0x1082;
	s9 =	sld [smem:$0x3FB6]  }
0x2f: {  	lr =	sadd.s32 s0, s3;
	s0 =	sld [smem:$0x3FAD]  }
0x30: {  	s3 =	sld [smem:$0x3FB0]  }
0x31: {  	[smem:$0x3FB9] =	sst s10  }
0x32: {  	s10 =	sld [smem:$0x3FB7];
	_ =	sdelay $0x3  }
0x33: {  	p0 =	seq.s32 s10, $0x1;
	s10 =	sld [smem:$0x3FB9];
	_ =	sdelay $0x3  }
0x34: {  	[smem:$0x3FB9] =	sst s10  }
0x35: {  	s10 =	sld [smem:$0x3FB8];
	_ =	sdelay $0x3  }
0x36: {  	p1 =	seq.s32 s10, $0x1;
	s10 =	sld [smem:$0x3FB9];
	_ =	sdelay $0x3  }
0x37: {  	[smem:$0x3FB9] =	sst s10  }
0x38: {  	s10 =	sld [smem:$0x3FBA]  }
0x39: {  	_ = 	snop;
	(pc) =	sbr.ind lr, $3  }
0x3a: {  	_ = 	snop  }
0x3b: {  	_ = 	snop  }
0x3c: {  	p2 =	seq.s32 s10, $0x1;
	s10 =	sld [smem:$0x3FB9]  }
0x3d: {  	_ =	shalt  }
0x3e: {  	_ =	shalt  }
0x3f: {  	_ =	shalt  }
0x40: {  	_ =	shalt  }
0x41: {  	_ =	shalt  }
0x42: {  	_ =	shalt  }
0x43: {  	_ =	shalt  }
0x44: {  	_ =	shalt  }
0x45: {  	_ =	shalt  }
0x46: {  	_ =	shalt  }
0x47: {  	_ =	shalt  }
0x48: {  	_ =	shalt  }
0x49: {  	_ =	shalt  }
0x4a: {  	_ =	shalt  }
0x4b: {  	_ =	shalt  }
0x4c: {  	_ =	shalt  }
0x4d: {  	_ =	shalt  }
0x4e: {  	_ =	shalt  }
0x4f: {  	_ =	shalt  }
0x50: {  	_ =	shalt  }
0x51: {  	_ =	shalt  }
0x52: {  	_ =	shalt  }
0x53: {  	_ =	shalt  }
0x54: {  	_ =	shalt  }
0x55: {  	_ =	shalt  }
0x56: {  	_ =	shalt  }
0x57: {  	_ =	shalt  }
0x58: {  	_ =	shalt  }
0x59: {  	_ =	shalt  }
0x5a: {  	_ =	shalt  }
0x5b: {  	_ =	shalt  }
0x5c: {  	_ =	shalt  }
0x5d: {  	_ =	shalt  }
0x5e: {  	_ =	shalt  }
0x5f: {  	_ =	shalt  }
0x60: {  	_ =	shalt  }
0x61: {  	_ =	shalt  }
0x62: {  	_ =	shalt  }
0x63: {  	_ =	shalt  }
0x64: {  	_ =	shalt  }
0x65: {  	_ =	shalt  }
0x66: {  	_ =	shalt  }
0x67: {  	_ =	shalt  }
0x68: {  	_ =	shalt  }
0x69: {  	_ =	shalt  }
0x6a: {  	_ =	shalt  }
0x6b: {  	_ =	shalt  }
0x6c: {  	_ =	shalt  }
0x6d: {  	_ =	shalt  }
0x6e: {  	_ =	shalt  }
0x6f: {  	_ =	shalt  }
0x70: {  	_ =	shalt  }
0x71: {  	_ =	shalt  }
0x72: {  	_ =	shalt  }
0x73: {  	_ =	shalt  }
0x74: {  	_ =	shalt  }
0x75: {  	_ =	shalt  }
0x76: {  	_ =	shalt  }
0x77: {  	_ =	shalt  }
0x78: {  	_ =	shalt  }
0x79: {  	_ =	shalt  }
0x7a: {  	_ =	shalt  }
0x7b: {  	_ =	shalt  }
0x7c: {  	_ =	shalt  }
0x7d: {  	_ =	shalt  }
0x7e: {  	_ =	shalt  }
0x7f: {  	_ =	shalt  }
0x80: {  	_ =	shalt  }
0x81: {  	_ =	shalt  }
0x82: {  	_ =	shalt  }
0x83: {  	_ =	shalt  }
0x84: {  	_ =	shalt  }
0x85: {  	_ =	shalt  }
0x86: {  	_ =	shalt  }
0x87: {  	_ =	shalt  }
.Lfunc_end0:
.L_simem_size_0:
called_computation.1_lowered:
.L_overlay_start_0:
0x88: {  	s2 =	sld [smem:$0x3FD9]  }
0x89: {  	s3 =	sld [smem:$0x3FFE];
	_ =	sdelay $0x1  }
0x8a: {  	s1 =	srdreg.scid  }
0x8b: {  	s0 =	sand.u32 $0x1, s1  }
0x8c: {  	s14 =	sshll.u32 s0, $0xA;
	s2 =	sadd.s32 s3, s2  }
0x8d: {  	s2 =	sadd.s32 s2, s14  }
0x8e: {  	[smem:$0x3FC5] =	sst s2  }
0x8f: {  	_ = 	snop  }
0x90: {  	s2 =	sld [smem:$0x3FD0];
	_ =	sdelay $0x1  }
0x91: {  	s15 =	sld [smem:$0x3FC8]  }
0x92: {  	s5 =	simm.s32 $0xA;
	s6 =	simm.s32 $0x10;
	s4 =	sld [smem:$0x3FC7]  }
0x93: {  	[smem:s6], [sflag:s5] =	dma.local [hbm:s2], $0x1  }
0x94: {  	_ =	swait.eq [sflag:s5], $0x1  }
0x95: {  	[sflag:s5] =	ssyncset.done $0x0  }
0x96: {  	[sflag:s5] =	ssyncadd.s32 $0xFFFFFFFF  }
0x97: {  	s16 =	sld [smem:$0x12];
	(tm) =	ssettm $0x1  }
0x98: {  	s17 =	sld [smem:$0x3FFB];
	_ =	sdelay $0x3  }
0x99: {  	_ =	strace s17  }
0x9a: {  	s5 =	sld [smem:$0x3FFC];
	_ =	sdelay $0x3  }
0x9b: {  	_ =	strace s5  }
0x9c: {  	s5 =	sld [smem:$0x3FFD];
	_ =	sdelay $0x3  }
0x9d: {  	_ =	strace s5  }
0x9e: {  	_ =	strace $0x8FFFFFFF  }
0x9f: {  	s18 =	sld [smem:$0x3FDB];
	_ =	sdelay $0x1  }
0xa0: {  	s19 =	simm.s32 $_scs_section_size  }
0xa1: {  	s7 =	simm.s32 $_size__tile_overlayer_lowered;
	s8 =	simm.s32 $_tile_overlayer_lowered  }
0xa2: {  	s22 =	simm.s32 $0x1BFF;
	s21 =	sshll.u32 s8, $0x1;
	s5 =	sadd.s32 s19, s18  }
0xa3: {  	s9 =	simm.s32 $0x0;
	s20 =	sshll.u32 s7, $0x1;
	s7 =	sadd.s32 s21, s5  }
0xa4: {  	[timem:s9], [sflag:s22] =	dma.local [hbm:s7], s20  }
0xa5: {  	_ =	swait.ge [sflag:s22], s20  }
0xa6: {  	s6 =	ssub.s32 $0x0, s20;
	[sflag:s22] =	ssyncset.done $0x0  }
0xa7: {  	[sflag:s22] =	ssyncadd.s32 s6;
	_ =	sdelay $0x1  }
0xa8: {  	s23 =	simm.s32 $0x1B8B  }
0xa9: {  	_ =	swait.ge [sflag:s23], $0x1  }
0xaa: {  	[sflag:s23] =	ssyncset.done $0x0  }
0xab: {  	s25 =	simm.s32 $0x1B8E;
	s24 =	sld [smem:$0x3FFE];
	[sflag:s23] =	ssyncadd.s32 $0xFFFFFFFF  }
0xac: {  	s26 =	simm.s32 $execute0_lowered;
	[smem:$0x3FD2] =	sst s25  }
0xad: {  	s7 =	sshll.u32 s26, $0x1;
	_ =	strace $0x80000049;
	[dreg:$0x1] =	wrdreg $0xFFFFFFFF  }
0xae: {  	s28 =	simm.s32 $_size_execute0_lowered;
	s5 =	sadd.s32 s5, s7;
	[dreg:$0x0] =	wrdreg $0x0  }
0xaf: {  	s7 =	sshll.u32 s28, $0x1;
	[dreg:$0x2] =	wrdreg s5  }
0xb0: {  	[dreg:$0x3] =	wrdreg s7  }
0xb1: {  	[dreg:$0x4] =	wrdreg $0xC0  }
0xb2: {  	_ =	task [dreg:s9], $0x5FFFF  }
0xb3: {  	[dreg:$0x1] =	wrdreg $0xFFFFFFFF  }
0xb4: {  	[dreg:$0x0] =	wrdreg $0x60  }
0xb5: {  	[dreg:$0x2] =	wrdreg s24  }
0xb6: {  	[dreg:$0x3] =	wrdreg s15  }
0xb7: {  	[dreg:$0x4] =	wrdreg s4  }
0xb8: {  	[dreg:$0x5] =	wrdreg s16  }
0xb9: {  	[dreg:$0x6] =	wrdreg $0x9  }
0xba: {  	_ =	task.clear_ibuf [dreg:s9], $0x7FFFF;
	_ =	strace $0x90000049  }
0xbb: {  	s29 =	simm.s32 $0x9;
	_ =	strace $0x8000004B  }
0xbc: {  	_ =	swait.ge [sflag:s29], $0x1  }
0xbd: {  	[sflag:s29] =	ssyncadd.s32 $0xFFFFFFFF  }
0xbe: {  	_ =	strace $0x9000004B  }
0xbf: {  	_ =	sfence  }
0xc0: {  	s30 =	sld [smem:$0x0];
	_ =	sdelay $0x2  }
0xc1: {  	s31 =	sshll.u32 s1, $0xD;
	s1 =	sshrl.u32 s1, $0x2  }
0xc2: {  	s3 =	sand.u32 $0x4000, s31;
	s1 =	sadd.s32 s1, s30  }
0xc3: {  	s0 =	sor.u32 s3, s0;
	s1 =	sshll.u32 s1, $0x11  }
0xc4: {  	s0 =	sor.u32 s1, s0  }
0xc5: {  	s0 =	sadd.s32 $0x8F2B, s0  }
0xc6: {  	[sflag:s0] =	ssyncadd.remote.s32 $0x1  }
0xc7: {  	_ =	sfence.sel $0xFFFF  }
0xc8: {  	[dreg:$0x0] =	wrdreg $0xFFFFFFFF;
	(pc) =	sbr.abs _section_cstart, $3  }
0xc9: {  	[dreg:$0x1] =	wrdreg $0xFFFFFFFF  }
0xca: {  	_ =	task.clear_ibuf [dreg:s9], $0x2FFFF;
	_ =	strace $0x9FFFFFFF  }
0xcb: {  	(tm) =	ssettm $0x7FFFFFFF  }
tec
execute0_lowered:
.L_overlay_start_1:
0x0: {  	(tag) =	ssettag $0x1  }
0x1: {  	v23 =	vlaneseq.u32  }
0x2: {  	v63 =	vadd.s32 $0x1, v23  }
0x3: {  	v4 =	vadd.s32 $0x2, v23;
	[tilespmem:$0x1FB60] =	vst v63  }
0x4: {  	v5 =	vadd.s32 $0x3, v23;
	[tilespmem:$0x1FB70] =	vst v4  }
0x5: {  	v6 =	vadd.s32 $0x4, v23;
	[tilespmem:$0x1FB80] =	vst v5  }
0x6: {  	v7 =	vadd.s32 $0x5, v23;
	[tilespmem:$0x1FB90] =	vst v6  }
0x7: {  	s0 =	srdreg.scid;
	v8 =	vadd.s32 $0x6, v23;
	[tilespmem:$0x1FBA0] =	vst v7  }
0x8: {  	s15 =	stileid.u32;
	s3 =	sand.u32 $0x1, s0;
	v9 =	vadd.s32 $0x7, v23;
	[tilespmem:$0x1FBB0] =	vst v8  }
0x9: {  	s28 =	sshrl.u32 s15, $0x2;
	v10 =	vadd.s32 $0x8, v23;
	s1 =	sshll.u32 s3, $0x2;
	[tilespmem:$0x1FBC0] =	vst v9  }
0xa: {  	v11 =	vadd.s32 $0x9, v23;
	[tilespmem:$0x1FBD0] =	vst v10;
	s1 =	sor.u32 s28, s1  }
0xb: {  	s5 =	rddreg [dreg:$0x0];
	v16 =	vadd.s32 $0xA, v23;
	[tilespmem:$0x1FBE0] =	vst v11;
	s4 =	smul.u32 $0x186A, s1  }
0xc: {  	s17 =	rddreg [dreg:$0x2];
	v0 =	vmul.u32 $0xFFFFFFFF, v23;
	v17 =	vadd.s32 $0xB, v23;
	[tilespmem:$0x1FBF0] =	vst v16  }
0xd: {  	s18 =	rddreg [dreg:$0x3];
	s6 =	simm.s32 $0x0;
	v20 =	vmul.u32 $0x40, v23;
	[tilespmem:$0x1FC00] =	vst v17;
	s1 =	sand.u32 $0xFFF0, s4  }
0xe: {  	[smem:$0x7FF] =	sst s6;
	[tilespmem:$0x1FB50] =	vst v0;
	s2 =	sadd.s32 $0x1800, s1  }
0xf: {  	v11 =	vadd.s32 $0xC, v23;
	v31 =	vadd.s32 s2, v0;
	s2 =	rddreg [dreg:$0x1];
	_ =	strace $0x8000004A;
	[tilespmem:$0x1FC30] =	vst v20  }
0x10: {  	v8 =	vadd.s32 $0xD, v23;
	[tilespmem:$0x1FC40] =	vst v11  }
0x11: {  	v39 =	vadd.s32 $0xE, v23;
	[tilespmem:$0x1FC50] =	vst v8  }
0x12: {  	v7 =	vadd.s32 $0xF, v23;
	[tilespmem:$0x1FC60] =	vst v39  }
0x13: {  	v43 =	vor.u32 $0x10, v23;
	[tilespmem:$0x1FC70] =	vst v7  }
0x14: {  	v44 =	vadd.s32 $0x11, v23;
	[tilespmem:$0x1FC80] =	vst v43  }
0x15: {  	v45 =	vadd.s32 $0x12, v23;
	[tilespmem:$0x1FC90] =	vst v44  }
0x16: {  	v50 =	vadd.s32 $0x13, v23;
	[tilespmem:$0x1FCA0] =	vst v45  }
0x17: {  	v53 =	vadd.s32 $0x14, v23;
	[tilespmem:$0x1FCB0] =	vst v50  }
0x18: {  	v54 =	vadd.s32 $0x15, v23;
	[tilespmem:$0x1FCC0] =	vst v53  }
0x19: {  	v55 =	vadd.s32 $0x16, v23;
	[tilespmem:$0x1FCD0] =	vst v54  }
0x1a: {  	v56 =	vadd.s32 $0x17, v23;
	[tilespmem:$0x1FCE0] =	vst v55  }
0x1b: {  	v24 =	vimm.s32 $0x34333231;
	v1 =	vimm.s32 $0x38373635;
	v57 =	vadd.s32 $0x18, v23;
	[tilespmem:$0x1FCF0] =	vst v56  }
0x1c: {  	v2 =	vimm.s32 $0x3C3B3A39;
	v3 =	vimm.s32 $0x3F3E3D;
	v58 =	vadd.s32 $0x19, v23;
	[tilespmem:$0x1FD00] =	vst v57  }
0x1d: {  	vm0 =	vcmask $0x1F10;
	v25 =	vimm.s32 $0x35343332;
	v13 =	vadd.s32 $0x1A, v23;
	[tilespmem:$0x1FD10] =	vst v58  }
0x1e: {  	v28 =	vimm.s32 $0x36353433;
	v29 =	vimm.s32 $0x3020100;
	v14 =	vadd.s32 $0x1B, v23;
	[tilespmem:$0x1FD20] =	vst v13  }
0x1f: {  	v30 =	vimm.s32 $0x3A393837;
	v32 =	vimm.s32 $0x201003F;
	v15 =	vadd.s32 $0x1C, v23;
	[tilespmem:$0x1FD30] =	vst v14  }
0x20: {  	v33 =	vimm.s32 $0x3F3E3D3C;
	v35 =	vimm.s32 $0x87654321;
	v37 =	vadd.s32 $0x1D, v23;
	[tilespmem:$0x1FD40] =	vst v15  }
0x21: {  	v36 =	vimm.s32 $0x4030201;
	v42 =	vimm.s32 $0x32107654;
	v38 =	vadd.s32 $0x1E, v23;
	[tilespmem:$0x1FD50] =	vst v37  }
0x22: {  	v60 =	vimm.s32 $0x5040302;
	v61 =	vimm.s32 $0x98765432;
	v40 =	vadd.s32 $0x1F, v23;
	[tilespmem:$0x1FD60] =	vst v38  }
0x23: {  	vm1 =	vcmask $0x2F10;
	vm2 =	vcmask $0x3F30;
	v41 =	vor.u32 $0x20, v23;
	[tilespmem:$0x1FD70] =	vst v40  }
0x24: {  	v46 =	vadd.s32 $0x21, v23;
	v47 =	vadd.s32 $0x22, v23;
	v16 =	vunpack.c.0.s8.s32 v1;
	[tilespmem:$0x1FD80] =	vst v41  }
0x25: {  	v48 =	vadd.s32 $0x23, v23;
	v17 =	vunpack.c.0.s8.s32 v2;
	v4 =	vimm.s32 $0x39383736;
	[tilespmem:$0x1FD90] =	vst v46  }
0x26: {  	v2 =	vunpack.c.0.s8.s32 v25;
	v5 =	vimm.s32 $0x3D3C3B3A;
	v6 =	vimm.s32 $0x1003F3E;
	[tilespmem:$0x1FDA0] =	vst v16  }
0x27: {  	v18 =	vunpack.c.0.s8.s32 v4;
	v19 =	vunpack.c.0.s8.s32 v5;
	v27 =	vunpack.c.0.s8.s32 v6;
	[tilespmem:$0x1FDB0] =	vst v17  }
0x28: {  	v21 =	vunpack.c.0.s8.s32 v33;
	v22 =	vunpack.c.0.s8.s32 v30;
	v33 =	vimm.s32 $0xC0B0A09;
	[tilespmem:$0x1FDC0] =	vst v47  }
0x29: {  	v9 =	vimm.s32 $0x37363534;
	v26 =	vsel vm0, v18, v2;
	v2 =	vsel vm0, v27, v19;
	[tilespmem:$0x1FDD0] =	vst v48  }
0x2a: {  	v34 =	vunpack.c.0.s8.s32 v9;
	v9 =	vunpack.c.l.s4.s8 v61;
	v51 =	vcombine.low v26, v2;
	[tilespmem:$0x1FDF0] =	vst v18  }
0x2b: {  	v1 =	vunpack.c.0.s8.s32 v3;
	v25 =	vunpack.c.0.s8.s32 v28;
	v10 =	vimm.s32 $0x3B3A3938;
	[tilespmem:$0x1FE00] =	vst v19  }
0x2c: {  	v10 =	vunpack.c.0.s8.s32 v10;
	v6 =	vunpack.c.l.s4.s8 v35;
	v9 =	vunpack.c.0.s8.s32 v9;
	[tilespmem:$0x1FE10] =	vst v51  }
0x2d: {  	v3 =	vunpack.c.0.s8.s32 v32;
	v63 =	vimm.s32 $0x43218765;
	v4 =	vunpack.c.l.s4.s8 v42;
	[tilespmem:$0x1FE20] =	vst v21  }
0x2e: {  	v6 =	vunpack.c.0.s8.s32 v6;
	v9 =	vand.u32 $0xF, v9;
	v0 =	vunpack.c.0.s8.s32 v24;
	[tilespmem:$0x1FE30] =	vst v10  }
0x2f: {  	v5 =	vunpack.c.0.s8.s32 v29;
	v24 =	vunpack.c.0.s8.s32 v4;
	v61 =	vcombine.low v2, v9;
	[tilespmem:$0x1FE40] =	vst v22  }
0x30: {  	v59 =	vsel vm0, v1, v17;
	v6 =	vand.u32 $0xF, v6;
	[tilespmem:$0x1FE50] =	vst v3;
	v0 =	vsel vm0, v16, v0  }
0x31: {  	v62 =	vand.u32 $0xF, v24;
	v24 =	vadd.s32 $0x24, v23;
	[tilespmem:$0x1FEA0] =	vst v61;
	v49 =	vcombine.low v0, v59  }
0x32: {  	v5 =	vsel vm0, v5, v21;
	v0 =	vsel vm0, v10, v34;
	v59 =	vcombine.low v59, v6;
	[tilespmem:$0x1FEF0] =	vst v24  }
0x33: {  	v29 =	vimm.s32 $0x54329876;
	v52 =	vcombine.low v0, v5;
	v5 =	vunpack.c.0.s8.s32 v36;
	[tilespmem:$0x1FDE0] =	vst v49  }
0x34: {  	v28 =	vimm.s32 $0xB0A0908;
	v30 =	vunpack.c.l.s4.s8 v29;
	v0 =	vunpack.c.0.s8.s32 v60;
	[tilespmem:$0x1FE70] =	vst v59  }
0x35: {  	v26 =	vunpack.c.0.s8.s32 v28;
	v6 =	vunpack.c.l.s4.s8 v63;
	v4 =	vsel vm0, v5, v1;
	[tilespmem:$0x1FE60] =	vst v52  }
0x36: {  	v35 =	vimm.s32 $0x6050403;
	v0 =	vsel vm0, v0, v27;
	v5 =	vsel vm1, v62, v21;
	[tilespmem:$0x1FE80] =	vst v4  }
0x37: {  	v2 =	vunpack.c.0.s8.s32 v30;
	v6 =	vunpack.c.0.s8.s32 v6;
	v62 =	vsel vm2, v26, v5;
	[tilespmem:$0x1FE90] =	vst v0  }
0x38: {  	v30 =	vunpack.c.0.s8.s32 v35;
	v34 =	vimm.s32 $0x6543A987;
	v26 =	vadd.s32 $0x25, v23;
	[tilespmem:$0x1FEB0] =	vst v62  }
0x39: {  	s29 =	simm.s32 $0x1;
	s30 =	simm.s32 $0x3;
	v32 =	vand.u32 $0xF, v6;
	v5 =	vunpack.c.0.s8.s32 v33;
	v33 =	vadd.s32 $0x2E, v23;
	[tilespmem:$0x1FF30] =	vst v26  }
0x3a: {  	s31 =	simm.s32 $0x2;
	s7 =	sadd.s32 $0xC00, s5;
	s8 =	sshll.u32 s15, $0xD;
	v6 =	vunpack.c.l.s4.s8 v34;
	v1 =	vsel vm1, v32, v1;
	v32 =	vadd.s32 $0x2F, v23;
	[tilespmem:$0x1FFF0] =	vst v33  }
0x3b: {  	s19 =	sadd.s32 $0x10, s17;
	s20 =	sadd.s32 $0x10, s18;
	s9 =	sshll.u32 s3, $0x9;
	v28 =	vimm.s32 $0xE0D0C0B;
	v42 =	vand.u32 $0xF, v2;
	v63 =	vsel vm2, v5, v1;
	[tilespmem:$0x1FFE0] =	vst v32  }
0x3c: {  	s10 =	sadd.s32 s8, s5;
	s11 =	ssub.s32 $0x2, s3;
	s21 =	smul.u32 $0x61A8, s3;
	v36 =	vimm.s32 $0xA9876543;
	v60 =	vunpack.c.0.s8.s32 v6;
	v6 =	vsel vm0, v30, v3;
	[tilespmem:$0x1FEC0] =	vst v63  }
0x3d: {  	s16 =	ssub.s32 $0x0, s3;
	s3 =	sshll.u32 s3, $0x11;
	s22 =	smul.u32 $0x186A, s28;
	v34 =	vunpack.c.l.s4.s8 v36;
	v5 =	vunpack.c.0.s8.s32 v28;
	v28 =	vadd.s32 $0x26, v23;
	[tilespmem:$0x1FF20] =	vst v6  }
0x3e: {  	s0 =	sshll.u32 s28, $0x7;
	s5 =	sadd.s32 s9, s5;
	s13 =	sshrl.u32 s11, $0x1;
	v1 =	vsel vm1, v42, v27;
	v27 =	vimm.s32 $0xD0C0B0A;
	v30 =	vadd.s32 $0x27, v23;
	[tilespmem:$0x1FF40] =	vst v28  }
0x3f: {  	s3 =	sadd.s32 s3, s10;
	s11 =	ssub.s32 s11, s13;
	s13 =	sshll.u32 s15, $0x1;
	v42 =	vunpack.c.0.s8.s32 v34;
	v34 =	vadd.s32 $0x29, v23;
	v29 =	vunpack.c.0.s8.s32 v27;
	[tilespmem:$0x1FF50] =	vst v30  }
0x40: {  	s3 =	sadd.s32 $0x187600, s3;
	s0 =	sadd.s32 s0, s5;
	s23 =	sadd.s32 s22, s21;
	v27 =	vadd.s32 $0x2A, v23;
	[tilespmem:$0x1FF70] =	vst v34  }
0x41: {  	s22 =	simm.s32 $0x40;
	s5 =	simm.s32 $0x0;
	s0 =	sadd.s32 $0x1C7600, s0;
	v2 =	vand.u32 $0xF, v60;
	[tilespmem:$0x1FF90] =	vst v27;
	v60 =	vsel vm2, v29, v1;
	v29 =	vadd.s32 $0x2B, v23  }
0x42: {  	s24 =	sadd.s32 $0x186A, s23;
	s4 =	sadd.s32 $0x186A, s4;
	[dreg:$0x5] =	wrdreg s19;
	v35 =	vimm.s32 $0x76543210;
	[tilespmem:$0x1FC10] =	vst v29  }
0x43: {  	s25 =	smax.u32 s11, $0x1;
	s4 =	sand.u32 $0x1FFF0, s4;
	[dreg:$0x6] =	wrdreg s20;
	v1 =	vunpack.c.l.s4.s8 v35;
	v35 =	vsel vm0, v22, v25;
	[tilespmem:$0x1FED0] =	vst v60  }
0x44: {  	p0 =	sne.s32 s13, s16;
	s8 =	sadd.s32 $0xFFFFFF00, s4;
	[dreg:$0x9] =	wrdreg s3;
	v2 =	vsel vm1, v2, v3;
	v25 =	vadd.s32 $0x28, v23;
	[tilespmem:$0x1FF00] =	vst v35  }
0x45: {  	s4 =	sand.u32 $0x3, s15;
	s15 =	sadd.s32 $0x200, s1;
	[dreg:$0xa] =	wrdreg s0;
	v9 =	vsel vm2, v5, v2;
	[tilespmem:$0x1FF60] =	vst v25  }
0x46: {  	[dreg:$0xb] =	wrdreg s25;
	s3 =	sand.u32 $0xFFF0, s23;
	s0 =	sand.u32 $0x1FFF0, s24;
	v36 =	vimm.s32 $0x3E3D3C3B;
	v5 =	vand.u32 $0xF, v42;
	[tilespmem:$0x1FEE0] =	vst v9  }
0x47: {  	s23 =	simm.s32 $0x100;
	s24 =	simm.s32 $0x10400;
	s25 =	simm.s32 $0x18400;
	v2 =	vunpack.c.0.s8.s32 v36;
	v36 =	vadd.s32 $0x2C, v23;
	[tilespmem:$0x1FFA0] =	vst v5  }
0x48: {  	s12 =	smin.u32 s1, s8;
	s9 =	sshll.u32 s4, $0x6;
	s17 =	sadd.s32 $0xFFFFFF00, s0;
	v42 =	vadd.s32 $0x2D, v23;
	[tilespmem:$0x1FFB0] =	vst v36  }
0x49: {  	s26 =	sadd.s32 $0x100, s3;
	[dreg:$0xc] =	wrdreg s3;
	s14 =	sshll.u32 s12, $0x8;
	[tilespmem:$0x1FFC0] =	vst v42  }
0x4a: {  	s28 =	sadd.s32 $0x1800, s3;
	s12 =	sshrl.u32 s12, $0x3;
	s14 =	sor.u32 s9, s14;
	v1 =	vunpack.c.0.s8.s32 v1;
	v29 =	vmov v31;
	[tilespmem:$0x1FF10] =	vst v2  }
0x4b: {  	[dreg:$0xd] =	wrdreg s26;
	s12 =	sadd.s32 s2, s12;
	s14 =	sshrl.u32 s14, $0x3;
	[tilespmem:$0x1FC20] =	vst v29  }
0x4c: {  	p1 =	sne.s32 s4, $0x0;
	[dreg:$0x8] =	wrdreg s12;
	s14 =	sadd.s32 s7, s14;
	v31 =	vor.u32 $0x30, v23;
	[tilespmem:$0x1FF80] =	vst v1  }
0x4d: {  	v12 =	vimm.f32 $0.0e+00;
	s4 =	simm.s32 $0x4;
	s21 =	smin.u32 s17, s28;
	[dreg:$0x7] =	wrdreg s14;
	[tilespmem:$0x1FFD0] =	vst v31  }
.LBB2_1:
0x4e: {  	[dreg:$0xe] =	wrdreg s5;
	s0 =	simm.s32 $0x0  }
.LBB2_2:
0x4f: {  	p2 =	sne.s32 s0, $0x3FF00  }
.Ltmp0:
0x50: {  	s5 =	sshra.s32 s0, $0x2;
	(pc) =	sbr.rel @p2 .LBB2_2-.Ltmp0, $4  }
0x51: {  	[tilespmem:s5+$0x0] =	vst v12  }
0x52: {  	[tilespmem:s5+$0x10] =	vst v12  }
0x53: {  	[tilespmem:s5+$0x20] =	vst v12  }
0x54: {  	s0 =	sadd.s32 $0x100, s0;
	[tilespmem:s5+$0x30] =	vst v12  }
0x55: {  	s0 =	simm.s32 $0x40;
	s5 =	simm.s32 $0x0  }
.LBB2_4:
0x56: {  	p2 =	sne.s32 s0, $0xFC0;
	[tilespmem:s5+$0x10000] =	vst v12;
	s5 =	smov.u32 s0;
	s0 =	sadd.s32 $0x40, s0  }
.Ltmp1:
0x57: {  	(pc) =	sbr.rel @p2 .LBB2_4-.Ltmp1, $2  }
0x58: {  	_ =	sdelay $0x2  }
0x59: {  	s5 =	sshra.s32 s5, $0x2  }
0x5a: {  	s0 =	simm.s32 @!p0 $0x0  }
0x5b: {  	[tilespmem:s5+$0x10000] =	vst v12;
	s5 =	simm.s32 @!p0 $0x18600;
	s3 =	rddreg [dreg:$0x2];
	s10 =	simm.s32 @!p0 $0x6  }
0x5c: {  	[tilespmem:s5], [sflag:$0x6] =	stream.linear.gather @!p0 [hbm4b:s3+s0], $0x80, $0x38;
	[tilespmem:$0x18700] =	vst v63  }
0x5d: {  	_ =	swait.ge @!p0 [sflag:s10], $0x80  }
0x5e: {  	s11 =	simm.s32 @!p0 $0x80;
	[sflag:s10] =	ssyncset.done @!p0 $0x0  }
0x5f: {  	s12 =	simm.s32 @!p0 $0x18680;
	s13 =	simm.s32 @!p0 $0x5;
	[sflag:s10] =	ssyncadd.s32 @!p0 $0xFFFFFF80  }
0x60: {  	[tilespmem:s12], [sflag:$0x5] =	stream.indirect.gather @!p0 [hbm4b:s2+s11], $0x1, s5, s11, $0xb8;
	[tilespmem:$0x18700] =	vst v63  }
0x61: {  	_ =	swait.ge @!p0 [sflag:s13], $0x80  }
0x62: {  	[sflag:s13] =	ssyncset.done @!p0 $0x0  }
0x63: {  	[sflag:s13] =	ssyncadd.s32 @!p0 $0xFFFFFF80  }
0x64: {  	s3 =	rddreg [dreg:$0x3]  }
0x65: {  	[hbm4b:s3+s0] =	stream.linear.scatter @!p0 [tilespmem:s12], [sflag:$0x6], $0x80, $0x38;
	[tilespmem:$0x18700] =	vst v63  }
0x66: {  	_ =	swait.ge @!p0 [sflag:s10], $0x80  }
0x67: {  	[sflag:s10] =	ssyncset.done @!p0 $0x0  }
0x68: {  	s3 =	rddreg [dreg:$0x5];
	[sflag:s10] =	ssyncadd.s32 @!p0 $0xFFFFFF80  }
0x69: {  	[tilespmem:s5], [sflag:$0x6] =	stream.linear.gather @!p0 [hbm4b:s3+s0], $0x80, $0x38;
	[tilespmem:$0x18700] =	vst v63  }
0x6a: {  	_ =	swait.ge @!p0 [sflag:s10], $0x80  }
0x6b: {  	[sflag:s10] =	ssyncset.done @!p0 $0x0  }
0x6c: {  	[sflag:s10] =	ssyncadd.s32 @!p0 $0xFFFFFF80  }
0x6d: {  	[tilespmem:s12], [sflag:$0x5] =	stream.indirect.gather @!p0 [hbm4b:s2+s11], $0x1, s5, s11, $0xb8;
	[tilespmem:$0x18700] =	vst v63  }
0x6e: {  	_ =	swait.ge @!p0 [sflag:s13], $0x80  }
0x6f: {  	[sflag:s13] =	ssyncset.done @!p0 $0x0  }
0x70: {  	s3 =	rddreg [dreg:$0x6];
	[sflag:s13] =	ssyncadd.s32 @!p0 $0xFFFFFF80  }
0x71: {  	[hbm4b:s3+s0] =	stream.linear.scatter @!p0 [tilespmem:s12], [sflag:$0x6], $0x80, $0x38;
	[tilespmem:$0x18700] =	vst v63  }
0x72: {  	_ =	swait.ge @!p0 [sflag:s10], $0x80  }
0x73: {  	s26 =	rddreg [dreg:$0x7]  }
0x74: {  	[sflag:s10] =	ssyncset.done @!p0 $0x0;
	s28 =	rddreg [dreg:$0x8]  }
0x75: {  	s20 =	rddreg [dreg:$0xd];
	[sflag:s10] =	ssyncadd.s32 @!p0 $0xFFFFFF80  }
0x76: {  	[tilespmem:s24], [sflag:$0x1] =	stream.strided.gather [hbm4b:s26+s22], $0x4000, s23, s22, $0x38;
	[tilespmem:$0x18700] =	vst v63  }
0x77: {  	s5 =	simm.s32 $0x0;
	s12 =	simm.s32 $0x0;
	s18 =	rddreg [dreg:$0xc]  }
0x78: {  	[tilespmem:s25], [sflag:$0x3] =	stream.linear.gather [hbm4b:s28+s5], $0x100, $0x38;
	[tilespmem:$0x18700] =	vst v63  }
.LBB2_6:
0x79: {  	s16 =	sshll.u32 s12, $0x9  }
0x7a: {  	s0 =	sadd.s32 s1, s16  }
0x7b: {  	s14 =	sadd.s32 $0x100, s0  }
0x7c: {  	s10 =	smov.u32 s8;
	p2 =	slt.s32 s14, s8  }
0x7d: {  	s10 =	smov.u32 @p2 s14  }
0x7e: {  	s11 =	sshll.u32 s10, $0x8  }
0x7f: {  	s11 =	sor.u32 s9, s11  }
0x80: {  	s11 =	sshrl.u32 s11, $0x3  }
0x81: {  	s3 =	simm.s32 $0x14400;
	s10 =	sshrl.u32 s10, $0x3;
	s11 =	sadd.s32 s7, s11  }
0x82: {  	[tilespmem:s3], [sflag:$0x2] =	stream.strided.gather [hbm4b:s11+s22], $0x4000, s23, s22, $0x38;
	[tilespmem:$0x18700] =	vst v63  }
0x83: {  	s28 =	simm.s32 $0x18500;
	s10 =	sadd.s32 s2, s10  }
0x84: {  	[tilespmem:s28], [sflag:$0x4] =	stream.linear.gather [hbm4b:s10+s5], $0x100, $0x38;
	[tilespmem:$0x18700] =	vst v63  }
0x85: {  	_ =	swait.ge [sflag:s29], $0x4000  }
0x86: {  	[sflag:s29] =	ssyncset.done $0x0  }
0x87: {  	[sflag:s29] =	ssyncadd.s32 $0xFFFFC000  }
0x88: {  	_ =	swait.ge [sflag:s30], $0x100  }
0x89: {  	v0 =	vld [tilespmem:$0x1FB50]  }
0x8a: {  	v9 =	vld [tilespmem:$0x1FB60]  }
0x8b: {  	v10 =	vld [tilespmem:$0x1FB70]  }
0x8c: {  	v11 =	vld [tilespmem:$0x1FB80]  }
0x8d: {  	v12 =	vld [tilespmem:$0x1FB90]  }
0x8e: {  	v13 =	vld [tilespmem:$0x1FBA0]  }
0x8f: {  	v14 =	vld [tilespmem:$0x1FBB0]  }
0x90: {  	v1 =	vld [tilespmem:$0x1FBC0]  }
0x91: {  	v16 =	vld [tilespmem:$0x1FBD0]  }
0x92: {  	v17 =	vld [tilespmem:$0x1FBE0]  }
0x93: {  	v18 =	vld [tilespmem:$0x1FBF0]  }
0x94: {  	v19 =	vld [tilespmem:$0x1FC00]  }
0x95: {  	v21 =	vld [tilespmem:$0x1FC40]  }
0x96: {  	v22 =	vld [tilespmem:$0x1FC50]  }
0x97: {  	v28 =	vld [tilespmem:$0x1FEF0]  }
0x98: {  	v29 =	vld [tilespmem:$0x1FF30]  }
0x99: {  	v30 =	vld [tilespmem:$0x1FF40]  }
0x9a: {  	v31 =	vld [tilespmem:$0x1FF50]  }
0x9b: {  	v32 =	vld [tilespmem:$0x1FF60]  }
0x9c: {  	v33 =	vld [tilespmem:$0x1FF70]  }
0x9d: {  	v34 =	vld [tilespmem:$0x1FF90]  }
0x9e: {  	v35 =	vld [tilespmem:$0x1FC10]  }
0x9f: {  	v36 =	vld [tilespmem:$0x1FFB0]  }
0xa0: {  	p3 =	slt.s32 s18, s17;
	s13 =	smov.u32 s17;
	v39 =	vld [tilespmem:$0x1FFC0]  }
0xa1: {  	s19 =	smov.u32 s17;
	s13 =	smov.u32 @p3 s18;
	p2 =	slt.s32 s20, s17;
	v55 =	vld [tilespmem:$0x1FFD0]  }
0xa2: {  	s19 =	smov.u32 @p2 s20;
	s11 =	simm.s32 $0x18420;
	[sflag:s30] =	ssyncset.done $0x0;
	v56 =	vld [tilespmem:$0x1FFE0];
	v0 =	vadd.s32 s0, v0  }
0xa3: {  	s10 =	simm.s32 $0xFFFFFFFC;
	v58 =	vld [tilespmem:$0x1FFF0];
	[sflag:s30] =	ssyncadd.s32 $0xFFFFFF00;
	s0 =	simm.s32 $0x0;
	[tilespmem:$0x1FB40] =	vst v0  }
.LBB2_7:
0xa4: {  	v0 =	vmov s0;
	v41 =	vld [tilespmem:$0x1FB40]  }
0xa5: {  	v5 =	vld [tilespmem:s11+$0xFFFFFFE0];
	v0 =	vshll.u32 v0, $0x6  }
0xa6: {  	v4 =	vor.u32 v20, v0  }
0xa7: {  	s3 =	sadd.s32 s0, s13;
	v0 =	vor.u32 v23, v4  }
0xa8: {  	v6 =	vmov s3  }
0xa9: {  	vm1 =	vlt.s32 v6, v41  }
0xaa: {  	v2 =	vsel vm1, $0x3E8, v5  }
0xab: {  	v5 =	vshll.u32 v2, $0x6  }
0xac: {  	v43 =	vor.u32 v23, v5;
	v0 =	vld.idx.msk [tilespmem:v0+s24+$0x0], $0xffff  }
0xad: {  	v7 =	vor.u32 v9, v4;
	_ =	sdelay $0x3  }
0xae: {  	[tilespmem:v43+s6+$0x0] =	vst.idx.add.f32.msk $0xffff, v0  }
0xaf: {  	v44 =	vor.u32 v9, v5;
	v0 =	vld.idx.msk [tilespmem:v7+s24+$0x0], $0xffff  }
0xb0: {  	v45 =	vor.u32 v10, v4;
	_ =	sdelay $0x3  }
0xb1: {  	[tilespmem:v44+s6+$0x0] =	vst.idx.add.f32.msk $0xffff, v0  }
0xb2: {  	v46 =	vor.u32 v10, v5;
	v0 =	vld.idx.msk [tilespmem:v45+s24+$0x0], $0xffff  }
0xb3: {  	v47 =	vor.u32 v11, v4;
	_ =	sdelay $0x3  }
0xb4: {  	[tilespmem:v46+s6+$0x0] =	vst.idx.add.f32.msk $0xffff, v0  }
0xb5: {  	v48 =	vor.u32 v11, v5;
	v0 =	vld.idx.msk [tilespmem:v47+s24+$0x0], $0xffff  }
0xb6: {  	v49 =	vor.u32 v12, v4;
	_ =	sdelay $0x3  }
0xb7: {  	[tilespmem:v48+s6+$0x0] =	vst.idx.add.f32.msk $0xffff, v0  }
0xb8: {  	v50 =	vor.u32 v12, v5;
	v0 =	vld.idx.msk [tilespmem:v49+s24+$0x0], $0xffff  }
0xb9: {  	v51 =	vor.u32 v13, v4;
	_ =	sdelay $0x3  }
0xba: {  	[tilespmem:v50+s6+$0x0] =	vst.idx.add.f32.msk $0xffff, v0  }
0xbb: {  	v52 =	vor.u32 v13, v5;
	v0 =	vld.idx.msk [tilespmem:v51+s24+$0x0], $0xffff  }
0xbc: {  	v53 =	vor.u32 v14, v4;
	_ =	sdelay $0x3  }
0xbd: {  	[tilespmem:v52+s6+$0x0] =	vst.idx.add.f32.msk $0xffff, v0  }
0xbe: {  	v54 =	vor.u32 v14, v5;
	v0 =	vld.idx.msk [tilespmem:v53+s24+$0x0], $0xffff  }
0xbf: {  	v57 =	vor.u32 v1, v4;
	_ =	sdelay $0x3  }
0xc0: {  	[tilespmem:v54+s6+$0x0] =	vst.idx.add.f32.msk $0xffff, v0  }
0xc1: {  	v59 =	vor.u32 v1, v5;
	v0 =	vld.idx.msk [tilespmem:v57+s24+$0x0], $0xffff  }
0xc2: {  	v60 =	vor.u32 v16, v4;
	_ =	sdelay $0x3  }
0xc3: {  	[tilespmem:v59+s6+$0x0] =	vst.idx.add.f32.msk $0xffff, v0  }
0xc4: {  	v61 =	vor.u32 v16, v5;
	v0 =	vld.idx.msk [tilespmem:v60+s24+$0x0], $0xffff  }
0xc5: {  	v62 =	vor.u32 v17, v4;
	_ =	sdelay $0x3  }
0xc6: {  	[tilespmem:v61+s6+$0x0] =	vst.idx.add.f32.msk $0xffff, v0  }
0xc7: {  	v63 =	vor.u32 v17, v5;
	v0 =	vld.idx.msk [tilespmem:v62+s24+$0x0], $0xffff  }
0xc8: {  	v24 =	vor.u32 v18, v4;
	_ =	sdelay $0x3  }
0xc9: {  	[tilespmem:v63+s6+$0x0] =	vst.idx.add.f32.msk $0xffff, v0  }
0xca: {  	v25 =	vor.u32 v18, v5;
	v0 =	vld.idx.msk [tilespmem:v24+s24+$0x0], $0xffff  }
0xcb: {  	v26 =	vor.u32 v19, v4;
	_ =	sdelay $0x3  }
0xcc: {  	[tilespmem:v25+s6+$0x0] =	vst.idx.add.f32.msk $0xffff, v0  }
0xcd: {  	v37 =	vor.u32 v19, v5;
	v0 =	vld.idx.msk [tilespmem:v26+s24+$0x0], $0xffff  }
0xce: {  	v38 =	vor.u32 v21, v4;
	_ =	sdelay $0x3  }
0xcf: {  	[tilespmem:v37+s6+$0x0] =	vst.idx.add.f32.msk $0xffff, v0  }
0xd0: {  	v40 =	vor.u32 v21, v5;
	v0 =	vld.idx.msk [tilespmem:v38+s24+$0x0], $0xffff  }
0xd1: {  	v42 =	vor.u32 v22, v4  }
0xd2: {  	v46 =	vld [tilespmem:$0x1FC60];
	_ =	sdelay $0x2  }
0xd3: {  	[tilespmem:v40+s6+$0x0] =	vst.idx.add.f32.msk $0xffff, v0  }
0xd4: {  	v43 =	vor.u32 v22, v5;
	v0 =	vld.idx.msk [tilespmem:v42+s24+$0x0], $0xffff  }
0xd5: {  	v47 =	vor.u32 v46, v4  }
0xd6: {  	v1 =	vld [tilespmem:$0x1FC70];
	_ =	sdelay $0x2  }
0xd7: {  	[tilespmem:v43+s6+$0x0] =	vst.idx.add.f32.msk $0xffff, v0  }
0xd8: {  	v48 =	vor.u32 v46, v5;
	v0 =	vld.idx.msk [tilespmem:v47+s24+$0x0], $0xffff  }
0xd9: {  	v49 =	vor.u32 v1, v4;
	v1 =	vld [tilespmem:$0x1FC70]  }
0xda: {  	v47 =	vld [tilespmem:$0x1FC80];
	_ =	sdelay $0x2  }
0xdb: {  	[tilespmem:v48+s6+$0x0] =	vst.idx.add.f32.msk $0xffff, v0  }
0xdc: {  	v50 =	vor.u32 v1, v5;
	v0 =	vld.idx.msk [tilespmem:v49+s24+$0x0], $0xffff  }
0xdd: {  	v51 =	vor.u32 v47, v4  }
0xde: {  	v1 =	vld [tilespmem:$0x1FC90];
	_ =	sdelay $0x2  }
0xdf: {  	[tilespmem:v50+s6+$0x0] =	vst.idx.add.f32.msk $0xffff, v0  }
0xe0: {  	v52 =	vor.u32 v47, v5;
	v0 =	vld.idx.msk [tilespmem:v51+s24+$0x0], $0xffff  }
0xe1: {  	v53 =	vor.u32 v1, v4;
	v1 =	vld [tilespmem:$0x1FC90]  }
0xe2: {  	v48 =	vld [tilespmem:$0x1FCA0];
	_ =	sdelay $0x2  }
0xe3: {  	[tilespmem:v52+s6+$0x0] =	vst.idx.add.f32.msk $0xffff, v0  }
0xe4: {  	v54 =	vor.u32 v1, v5;
	v0 =	vld.idx.msk [tilespmem:v53+s24+$0x0], $0xffff  }
0xe5: {  	v57 =	vor.u32 v48, v4  }
0xe6: {  	v1 =	vld [tilespmem:$0x1FCB0];
	_ =	sdelay $0x2  }
0xe7: {  	[tilespmem:v54+s6+$0x0] =	vst.idx.add.f32.msk $0xffff, v0  }
0xe8: {  	v59 =	vor.u32 v48, v5;
	v0 =	vld.idx.msk [tilespmem:v57+s24+$0x0], $0xffff  }
0xe9: {  	v60 =	vor.u32 v1, v4;
	v1 =	vld [tilespmem:$0x1FCB0]  }
0xea: {  	v49 =	vld [tilespmem:$0x1FCC0];
	_ =	sdelay $0x2  }
0xeb: {  	[tilespmem:v59+s6+$0x0] =	vst.idx.add.f32.msk $0xffff, v0  }
0xec: {  	v61 =	vor.u32 v1, v5;
	v0 =	vld.idx.msk [tilespmem:v60+s24+$0x0], $0xffff  }
0xed: {  	v62 =	vor.u32 v49, v4  }
0xee: {  	v1 =	vld [tilespmem:$0x1FCD0];
	_ =	sdelay $0x2  }
0xef: {  	[tilespmem:v61+s6+$0x0] =	vst.idx.add.f32.msk $0xffff, v0  }
0xf0: {  	v63 =	vor.u32 v49, v5;
	v0 =	vld.idx.msk [tilespmem:v62+s24+$0x0], $0xffff  }
0xf1: {  	v24 =	vor.u32 v1, v4;
	v1 =	vld [tilespmem:$0x1FCD0]  }
0xf2: {  	v51 =	vld [tilespmem:$0x1FCE0];
	_ =	sdelay $0x2  }
0xf3: {  	[tilespmem:v63+s6+$0x0] =	vst.idx.add.f32.msk $0xffff, v0  }
0xf4: {  	v25 =	vor.u32 v1, v5;
	v0 =	vld.idx.msk [tilespmem:v24+s24+$0x0], $0xffff  }
0xf5: {  	v26 =	vor.u32 v51, v4  }
0xf6: {  	v1 =	vld [tilespmem:$0x1FCF0];
	_ =	sdelay $0x2  }
0xf7: {  	[tilespmem:v25+s6+$0x0] =	vst.idx.add.f32.msk $0xffff, v0  }
0xf8: {  	v37 =	vor.u32 v51, v5;
	v0 =	vld.idx.msk [tilespmem:v26+s24+$0x0], $0xffff  }
0xf9: {  	v38 =	vor.u32 v1, v4;
	v1 =	vld [tilespmem:$0x1FCF0]  }
0xfa: {  	v52 =	vld [tilespmem:$0x1FD00];
	_ =	sdelay $0x2  }
0xfb: {  	[tilespmem:v37+s6+$0x0] =	vst.idx.add.f32.msk $0xffff, v0  }
0xfc: {  	v40 =	vor.u32 v1, v5;
	v0 =	vld.idx.msk [tilespmem:v38+s24+$0x0], $0xffff  }
0xfd: {  	v42 =	vor.u32 v52, v4  }
0xfe: {  	v1 =	vld [tilespmem:$0x1FD10];
	_ =	sdelay $0x2  }
0xff: {  	[tilespmem:v40+s6+$0x0] =	vst.idx.add.f32.msk $0xffff, v0  }
0x100: {  	v43 =	vor.u32 v52, v5;
	v0 =	vld.idx.msk [tilespmem:v42+s24+$0x0], $0xffff  }
0x101: {  	v44 =	vor.u32 v1, v4;
	v1 =	vld [tilespmem:$0x1FD10]  }
0x102: {  	v59 =	vld [tilespmem:$0x1FD20];
	_ =	sdelay $0x2  }
0x103: {  	[tilespmem:v43+s6+$0x0] =	vst.idx.add.f32.msk $0xffff, v0  }
0x104: {  	v45 =	vor.u32 v1, v5;
	v0 =	vld.idx.msk [tilespmem:v44+s24+$0x0], $0xffff  }
0x105: {  	v50 =	vor.u32 v59, v4  }
0x106: {  	v1 =	vld [tilespmem:$0x1FD30];
	_ =	sdelay $0x2  }
0x107: {  	[tilespmem:v45+s6+$0x0] =	vst.idx.add.f32.msk $0xffff, v0  }
0x108: {  	v53 =	vor.u32 v59, v5;
	v0 =	vld.idx.msk [tilespmem:v50+s24+$0x0], $0xffff  }
0x109: {  	v54 =	vor.u32 v1, v4;
	v1 =	vld [tilespmem:$0x1FD30]  }
0x10a: {  	v61 =	vld [tilespmem:$0x1FD40];
	_ =	sdelay $0x2  }
0x10b: {  	[tilespmem:v53+s6+$0x0] =	vst.idx.add.f32.msk $0xffff, v0  }
0x10c: {  	v57 =	vor.u32 v1, v5;
	v0 =	vld.idx.msk [tilespmem:v54+s24+$0x0], $0xffff  }
0x10d: {  	v24 =	vor.u32 v61, v4  }
0x10e: {  	v1 =	vld [tilespmem:$0x1FD50];
	_ =	sdelay $0x2  }
0x10f: {  	[tilespmem:v57+s6+$0x0] =	vst.idx.add.f32.msk $0xffff, v0  }
0x110: {  	v25 =	vor.u32 v61, v5;
	v0 =	vld.idx.msk [tilespmem:v24+s24+$0x0], $0xffff  }
0x111: {  	v26 =	vor.u32 v1, v4;
	v1 =	vld [tilespmem:$0x1FD50]  }
0x112: {  	v62 =	vld [tilespmem:$0x1FD60];
	_ =	sdelay $0x2  }
0x113: {  	[tilespmem:v25+s6+$0x0] =	vst.idx.add.f32.msk $0xffff, v0  }
0x114: {  	v37 =	vor.u32 v1, v5;
	v0 =	vld.idx.msk [tilespmem:v26+s24+$0x0], $0xffff  }
0x115: {  	v38 =	vor.u32 v62, v4  }
0x116: {  	v1 =	vld [tilespmem:$0x1FD70];
	_ =	sdelay $0x2  }
0x117: {  	[tilespmem:v37+s6+$0x0] =	vst.idx.add.f32.msk $0xffff, v0  }
0x118: {  	v40 =	vor.u32 v62, v5;
	v0 =	vld.idx.msk [tilespmem:v38+s24+$0x0], $0xffff  }
0x119: {  	v42 =	vor.u32 v1, v4;
	v1 =	vld [tilespmem:$0x1FD70]  }
0x11a: {  	v63 =	vld [tilespmem:$0x1FD80];
	_ =	sdelay $0x2  }
0x11b: {  	[tilespmem:v40+s6+$0x0] =	vst.idx.add.f32.msk $0xffff, v0  }
0x11c: {  	v43 =	vor.u32 v1, v5;
	v0 =	vld.idx.msk [tilespmem:v42+s24+$0x0], $0xffff  }
0x11d: {  	v44 =	vor.u32 v63, v4  }
0x11e: {  	v1 =	vld [tilespmem:$0x1FD90];
	_ =	sdelay $0x2  }
0x11f: {  	[tilespmem:v43+s6+$0x0] =	vst.idx.add.f32.msk $0xffff, v0  }
0x120: {  	v45 =	vor.u32 v63, v5;
	v0 =	vld.idx.msk [tilespmem:v44+s24+$0x0], $0xffff  }
0x121: {  	v50 =	vor.u32 v1, v4;
	v1 =	vld [tilespmem:$0x1FD90]  }
0x122: {  	v60 =	vld [tilespmem:$0x1FDC0];
	_ =	sdelay $0x2  }
0x123: {  	[tilespmem:v45+s6+$0x0] =	vst.idx.add.f32.msk $0xffff, v0  }
0x124: {  	v53 =	vor.u32 v1, v5;
	v0 =	vld.idx.msk [tilespmem:v50+s24+$0x0], $0xffff  }
0x125: {  	v54 =	vor.u32 v60, v4  }
0x126: {  	v1 =	vld [tilespmem:$0x1FDD0];
	_ =	sdelay $0x2  }
0x127: {  	[tilespmem:v53+s6+$0x0] =	vst.idx.add.f32.msk $0xffff, v0  }
0x128: {  	v57 =	vor.u32 v60, v5;
	v0 =	vld.idx.msk [tilespmem:v54+s24+$0x0], $0xffff  }
0x129: {  	v24 =	vor.u32 v1, v4;
	v1 =	vld [tilespmem:$0x1FDD0];
	_ =	sdelay $0x3  }
0x12a: {  	[tilespmem:v57+s6+$0x0] =	vst.idx.add.f32.msk $0xffff, v0  }
0x12b: {  	v25 =	vor.u32 v1, v5;
	v0 =	vld.idx.msk [tilespmem:v24+s24+$0x0], $0xffff  }
0x12c: {  	v26 =	vor.u32 v28, v4;
	_ =	sdelay $0x3  }
0x12d: {  	[tilespmem:v25+s6+$0x0] =	vst.idx.add.f32.msk $0xffff, v0  }
0x12e: {  	v37 =	vor.u32 v28, v5;
	v0 =	vld.idx.msk [tilespmem:v26+s24+$0x0], $0xffff  }
0x12f: {  	v38 =	vor.u32 v29, v4;
	_ =	sdelay $0x3  }
0x130: {  	[tilespmem:v37+s6+$0x0] =	vst.idx.add.f32.msk $0xffff, v0  }
0x131: {  	v40 =	vor.u32 v29, v5;
	v0 =	vld.idx.msk [tilespmem:v38+s24+$0x0], $0xffff  }
0x132: {  	v42 =	vor.u32 v30, v4;
	_ =	sdelay $0x3  }
0x133: {  	[tilespmem:v40+s6+$0x0] =	vst.idx.add.f32.msk $0xffff, v0  }
0x134: {  	v43 =	vor.u32 v30, v5;
	v0 =	vld.idx.msk [tilespmem:v42+s24+$0x0], $0xffff  }
0x135: {  	v44 =	vor.u32 v31, v4;
	_ =	sdelay $0x3  }
0x136: {  	[tilespmem:v43+s6+$0x0] =	vst.idx.add.f32.msk $0xffff, v0  }
0x137: {  	v45 =	vor.u32 v31, v5;
	v0 =	vld.idx.msk [tilespmem:v44+s24+$0x0], $0xffff  }
0x138: {  	v50 =	vor.u32 v32, v4;
	_ =	sdelay $0x3  }
0x139: {  	[tilespmem:v45+s6+$0x0] =	vst.idx.add.f32.msk $0xffff, v0  }
0x13a: {  	v53 =	vor.u32 v32, v5;
	v0 =	vld.idx.msk [tilespmem:v50+s24+$0x0], $0xffff  }
0x13b: {  	v54 =	vor.u32 v33, v4;
	_ =	sdelay $0x3  }
0x13c: {  	[tilespmem:v53+s6+$0x0] =	vst.idx.add.f32.msk $0xffff, v0  }
0x13d: {  	v57 =	vor.u32 v33, v5;
	v0 =	vld.idx.msk [tilespmem:v54+s24+$0x0], $0xffff  }
0x13e: {  	v24 =	vor.u32 v34, v4;
	_ =	sdelay $0x3  }
0x13f: {  	[tilespmem:v57+s6+$0x0] =	vst.idx.add.f32.msk $0xffff, v0  }
0x140: {  	v25 =	vor.u32 v34, v5;
	v0 =	vld.idx.msk [tilespmem:v24+s24+$0x0], $0xffff  }
0x141: {  	v26 =	vor.u32 v35, v4;
	_ =	sdelay $0x3  }
0x142: {  	[tilespmem:v25+s6+$0x0] =	vst.idx.add.f32.msk $0xffff, v0  }
0x143: {  	v37 =	vor.u32 v35, v5;
	v0 =	vld.idx.msk [tilespmem:v26+s24+$0x0], $0xffff  }
0x144: {  	v38 =	vor.u32 v36, v4;
	_ =	sdelay $0x3  }
0x145: {  	[tilespmem:v37+s6+$0x0] =	vst.idx.add.f32.msk $0xffff, v0  }
0x146: {  	v40 =	vor.u32 v36, v5;
	v0 =	vld.idx.msk [tilespmem:v38+s24+$0x0], $0xffff  }
0x147: {  	v42 =	vor.u32 v39, v4;
	_ =	sdelay $0x3  }
0x148: {  	[tilespmem:v40+s6+$0x0] =	vst.idx.add.f32.msk $0xffff, v0  }
0x149: {  	v43 =	vor.u32 v39, v5;
	v0 =	vld.idx.msk [tilespmem:v42+s24+$0x0], $0xffff  }
0x14a: {  	v44 =	vor.u32 v58, v4;
	_ =	sdelay $0x3  }
0x14b: {  	[tilespmem:v43+s6+$0x0] =	vst.idx.add.f32.msk $0xffff, v0  }
0x14c: {  	v45 =	vor.u32 v58, v5;
	v0 =	vld.idx.msk [tilespmem:v44+s24+$0x0], $0xffff  }
0x14d: {  	v50 =	vor.u32 v56, v4;
	_ =	sdelay $0x3  }
0x14e: {  	[tilespmem:v45+s6+$0x0] =	vst.idx.add.f32.msk $0xffff, v0  }
0x14f: {  	v53 =	vor.u32 v56, v5;
	v0 =	vld.idx.msk [tilespmem:v50+s24+$0x0], $0xffff  }
0x150: {  	v54 =	vor.u32 v55, v4  }
0x151: {  	v24 =	vld [tilespmem:$0x1FDE0];
	_ =	sdelay $0x2  }
0x152: {  	[tilespmem:v53+s6+$0x0] =	vst.idx.add.f32.msk $0xffff, v0  }
0x153: {  	v57 =	vor.u32 v55, v5;
	v0 =	vld.idx.msk [tilespmem:v54+s24+$0x0], $0xffff  }
0x154: {  	v26 =	vor.u32 v24, v4;
	_ =	sdelay $0x1  }
0x155: {  	v1 =	vld [tilespmem:$0x1FE10];
	_ =	sdelay $0x1  }
0x156: {  	[tilespmem:v57+s6+$0x0] =	vst.idx.add.f32.msk $0xffff, v0  }
0x157: {  	v37 =	vor.u32 v24, v5;
	v0 =	vld.idx.msk [tilespmem:v26+s24+$0x0], $0xffff  }
0x158: {  	v11 =	vld [tilespmem:$0x1FF10]  }
0x159: {  	v38 =	vor.u32 v1, v4;
	v1 =	vld [tilespmem:$0x1FE50];
	_ =	sdelay $0x2  }
0x15a: {  	[tilespmem:v37+s6+$0x0] =	vst.idx.add.f32.msk $0xffff, v0  }
0x15b: {  	v0 =	vld [tilespmem:$0x1FF00]  }
0x15c: {  	v8 =	vsel vm0, v1, v11;
	v1 =	vld [tilespmem:$0x1FE10];
	_ =	sdelay $0x3  }
0x15d: {  	v42 =	vcombine.low v0, v8  }
0x15e: {  	v40 =	vor.u32 v1, v5;
	v0 =	vld.idx.msk [tilespmem:v38+s24+$0x0], $0xffff  }
0x15f: {  	v43 =	vor.u32 v42, v4;
	_ =	sdelay $0x3  }
0x160: {  	[tilespmem:v40+s6+$0x0] =	vst.idx.add.f32.msk $0xffff, v0  }
0x161: {  	v44 =	vor.u32 v42, v5;
	v0 =	vld.idx.msk [tilespmem:v43+s24+$0x0], $0xffff  }
0x162: {  	v25 =	vld [tilespmem:$0x1FE60];
	_ =	sdelay $0x1  }
0x163: {  	v3 =	vld [tilespmem:$0x1FDA0]  }
0x164: {  	v1 =	vld [tilespmem:$0x1FDB0]  }
0x165: {  	[tilespmem:v44+s6+$0x0] =	vst.idx.add.f32.msk $0xffff, v0  }
0x166: {  	v45 =	vor.u32 v25, v4;
	v0 =	vld [tilespmem:$0x1FE80];
	_ =	sdelay $0x3  }
0x167: {  	v53 =	vmov v9;
	v9 =	vsel vm0, v1, v3  }
0x168: {  	v50 =	vor.u32 v25, v5;
	v43 =	vcombine.low v9, v0;
	v0 =	vld.idx.msk [tilespmem:v45+s24+$0x0], $0xffff;
	_ =	sdelay $0x2  }
0x169: {  	v1 =	vld [tilespmem:$0x1FDF0]  }
0x16a: {  	v3 =	vld [tilespmem:$0x1FE00]  }
0x16b: {  	[tilespmem:v50+s6+$0x0] =	vst.idx.add.f32.msk $0xffff, v0  }
0x16c: {  	v54 =	vor.u32 v43, v4;
	v0 =	vld [tilespmem:$0x1FE90];
	_ =	sdelay $0x3  }
0x16d: {  	v9 =	vsel vm0, v3, v1  }
0x16e: {  	v57 =	vor.u32 v43, v5;
	v44 =	vcombine.low v9, v0;
	v0 =	vld.idx.msk [tilespmem:v54+s24+$0x0], $0xffff;
	_ =	sdelay $0x3  }
0x16f: {  	v1 =	vld [tilespmem:$0x1FE40]  }
0x170: {  	[tilespmem:v57+s6+$0x0] =	vst.idx.add.f32.msk $0xffff, v0  }
0x171: {  	v26 =	vor.u32 v44, v4;
	v0 =	vld [tilespmem:$0x1FF20];
	_ =	sdelay $0x3  }
0x172: {  	v9 =	vsel vm0, v11, v1  }
0x173: {  	v37 =	vor.u32 v44, v5;
	v45 =	vcombine.low v9, v0;
	v0 =	vld.idx.msk [tilespmem:v26+s24+$0x0], $0xffff;
	_ =	sdelay $0x2  }
0x174: {  	v1 =	vld [tilespmem:$0x1FE20]  }
0x175: {  	v3 =	vld [tilespmem:$0x1FE30]  }
0x176: {  	[tilespmem:v37+s6+$0x0] =	vst.idx.add.f32.msk $0xffff, v0  }
0x177: {  	v0 =	vld [tilespmem:$0x1FF80]  }
0x178: {  	v38 =	vor.u32 v45, v4;
	_ =	sdelay $0x2  }
0x179: {  	v9 =	vsel vm0, v1, v3  }
0x17a: {  	v50 =	vcombine.low v9, v0  }
0x17b: {  	v40 =	vor.u32 v45, v5;
	v0 =	vld.idx.msk [tilespmem:v38+s24+$0x0], $0xffff  }
0x17c: {  	v54 =	vor.u32 v50, v4  }
0x17d: {  	v1 =	vld [tilespmem:$0x1FE70];
	_ =	sdelay $0x2  }
0x17e: {  	[tilespmem:v40+s6+$0x0] =	vst.idx.add.f32.msk $0xffff, v0  }
0x17f: {  	v57 =	vor.u32 v50, v5;
	v0 =	vld.idx.msk [tilespmem:v54+s24+$0x0], $0xffff  }
0x180: {  	v26 =	vor.u32 v1, v4;
	v1 =	vld [tilespmem:$0x1FE70];
	_ =	sdelay $0x3  }
0x181: {  	[tilespmem:v57+s6+$0x0] =	vst.idx.add.f32.msk $0xffff, v0  }
0x182: {  	v37 =	vor.u32 v1, v5;
	v0 =	vld.idx.msk [tilespmem:v26+s24+$0x0], $0xffff;
	_ =	sdelay $0x1  }
0x183: {  	v26 =	vld [tilespmem:$0x1FEA0];
	_ =	sdelay $0x2  }
0x184: {  	[tilespmem:v37+s6+$0x0] =	vst.idx.add.f32.msk $0xffff, v0  }
0x185: {  	v0 =	vld [tilespmem:$0x1FFA0]  }
0x186: {  	v38 =	vor.u32 v26, v4;
	_ =	sdelay $0x3  }
0x187: {  	v54 =	vcombine.low v8, v0  }
0x188: {  	v40 =	vor.u32 v26, v5;
	v6 =	vld.idx.msk [tilespmem:v38+s24+$0x0], $0xffff  }
0x189: {  	v8 =	vor.u32 v54, v4  }
0x18a: {  	v0 =	vld [tilespmem:$0x1FEB0];
	_ =	sdelay $0x2  }
0x18b: {  	[tilespmem:v40+s6+$0x0] =	vst.idx.add.f32.msk $0xffff, v6  }
0x18c: {  	v57 =	vor.u32 v54, v5;
	v6 =	vld.idx.msk [tilespmem:v8+s24+$0x0], $0xffff  }
0x18d: {  	v8 =	vor.u32 v0, v4;
	v0 =	vld [tilespmem:$0x1FEB0]  }
0x18e: {  	v27 =	vld [tilespmem:$0x1FEC0];
	_ =	sdelay $0x2  }
0x18f: {  	[tilespmem:v57+s6+$0x0] =	vst.idx.add.f32.msk $0xffff, v6  }
0x190: {  	v37 =	vor.u32 v0, v5;
	v6 =	vld.idx.msk [tilespmem:v8+s24+$0x0], $0xffff  }
0x191: {  	s28 =	sadd.s32 $0x10, s0;
	v0 =	vld [tilespmem:$0x1FED0];
	v8 =	vor.u32 v27, v4  }
0x192: {  	v9 =	vmov s28  }
0x193: {  	s26 =	sadd.s32 $0x20, s0;
	v11 =	vld [tilespmem:s11+$0xFFFFFFF0];
	v9 =	vshll.u32 v9, $0x6  }
0x194: {  	s3 =	sadd.s32 s13, s28;
	v15 =	vld [tilespmem:s11+$0x0];
	v12 =	vor.u32 v27, v5;
	s28 =	sadd.s32 $0x30, s0;
	v7 =	vor.u32 v20, v9;
	v38 =	vmov s26  }
0x195: {  	v9 =	vor.u32 v23, v7;
	v40 =	vmov s28;
	[tilespmem:v37+s6+$0x0] =	vst.idx.add.f32.msk $0xffff, v6;
	v6 =	vshll.u32 v38, $0x6  }
0x196: {  	v14 =	vor.u32 v0, v4;
	v0 =	vmovc v10;
	v16 =	vld.idx.msk [tilespmem:v8+s24+$0x0], $0xffff;
	v8 =	vmov s3;
	v10 =	vor.u32 v20, v6  }
0x197: {  	v3 =	vmovc v17;
	s26 =	sadd.s32 s13, s26;
	v37 =	vmovc v18;
	v18 =	vld [tilespmem:s11+$0x10];
	vm1 =	vlt.s32 v8, v41;
	v17 =	vor.u32 v23, v10;
	v8 =	vshll.u32 v40, $0x6  }
0x198: {  	v57 =	vmovc v13;
	v38 =	vmovc v19;
	v19 =	vmov s26;
	v6 =	vsel vm1, $0x3E8, v11;
	v13 =	vor.u32 v20, v8  }
0x199: {  	s28 =	sadd.s32 s13, s28;
	vm1 =	vlt.s32 v19, v41;
	v11 =	vshll.u32 v6, $0x6;
	v19 =	vor.u32 v23, v13  }
0x19a: {  	v40 =	vmovc v21;
	v20 =	vld.idx.msk [tilespmem:v9+s24+$0x0], $0xffff;
	v9 =	vmov s28;
	v8 =	vsel vm1, $0x3E8, v15;
	v21 =	vor.u32 v23, v11  }
0x19b: {  	vm1 =	vlt.s32 v9, v41;
	[tilespmem:v12+s6+$0x0] =	vst.idx.add.f32.msk $0xffff, v16;
	v16 =	vor.u32 v53, v7;
	v12 =	vshll.u32 v8, $0x6  }
0x19c: {  	v9 =	vsel vm1, $0x3E8, v18;
	v17 =	vld.idx.msk [tilespmem:v17+s24+$0x0], $0xffff;
	v15 =	vor.u32 v23, v12  }
0x19d: {  	v41 =	vmovc v22;
	v22 =	vor.u32 v53, v10;
	v18 =	vld.idx.msk [tilespmem:v14+s24+$0x0], $0xffff;
	v14 =	vshll.u32 v9, $0x6;
	v23 =	vlaneseq.u32  }
0x19e: {  	v23 =	vor.u32 v23, v14;
	v19 =	vld.idx.msk [tilespmem:v19+s24+$0x0], $0xffff  }
0x19f: {  	[tilespmem:v21+s6+$0x0] =	vst.idx.add.f32.msk $0xffff, v20;
	v20 =	vor.u32 v53, v13  }
0x1a0: {  	v21 =	vor.u32 v53, v11;
	v16 =	vld.idx.msk [tilespmem:v16+s24+$0x0], $0xffff  }
0x1a1: {  	[tilespmem:v15+s6+$0x0] =	vst.idx.add.f32.msk $0xffff, v17;
	v15 =	vor.u32 v0, v7  }
0x1a2: {  	v17 =	vld.idx.msk [tilespmem:v22+s24+$0x0], $0xffff;
	v22 =	vor.u32 v53, v12  }
0x1a3: {  	[tilespmem:v23+s6+$0x0] =	vst.idx.add.f32.msk $0xffff, v19  }
0x1a4: {  	v19 =	vor.u32 v0, v10;
	v20 =	vld.idx.msk [tilespmem:v20+s24+$0x0], $0xffff  }
0x1a5: {  	v23 =	vor.u32 v53, v14;
	[tilespmem:v21+s6+$0x0] =	vst.idx.add.f32.msk $0xffff, v16  }
0x1a6: {  	v15 =	vld.idx.msk [tilespmem:v15+s24+$0x0], $0xffff  }
0x1a7: {  	v16 =	vor.u32 v0, v13;
	[tilespmem:v22+s6+$0x0] =	vst.idx.add.f32.msk $0xffff, v17  }
0x1a8: {  	v21 =	vor.u32 v0, v11;
	v17 =	vld [tilespmem:$0x1FB80]  }
0x1a9: {  	v19 =	vld.idx.msk [tilespmem:v19+s24+$0x0], $0xffff  }
0x1aa: {  	[tilespmem:v23+s6+$0x0] =	vst.idx.add.f32.msk $0xffff, v20  }
0x1ab: {  	v22 =	vor.u32 v0, v12;
	v20 =	vld [tilespmem:$0x1FB80]  }
0x1ac: {  	v16 =	vld.idx.msk [tilespmem:v16+s24+$0x0], $0xffff  }
0x1ad: {  	[tilespmem:v21+s6+$0x0] =	vst.idx.add.f32.msk $0xffff, v15  }
0x1ae: {  	v23 =	vor.u32 v0, v14;
	v15 =	vld [tilespmem:$0x1FB80]  }
0x1af: {  	v21 =	vld [tilespmem:$0x1FB80];
	v17 =	vor.u32 v17, v7  }
0x1b0: {  	[tilespmem:v22+s6+$0x0] =	vst.idx.add.f32.msk $0xffff, v19  }
0x1b1: {  	v19 =	vld [tilespmem:$0x1FB90]  }
0x1b2: {  	v22 =	vld [tilespmem:$0x1FB80];
	v20 =	vor.u32 v20, v10  }
0x1b3: {  	[tilespmem:v23+s6+$0x0] =	vst.idx.add.f32.msk $0xffff, v16;
	v15 =	vor.u32 v15, v13  }
0x1b4: {  	v21 =	vor.u32 v21, v11;
	v17 =	vld.idx.msk [tilespmem:v17+s24+$0x0], $0xffff  }
0x1b5: {  	v23 =	vld [tilespmem:$0x1FB80]  }
0x1b6: {  	v16 =	vld [tilespmem:$0x1FB90]  }
0x1b7: {  	v22 =	vor.u32 v22, v12;
	v20 =	vld.idx.msk [tilespmem:v20+s24+$0x0], $0xffff  }
0x1b8: {  	v15 =	vld.idx.msk [tilespmem:v15+s24+$0x0], $0xffff  }
0x1b9: {  	v19 =	vor.u32 v19, v7;
	[tilespmem:v21+s6+$0x0] =	vst.idx.add.f32.msk $0xffff, v17  }
0x1ba: {  	v23 =	vor.u32 v23, v14;
	v17 =	vld [tilespmem:$0x1FB90]  }
0x1bb: {  	v21 =	vld [tilespmem:$0x1FB90]  }
0x1bc: {  	[tilespmem:v22+s6+$0x0] =	vst.idx.add.f32.msk $0xffff, v20  }
0x1bd: {  	v16 =	vor.u32 v16, v10;
	v22 =	vld [tilespmem:$0x1FB90]  }
0x1be: {  	v19 =	vld.idx.msk [tilespmem:v19+s24+$0x0], $0xffff  }
0x1bf: {  	[tilespmem:v23+s6+$0x0] =	vst.idx.add.f32.msk $0xffff, v15;
	v17 =	vor.u32 v17, v13  }
0x1c0: {  	v23 =	vld [tilespmem:$0x1FB90];
	v21 =	vor.u32 v21, v11  }
0x1c1: {  	v20 =	vor.u32 v57, v7  }
0x1c2: {  	v16 =	vld.idx.msk [tilespmem:v16+s24+$0x0], $0xffff;
	v22 =	vor.u32 v22, v12  }
0x1c3: {  	v1 =	vld [tilespmem:$0x1FBC0]  }
0x1c4: {  	v15 =	vor.u32 v57, v10;
	v17 =	vld.idx.msk [tilespmem:v17+s24+$0x0], $0xffff  }
0x1c5: {  	v23 =	vor.u32 v23, v14;
	[tilespmem:v21+s6+$0x0] =	vst.idx.add.f32.msk $0xffff, v19  }
0x1c6: {  	v19 =	vor.u32 v57, v13;
	v20 =	vld.idx.msk [tilespmem:v20+s24+$0x0], $0xffff  }
0x1c7: {  	v21 =	vor.u32 v57, v11;
	[tilespmem:v22+s6+$0x0] =	vst.idx.add.f32.msk $0xffff, v16  }
0x1c8: {  	v16 =	vld [tilespmem:$0x1FBB0]  }
0x1c9: {  	v22 =	vor.u32 v57, v12;
	v15 =	vld.idx.msk [tilespmem:v15+s24+$0x0], $0xffff  }
0x1ca: {  	[tilespmem:v23+s6+$0x0] =	vst.idx.add.f32.msk $0xffff, v17  }
0x1cb: {  	v19 =	vld.idx.msk [tilespmem:v19+s24+$0x0], $0xffff  }
0x1cc: {  	[tilespmem:v21+s6+$0x0] =	vst.idx.add.f32.msk $0xffff, v20  }
0x1cd: {  	v23 =	vor.u32 v57, v14;
	v21 =	vld [tilespmem:$0x1FBB0]  }
0x1ce: {  	v16 =	vor.u32 v16, v7;
	[tilespmem:v22+s6+$0x0] =	vst.idx.add.f32.msk $0xffff, v15  }
0x1cf: {  	v15 =	vor.u32 v1, v7;
	v1 =	vld [tilespmem:$0x1FBC0];
	_ =	sdelay $0x1  }
0x1d0: {  	v17 =	vld [tilespmem:$0x1FBB0]  }
0x1d1: {  	[tilespmem:v23+s6+$0x0] =	vst.idx.add.f32.msk $0xffff, v19  }
0x1d2: {  	v21 =	vor.u32 v21, v11;
	v16 =	vld.idx.msk [tilespmem:v16+s24+$0x0], $0xffff  }
0x1d3: {  	v19 =	vor.u32 v1, v10;
	v1 =	vld [tilespmem:$0x1FBC0];
	_ =	sdelay $0x2  }
0x1d4: {  	v22 =	vld [tilespmem:$0x1FBB0]  }
0x1d5: {  	v17 =	vor.u32 v17, v10;
	[tilespmem:v21+s6+$0x0] =	vst.idx.add.f32.msk $0xffff, v16  }
0x1d6: {  	v16 =	vor.u32 v1, v13;
	v1 =	vld [tilespmem:$0x1FBC0];
	_ =	sdelay $0x2  }
0x1d7: {  	v20 =	vld [tilespmem:$0x1FBB0]  }
0x1d8: {  	v22 =	vor.u32 v22, v12;
	v17 =	vld.idx.msk [tilespmem:v17+s24+$0x0], $0xffff  }
0x1d9: {  	v21 =	vor.u32 v1, v11;
	v1 =	vld [tilespmem:$0x1FBD0];
	_ =	sdelay $0x2  }
0x1da: {  	v23 =	vld [tilespmem:$0x1FBB0]  }
0x1db: {  	v20 =	vor.u32 v20, v13;
	[tilespmem:v22+s6+$0x0] =	vst.idx.add.f32.msk $0xffff, v17  }
0x1dc: {  	v17 =	vor.u32 v1, v7;
	v1 =	vld [tilespmem:$0x1FBC0];
	_ =	sdelay $0x3  }
0x1dd: {  	v20 =	vld.idx.msk [tilespmem:v20+s24+$0x0], $0xffff;
	v23 =	vor.u32 v23, v14  }
0x1de: {  	v22 =	vor.u32 v1, v12;
	v1 =	vld [tilespmem:$0x1FBD0];
	_ =	sdelay $0x3  }
0x1df: {  	[tilespmem:v23+s6+$0x0] =	vst.idx.add.f32.msk $0xffff, v20  }
0x1e0: {  	v20 =	vor.u32 v1, v10;
	v1 =	vld [tilespmem:$0x1FBC0];
	_ =	sdelay $0x3  }
0x1e1: {  	v15 =	vld.idx.msk [tilespmem:v15+s24+$0x0], $0xffff  }
0x1e2: {  	v23 =	vor.u32 v1, v14;
	v1 =	vld [tilespmem:$0x1FBD0];
	_ =	sdelay $0x3  }
0x1e3: {  	[tilespmem:v21+s6+$0x0] =	vst.idx.add.f32.msk $0xffff, v15  }
0x1e4: {  	v15 =	vor.u32 v1, v13;
	v1 =	vld [tilespmem:$0x1FBD0];
	_ =	sdelay $0x3  }
0x1e5: {  	v19 =	vld.idx.msk [tilespmem:v19+s24+$0x0], $0xffff  }
0x1e6: {  	v21 =	vor.u32 v1, v11;
	v1 =	vld [tilespmem:$0x1FBD0];
	_ =	sdelay $0x2  }
0x1e7: {  	v16 =	vld.idx.msk [tilespmem:v16+s24+$0x0], $0xffff  }
0x1e8: {  	[tilespmem:v22+s6+$0x0] =	vst.idx.add.f32.msk $0xffff, v19  }
0x1e9: {  	v22 =	vor.u32 v1, v12;
	v1 =	vld [tilespmem:$0x1FBD0]  }
0x1ea: {  	v17 =	vld.idx.msk [tilespmem:v17+s24+$0x0], $0xffff  }
0x1eb: {  	v19 =	vor.u32 v3, v7  }
0x1ec: {  	v20 =	vld.idx.msk [tilespmem:v20+s24+$0x0], $0xffff  }
0x1ed: {  	[tilespmem:v23+s6+$0x0] =	vst.idx.add.f32.msk $0xffff, v16;
	v16 =	vor.u32 v3, v10  }
0x1ee: {  	v15 =	vld.idx.msk [tilespmem:v15+s24+$0x0], $0xffff;
	v23 =	vor.u32 v1, v14  }
0x1ef: {  	[tilespmem:v21+s6+$0x0] =	vst.idx.add.f32.msk $0xffff, v17;
	v17 =	vor.u32 v3, v13  }
0x1f0: {  	v21 =	vor.u32 v3, v11;
	v19 =	vld.idx.msk [tilespmem:v19+s24+$0x0], $0xffff  }
0x1f1: {  	[tilespmem:v22+s6+$0x0] =	vst.idx.add.f32.msk $0xffff, v20;
	v20 =	vor.u32 v37, v7  }
0x1f2: {  	v22 =	vor.u32 v3, v12;
	v16 =	vld.idx.msk [tilespmem:v16+s24+$0x0], $0xffff  }
0x1f3: {  	[tilespmem:v23+s6+$0x0] =	vst.idx.add.f32.msk $0xffff, v15;
	v15 =	vor.u32 v37, v10  }
0x1f4: {  	v23 =	vor.u32 v3, v14;
	v17 =	vld.idx.msk [tilespmem:v17+s24+$0x0], $0xffff  }
0x1f5: {  	[tilespmem:v21+s6+$0x0] =	vst.idx.add.f32.msk $0xffff, v19;
	v19 =	vor.u32 v37, v13  }
0x1f6: {  	v21 =	vor.u32 v37, v11;
	v20 =	vld.idx.msk [tilespmem:v20+s24+$0x0], $0xffff  }
0x1f7: {  	[tilespmem:v22+s6+$0x0] =	vst.idx.add.f32.msk $0xffff, v16;
	v16 =	vor.u32 v38, v7  }
0x1f8: {  	v22 =	vor.u32 v37, v12;
	v15 =	vld.idx.msk [tilespmem:v15+s24+$0x0], $0xffff  }
0x1f9: {  	[tilespmem:v23+s6+$0x0] =	vst.idx.add.f32.msk $0xffff, v17;
	v17 =	vor.u32 v38, v10  }
0x1fa: {  	v23 =	vor.u32 v37, v14;
	v19 =	vld.idx.msk [tilespmem:v19+s24+$0x0], $0xffff  }
0x1fb: {  	[tilespmem:v21+s6+$0x0] =	vst.idx.add.f32.msk $0xffff, v20;
	v20 =	vor.u32 v38, v13  }
0x1fc: {  	v21 =	vor.u32 v38, v11;
	v16 =	vld.idx.msk [tilespmem:v16+s24+$0x0], $0xffff  }
0x1fd: {  	[tilespmem:v22+s6+$0x0] =	vst.idx.add.f32.msk $0xffff, v15;
	v15 =	vor.u32 v40, v7  }
0x1fe: {  	v22 =	vor.u32 v38, v12;
	v17 =	vld.idx.msk [tilespmem:v17+s24+$0x0], $0xffff  }
0x1ff: {  	[tilespmem:v23+s6+$0x0] =	vst.idx.add.f32.msk $0xffff, v19;
	v19 =	vor.u32 v40, v10  }
0x200: {  	v23 =	vor.u32 v38, v14;
	v20 =	vld.idx.msk [tilespmem:v20+s24+$0x0], $0xffff  }
0x201: {  	[tilespmem:v21+s6+$0x0] =	vst.idx.add.f32.msk $0xffff, v16;
	v16 =	vor.u32 v40, v13  }
0x202: {  	v21 =	vor.u32 v40, v11;
	v15 =	vld.idx.msk [tilespmem:v15+s24+$0x0], $0xffff  }
0x203: {  	[tilespmem:v22+s6+$0x0] =	vst.idx.add.f32.msk $0xffff, v17;
	v17 =	vor.u32 v41, v7  }
0x204: {  	v22 =	vor.u32 v40, v12;
	v19 =	vld.idx.msk [tilespmem:v19+s24+$0x0], $0xffff  }
0x205: {  	[tilespmem:v23+s6+$0x0] =	vst.idx.add.f32.msk $0xffff, v20;
	v20 =	vor.u32 v41, v10  }
0x206: {  	v23 =	vor.u32 v40, v14;
	v16 =	vld.idx.msk [tilespmem:v16+s24+$0x0], $0xffff  }
0x207: {  	[tilespmem:v21+s6+$0x0] =	vst.idx.add.f32.msk $0xffff, v15;
	v15 =	vor.u32 v41, v13  }
0x208: {  	v17 =	vld.idx.msk [tilespmem:v17+s24+$0x0], $0xffff  }
0x209: {  	v21 =	vor.u32 v41, v11;
	[tilespmem:v22+s6+$0x0] =	vst.idx.add.f32.msk $0xffff, v19  }
0x20a: {  	v22 =	vor.u32 v41, v12;
	v20 =	vld.idx.msk [tilespmem:v20+s24+$0x0], $0xffff  }
0x20b: {  	[tilespmem:v23+s6+$0x0] =	vst.idx.add.f32.msk $0xffff, v16  }
0x20c: {  	v23 =	vor.u32 v41, v14;
	v15 =	vld.idx.msk [tilespmem:v15+s24+$0x0], $0xffff;
	_ =	sdelay $0x1  }
0x20d: {  	v19 =	vor.u32 v46, v7;
	[tilespmem:v21+s6+$0x0] =	vst.idx.add.f32.msk $0xffff, v17  }
0x20e: {  	[tilespmem:v22+s6+$0x0] =	vst.idx.add.f32.msk $0xffff, v20  }
0x20f: {  	v20 =	vld [tilespmem:$0x1FC70]  }
0x210: {  	v16 =	vor.u32 v46, v10;
	[tilespmem:v23+s6+$0x0] =	vst.idx.add.f32.msk $0xffff, v15  }
0x211: {  	v15 =	vld [tilespmem:$0x1FC70]  }
0x212: {  	v17 =	vor.u32 v46, v13;
	v19 =	vld.idx.msk [tilespmem:v19+s24+$0x0], $0xffff  }
0x213: {  	v21 =	vor.u32 v46, v11;
	v22 =	vor.u32 v46, v12;
	v23 =	vor.u32 v46, v14;
	v46 =	vld [tilespmem:$0x1FC70]  }
0x214: {  	v20 =	vor.u32 v20, v7  }
0x215: {  	v16 =	vld.idx.msk [tilespmem:v16+s24+$0x0], $0xffff  }
0x216: {  	v15 =	vor.u32 v15, v10  }
0x217: {  	v17 =	vld.idx.msk [tilespmem:v17+s24+$0x0], $0xffff  }
0x218: {  	[tilespmem:v21+s6+$0x0] =	vst.idx.add.f32.msk $0xffff, v19;
	v19 =	vor.u32 v46, v13  }
0x219: {  	v21 =	vor.u32 v46, v11;
	v20 =	vld.idx.msk [tilespmem:v20+s24+$0x0], $0xffff  }
0x21a: {  	[tilespmem:v22+s6+$0x0] =	vst.idx.add.f32.msk $0xffff, v16;
	v16 =	vor.u32 v47, v7  }
0x21b: {  	v22 =	vor.u32 v46, v12;
	v15 =	vld.idx.msk [tilespmem:v15+s24+$0x0], $0xffff  }
0x21c: {  	[tilespmem:v23+s6+$0x0] =	vst.idx.add.f32.msk $0xffff, v17  }
0x21d: {  	v23 =	vor.u32 v46, v14;
	v19 =	vld.idx.msk [tilespmem:v19+s24+$0x0], $0xffff  }
0x21e: {  	[tilespmem:v21+s6+$0x0] =	vst.idx.add.f32.msk $0xffff, v20  }
0x21f: {  	v16 =	vld.idx.msk [tilespmem:v16+s24+$0x0], $0xffff  }
0x220: {  	[tilespmem:v22+s6+$0x0] =	vst.idx.add.f32.msk $0xffff, v15  }
0x221: {  	v20 =	vor.u32 v47, v13;
	v15 =	vld [tilespmem:$0x1FC90]  }
0x222: {  	v17 =	vor.u32 v47, v10;
	[tilespmem:v23+s6+$0x0] =	vst.idx.add.f32.msk $0xffff, v19  }
0x223: {  	v21 =	vor.u32 v47, v11;
	v22 =	vor.u32 v47, v12;
	v23 =	vor.u32 v47, v14;
	v47 =	vld [tilespmem:$0x1FC90];
	_ =	sdelay $0x1  }
0x224: {  	v19 =	vld [tilespmem:$0x1FC90]  }
0x225: {  	v20 =	vld.idx.msk [tilespmem:v20+s24+$0x0], $0xffff  }
0x226: {  	v15 =	vor.u32 v15, v7  }
0x227: {  	[tilespmem:v21+s6+$0x0] =	vst.idx.add.f32.msk $0xffff, v16;
	v16 =	vor.u32 v47, v13  }
0x228: {  	v17 =	vld.idx.msk [tilespmem:v17+s24+$0x0], $0xffff  }
0x229: {  	v19 =	vor.u32 v19, v10  }
0x22a: {  	[tilespmem:v23+s6+$0x0] =	vst.idx.add.f32.msk $0xffff, v20  }
0x22b: {  	v21 =	vor.u32 v47, v11;
	v15 =	vld.idx.msk [tilespmem:v15+s24+$0x0], $0xffff  }
0x22c: {  	v23 =	vor.u32 v47, v14;
	v16 =	vld.idx.msk [tilespmem:v16+s24+$0x0], $0xffff  }
0x22d: {  	[tilespmem:v22+s6+$0x0] =	vst.idx.add.f32.msk $0xffff, v17  }
0x22e: {  	v22 =	vor.u32 v47, v12;
	v19 =	vld.idx.msk [tilespmem:v19+s24+$0x0], $0xffff  }
0x22f: {  	v46 =	vld [tilespmem:$0x1FCB0];
	v17 =	vor.u32 v48, v7  }
0x230: {  	[tilespmem:v21+s6+$0x0] =	vst.idx.add.f32.msk $0xffff, v15  }
0x231: {  	v20 =	vor.u32 v48, v10;
	[tilespmem:v23+s6+$0x0] =	vst.idx.add.f32.msk $0xffff, v16  }
0x232: {  	v16 =	vld [tilespmem:$0x1FCB0]  }
0x233: {  	v15 =	vor.u32 v48, v13;
	[tilespmem:v22+s6+$0x0] =	vst.idx.add.f32.msk $0xffff, v19  }
0x234: {  	v21 =	vor.u32 v48, v11;
	v17 =	vld.idx.msk [tilespmem:v17+s24+$0x0], $0xffff  }
0x235: {  	v19 =	vld [tilespmem:$0x1FCB0]  }
0x236: {  	v22 =	vor.u32 v48, v12;
	v20 =	vld.idx.msk [tilespmem:v20+s24+$0x0], $0xffff  }
0x237: {  	v16 =	vor.u32 v16, v10  }
0x238: {  	v23 =	vor.u32 v48, v14;
	v15 =	vld.idx.msk [tilespmem:v15+s24+$0x0], $0xffff  }
0x239: {  	[tilespmem:v21+s6+$0x0] =	vst.idx.add.f32.msk $0xffff, v17;
	v17 =	vor.u32 v46, v13;
	_ =	sdelay $0x1  }
0x23a: {  	v19 =	vor.u32 v19, v7;
	[tilespmem:v22+s6+$0x0] =	vst.idx.add.f32.msk $0xffff, v20  }
0x23b: {  	v22 =	vor.u32 v46, v12;
	v16 =	vld.idx.msk [tilespmem:v16+s24+$0x0], $0xffff  }
0x23c: {  	[tilespmem:v23+s6+$0x0] =	vst.idx.add.f32.msk $0xffff, v15  }
0x23d: {  	v23 =	vor.u32 v46, v14;
	v17 =	vld.idx.msk [tilespmem:v17+s24+$0x0], $0xffff  }
0x23e: {  	v47 =	vld [tilespmem:$0x1FCD0]  }
0x23f: {  	v21 =	vor.u32 v46, v11;
	v19 =	vld.idx.msk [tilespmem:v19+s24+$0x0], $0xffff  }
0x240: {  	v20 =	vor.u32 v49, v7;
	[tilespmem:v22+s6+$0x0] =	vst.idx.add.f32.msk $0xffff, v16  }
0x241: {  	v15 =	vor.u32 v49, v10;
	v16 =	vld [tilespmem:$0x1FCD0]  }
0x242: {  	[tilespmem:v23+s6+$0x0] =	vst.idx.add.f32.msk $0xffff, v17  }
0x243: {  	v17 =	vld [tilespmem:$0x1FCD0]  }
0x244: {  	[tilespmem:v21+s6+$0x0] =	vst.idx.add.f32.msk $0xffff, v19;
	v19 =	vor.u32 v49, v13  }
0x245: {  	v21 =	vor.u32 v49, v11;
	v20 =	vld.idx.msk [tilespmem:v20+s24+$0x0], $0xffff  }
0x246: {  	v22 =	vor.u32 v49, v12;
	v15 =	vld.idx.msk [tilespmem:v15+s24+$0x0], $0xffff  }
0x247: {  	v16 =	vor.u32 v16, v7  }
0x248: {  	v17 =	vor.u32 v17, v10  }
0x249: {  	v19 =	vld.idx.msk [tilespmem:v19+s24+$0x0], $0xffff  }
0x24a: {  	v23 =	vor.u32 v49, v14;
	[tilespmem:v21+s6+$0x0] =	vst.idx.add.f32.msk $0xffff, v20  }
0x24b: {  	v20 =	vor.u32 v47, v13;
	[tilespmem:v22+s6+$0x0] =	vst.idx.add.f32.msk $0xffff, v15  }
0x24c: {  	v21 =	vor.u32 v47, v11;
	v16 =	vld.idx.msk [tilespmem:v16+s24+$0x0], $0xffff  }
0x24d: {  	v22 =	vor.u32 v47, v12;
	v17 =	vld.idx.msk [tilespmem:v17+s24+$0x0], $0xffff  }
0x24e: {  	v46 =	vld [tilespmem:$0x1FCF0]  }
0x24f: {  	v15 =	vor.u32 v51, v7;
	[tilespmem:v23+s6+$0x0] =	vst.idx.add.f32.msk $0xffff, v19  }
0x250: {  	v23 =	vor.u32 v47, v14;
	v20 =	vld.idx.msk [tilespmem:v20+s24+$0x0], $0xffff  }
0x251: {  	[tilespmem:v21+s6+$0x0] =	vst.idx.add.f32.msk $0xffff, v16  }
0x252: {  	v16 =	vor.u32 v51, v13;
	[tilespmem:v22+s6+$0x0] =	vst.idx.add.f32.msk $0xffff, v17  }
0x253: {  	v17 =	vld [tilespmem:$0x1FCF0]  }
0x254: {  	v21 =	vor.u32 v51, v11;
	v15 =	vld.idx.msk [tilespmem:v15+s24+$0x0], $0xffff  }
0x255: {  	v19 =	vor.u32 v51, v10;
	[tilespmem:v23+s6+$0x0] =	vst.idx.add.f32.msk $0xffff, v20  }
0x256: {  	v20 =	vld [tilespmem:$0x1FCF0]  }
0x257: {  	v23 =	vor.u32 v51, v14;
	v16 =	vld.idx.msk [tilespmem:v16+s24+$0x0], $0xffff  }
0x258: {  	v17 =	vor.u32 v17, v7  }
0x259: {  	[tilespmem:v21+s6+$0x0] =	vst.idx.add.f32.msk $0xffff, v15;
	v15 =	vor.u32 v46, v13  }
0x25a: {  	v22 =	vor.u32 v51, v12;
	v19 =	vld.idx.msk [tilespmem:v19+s24+$0x0], $0xffff  }
0x25b: {  	v20 =	vor.u32 v20, v10  }
0x25c: {  	[tilespmem:v23+s6+$0x0] =	vst.idx.add.f32.msk $0xffff, v16  }
0x25d: {  	v21 =	vor.u32 v46, v11;
	v17 =	vld.idx.msk [tilespmem:v17+s24+$0x0], $0xffff  }
0x25e: {  	v23 =	vor.u32 v46, v14;
	v15 =	vld.idx.msk [tilespmem:v15+s24+$0x0], $0xffff  }
0x25f: {  	[tilespmem:v22+s6+$0x0] =	vst.idx.add.f32.msk $0xffff, v19  }
0x260: {  	v22 =	vor.u32 v46, v12;
	v20 =	vld.idx.msk [tilespmem:v20+s24+$0x0], $0xffff  }
0x261: {  	v47 =	vld [tilespmem:$0x1FD10]  }
0x262: {  	v19 =	vor.u32 v52, v7;
	[tilespmem:v21+s6+$0x0] =	vst.idx.add.f32.msk $0xffff, v17  }
0x263: {  	v16 =	vor.u32 v52, v10;
	[tilespmem:v23+s6+$0x0] =	vst.idx.add.f32.msk $0xffff, v15  }
0x264: {  	v15 =	vld [tilespmem:$0x1FD10]  }
0x265: {  	[tilespmem:v22+s6+$0x0] =	vst.idx.add.f32.msk $0xffff, v20  }
0x266: {  	v17 =	vor.u32 v52, v13;
	v20 =	vld [tilespmem:$0x1FD10]  }
0x267: {  	v21 =	vor.u32 v52, v11;
	v19 =	vld.idx.msk [tilespmem:v19+s24+$0x0], $0xffff  }
0x268: {  	v22 =	vor.u32 v52, v12;
	v16 =	vld.idx.msk [tilespmem:v16+s24+$0x0], $0xffff  }
0x269: {  	v15 =	vor.u32 v15, v10;
	_ =	sdelay $0x1  }
0x26a: {  	v20 =	vor.u32 v20, v7;
	v17 =	vld.idx.msk [tilespmem:v17+s24+$0x0], $0xffff  }
0x26b: {  	v23 =	vor.u32 v52, v14;
	[tilespmem:v21+s6+$0x0] =	vst.idx.add.f32.msk $0xffff, v19  }
0x26c: {  	v19 =	vor.u32 v47, v13;
	[tilespmem:v22+s6+$0x0] =	vst.idx.add.f32.msk $0xffff, v16  }
0x26d: {  	v22 =	vor.u32 v47, v12;
	v15 =	vld.idx.msk [tilespmem:v15+s24+$0x0], $0xffff  }
0x26e: {  	v48 =	vld [tilespmem:$0x1FD30]  }
0x26f: {  	v21 =	vor.u32 v47, v11;
	v20 =	vld.idx.msk [tilespmem:v20+s24+$0x0], $0xffff  }
0x270: {  	v16 =	vor.u32 v59, v7;
	[tilespmem:v23+s6+$0x0] =	vst.idx.add.f32.msk $0xffff, v17  }
0x271: {  	v23 =	vor.u32 v47, v14;
	v19 =	vld.idx.msk [tilespmem:v19+s24+$0x0], $0xffff  }
0x272: {  	[tilespmem:v22+s6+$0x0] =	vst.idx.add.f32.msk $0xffff, v15  }
0x273: {  	v15 =	vld [tilespmem:$0x1FD30]  }
0x274: {  	[tilespmem:v21+s6+$0x0] =	vst.idx.add.f32.msk $0xffff, v20;
	v20 =	vor.u32 v59, v13  }
0x275: {  	v21 =	vor.u32 v59, v11;
	v16 =	vld.idx.msk [tilespmem:v16+s24+$0x0], $0xffff  }
0x276: {  	v17 =	vor.u32 v59, v10;
	[tilespmem:v23+s6+$0x0] =	vst.idx.add.f32.msk $0xffff, v19  }
0x277: {  	v19 =	vld [tilespmem:$0x1FD30]  }
0x278: {  	v15 =	vor.u32 v15, v7  }
0x279: {  	v23 =	vor.u32 v59, v14;
	v20 =	vld.idx.msk [tilespmem:v20+s24+$0x0], $0xffff  }
0x27a: {  	[tilespmem:v21+s6+$0x0] =	vst.idx.add.f32.msk $0xffff, v16;
	v16 =	vor.u32 v48, v13  }
0x27b: {  	v22 =	vor.u32 v59, v12;
	v17 =	vld.idx.msk [tilespmem:v17+s24+$0x0], $0xffff  }
0x27c: {  	v19 =	vor.u32 v19, v10  }
0x27d: {  	v15 =	vld.idx.msk [tilespmem:v15+s24+$0x0], $0xffff  }
0x27e: {  	v21 =	vor.u32 v48, v11;
	[tilespmem:v23+s6+$0x0] =	vst.idx.add.f32.msk $0xffff, v20  }
0x27f: {  	v23 =	vor.u32 v48, v14;
	v16 =	vld.idx.msk [tilespmem:v16+s24+$0x0], $0xffff  }
0x280: {  	[tilespmem:v22+s6+$0x0] =	vst.idx.add.f32.msk $0xffff, v17  }
0x281: {  	v22 =	vor.u32 v48, v12;
	v19 =	vld.idx.msk [tilespmem:v19+s24+$0x0], $0xffff  }
0x282: {  	v49 =	vld [tilespmem:$0x1FD50]  }
0x283: {  	v17 =	vor.u32 v61, v7;
	[tilespmem:v21+s6+$0x0] =	vst.idx.add.f32.msk $0xffff, v15  }
0x284: {  	v20 =	vor.u32 v61, v10;
	[tilespmem:v23+s6+$0x0] =	vst.idx.add.f32.msk $0xffff, v16  }
0x285: {  	v16 =	vld [tilespmem:$0x1FD50]  }
0x286: {  	[tilespmem:v22+s6+$0x0] =	vst.idx.add.f32.msk $0xffff, v19  }
0x287: {  	v15 =	vor.u32 v61, v13;
	v19 =	vld [tilespmem:$0x1FD50]  }
0x288: {  	v21 =	vor.u32 v61, v11;
	v17 =	vld.idx.msk [tilespmem:v17+s24+$0x0], $0xffff  }
0x289: {  	v22 =	vor.u32 v61, v12;
	v20 =	vld.idx.msk [tilespmem:v20+s24+$0x0], $0xffff  }
0x28a: {  	v16 =	vor.u32 v16, v10;
	_ =	sdelay $0x1  }
0x28b: {  	v15 =	vld.idx.msk [tilespmem:v15+s24+$0x0], $0xffff;
	v19 =	vor.u32 v19, v7  }
0x28c: {  	v23 =	vor.u32 v61, v14;
	[tilespmem:v21+s6+$0x0] =	vst.idx.add.f32.msk $0xffff, v17  }
0x28d: {  	v17 =	vor.u32 v49, v13;
	[tilespmem:v22+s6+$0x0] =	vst.idx.add.f32.msk $0xffff, v20  }
0x28e: {  	v22 =	vor.u32 v49, v12;
	v16 =	vld.idx.msk [tilespmem:v16+s24+$0x0], $0xffff  }
0x28f: {  	v51 =	vld [tilespmem:$0x1FD70]  }
0x290: {  	v21 =	vor.u32 v49, v11;
	v19 =	vld.idx.msk [tilespmem:v19+s24+$0x0], $0xffff  }
0x291: {  	v20 =	vor.u32 v62, v7;
	[tilespmem:v23+s6+$0x0] =	vst.idx.add.f32.msk $0xffff, v15  }
0x292: {  	v23 =	vor.u32 v49, v14;
	v17 =	vld.idx.msk [tilespmem:v17+s24+$0x0], $0xffff  }
0x293: {  	[tilespmem:v22+s6+$0x0] =	vst.idx.add.f32.msk $0xffff, v16  }
0x294: {  	v16 =	vld [tilespmem:$0x1FD70]  }
0x295: {  	[tilespmem:v21+s6+$0x0] =	vst.idx.add.f32.msk $0xffff, v19;
	v19 =	vor.u32 v62, v13  }
0x296: {  	v21 =	vor.u32 v62, v11;
	v20 =	vld.idx.msk [tilespmem:v20+s24+$0x0], $0xffff  }
0x297: {  	v15 =	vor.u32 v62, v10;
	[tilespmem:v23+s6+$0x0] =	vst.idx.add.f32.msk $0xffff, v17  }
0x298: {  	v17 =	vld [tilespmem:$0x1FD70]  }
0x299: {  	v16 =	vor.u32 v16, v7  }
0x29a: {  	v23 =	vor.u32 v62, v14;
	v19 =	vld.idx.msk [tilespmem:v19+s24+$0x0], $0xffff  }
0x29b: {  	[tilespmem:v21+s6+$0x0] =	vst.idx.add.f32.msk $0xffff, v20;
	v20 =	vor.u32 v51, v13  }
0x29c: {  	v22 =	vor.u32 v62, v12;
	v15 =	vld.idx.msk [tilespmem:v15+s24+$0x0], $0xffff  }
0x29d: {  	v17 =	vor.u32 v17, v10  }
0x29e: {  	v16 =	vld.idx.msk [tilespmem:v16+s24+$0x0], $0xffff  }
0x29f: {  	v21 =	vor.u32 v51, v11;
	[tilespmem:v23+s6+$0x0] =	vst.idx.add.f32.msk $0xffff, v19  }
0x2a0: {  	v23 =	vor.u32 v51, v14;
	v20 =	vld.idx.msk [tilespmem:v20+s24+$0x0], $0xffff  }
0x2a1: {  	[tilespmem:v22+s6+$0x0] =	vst.idx.add.f32.msk $0xffff, v15  }
0x2a2: {  	v22 =	vor.u32 v51, v12;
	v17 =	vld.idx.msk [tilespmem:v17+s24+$0x0], $0xffff  }
0x2a3: {  	v52 =	vld [tilespmem:$0x1FD90];
	v15 =	vor.u32 v63, v7  }
0x2a4: {  	[tilespmem:v21+s6+$0x0] =	vst.idx.add.f32.msk $0xffff, v16  }
0x2a5: {  	v19 =	vor.u32 v63, v10;
	[tilespmem:v23+s6+$0x0] =	vst.idx.add.f32.msk $0xffff, v20  }
0x2a6: {  	v20 =	vld [tilespmem:$0x1FD90]  }
0x2a7: {  	v16 =	vor.u32 v63, v13;
	[tilespmem:v22+s6+$0x0] =	vst.idx.add.f32.msk $0xffff, v17  }
0x2a8: {  	v21 =	vor.u32 v63, v11;
	v15 =	vld.idx.msk [tilespmem:v15+s24+$0x0], $0xffff  }
0x2a9: {  	v17 =	vld [tilespmem:$0x1FD90]  }
0x2aa: {  	v22 =	vor.u32 v63, v12;
	v19 =	vld.idx.msk [tilespmem:v19+s24+$0x0], $0xffff  }
0x2ab: {  	v20 =	vor.u32 v20, v10  }
0x2ac: {  	v23 =	vor.u32 v63, v14;
	v16 =	vld.idx.msk [tilespmem:v16+s24+$0x0], $0xffff  }
0x2ad: {  	[tilespmem:v21+s6+$0x0] =	vst.idx.add.f32.msk $0xffff, v15;
	v15 =	vor.u32 v52, v13;
	_ =	sdelay $0x1  }
0x2ae: {  	v17 =	vor.u32 v17, v7;
	[tilespmem:v22+s6+$0x0] =	vst.idx.add.f32.msk $0xffff, v19  }
0x2af: {  	v22 =	vor.u32 v52, v12;
	v20 =	vld.idx.msk [tilespmem:v20+s24+$0x0], $0xffff  }
0x2b0: {  	[tilespmem:v23+s6+$0x0] =	vst.idx.add.f32.msk $0xffff, v16  }
0x2b1: {  	v23 =	vor.u32 v52, v14;
	v15 =	vld.idx.msk [tilespmem:v15+s24+$0x0], $0xffff  }
0x2b2: {  	v59 =	vld [tilespmem:$0x1FDD0]  }
0x2b3: {  	v21 =	vor.u32 v52, v11;
	v17 =	vld.idx.msk [tilespmem:v17+s24+$0x0], $0xffff  }
0x2b4: {  	v19 =	vor.u32 v60, v7;
	[tilespmem:v22+s6+$0x0] =	vst.idx.add.f32.msk $0xffff, v20  }
0x2b5: {  	v20 =	vld [tilespmem:$0x1FDD0]  }
0x2b6: {  	v16 =	vor.u32 v60, v10;
	[tilespmem:v23+s6+$0x0] =	vst.idx.add.f32.msk $0xffff, v15  }
0x2b7: {  	v15 =	vld [tilespmem:$0x1FDD0]  }
0x2b8: {  	[tilespmem:v21+s6+$0x0] =	vst.idx.add.f32.msk $0xffff, v17;
	v17 =	vor.u32 v60, v13  }
0x2b9: {  	v21 =	vor.u32 v60, v11;
	v19 =	vld.idx.msk [tilespmem:v19+s24+$0x0], $0xffff  }
0x2ba: {  	v20 =	vor.u32 v20, v7  }
0x2bb: {  	v22 =	vor.u32 v60, v12;
	v16 =	vld.idx.msk [tilespmem:v16+s24+$0x0], $0xffff  }
0x2bc: {  	v15 =	vor.u32 v15, v10  }
0x2bd: {  	v23 =	vor.u32 v60, v14;
	v17 =	vld.idx.msk [tilespmem:v17+s24+$0x0], $0xffff  }
0x2be: {  	[tilespmem:v21+s6+$0x0] =	vst.idx.add.f32.msk $0xffff, v19;
	v19 =	vor.u32 v59, v13  }
0x2bf: {  	v21 =	vor.u32 v59, v11;
	v20 =	vld.idx.msk [tilespmem:v20+s24+$0x0], $0xffff  }
0x2c0: {  	[tilespmem:v22+s6+$0x0] =	vst.idx.add.f32.msk $0xffff, v16;
	v16 =	vor.u32 v28, v7  }
0x2c1: {  	v22 =	vor.u32 v59, v12;
	v15 =	vld.idx.msk [tilespmem:v15+s24+$0x0], $0xffff  }
0x2c2: {  	[tilespmem:v23+s6+$0x0] =	vst.idx.add.f32.msk $0xffff, v17;
	v17 =	vor.u32 v28, v10  }
0x2c3: {  	v23 =	vor.u32 v59, v14;
	v19 =	vld.idx.msk [tilespmem:v19+s24+$0x0], $0xffff  }
0x2c4: {  	[tilespmem:v21+s6+$0x0] =	vst.idx.add.f32.msk $0xffff, v20;
	v20 =	vor.u32 v28, v13  }
0x2c5: {  	v21 =	vor.u32 v28, v11;
	v16 =	vld.idx.msk [tilespmem:v16+s24+$0x0], $0xffff  }
0x2c6: {  	[tilespmem:v22+s6+$0x0] =	vst.idx.add.f32.msk $0xffff, v15;
	v15 =	vor.u32 v29, v7  }
0x2c7: {  	v22 =	vor.u32 v28, v12;
	v17 =	vld.idx.msk [tilespmem:v17+s24+$0x0], $0xffff  }
0x2c8: {  	[tilespmem:v23+s6+$0x0] =	vst.idx.add.f32.msk $0xffff, v19;
	v19 =	vor.u32 v29, v10  }
0x2c9: {  	v23 =	vor.u32 v28, v14;
	v20 =	vld.idx.msk [tilespmem:v20+s24+$0x0], $0xffff  }
0x2ca: {  	[tilespmem:v21+s6+$0x0] =	vst.idx.add.f32.msk $0xffff, v16;
	v16 =	vor.u32 v29, v13  }
0x2cb: {  	v21 =	vor.u32 v29, v11;
	v15 =	vld.idx.msk [tilespmem:v15+s24+$0x0], $0xffff  }
0x2cc: {  	[tilespmem:v22+s6+$0x0] =	vst.idx.add.f32.msk $0xffff, v17;
	v17 =	vor.u32 v30, v7  }
0x2cd: {  	v22 =	vor.u32 v29, v12;
	v19 =	vld.idx.msk [tilespmem:v19+s24+$0x0], $0xffff  }
0x2ce: {  	[tilespmem:v23+s6+$0x0] =	vst.idx.add.f32.msk $0xffff, v20;
	v20 =	vor.u32 v30, v10  }
0x2cf: {  	v23 =	vor.u32 v29, v14;
	v16 =	vld.idx.msk [tilespmem:v16+s24+$0x0], $0xffff  }
0x2d0: {  	[tilespmem:v21+s6+$0x0] =	vst.idx.add.f32.msk $0xffff, v15;
	v15 =	vor.u32 v30, v13  }
0x2d1: {  	v21 =	vor.u32 v30, v11;
	v17 =	vld.idx.msk [tilespmem:v17+s24+$0x0], $0xffff  }
0x2d2: {  	[tilespmem:v22+s6+$0x0] =	vst.idx.add.f32.msk $0xffff, v19;
	v19 =	vor.u32 v31, v7  }
0x2d3: {  	v22 =	vor.u32 v30, v12;
	v20 =	vld.idx.msk [tilespmem:v20+s24+$0x0], $0xffff  }
0x2d4: {  	[tilespmem:v23+s6+$0x0] =	vst.idx.add.f32.msk $0xffff, v16;
	v16 =	vor.u32 v31, v10  }
0x2d5: {  	v23 =	vor.u32 v30, v14;
	v15 =	vld.idx.msk [tilespmem:v15+s24+$0x0], $0xffff  }
0x2d6: {  	[tilespmem:v21+s6+$0x0] =	vst.idx.add.f32.msk $0xffff, v17;
	v17 =	vor.u32 v31, v13  }
0x2d7: {  	v21 =	vor.u32 v31, v11;
	v19 =	vld.idx.msk [tilespmem:v19+s24+$0x0], $0xffff  }
0x2d8: {  	[tilespmem:v22+s6+$0x0] =	vst.idx.add.f32.msk $0xffff, v20;
	v20 =	vor.u32 v32, v7  }
0x2d9: {  	v22 =	vor.u32 v31, v12;
	v16 =	vld.idx.msk [tilespmem:v16+s24+$0x0], $0xffff  }
0x2da: {  	[tilespmem:v23+s6+$0x0] =	vst.idx.add.f32.msk $0xffff, v15;
	v15 =	vor.u32 v32, v10  }
0x2db: {  	v23 =	vor.u32 v31, v14;
	v17 =	vld.idx.msk [tilespmem:v17+s24+$0x0], $0xffff  }
0x2dc: {  	[tilespmem:v21+s6+$0x0] =	vst.idx.add.f32.msk $0xffff, v19;
	v19 =	vor.u32 v32, v13  }
0x2dd: {  	v21 =	vor.u32 v32, v11;
	v20 =	vld.idx.msk [tilespmem:v20+s24+$0x0], $0xffff  }
0x2de: {  	[tilespmem:v22+s6+$0x0] =	vst.idx.add.f32.msk $0xffff, v16;
	v16 =	vor.u32 v33, v7  }
0x2df: {  	v22 =	vor.u32 v32, v12;
	v15 =	vld.idx.msk [tilespmem:v15+s24+$0x0], $0xffff  }
0x2e0: {  	[tilespmem:v23+s6+$0x0] =	vst.idx.add.f32.msk $0xffff, v17;
	v17 =	vor.u32 v33, v10  }
0x2e1: {  	v23 =	vor.u32 v32, v14;
	v19 =	vld.idx.msk [tilespmem:v19+s24+$0x0], $0xffff  }
0x2e2: {  	[tilespmem:v21+s6+$0x0] =	vst.idx.add.f32.msk $0xffff, v20;
	v20 =	vor.u32 v33, v13  }
0x2e3: {  	v21 =	vor.u32 v33, v11;
	v16 =	vld.idx.msk [tilespmem:v16+s24+$0x0], $0xffff  }
0x2e4: {  	[tilespmem:v22+s6+$0x0] =	vst.idx.add.f32.msk $0xffff, v15;
	v15 =	vor.u32 v34, v7  }
0x2e5: {  	v22 =	vor.u32 v33, v12;
	v17 =	vld.idx.msk [tilespmem:v17+s24+$0x0], $0xffff  }
0x2e6: {  	[tilespmem:v23+s6+$0x0] =	vst.idx.add.f32.msk $0xffff, v19;
	v19 =	vor.u32 v34, v10  }
0x2e7: {  	v23 =	vor.u32 v33, v14;
	v20 =	vld.idx.msk [tilespmem:v20+s24+$0x0], $0xffff  }
0x2e8: {  	[tilespmem:v21+s6+$0x0] =	vst.idx.add.f32.msk $0xffff, v16;
	v16 =	vor.u32 v34, v13  }
0x2e9: {  	v21 =	vor.u32 v34, v11;
	v15 =	vld.idx.msk [tilespmem:v15+s24+$0x0], $0xffff  }
0x2ea: {  	[tilespmem:v22+s6+$0x0] =	vst.idx.add.f32.msk $0xffff, v17;
	v17 =	vor.u32 v35, v7  }
0x2eb: {  	v22 =	vor.u32 v34, v12;
	v19 =	vld.idx.msk [tilespmem:v19+s24+$0x0], $0xffff  }
0x2ec: {  	[tilespmem:v23+s6+$0x0] =	vst.idx.add.f32.msk $0xffff, v20;
	v20 =	vor.u32 v35, v10  }
0x2ed: {  	v23 =	vor.u32 v34, v14;
	v16 =	vld.idx.msk [tilespmem:v16+s24+$0x0], $0xffff  }
0x2ee: {  	[tilespmem:v21+s6+$0x0] =	vst.idx.add.f32.msk $0xffff, v15;
	v15 =	vor.u32 v35, v13  }
0x2ef: {  	v21 =	vor.u32 v35, v11;
	v17 =	vld.idx.msk [tilespmem:v17+s24+$0x0], $0xffff  }
0x2f0: {  	[tilespmem:v22+s6+$0x0] =	vst.idx.add.f32.msk $0xffff, v19;
	v19 =	vor.u32 v36, v7  }
0x2f1: {  	v22 =	vor.u32 v35, v12;
	v20 =	vld.idx.msk [tilespmem:v20+s24+$0x0], $0xffff  }
0x2f2: {  	[tilespmem:v23+s6+$0x0] =	vst.idx.add.f32.msk $0xffff, v16;
	v16 =	vor.u32 v36, v10  }
0x2f3: {  	v23 =	vor.u32 v35, v14;
	v15 =	vld.idx.msk [tilespmem:v15+s24+$0x0], $0xffff  }
0x2f4: {  	[tilespmem:v21+s6+$0x0] =	vst.idx.add.f32.msk $0xffff, v17;
	v17 =	vor.u32 v36, v13  }
0x2f5: {  	v21 =	vor.u32 v36, v11;
	v19 =	vld.idx.msk [tilespmem:v19+s24+$0x0], $0xffff  }
0x2f6: {  	[tilespmem:v22+s6+$0x0] =	vst.idx.add.f32.msk $0xffff, v20;
	v20 =	vor.u32 v39, v7  }
0x2f7: {  	v22 =	vor.u32 v36, v12;
	v16 =	vld.idx.msk [tilespmem:v16+s24+$0x0], $0xffff  }
0x2f8: {  	[tilespmem:v23+s6+$0x0] =	vst.idx.add.f32.msk $0xffff, v15;
	v15 =	vor.u32 v39, v10  }
0x2f9: {  	v23 =	vor.u32 v36, v14;
	v17 =	vld.idx.msk [tilespmem:v17+s24+$0x0], $0xffff  }
0x2fa: {  	[tilespmem:v21+s6+$0x0] =	vst.idx.add.f32.msk $0xffff, v19;
	v19 =	vor.u32 v39, v13  }
0x2fb: {  	v21 =	vor.u32 v39, v11;
	v20 =	vld.idx.msk [tilespmem:v20+s24+$0x0], $0xffff  }
0x2fc: {  	[tilespmem:v22+s6+$0x0] =	vst.idx.add.f32.msk $0xffff, v16;
	v16 =	vor.u32 v58, v7  }
0x2fd: {  	v22 =	vor.u32 v39, v12;
	v15 =	vld.idx.msk [tilespmem:v15+s24+$0x0], $0xffff  }
0x2fe: {  	[tilespmem:v23+s6+$0x0] =	vst.idx.add.f32.msk $0xffff, v17;
	v17 =	vor.u32 v58, v10  }
0x2ff: {  	v23 =	vor.u32 v39, v14;
	v19 =	vld.idx.msk [tilespmem:v19+s24+$0x0], $0xffff  }
0x300: {  	[tilespmem:v21+s6+$0x0] =	vst.idx.add.f32.msk $0xffff, v20;
	v20 =	vor.u32 v58, v13  }
0x301: {  	v21 =	vor.u32 v58, v11;
	v16 =	vld.idx.msk [tilespmem:v16+s24+$0x0], $0xffff  }
0x302: {  	[tilespmem:v22+s6+$0x0] =	vst.idx.add.f32.msk $0xffff, v15;
	v15 =	vor.u32 v56, v7  }
0x303: {  	v22 =	vor.u32 v58, v12;
	v17 =	vld.idx.msk [tilespmem:v17+s24+$0x0], $0xffff  }
0x304: {  	[tilespmem:v23+s6+$0x0] =	vst.idx.add.f32.msk $0xffff, v19;
	v19 =	vor.u32 v56, v10  }
0x305: {  	v23 =	vor.u32 v58, v14;
	v20 =	vld.idx.msk [tilespmem:v20+s24+$0x0], $0xffff  }
0x306: {  	[tilespmem:v21+s6+$0x0] =	vst.idx.add.f32.msk $0xffff, v16;
	v16 =	vor.u32 v56, v13  }
0x307: {  	v21 =	vor.u32 v56, v11;
	v15 =	vld.idx.msk [tilespmem:v15+s24+$0x0], $0xffff  }
0x308: {  	[tilespmem:v22+s6+$0x0] =	vst.idx.add.f32.msk $0xffff, v17;
	v17 =	vor.u32 v55, v7  }
0x309: {  	v22 =	vor.u32 v56, v12;
	v19 =	vld.idx.msk [tilespmem:v19+s24+$0x0], $0xffff  }
0x30a: {  	[tilespmem:v23+s6+$0x0] =	vst.idx.add.f32.msk $0xffff, v20;
	v20 =	vor.u32 v55, v10  }
0x30b: {  	v23 =	vor.u32 v56, v14;
	v16 =	vld.idx.msk [tilespmem:v16+s24+$0x0], $0xffff  }
0x30c: {  	[tilespmem:v21+s6+$0x0] =	vst.idx.add.f32.msk $0xffff, v15;
	v15 =	vor.u32 v55, v13  }
0x30d: {  	v17 =	vld.idx.msk [tilespmem:v17+s24+$0x0], $0xffff  }
0x30e: {  	v21 =	vor.u32 v55, v11;
	[tilespmem:v22+s6+$0x0] =	vst.idx.add.f32.msk $0xffff, v19  }
0x30f: {  	v22 =	vor.u32 v55, v12;
	v20 =	vld.idx.msk [tilespmem:v20+s24+$0x0], $0xffff  }
0x310: {  	[tilespmem:v23+s6+$0x0] =	vst.idx.add.f32.msk $0xffff, v16  }
0x311: {  	v23 =	vor.u32 v55, v14;
	v15 =	vld.idx.msk [tilespmem:v15+s24+$0x0], $0xffff  }
0x312: {  	v63 =	vld [tilespmem:$0x1FE10]  }
0x313: {  	v19 =	vor.u32 v24, v7;
	[tilespmem:v21+s6+$0x0] =	vst.idx.add.f32.msk $0xffff, v17  }
0x314: {  	v16 =	vor.u32 v24, v10;
	[tilespmem:v22+s6+$0x0] =	vst.idx.add.f32.msk $0xffff, v20  }
0x315: {  	v20 =	vld [tilespmem:$0x1FE10]  }
0x316: {  	v17 =	vor.u32 v24, v13;
	[tilespmem:v23+s6+$0x0] =	vst.idx.add.f32.msk $0xffff, v15  }
0x317: {  	v15 =	vld [tilespmem:$0x1FE10]  }
0x318: {  	v21 =	vor.u32 v24, v11;
	v19 =	vld.idx.msk [tilespmem:v19+s24+$0x0], $0xffff  }
0x319: {  	v22 =	vor.u32 v24, v12;
	v16 =	vld.idx.msk [tilespmem:v16+s24+$0x0], $0xffff  }
0x31a: {  	v46 =	vld [tilespmem:$0x1FE70];
	v20 =	vor.u32 v20, v7  }
0x31b: {  	v23 =	vor.u32 v24, v14;
	v17 =	vld.idx.msk [tilespmem:v17+s24+$0x0], $0xffff  }
0x31c: {  	v47 =	vld [tilespmem:$0x1FEB0];
	v15 =	vor.u32 v15, v10  }
0x31d: {  	[tilespmem:v21+s6+$0x0] =	vst.idx.add.f32.msk $0xffff, v19  }
0x31e: {  	v19 =	vor.u32 v63, v13;
	[tilespmem:v22+s6+$0x0] =	vst.idx.add.f32.msk $0xffff, v16  }
0x31f: {  	v21 =	vor.u32 v63, v11;
	v20 =	vld.idx.msk [tilespmem:v20+s24+$0x0], $0xffff  }
0x320: {  	v16 =	vor.u32 v42, v7;
	[tilespmem:v23+s6+$0x0] =	vst.idx.add.f32.msk $0xffff, v17  }
0x321: {  	v22 =	vor.u32 v63, v12;
	v17 =	vor.u32 v42, v10;
	v15 =	vld.idx.msk [tilespmem:v15+s24+$0x0], $0xffff  }
0x322: {  	v23 =	vor.u32 v63, v14;
	v63 =	vmovc v31;
	v31 =	vmovc v30;
	v30 =	vmov v29;
	v29 =	vmov v28;
	v28 =	vld [tilespmem:$0x1FEE0]  }
0x323: {  	v19 =	vld.idx.msk [tilespmem:v19+s24+$0x0], $0xffff  }
0x324: {  	[tilespmem:v21+s6+$0x0] =	vst.idx.add.f32.msk $0xffff, v20;
	v20 =	vor.u32 v42, v13  }
0x325: {  	v21 =	vor.u32 v42, v11;
	v16 =	vld.idx.msk [tilespmem:v16+s24+$0x0], $0xffff  }
0x326: {  	[tilespmem:v22+s6+$0x0] =	vst.idx.add.f32.msk $0xffff, v15;
	v15 =	vor.u32 v25, v7  }
0x327: {  	v22 =	vor.u32 v42, v12;
	v17 =	vld.idx.msk [tilespmem:v17+s24+$0x0], $0xffff  }
0x328: {  	[tilespmem:v23+s6+$0x0] =	vst.idx.add.f32.msk $0xffff, v19;
	v19 =	vor.u32 v25, v10  }
0x329: {  	v23 =	vor.u32 v42, v14;
	v20 =	vld.idx.msk [tilespmem:v20+s24+$0x0], $0xffff  }
0x32a: {  	[tilespmem:v21+s6+$0x0] =	vst.idx.add.f32.msk $0xffff, v16;
	v16 =	vor.u32 v25, v13  }
0x32b: {  	v21 =	vor.u32 v25, v11;
	v15 =	vld.idx.msk [tilespmem:v15+s24+$0x0], $0xffff  }
0x32c: {  	[tilespmem:v22+s6+$0x0] =	vst.idx.add.f32.msk $0xffff, v17;
	v17 =	vor.u32 v43, v7  }
0x32d: {  	v22 =	vor.u32 v25, v12;
	v19 =	vld.idx.msk [tilespmem:v19+s24+$0x0], $0xffff  }
0x32e: {  	[tilespmem:v23+s6+$0x0] =	vst.idx.add.f32.msk $0xffff, v20;
	v20 =	vor.u32 v43, v10  }
0x32f: {  	v23 =	vor.u32 v25, v14;
	v16 =	vld.idx.msk [tilespmem:v16+s24+$0x0], $0xffff  }
0x330: {  	[tilespmem:v21+s6+$0x0] =	vst.idx.add.f32.msk $0xffff, v15;
	v15 =	vor.u32 v43, v13  }
0x331: {  	v21 =	vor.u32 v43, v11;
	v17 =	vld.idx.msk [tilespmem:v17+s24+$0x0], $0xffff  }
0x332: {  	[tilespmem:v22+s6+$0x0] =	vst.idx.add.f32.msk $0xffff, v19;
	v19 =	vor.u32 v44, v7  }
0x333: {  	v22 =	vor.u32 v43, v12;
	v20 =	vld.idx.msk [tilespmem:v20+s24+$0x0], $0xffff  }
0x334: {  	[tilespmem:v23+s6+$0x0] =	vst.idx.add.f32.msk $0xffff, v16;
	v16 =	vor.u32 v44, v10  }
0x335: {  	v23 =	vor.u32 v43, v14;
	v15 =	vld.idx.msk [tilespmem:v15+s24+$0x0], $0xffff  }
0x336: {  	[tilespmem:v21+s6+$0x0] =	vst.idx.add.f32.msk $0xffff, v17;
	v17 =	vor.u32 v44, v13  }
0x337: {  	v21 =	vor.u32 v44, v11;
	v19 =	vld.idx.msk [tilespmem:v19+s24+$0x0], $0xffff  }
0x338: {  	[tilespmem:v22+s6+$0x0] =	vst.idx.add.f32.msk $0xffff, v20;
	v20 =	vor.u32 v45, v7  }
0x339: {  	v22 =	vor.u32 v44, v12;
	v16 =	vld.idx.msk [tilespmem:v16+s24+$0x0], $0xffff  }
0x33a: {  	[tilespmem:v23+s6+$0x0] =	vst.idx.add.f32.msk $0xffff, v15;
	v15 =	vor.u32 v45, v10  }
0x33b: {  	v23 =	vor.u32 v44, v14;
	v17 =	vld.idx.msk [tilespmem:v17+s24+$0x0], $0xffff  }
0x33c: {  	[tilespmem:v21+s6+$0x0] =	vst.idx.add.f32.msk $0xffff, v19;
	v19 =	vor.u32 v45, v13  }
0x33d: {  	v21 =	vor.u32 v45, v11;
	v20 =	vld.idx.msk [tilespmem:v20+s24+$0x0], $0xffff  }
0x33e: {  	[tilespmem:v22+s6+$0x0] =	vst.idx.add.f32.msk $0xffff, v16;
	v16 =	vor.u32 v50, v7  }
0x33f: {  	v22 =	vor.u32 v45, v12;
	v15 =	vld.idx.msk [tilespmem:v15+s24+$0x0], $0xffff  }
0x340: {  	[tilespmem:v23+s6+$0x0] =	vst.idx.add.f32.msk $0xffff, v17;
	v17 =	vor.u32 v50, v10  }
0x341: {  	v23 =	vor.u32 v45, v14;
	v19 =	vld.idx.msk [tilespmem:v19+s24+$0x0], $0xffff  }
0x342: {  	[tilespmem:v21+s6+$0x0] =	vst.idx.add.f32.msk $0xffff, v20;
	v20 =	vor.u32 v50, v13  }
0x343: {  	v21 =	vor.u32 v50, v11;
	v16 =	vld.idx.msk [tilespmem:v16+s24+$0x0], $0xffff  }
0x344: {  	[tilespmem:v22+s6+$0x0] =	vst.idx.add.f32.msk $0xffff, v15;
	v15 =	vor.u32 v46, v7  }
0x345: {  	v22 =	vor.u32 v50, v12;
	v17 =	vld.idx.msk [tilespmem:v17+s24+$0x0], $0xffff  }
0x346: {  	[tilespmem:v23+s6+$0x0] =	vst.idx.add.f32.msk $0xffff, v19;
	v19 =	vor.u32 v46, v10  }
0x347: {  	v23 =	vor.u32 v50, v14;
	v20 =	vld.idx.msk [tilespmem:v20+s24+$0x0], $0xffff  }
0x348: {  	[tilespmem:v21+s6+$0x0] =	vst.idx.add.f32.msk $0xffff, v16;
	v16 =	vor.u32 v46, v13  }
0x349: {  	v21 =	vor.u32 v46, v11;
	v15 =	vld.idx.msk [tilespmem:v15+s24+$0x0], $0xffff  }
0x34a: {  	[tilespmem:v22+s6+$0x0] =	vst.idx.add.f32.msk $0xffff, v17;
	v17 =	vor.u32 v26, v7  }
0x34b: {  	v22 =	vor.u32 v46, v12;
	v19 =	vld.idx.msk [tilespmem:v19+s24+$0x0], $0xffff  }
0x34c: {  	[tilespmem:v23+s6+$0x0] =	vst.idx.add.f32.msk $0xffff, v20;
	v20 =	vor.u32 v26, v10  }
0x34d: {  	v23 =	vor.u32 v46, v14;
	v16 =	vld.idx.msk [tilespmem:v16+s24+$0x0], $0xffff  }
0x34e: {  	[tilespmem:v21+s6+$0x0] =	vst.idx.add.f32.msk $0xffff, v15;
	v15 =	vor.u32 v26, v13  }
0x34f: {  	v21 =	vor.u32 v26, v11;
	v17 =	vld.idx.msk [tilespmem:v17+s24+$0x0], $0xffff  }
0x350: {  	[tilespmem:v22+s6+$0x0] =	vst.idx.add.f32.msk $0xffff, v19;
	v19 =	vor.u32 v54, v7  }
0x351: {  	v22 =	vor.u32 v26, v12;
	v20 =	vld.idx.msk [tilespmem:v20+s24+$0x0], $0xffff  }
0x352: {  	[tilespmem:v23+s6+$0x0] =	vst.idx.add.f32.msk $0xffff, v16;
	v16 =	vor.u32 v54, v10  }
0x353: {  	v23 =	vor.u32 v26, v14;
	v15 =	vld.idx.msk [tilespmem:v15+s24+$0x0], $0xffff  }
0x354: {  	[tilespmem:v21+s6+$0x0] =	vst.idx.add.f32.msk $0xffff, v17;
	v17 =	vor.u32 v54, v13  }
0x355: {  	v21 =	vor.u32 v54, v11;
	v19 =	vld.idx.msk [tilespmem:v19+s24+$0x0], $0xffff  }
0x356: {  	[tilespmem:v22+s6+$0x0] =	vst.idx.add.f32.msk $0xffff, v20;
	v20 =	vor.u32 v47, v7  }
0x357: {  	v22 =	vor.u32 v54, v12;
	v16 =	vld.idx.msk [tilespmem:v16+s24+$0x0], $0xffff  }
0x358: {  	[tilespmem:v23+s6+$0x0] =	vst.idx.add.f32.msk $0xffff, v15;
	v15 =	vor.u32 v47, v10  }
0x359: {  	v23 =	vor.u32 v54, v14;
	v17 =	vld.idx.msk [tilespmem:v17+s24+$0x0], $0xffff  }
0x35a: {  	[tilespmem:v21+s6+$0x0] =	vst.idx.add.f32.msk $0xffff, v19;
	v19 =	vor.u32 v47, v13  }
0x35b: {  	v21 =	vor.u32 v47, v11;
	v20 =	vld.idx.msk [tilespmem:v20+s24+$0x0], $0xffff  }
0x35c: {  	[tilespmem:v22+s6+$0x0] =	vst.idx.add.f32.msk $0xffff, v16;
	v16 =	vor.u32 v27, v7  }
0x35d: {  	v22 =	vor.u32 v47, v12;
	v15 =	vld.idx.msk [tilespmem:v15+s24+$0x0], $0xffff  }
0x35e: {  	[tilespmem:v23+s6+$0x0] =	vst.idx.add.f32.msk $0xffff, v17  }
0x35f: {  	v23 =	vor.u32 v47, v14;
	v19 =	vld.idx.msk [tilespmem:v19+s24+$0x0], $0xffff  }
0x360: {  	[tilespmem:v21+s6+$0x0] =	vst.idx.add.f32.msk $0xffff, v20  }
0x361: {  	v16 =	vld.idx.msk [tilespmem:v16+s24+$0x0], $0xffff  }
0x362: {  	v17 =	vor.u32 v27, v10;
	[tilespmem:v22+s6+$0x0] =	vst.idx.add.f32.msk $0xffff, v15  }
0x363: {  	v20 =	vor.u32 v27, v13;
	v15 =	vld [tilespmem:$0x1FED0]  }
0x364: {  	[tilespmem:v23+s6+$0x0] =	vst.idx.add.f32.msk $0xffff, v19  }
0x365: {  	v19 =	vld [tilespmem:$0x1FED0]  }
0x366: {  	v21 =	vor.u32 v27, v11;
	v22 =	vor.u32 v27, v12;
	v23 =	vor.u32 v27, v14;
	v27 =	vld [tilespmem:$0x1FED0]  }
0x367: {  	v17 =	vld.idx.msk [tilespmem:v17+s24+$0x0], $0xffff  }
0x368: {  	v20 =	vld.idx.msk [tilespmem:v20+s24+$0x0], $0xffff  }
0x369: {  	v1 =	vmov v58;
	v15 =	vor.u32 v15, v7  }
0x36a: {  	v58 =	vmov v1;
	v1 =	vld [tilespmem:$0x1FBC0];
	v19 =	vor.u32 v19, v10  }
0x36b: {  	[tilespmem:v21+s6+$0x0] =	vst.idx.add.f32.msk $0xffff, v16;
	v16 =	vor.u32 v27, v13  }
0x36c: {  	[tilespmem:v22+s6+$0x0] =	vst.idx.add.f32.msk $0xffff, v17;
	v21 =	vor.u32 v27, v5  }
0x36d: {  	v4 =	vor.u32 v28, v4;
	[tilespmem:v23+s6+$0x0] =	vst.idx.add.f32.msk $0xffff, v20  }
0x36e: {  	v17 =	vor.u32 v27, v11;
	v15 =	vld.idx.msk [tilespmem:v15+s24+$0x0], $0xffff  }
0x36f: {  	v7 =	vor.u32 v28, v7;
	v19 =	vld.idx.msk [tilespmem:v19+s24+$0x0], $0xffff  }
0x370: {  	v22 =	vor.u32 v27, v12;
	v16 =	vld.idx.msk [tilespmem:v16+s24+$0x0], $0xffff  }
0x371: {  	v20 =	vor.u32 v27, v14;
	[tilespmem:v21+s6+$0x0] =	vst.idx.add.f32.msk $0xffff, v18  }
0x372: {  	v4 =	vld.idx.msk [tilespmem:v4+s24+$0x0], $0xffff  }
0x373: {  	v10 =	vor.u32 v28, v10;
	[tilespmem:v17+s6+$0x0] =	vst.idx.add.f32.msk $0xffff, v15  }
0x374: {  	v13 =	vor.u32 v28, v13;
	v7 =	vld.idx.msk [tilespmem:v7+s24+$0x0], $0xffff  }
0x375: {  	v5 =	vor.u32 v28, v5;
	[tilespmem:v22+s6+$0x0] =	vst.idx.add.f32.msk $0xffff, v19  }
0x376: {  	[tilespmem:v20+s6+$0x0] =	vst.idx.add.f32.msk $0xffff, v16  }
0x377: {  	v11 =	vor.u32 v28, v11;
	v20 =	vld [tilespmem:$0x1FC30]  }
0x378: {  	v15 =	vshll.u32 @!p1 v2, $0x9;
	v10 =	vld.idx.msk [tilespmem:v10+s24+$0x0], $0xffff  }
0x379: {  	v12 =	vor.u32 v28, v12;
	v15 =	vand.u32 @!p1 $0x200, v15;
	v16 =	vshra.s32 @!p1 v2, $0x1;
	v13 =	vld.idx.msk [tilespmem:v13+s24+$0x0], $0xffff  }
0x37a: {  	v15 =	vadd.s32 @!p1 v16, v15;
	v16 =	vshll.u32 @!p1 v8, $0x9;
	[tilespmem:v5+s6+$0x0] =	vst.idx.add.f32.msk $0xffff, v4  }
0x37b: {  	v14 =	vor.u32 v28, v14;
	v4 =	vand.u32 @!p1 $0x200, v16;
	v16 =	vld [tilespmem:$0x1FBD0]  }
0x37c: {  	v17 =	vshll.u32 @!p1 v6, $0x9;
	[tilespmem:v11+s6+$0x0] =	vst.idx.add.f32.msk $0xffff, v7  }
0x37d: {  	v6 =	vshra.s32 @!p1 v6, $0x1;
	v17 =	vand.u32 @!p1 $0x200, v17;
	v11 =	vld [tilespmem:$0x1FB80]  }
0x37e: {  	v6 =	vadd.s32 @!p1 v6, v17;
	v5 =	vshra.s32 @!p1 v8, $0x1;
	v8 =	vshll.u32 @!p1 v9, $0x9;
	[tilespmem:v12+s6+$0x0] =	vst.idx.add.f32.msk $0xffff, v10  }
0x37f: {  	s10 =	sadd.s32 $0x4, s10;
	v48 =	vmovc v56;
	v61 =	vmovc v33;
	v4 =	vadd.s32 @!p1 v5, v4;
	v5 =	vand.u32 @!p1 $0x200, v8;
	v7 =	vshra.s32 @!p1 v9, $0x1;
	v12 =	vld [tilespmem:$0x1FB90]  }
0x380: {  	p2 =	slt.u32 s10, $0xC;
	v49 =	vmovc v55;
	v62 =	vmov v32;
	v51 =	vmov v39;
	v5 =	vadd.s32 @!p1 v7, v5;
	[tilespmem:v14+s6+$0x0] =	vst.idx.add.f32.msk $0xffff, v13  }
.Ltmp2:
0x381: {  	s3 =	simm.s32 @!p1 $0x10000;
	v52 =	vmovc v36;
	v60 =	vmovc v34;
	v59 =	vmov v35;
	v32 =	vmov v62;
	v7 =	vimm.f32 @!p1 $1.000000000e+00;
	v14 =	vld [tilespmem:$0x1FBB0];
	(pc) =	sbr.rel @p2 .LBB2_7-.Ltmp2, $4  }
0x382: {  	v33 =	vmovc v61;
	v34 =	vmovc v60;
	v35 =	vmov v59;
	v36 =	vmov v52;
	v39 =	vmov v51;
	[tilespmem:v15+s3+$0x0] =	vst.idx.add.f32.msk @!p1 $0xffff, v7  }
0x383: {  	v56 =	vmovc v48;
	v55 =	vmovc v49;
	v23 =	vlaneseq.u32;
	v28 =	vmov v29;
	v29 =	vmov v30;
	[tilespmem:v6+s3+$0x0] =	vst.idx.add.f32.msk @!p1 $0xffff, v7  }
0x384: {  	v30 =	vmovc v31;
	v31 =	vmovc v63;
	v21 =	vmov v40;
	v18 =	vmov v37;
	v22 =	vmov v41;
	[tilespmem:v4+s3+$0x0] =	vst.idx.add.f32.msk @!p1 $0xffff, v7  }
0x385: {  	s0 =	sadd.s32 $0x40, s0;
	s11 =	sadd.s32 $0x40, s11;
	v19 =	vmovc v38;
	v17 =	vmovc v3;
	v9 =	vmov v53;
	v10 =	vmov v0;
	v13 =	vmov v57;
	[tilespmem:v5+s3+$0x0] =	vst.idx.add.f32.msk @!p1 $0xffff, v7  }
0x386: {  	s0 =	sadd.s32 s16, s15  }
0x387: {  	s3 =	smov.u32 s8;
	p2 =	slt.s32 s0, s8  }
0x388: {  	s3 =	smov.u32 @p2 s0  }
0x389: {  	s0 =	sshll.u32 s3, $0x8  }
0x38a: {  	s0 =	sor.u32 s9, s0  }
0x38b: {  	s0 =	sshrl.u32 s0, $0x3  }
0x38c: {  	s28 =	sshrl.u32 s3, $0x3;
	s0 =	sadd.s32 s7, s0  }
0x38d: {  	[tilespmem:s24], [sflag:$0x1] =	stream.strided.gather [hbm4b:s0+s22], $0x4000, s23, s22, $0x38;
	[tilespmem:$0x18700] =	vst v63  }
0x38e: {  	s0 =	sadd.s32 s2, s28  }
0x38f: {  	[tilespmem:s25], [sflag:$0x3] =	stream.linear.gather [hbm4b:s0+s6], $0x100, $0x38;
	[tilespmem:$0x18700] =	vst v63  }
0x390: {  	_ =	swait.ge [sflag:s31], $0x4000  }
0x391: {  	[sflag:s31] =	ssyncset.done $0x0  }
0x392: {  	[sflag:s31] =	ssyncadd.s32 $0xFFFFC000  }
0x393: {  	_ =	swait.ge [sflag:s4], $0x100  }
0x394: {  	v4 =	vld [tilespmem:$0x1FB50];
	_ =	sdelay $0x4  }
0x395: {  	s10 =	simm.s32 $0x130;
	[sflag:s4] =	ssyncset.done $0x0;
	v2 =	vadd.s32 s14, v4  }
0x396: {  	s11 =	simm.s32 $0x18530;
	s0 =	simm.s32 $0xFFFFFFFC;
	[sflag:s4] =	ssyncadd.s32 $0xFFFFFF00;
	[tilespmem:$0x1FB30] =	vst v2  }
.LBB2_9:
0x397: {  	s3 =	sadd.s32 $0xFFFFFFD0, s10  }
0x398: {  	v2 =	vld [tilespmem:$0x1FB30];
	v4 =	vmov s3  }
0x399: {  	v5 =	vld [tilespmem:s11+$0xFFFFFFD0];
	v4 =	vshll.u32 v4, $0x6  }
0x39a: {  	s13 =	sadd.s32 s10, s19;
	v6 =	vor.u32 v20, v4  }
0x39b: {  	s26 =	sadd.s32 $0xFFFFFED0, s13;
	v7 =	vor.u32 v23, v6  }
0x39c: {  	v4 =	vmov s26  }
0x39d: {  	vm1 =	vlt.s32 v4, v2  }
0x39e: {  	v4 =	vsel vm1, $0x3E8, v5  }
0x39f: {  	v5 =	vshll.u32 v4, $0x6  }
0x3a0: {  	v8 =	vor.u32 v23, v5;
	v7 =	vld.idx.msk [tilespmem:v7+s24+$0x0], $0xffff  }
0x3a1: {  	v9 =	vor.u32 v53, v6;
	_ =	sdelay $0x3  }
0x3a2: {  	[tilespmem:v8+s6+$0x0] =	vst.idx.add.f32.msk $0xffff, v7  }
0x3a3: {  	v8 =	vor.u32 v53, v5;
	v7 =	vld.idx.msk [tilespmem:v9+s24+$0x0], $0xffff  }
0x3a4: {  	v9 =	vor.u32 v10, v6;
	_ =	sdelay $0x3  }
0x3a5: {  	[tilespmem:v8+s6+$0x0] =	vst.idx.add.f32.msk $0xffff, v7  }
0x3a6: {  	v8 =	vor.u32 v10, v5;
	v7 =	vld.idx.msk [tilespmem:v9+s24+$0x0], $0xffff  }
0x3a7: {  	v9 =	vor.u32 v11, v6;
	_ =	sdelay $0x3  }
0x3a8: {  	[tilespmem:v8+s6+$0x0] =	vst.idx.add.f32.msk $0xffff, v7  }
0x3a9: {  	v8 =	vor.u32 v11, v5;
	v7 =	vld.idx.msk [tilespmem:v9+s24+$0x0], $0xffff  }
0x3aa: {  	v9 =	vor.u32 v12, v6;
	_ =	sdelay $0x3  }
0x3ab: {  	[tilespmem:v8+s6+$0x0] =	vst.idx.add.f32.msk $0xffff, v7  }
0x3ac: {  	v8 =	vor.u32 v12, v5;
	v7 =	vld.idx.msk [tilespmem:v9+s24+$0x0], $0xffff  }
0x3ad: {  	v9 =	vor.u32 v13, v6;
	_ =	sdelay $0x3  }
0x3ae: {  	[tilespmem:v8+s6+$0x0] =	vst.idx.add.f32.msk $0xffff, v7  }
0x3af: {  	v8 =	vor.u32 v13, v5;
	v7 =	vld.idx.msk [tilespmem:v9+s24+$0x0], $0xffff  }
0x3b0: {  	v9 =	vor.u32 v14, v6;
	_ =	sdelay $0x3  }
0x3b1: {  	[tilespmem:v8+s6+$0x0] =	vst.idx.add.f32.msk $0xffff, v7  }
0x3b2: {  	v8 =	vor.u32 v14, v5;
	v7 =	vld.idx.msk [tilespmem:v9+s24+$0x0], $0xffff  }
0x3b3: {  	v9 =	vor.u32 v1, v6;
	_ =	sdelay $0x3  }
0x3b4: {  	[tilespmem:v8+s6+$0x0] =	vst.idx.add.f32.msk $0xffff, v7  }
0x3b5: {  	v8 =	vor.u32 v1, v5;
	v7 =	vld.idx.msk [tilespmem:v9+s24+$0x0], $0xffff  }
0x3b6: {  	v9 =	vor.u32 v16, v6;
	_ =	sdelay $0x3  }
0x3b7: {  	[tilespmem:v8+s6+$0x0] =	vst.idx.add.f32.msk $0xffff, v7  }
0x3b8: {  	v8 =	vor.u32 v16, v5;
	v7 =	vld.idx.msk [tilespmem:v9+s24+$0x0], $0xffff  }
0x3b9: {  	v9 =	vor.u32 v17, v6;
	_ =	sdelay $0x3  }
0x3ba: {  	[tilespmem:v8+s6+$0x0] =	vst.idx.add.f32.msk $0xffff, v7  }
0x3bb: {  	v8 =	vor.u32 v17, v5;
	v7 =	vld.idx.msk [tilespmem:v9+s24+$0x0], $0xffff  }
0x3bc: {  	v9 =	vor.u32 v18, v6;
	_ =	sdelay $0x3  }
0x3bd: {  	[tilespmem:v8+s6+$0x0] =	vst.idx.add.f32.msk $0xffff, v7  }
0x3be: {  	v8 =	vor.u32 v18, v5;
	v7 =	vld.idx.msk [tilespmem:v9+s24+$0x0], $0xffff  }
0x3bf: {  	v9 =	vor.u32 v19, v6;
	_ =	sdelay $0x3  }
0x3c0: {  	[tilespmem:v8+s6+$0x0] =	vst.idx.add.f32.msk $0xffff, v7  }
0x3c1: {  	v8 =	vor.u32 v19, v5;
	v7 =	vld.idx.msk [tilespmem:v9+s24+$0x0], $0xffff  }
0x3c2: {  	v9 =	vor.u32 v21, v6;
	_ =	sdelay $0x3  }
0x3c3: {  	[tilespmem:v8+s6+$0x0] =	vst.idx.add.f32.msk $0xffff, v7  }
0x3c4: {  	v8 =	vor.u32 v21, v5;
	v7 =	vld.idx.msk [tilespmem:v9+s24+$0x0], $0xffff  }
0x3c5: {  	v9 =	vor.u32 v22, v6  }
0x3c6: {  	v46 =	vld [tilespmem:$0x1FC60];
	_ =	sdelay $0x2  }
0x3c7: {  	[tilespmem:v8+s6+$0x0] =	vst.idx.add.f32.msk $0xffff, v7  }
0x3c8: {  	v8 =	vor.u32 v22, v5;
	v7 =	vld.idx.msk [tilespmem:v9+s24+$0x0], $0xffff  }
0x3c9: {  	v9 =	vor.u32 v46, v6;
	_ =	sdelay $0x3  }
0x3ca: {  	[tilespmem:v8+s6+$0x0] =	vst.idx.add.f32.msk $0xffff, v7  }
0x3cb: {  	v8 =	vor.u32 v46, v5;
	v7 =	vld.idx.msk [tilespmem:v9+s24+$0x0], $0xffff  }
0x3cc: {  	v9 =	vld [tilespmem:$0x1FC70];
	_ =	sdelay $0x3  }
0x3cd: {  	[tilespmem:v8+s6+$0x0] =	vst.idx.add.f32.msk $0xffff, v7  }
0x3ce: {  	v9 =	vor.u32 v9, v6;
	v8 =	vld [tilespmem:$0x1FC70]  }
0x3cf: {  	v47 =	vld [tilespmem:$0x1FC80];
	_ =	sdelay $0x3  }
0x3d0: {  	v7 =	vld.idx.msk [tilespmem:v9+s24+$0x0], $0xffff;
	v8 =	vor.u32 v8, v5  }
0x3d1: {  	v9 =	vor.u32 v47, v6;
	_ =	sdelay $0x3  }
0x3d2: {  	[tilespmem:v8+s6+$0x0] =	vst.idx.add.f32.msk $0xffff, v7  }
0x3d3: {  	v8 =	vor.u32 v47, v5;
	v7 =	vld.idx.msk [tilespmem:v9+s24+$0x0], $0xffff  }
0x3d4: {  	v9 =	vld [tilespmem:$0x1FC90];
	_ =	sdelay $0x3  }
0x3d5: {  	[tilespmem:v8+s6+$0x0] =	vst.idx.add.f32.msk $0xffff, v7  }
0x3d6: {  	v9 =	vor.u32 v9, v6;
	v8 =	vld [tilespmem:$0x1FC90]  }
0x3d7: {  	v48 =	vld [tilespmem:$0x1FCA0];
	_ =	sdelay $0x3  }
0x3d8: {  	v7 =	vld.idx.msk [tilespmem:v9+s24+$0x0], $0xffff;
	v8 =	vor.u32 v8, v5  }
0x3d9: {  	v9 =	vor.u32 v48, v6;
	_ =	sdelay $0x3  }
0x3da: {  	[tilespmem:v8+s6+$0x0] =	vst.idx.add.f32.msk $0xffff, v7  }
0x3db: {  	v8 =	vor.u32 v48, v5;
	v7 =	vld.idx.msk [tilespmem:v9+s24+$0x0], $0xffff  }
0x3dc: {  	v9 =	vld [tilespmem:$0x1FCB0];
	_ =	sdelay $0x3  }
0x3dd: {  	[tilespmem:v8+s6+$0x0] =	vst.idx.add.f32.msk $0xffff, v7  }
0x3de: {  	v9 =	vor.u32 v9, v6;
	v8 =	vld [tilespmem:$0x1FCB0]  }
0x3df: {  	v49 =	vld [tilespmem:$0x1FCC0];
	_ =	sdelay $0x3  }
0x3e0: {  	v7 =	vld.idx.msk [tilespmem:v9+s24+$0x0], $0xffff;
	v8 =	vor.u32 v8, v5  }
0x3e1: {  	v9 =	vor.u32 v49, v6;
	_ =	sdelay $0x3  }
0x3e2: {  	[tilespmem:v8+s6+$0x0] =	vst.idx.add.f32.msk $0xffff, v7  }
0x3e3: {  	v8 =	vor.u32 v49, v5;
	v7 =	vld.idx.msk [tilespmem:v9+s24+$0x0], $0xffff  }
0x3e4: {  	v9 =	vld [tilespmem:$0x1FCD0];
	_ =	sdelay $0x3  }
0x3e5: {  	[tilespmem:v8+s6+$0x0] =	vst.idx.add.f32.msk $0xffff, v7  }
0x3e6: {  	v9 =	vor.u32 v9, v6;
	v8 =	vld [tilespmem:$0x1FCD0]  }
0x3e7: {  	v51 =	vld [tilespmem:$0x1FCE0];
	_ =	sdelay $0x3  }
0x3e8: {  	v7 =	vld.idx.msk [tilespmem:v9+s24+$0x0], $0xffff;
	v8 =	vor.u32 v8, v5  }
0x3e9: {  	v9 =	vor.u32 v51, v6;
	_ =	sdelay $0x3  }
0x3ea: {  	[tilespmem:v8+s6+$0x0] =	vst.idx.add.f32.msk $0xffff, v7  }
0x3eb: {  	v8 =	vor.u32 v51, v5;
	v7 =	vld.idx.msk [tilespmem:v9+s24+$0x0], $0xffff  }
0x3ec: {  	v9 =	vld [tilespmem:$0x1FCF0];
	_ =	sdelay $0x3  }
0x3ed: {  	[tilespmem:v8+s6+$0x0] =	vst.idx.add.f32.msk $0xffff, v7  }
0x3ee: {  	v9 =	vor.u32 v9, v6;
	v8 =	vld [tilespmem:$0x1FCF0]  }
0x3ef: {  	v52 =	vld [tilespmem:$0x1FD00];
	_ =	sdelay $0x3  }
0x3f0: {  	v7 =	vld.idx.msk [tilespmem:v9+s24+$0x0], $0xffff;
	v8 =	vor.u32 v8, v5  }
0x3f1: {  	v9 =	vor.u32 v52, v6;
	_ =	sdelay $0x3  }
0x3f2: {  	[tilespmem:v8+s6+$0x0] =	vst.idx.add.f32.msk $0xffff, v7  }
0x3f3: {  	v8 =	vor.u32 v52, v5;
	v7 =	vld.idx.msk [tilespmem:v9+s24+$0x0], $0xffff  }
0x3f4: {  	v9 =	vld [tilespmem:$0x1FD10];
	_ =	sdelay $0x3  }
0x3f5: {  	[tilespmem:v8+s6+$0x0] =	vst.idx.add.f32.msk $0xffff, v7  }
0x3f6: {  	v9 =	vor.u32 v9, v6;
	v8 =	vld [tilespmem:$0x1FD10]  }
0x3f7: {  	v59 =	vld [tilespmem:$0x1FD20];
	_ =	sdelay $0x3  }
0x3f8: {  	v7 =	vld.idx.msk [tilespmem:v9+s24+$0x0], $0xffff;
	v8 =	vor.u32 v8, v5  }
0x3f9: {  	v9 =	vor.u32 v59, v6;
	_ =	sdelay $0x3  }
0x3fa: {  	[tilespmem:v8+s6+$0x0] =	vst.idx.add.f32.msk $0xffff, v7  }
0x3fb: {  	v8 =	vor.u32 v59, v5;
	v7 =	vld.idx.msk [tilespmem:v9+s24+$0x0], $0xffff  }
0x3fc: {  	v9 =	vld [tilespmem:$0x1FD30];
	_ =	sdelay $0x3  }
0x3fd: {  	[tilespmem:v8+s6+$0x0] =	vst.idx.add.f32.msk $0xffff, v7  }
0x3fe: {  	v9 =	vor.u32 v9, v6;
	v8 =	vld [tilespmem:$0x1FD30]  }
0x3ff: {  	v61 =	vld [tilespmem:$0x1FD40];
	_ =	sdelay $0x3  }
0x400: {  	v7 =	vld.idx.msk [tilespmem:v9+s24+$0x0], $0xffff;
	v8 =	vor.u32 v8, v5  }
0x401: {  	v9 =	vor.u32 v61, v6;
	_ =	sdelay $0x3  }
0x402: {  	[tilespmem:v8+s6+$0x0] =	vst.idx.add.f32.msk $0xffff, v7  }
0x403: {  	v8 =	vor.u32 v61, v5;
	v7 =	vld.idx.msk [tilespmem:v9+s24+$0x0], $0xffff  }
0x404: {  	v9 =	vld [tilespmem:$0x1FD50];
	_ =	sdelay $0x3  }
0x405: {  	[tilespmem:v8+s6+$0x0] =	vst.idx.add.f32.msk $0xffff, v7  }
0x406: {  	v9 =	vor.u32 v9, v6;
	v8 =	vld [tilespmem:$0x1FD50]  }
0x407: {  	v62 =	vld [tilespmem:$0x1FD60];
	_ =	sdelay $0x3  }
0x408: {  	v7 =	vld.idx.msk [tilespmem:v9+s24+$0x0], $0xffff;
	v8 =	vor.u32 v8, v5  }
0x409: {  	v9 =	vor.u32 v62, v6;
	_ =	sdelay $0x3  }
0x40a: {  	[tilespmem:v8+s6+$0x0] =	vst.idx.add.f32.msk $0xffff, v7  }
0x40b: {  	v8 =	vor.u32 v62, v5;
	v7 =	vld.idx.msk [tilespmem:v9+s24+$0x0], $0xffff  }
0x40c: {  	v9 =	vld [tilespmem:$0x1FD70];
	_ =	sdelay $0x3  }
0x40d: {  	[tilespmem:v8+s6+$0x0] =	vst.idx.add.f32.msk $0xffff, v7  }
0x40e: {  	v9 =	vor.u32 v9, v6;
	v8 =	vld [tilespmem:$0x1FD70]  }
0x40f: {  	v63 =	vld [tilespmem:$0x1FD80];
	_ =	sdelay $0x3  }
0x410: {  	v7 =	vld.idx.msk [tilespmem:v9+s24+$0x0], $0xffff;
	v8 =	vor.u32 v8, v5  }
0x411: {  	v9 =	vor.u32 v63, v6;
	_ =	sdelay $0x3  }
0x412: {  	[tilespmem:v8+s6+$0x0] =	vst.idx.add.f32.msk $0xffff, v7  }
0x413: {  	v8 =	vor.u32 v63, v5;
	v7 =	vld.idx.msk [tilespmem:v9+s24+$0x0], $0xffff  }
0x414: {  	v9 =	vld [tilespmem:$0x1FD90];
	_ =	sdelay $0x3  }
0x415: {  	[tilespmem:v8+s6+$0x0] =	vst.idx.add.f32.msk $0xffff, v7  }
0x416: {  	v9 =	vor.u32 v9, v6;
	v8 =	vld [tilespmem:$0x1FD90]  }
0x417: {  	v60 =	vld [tilespmem:$0x1FDC0];
	_ =	sdelay $0x3  }
0x418: {  	v7 =	vld.idx.msk [tilespmem:v9+s24+$0x0], $0xffff;
	v8 =	vor.u32 v8, v5  }
0x419: {  	v9 =	vor.u32 v60, v6;
	_ =	sdelay $0x3  }
0x41a: {  	[tilespmem:v8+s6+$0x0] =	vst.idx.add.f32.msk $0xffff, v7  }
0x41b: {  	v8 =	vor.u32 v60, v5;
	v7 =	vld.idx.msk [tilespmem:v9+s24+$0x0], $0xffff  }
0x41c: {  	v9 =	vld [tilespmem:$0x1FDD0];
	_ =	sdelay $0x3  }
0x41d: {  	[tilespmem:v8+s6+$0x0] =	vst.idx.add.f32.msk $0xffff, v7  }
0x41e: {  	v9 =	vor.u32 v9, v6;
	v8 =	vld [tilespmem:$0x1FDD0];
	_ =	sdelay $0x4  }
0x41f: {  	v7 =	vld.idx.msk [tilespmem:v9+s24+$0x0], $0xffff;
	v8 =	vor.u32 v8, v5  }
0x420: {  	v9 =	vor.u32 v28, v6;
	_ =	sdelay $0x3  }
0x421: {  	[tilespmem:v8+s6+$0x0] =	vst.idx.add.f32.msk $0xffff, v7  }
0x422: {  	v8 =	vor.u32 v28, v5;
	v7 =	vld.idx.msk [tilespmem:v9+s24+$0x0], $0xffff  }
0x423: {  	v9 =	vor.u32 v29, v6;
	_ =	sdelay $0x3  }
0x424: {  	[tilespmem:v8+s6+$0x0] =	vst.idx.add.f32.msk $0xffff, v7  }
0x425: {  	v8 =	vor.u32 v29, v5;
	v7 =	vld.idx.msk [tilespmem:v9+s24+$0x0], $0xffff  }
0x426: {  	v9 =	vor.u32 v30, v6;
	_ =	sdelay $0x3  }
0x427: {  	[tilespmem:v8+s6+$0x0] =	vst.idx.add.f32.msk $0xffff, v7  }
0x428: {  	v8 =	vor.u32 v30, v5;
	v7 =	vld.idx.msk [tilespmem:v9+s24+$0x0], $0xffff  }
0x429: {  	v9 =	vor.u32 v31, v6;
	_ =	sdelay $0x3  }
0x42a: {  	[tilespmem:v8+s6+$0x0] =	vst.idx.add.f32.msk $0xffff, v7  }
0x42b: {  	v8 =	vor.u32 v31, v5;
	v7 =	vld.idx.msk [tilespmem:v9+s24+$0x0], $0xffff  }
0x42c: {  	v9 =	vor.u32 v32, v6;
	_ =	sdelay $0x3  }
0x42d: {  	[tilespmem:v8+s6+$0x0] =	vst.idx.add.f32.msk $0xffff, v7  }
0x42e: {  	v8 =	vor.u32 v32, v5;
	v7 =	vld.idx.msk [tilespmem:v9+s24+$0x0], $0xffff  }
0x42f: {  	v9 =	vor.u32 v33, v6;
	_ =	sdelay $0x3  }
0x430: {  	[tilespmem:v8+s6+$0x0] =	vst.idx.add.f32.msk $0xffff, v7  }
0x431: {  	v8 =	vor.u32 v33, v5;
	v7 =	vld.idx.msk [tilespmem:v9+s24+$0x0], $0xffff  }
0x432: {  	v9 =	vor.u32 v34, v6;
	_ =	sdelay $0x3  }
0x433: {  	[tilespmem:v8+s6+$0x0] =	vst.idx.add.f32.msk $0xffff, v7  }
0x434: {  	v8 =	vor.u32 v34, v5;
	v7 =	vld.idx.msk [tilespmem:v9+s24+$0x0], $0xffff  }
0x435: {  	v9 =	vor.u32 v35, v6;
	_ =	sdelay $0x3  }
0x436: {  	[tilespmem:v8+s6+$0x0] =	vst.idx.add.f32.msk $0xffff, v7  }
0x437: {  	v8 =	vor.u32 v35, v5;
	v7 =	vld.idx.msk [tilespmem:v9+s24+$0x0], $0xffff  }
0x438: {  	v9 =	vor.u32 v36, v6;
	_ =	sdelay $0x3  }
0x439: {  	[tilespmem:v8+s6+$0x0] =	vst.idx.add.f32.msk $0xffff, v7  }
0x43a: {  	v8 =	vor.u32 v36, v5;
	v7 =	vld.idx.msk [tilespmem:v9+s24+$0x0], $0xffff  }
0x43b: {  	v9 =	vor.u32 v39, v6;
	_ =	sdelay $0x3  }
0x43c: {  	[tilespmem:v8+s6+$0x0] =	vst.idx.add.f32.msk $0xffff, v7  }
0x43d: {  	v8 =	vor.u32 v39, v5;
	v7 =	vld.idx.msk [tilespmem:v9+s24+$0x0], $0xffff  }
0x43e: {  	v9 =	vor.u32 v58, v6;
	_ =	sdelay $0x3  }
0x43f: {  	[tilespmem:v8+s6+$0x0] =	vst.idx.add.f32.msk $0xffff, v7  }
0x440: {  	v8 =	vor.u32 v58, v5;
	v7 =	vld.idx.msk [tilespmem:v9+s24+$0x0], $0xffff  }
0x441: {  	v9 =	vor.u32 v56, v6;
	_ =	sdelay $0x3  }
0x442: {  	[tilespmem:v8+s6+$0x0] =	vst.idx.add.f32.msk $0xffff, v7  }
0x443: {  	v8 =	vor.u32 v56, v5;
	v7 =	vld.idx.msk [tilespmem:v9+s24+$0x0], $0xffff  }
0x444: {  	v9 =	vor.u32 v55, v6  }
0x445: {  	v24 =	vld [tilespmem:$0x1FDE0];
	_ =	sdelay $0x2  }
0x446: {  	[tilespmem:v8+s6+$0x0] =	vst.idx.add.f32.msk $0xffff, v7  }
0x447: {  	v8 =	vor.u32 v55, v5;
	v7 =	vld.idx.msk [tilespmem:v9+s24+$0x0], $0xffff  }
0x448: {  	v9 =	vor.u32 v24, v6;
	_ =	sdelay $0x3  }
0x449: {  	[tilespmem:v8+s6+$0x0] =	vst.idx.add.f32.msk $0xffff, v7  }
0x44a: {  	v8 =	vor.u32 v24, v5;
	v7 =	vld.idx.msk [tilespmem:v9+s24+$0x0], $0xffff  }
0x44b: {  	v9 =	vld [tilespmem:$0x1FE10];
	_ =	sdelay $0x3  }
0x44c: {  	[tilespmem:v8+s6+$0x0] =	vst.idx.add.f32.msk $0xffff, v7  }
0x44d: {  	v9 =	vor.u32 v9, v6;
	v8 =	vld [tilespmem:$0x1FE10];
	_ =	sdelay $0x4  }
0x44e: {  	v7 =	vld.idx.msk [tilespmem:v9+s24+$0x0], $0xffff;
	v8 =	vor.u32 v8, v5  }
0x44f: {  	v9 =	vor.u32 v42, v6  }
0x450: {  	v25 =	vld [tilespmem:$0x1FE60];
	_ =	sdelay $0x2  }
0x451: {  	[tilespmem:v8+s6+$0x0] =	vst.idx.add.f32.msk $0xffff, v7  }
0x452: {  	v8 =	vor.u32 v42, v5;
	v7 =	vld.idx.msk [tilespmem:v9+s24+$0x0], $0xffff  }
0x453: {  	v9 =	vor.u32 v25, v6;
	_ =	sdelay $0x3  }
0x454: {  	[tilespmem:v8+s6+$0x0] =	vst.idx.add.f32.msk $0xffff, v7  }
0x455: {  	v8 =	vor.u32 v25, v5;
	v7 =	vld.idx.msk [tilespmem:v9+s24+$0x0], $0xffff  }
0x456: {  	v9 =	vor.u32 v43, v6;
	_ =	sdelay $0x3  }
0x457: {  	[tilespmem:v8+s6+$0x0] =	vst.idx.add.f32.msk $0xffff, v7  }
0x458: {  	v8 =	vor.u32 v43, v5;
	v7 =	vld.idx.msk [tilespmem:v9+s24+$0x0], $0xffff  }
0x459: {  	v9 =	vor.u32 v44, v6;
	_ =	sdelay $0x3  }
0x45a: {  	[tilespmem:v8+s6+$0x0] =	vst.idx.add.f32.msk $0xffff, v7  }
0x45b: {  	v8 =	vor.u32 v44, v5;
	v7 =	vld.idx.msk [tilespmem:v9+s24+$0x0], $0xffff  }
0x45c: {  	v9 =	vor.u32 v45, v6;
	_ =	sdelay $0x3  }
0x45d: {  	[tilespmem:v8+s6+$0x0] =	vst.idx.add.f32.msk $0xffff, v7  }
0x45e: {  	v8 =	vor.u32 v45, v5;
	v7 =	vld.idx.msk [tilespmem:v9+s24+$0x0], $0xffff  }
0x45f: {  	v9 =	vor.u32 v50, v6;
	_ =	sdelay $0x3  }
0x460: {  	[tilespmem:v8+s6+$0x0] =	vst.idx.add.f32.msk $0xffff, v7  }
0x461: {  	v8 =	vor.u32 v50, v5;
	v7 =	vld.idx.msk [tilespmem:v9+s24+$0x0], $0xffff  }
0x462: {  	v9 =	vld [tilespmem:$0x1FE70];
	_ =	sdelay $0x3  }
0x463: {  	[tilespmem:v8+s6+$0x0] =	vst.idx.add.f32.msk $0xffff, v7  }
0x464: {  	v9 =	vor.u32 v9, v6;
	v8 =	vld [tilespmem:$0x1FE70]  }
0x465: {  	v26 =	vld [tilespmem:$0x1FEA0];
	_ =	sdelay $0x3  }
0x466: {  	v7 =	vld.idx.msk [tilespmem:v9+s24+$0x0], $0xffff;
	v8 =	vor.u32 v8, v5  }
0x467: {  	v9 =	vor.u32 v26, v6;
	_ =	sdelay $0x3  }
0x468: {  	[tilespmem:v8+s6+$0x0] =	vst.idx.add.f32.msk $0xffff, v7  }
0x469: {  	v8 =	vor.u32 v26, v5;
	v7 =	vld.idx.msk [tilespmem:v9+s24+$0x0], $0xffff  }
0x46a: {  	v9 =	vor.u32 v54, v6;
	_ =	sdelay $0x3  }
0x46b: {  	[tilespmem:v8+s6+$0x0] =	vst.idx.add.f32.msk $0xffff, v7  }
0x46c: {  	v8 =	vor.u32 v54, v5;
	v7 =	vld.idx.msk [tilespmem:v9+s24+$0x0], $0xffff  }
0x46d: {  	v9 =	vld [tilespmem:$0x1FEB0];
	_ =	sdelay $0x3  }
0x46e: {  	[tilespmem:v8+s6+$0x0] =	vst.idx.add.f32.msk $0xffff, v7  }
0x46f: {  	v9 =	vor.u32 v9, v6;
	v8 =	vld [tilespmem:$0x1FEB0];
	_ =	sdelay $0x4  }
0x470: {  	v7 =	vld.idx.msk [tilespmem:v9+s24+$0x0], $0xffff;
	v8 =	vor.u32 v8, v5;
	_ =	sdelay $0x1  }
0x471: {  	v27 =	vld [tilespmem:$0x1FEC0];
	_ =	sdelay $0x2  }
0x472: {  	[tilespmem:v8+s6+$0x0] =	vst.idx.add.f32.msk $0xffff, v7  }
0x473: {  	v8 =	vld [tilespmem:$0x1FED0]  }
0x474: {  	s28 =	sadd.s32 $0xFFFFFFE0, s10;
	v10 =	vor.u32 v27, v6  }
0x475: {  	v9 =	vmov s28  }
0x476: {  	s14 =	sadd.s32 $0xFFFFFFF0, s10;
	s16 =	sadd.s32 $0xFFFFFEE0, s13;
	v12 =	vld [tilespmem:s11+$0xFFFFFFE0];
	v9 =	vshll.u32 v9, $0x6  }
0x477: {  	v14 =	vmov s16;
	v9 =	vor.u32 v20, v9;
	v7 =	vmov s14  }
0x478: {  	v16 =	vld [tilespmem:s11+$0xFFFFFFF0];
	v7 =	vshll.u32 v7, $0x6;
	v15 =	vor.u32 v8, v6;
	v8 =	vor.u32 v23, v9  }
0x479: {  	v13 =	vor.u32 v27, v5;
	v10 =	vld.idx.msk [tilespmem:v10+s24+$0x0], $0xffff;
	v11 =	vor.u32 v20, v7;
	v7 =	vmov s10  }
0x47a: {  	s26 =	sadd.s32 $0xFFFFFEF0, s13;
	vm1 =	vlt.s32 v14, v2;
	v18 =	vld [tilespmem:s11+$0x0];
	v17 =	vor.u32 v23, v11;
	v14 =	vshll.u32 v7, $0x6  }
0x47b: {  	v19 =	vmov s26;
	v7 =	vsel vm1, $0x3E8, v12;
	v14 =	vor.u32 v20, v14  }
0x47c: {  	s28 =	sadd.s32 $0xFFFFFF00, s13;
	vm1 =	vlt.s32 v19, v2;
	v12 =	vshll.u32 v7, $0x6;
	v19 =	vor.u32 v23, v14  }
0x47d: {  	v21 =	vor.u32 v23, v12;
	v20 =	vld.idx.msk [tilespmem:v8+s24+$0x0], $0xffff;
	v8 =	vsel vm1, $0x3E8, v16;
	v16 =	vmov s28  }
0x47e: {  	[tilespmem:v13+s6+$0x0] =	vst.idx.add.f32.msk $0xffff, v10;
	vm1 =	vlt.s32 v16, v2  }
0x47f: {  	v22 =	vor.u32 v53, v9;
	v13 =	vshll.u32 v8, $0x6;
	v16 =	vld.idx.msk [tilespmem:v17+s24+$0x0], $0xffff;
	v10 =	vsel vm1, $0x3E8, v18  }
0x480: {  	v2 =	vld.idx.msk [tilespmem:v15+s24+$0x0], $0xffff;
	v17 =	vor.u32 v23, v13;
	v23 =	vlaneseq.u32;
	v15 =	vshll.u32 v10, $0x6  }
0x481: {  	v19 =	vld.idx.msk [tilespmem:v19+s24+$0x0], $0xffff;
	v23 =	vor.u32 v23, v15  }
0x482: {  	[tilespmem:v21+s6+$0x0] =	vst.idx.add.f32.msk $0xffff, v20;
	v20 =	vor.u32 v53, v14;
	_ =	sdelay $0x1  }
0x483: {  	v18 =	vor.u32 v53, v11;
	v21 =	vld.idx.msk [tilespmem:v22+s24+$0x0], $0xffff  }
0x484: {  	v22 =	vor.u32 v53, v12;
	[tilespmem:v17+s6+$0x0] =	vst.idx.add.f32.msk $0xffff, v16  }
0x485: {  	v16 =	vor.u32 v0, v9;
	[tilespmem:v23+s6+$0x0] =	vst.idx.add.f32.msk $0xffff, v19  }
0x486: {  	v23 =	vor.u32 v53, v15;
	v20 =	vld.idx.msk [tilespmem:v20+s24+$0x0], $0xffff;
	_ =	sdelay $0x1  }
0x487: {  	v17 =	vld.idx.msk [tilespmem:v18+s24+$0x0], $0xffff;
	v18 =	vor.u32 v53, v13  }
0x488: {  	[tilespmem:v22+s6+$0x0] =	vst.idx.add.f32.msk $0xffff, v21  }
0x489: {  	v19 =	vor.u32 v0, v11;
	v16 =	vld.idx.msk [tilespmem:v16+s24+$0x0], $0xffff  }
0x48a: {  	v21 =	vor.u32 v0, v14;
	[tilespmem:v23+s6+$0x0] =	vst.idx.add.f32.msk $0xffff, v20  }
0x48b: {  	v22 =	vor.u32 v0, v12;
	v20 =	vld [tilespmem:$0x1FB80]  }
0x48c: {  	[tilespmem:v18+s6+$0x0] =	vst.idx.add.f32.msk $0xffff, v17  }
0x48d: {  	v17 =	vld [tilespmem:$0x1FB80]  }
0x48e: {  	v18 =	vld.idx.msk [tilespmem:v19+s24+$0x0], $0xffff;
	v19 =	vor.u32 v0, v13  }
0x48f: {  	v23 =	vor.u32 v0, v15;
	v21 =	vld.idx.msk [tilespmem:v21+s24+$0x0], $0xffff  }
0x490: {  	[tilespmem:v22+s6+$0x0] =	vst.idx.add.f32.msk $0xffff, v16;
	v20 =	vor.u32 v20, v11  }
0x491: {  	v16 =	vld [tilespmem:$0x1FB80]  }
0x492: {  	v22 =	vld [tilespmem:$0x1FB80]  }
0x493: {  	v17 =	vor.u32 v17, v9;
	[tilespmem:v19+s6+$0x0] =	vst.idx.add.f32.msk $0xffff, v18  }
0x494: {  	[tilespmem:v23+s6+$0x0] =	vst.idx.add.f32.msk $0xffff, v21  }
0x495: {  	v19 =	vld.idx.msk [tilespmem:v20+s24+$0x0], $0xffff  }
0x496: {  	v20 =	vld [tilespmem:$0x1FB80]  }
0x497: {  	v21 =	vld [tilespmem:$0x1FB90];
	v16 =	vor.u32 v16, v14  }
0x498: {  	v22 =	vor.u32 v22, v12;
	v17 =	vld.idx.msk [tilespmem:v17+s24+$0x0], $0xffff  }
0x499: {  	v18 =	vld [tilespmem:$0x1FB90]  }
0x49a: {  	v23 =	vld [tilespmem:$0x1FB80]  }
0x49b: {  	v20 =	vor.u32 v20, v13  }
0x49c: {  	v21 =	vor.u32 v21, v11;
	v16 =	vld.idx.msk [tilespmem:v16+s24+$0x0], $0xffff  }
0x49d: {  	[tilespmem:v22+s6+$0x0] =	vst.idx.add.f32.msk $0xffff, v17  }
0x49e: {  	v18 =	vor.u32 v18, v9;
	v17 =	vld [tilespmem:$0x1FB90]  }
0x49f: {  	v23 =	vor.u32 v23, v15;
	v22 =	vld [tilespmem:$0x1FB90]  }
0x4a0: {  	[tilespmem:v20+s6+$0x0] =	vst.idx.add.f32.msk $0xffff, v19  }
0x4a1: {  	v20 =	vld.idx.msk [tilespmem:v21+s24+$0x0], $0xffff  }
0x4a2: {  	v21 =	vld [tilespmem:$0x1FB90]  }
0x4a3: {  	v18 =	vld.idx.msk [tilespmem:v18+s24+$0x0], $0xffff  }
0x4a4: {  	[tilespmem:v23+s6+$0x0] =	vst.idx.add.f32.msk $0xffff, v16;
	v17 =	vor.u32 v17, v14  }
0x4a5: {  	v23 =	vld [tilespmem:$0x1FB90];
	v22 =	vor.u32 v22, v12  }
0x4a6: {  	v19 =	vor.u32 v57, v9  }
0x4a7: {  	v21 =	vor.u32 v21, v13  }
0x4a8: {  	v1 =	vld [tilespmem:$0x1FBC0]  }
0x4a9: {  	v16 =	vor.u32 v57, v11;
	v17 =	vld.idx.msk [tilespmem:v17+s24+$0x0], $0xffff  }
0x4aa: {  	v23 =	vor.u32 v23, v15;
	[tilespmem:v22+s6+$0x0] =	vst.idx.add.f32.msk $0xffff, v18  }
0x4ab: {  	v18 =	vor.u32 v57, v14;
	v19 =	vld.idx.msk [tilespmem:v19+s24+$0x0], $0xffff  }
0x4ac: {  	v22 =	vor.u32 v57, v12;
	[tilespmem:v21+s6+$0x0] =	vst.idx.add.f32.msk $0xffff, v20  }
0x4ad: {  	v20 =	vld [tilespmem:$0x1FBB0]  }
0x4ae: {  	v21 =	vor.u32 v57, v13;
	v16 =	vld.idx.msk [tilespmem:v16+s24+$0x0], $0xffff  }
0x4af: {  	[tilespmem:v23+s6+$0x0] =	vst.idx.add.f32.msk $0xffff, v17  }
0x4b0: {  	v18 =	vld.idx.msk [tilespmem:v18+s24+$0x0], $0xffff  }
0x4b1: {  	[tilespmem:v22+s6+$0x0] =	vst.idx.add.f32.msk $0xffff, v19  }
0x4b2: {  	v23 =	vor.u32 v57, v15;
	v22 =	vld [tilespmem:$0x1FBB0]  }
0x4b3: {  	v20 =	vor.u32 v20, v9;
	[tilespmem:v21+s6+$0x0] =	vst.idx.add.f32.msk $0xffff, v16  }
0x4b4: {  	v16 =	vor.u32 v1, v9;
	v1 =	vld [tilespmem:$0x1FBC0];
	_ =	sdelay $0x1  }
0x4b5: {  	v17 =	vld [tilespmem:$0x1FBB0]  }
0x4b6: {  	[tilespmem:v23+s6+$0x0] =	vst.idx.add.f32.msk $0xffff, v18  }
0x4b7: {  	v22 =	vor.u32 v22, v12;
	v20 =	vld.idx.msk [tilespmem:v20+s24+$0x0], $0xffff  }
0x4b8: {  	v18 =	vor.u32 v1, v11;
	v1 =	vld [tilespmem:$0x1FBC0];
	_ =	sdelay $0x2  }
0x4b9: {  	v21 =	vld [tilespmem:$0x1FBB0]  }
0x4ba: {  	v17 =	vor.u32 v17, v11;
	[tilespmem:v22+s6+$0x0] =	vst.idx.add.f32.msk $0xffff, v20  }
0x4bb: {  	v20 =	vor.u32 v1, v14;
	v1 =	vld [tilespmem:$0x1FBC0];
	_ =	sdelay $0x2  }
0x4bc: {  	v19 =	vld [tilespmem:$0x1FBB0]  }
0x4bd: {  	v17 =	vld.idx.msk [tilespmem:v17+s24+$0x0], $0xffff;
	v21 =	vor.u32 v21, v13  }
0x4be: {  	v22 =	vor.u32 v1, v12;
	v1 =	vld [tilespmem:$0x1FBD0];
	_ =	sdelay $0x2  }
0x4bf: {  	v23 =	vld [tilespmem:$0x1FBB0]  }
0x4c0: {  	v19 =	vor.u32 v19, v14;
	[tilespmem:v21+s6+$0x0] =	vst.idx.add.f32.msk $0xffff, v17  }
0x4c1: {  	v17 =	vor.u32 v1, v9;
	v1 =	vld [tilespmem:$0x1FBC0];
	_ =	sdelay $0x3  }
0x4c2: {  	v23 =	vor.u32 v23, v15;
	v19 =	vld.idx.msk [tilespmem:v19+s24+$0x0], $0xffff  }
0x4c3: {  	v21 =	vor.u32 v1, v13;
	v1 =	vld [tilespmem:$0x1FBD0];
	_ =	sdelay $0x3  }
0x4c4: {  	[tilespmem:v23+s6+$0x0] =	vst.idx.add.f32.msk $0xffff, v19  }
0x4c5: {  	v19 =	vor.u32 v1, v11;
	v1 =	vld [tilespmem:$0x1FBC0];
	_ =	sdelay $0x3  }
0x4c6: {  	v16 =	vld.idx.msk [tilespmem:v16+s24+$0x0], $0xffff  }
0x4c7: {  	v23 =	vor.u32 v1, v15;
	v1 =	vld [tilespmem:$0x1FBD0];
	_ =	sdelay $0x3  }
0x4c8: {  	[tilespmem:v22+s6+$0x0] =	vst.idx.add.f32.msk $0xffff, v16  }
0x4c9: {  	v16 =	vor.u32 v1, v14;
	v1 =	vld [tilespmem:$0x1FBD0];
	_ =	sdelay $0x3  }
0x4ca: {  	v18 =	vld.idx.msk [tilespmem:v18+s24+$0x0], $0xffff  }
0x4cb: {  	v22 =	vor.u32 v1, v12;
	v1 =	vld [tilespmem:$0x1FBD0];
	_ =	sdelay $0x2  }
0x4cc: {  	v20 =	vld.idx.msk [tilespmem:v20+s24+$0x0], $0xffff  }
0x4cd: {  	[tilespmem:v21+s6+$0x0] =	vst.idx.add.f32.msk $0xffff, v18  }
0x4ce: {  	v21 =	vor.u32 v1, v13;
	v1 =	vld [tilespmem:$0x1FBD0]  }
0x4cf: {  	v17 =	vld.idx.msk [tilespmem:v17+s24+$0x0], $0xffff  }
0x4d0: {  	v18 =	vor.u32 v3, v9  }
0x4d1: {  	v19 =	vld.idx.msk [tilespmem:v19+s24+$0x0], $0xffff  }
0x4d2: {  	[tilespmem:v23+s6+$0x0] =	vst.idx.add.f32.msk $0xffff, v20;
	v20 =	vor.u32 v3, v11  }
0x4d3: {  	v16 =	vld.idx.msk [tilespmem:v16+s24+$0x0], $0xffff;
	v23 =	vor.u32 v1, v15  }
0x4d4: {  	[tilespmem:v22+s6+$0x0] =	vst.idx.add.f32.msk $0xffff, v17;
	v17 =	vor.u32 v3, v14  }
0x4d5: {  	v22 =	vor.u32 v3, v12;
	v18 =	vld.idx.msk [tilespmem:v18+s24+$0x0], $0xffff  }
0x4d6: {  	[tilespmem:v21+s6+$0x0] =	vst.idx.add.f32.msk $0xffff, v19;
	v19 =	vor.u32 v37, v9  }
0x4d7: {  	v21 =	vor.u32 v3, v13;
	v20 =	vld.idx.msk [tilespmem:v20+s24+$0x0], $0xffff  }
0x4d8: {  	[tilespmem:v23+s6+$0x0] =	vst.idx.add.f32.msk $0xffff, v16;
	v16 =	vor.u32 v37, v11  }
0x4d9: {  	v23 =	vor.u32 v3, v15;
	v17 =	vld.idx.msk [tilespmem:v17+s24+$0x0], $0xffff  }
0x4da: {  	[tilespmem:v22+s6+$0x0] =	vst.idx.add.f32.msk $0xffff, v18;
	v18 =	vor.u32 v37, v14  }
0x4db: {  	v22 =	vor.u32 v37, v12;
	v19 =	vld.idx.msk [tilespmem:v19+s24+$0x0], $0xffff  }
0x4dc: {  	[tilespmem:v21+s6+$0x0] =	vst.idx.add.f32.msk $0xffff, v20;
	v20 =	vor.u32 v38, v9  }
0x4dd: {  	v21 =	vor.u32 v37, v13;
	v16 =	vld.idx.msk [tilespmem:v16+s24+$0x0], $0xffff  }
0x4de: {  	[tilespmem:v23+s6+$0x0] =	vst.idx.add.f32.msk $0xffff, v17;
	v17 =	vor.u32 v38, v11  }
0x4df: {  	v23 =	vor.u32 v37, v15;
	v18 =	vld.idx.msk [tilespmem:v18+s24+$0x0], $0xffff  }
0x4e0: {  	[tilespmem:v22+s6+$0x0] =	vst.idx.add.f32.msk $0xffff, v19;
	v19 =	vor.u32 v38, v14  }
0x4e1: {  	v22 =	vor.u32 v38, v12;
	v20 =	vld.idx.msk [tilespmem:v20+s24+$0x0], $0xffff  }
0x4e2: {  	[tilespmem:v21+s6+$0x0] =	vst.idx.add.f32.msk $0xffff, v16;
	v16 =	vor.u32 v40, v9  }
0x4e3: {  	v21 =	vor.u32 v38, v13;
	v17 =	vld.idx.msk [tilespmem:v17+s24+$0x0], $0xffff  }
0x4e4: {  	[tilespmem:v23+s6+$0x0] =	vst.idx.add.f32.msk $0xffff, v18;
	v18 =	vor.u32 v40, v11  }
0x4e5: {  	v23 =	vor.u32 v38, v15;
	v19 =	vld.idx.msk [tilespmem:v19+s24+$0x0], $0xffff  }
0x4e6: {  	[tilespmem:v22+s6+$0x0] =	vst.idx.add.f32.msk $0xffff, v20;
	v20 =	vor.u32 v40, v14  }
0x4e7: {  	v22 =	vor.u32 v40, v12;
	v16 =	vld.idx.msk [tilespmem:v16+s24+$0x0], $0xffff  }
0x4e8: {  	[tilespmem:v21+s6+$0x0] =	vst.idx.add.f32.msk $0xffff, v17;
	v17 =	vor.u32 v41, v9  }
0x4e9: {  	v21 =	vor.u32 v40, v13;
	v18 =	vld.idx.msk [tilespmem:v18+s24+$0x0], $0xffff  }
0x4ea: {  	[tilespmem:v23+s6+$0x0] =	vst.idx.add.f32.msk $0xffff, v19;
	v19 =	vor.u32 v41, v11  }
0x4eb: {  	v23 =	vor.u32 v40, v15;
	v20 =	vld.idx.msk [tilespmem:v20+s24+$0x0], $0xffff  }
0x4ec: {  	[tilespmem:v22+s6+$0x0] =	vst.idx.add.f32.msk $0xffff, v16;
	v16 =	vor.u32 v41, v14  }
0x4ed: {  	v22 =	vor.u32 v41, v12;
	v17 =	vld.idx.msk [tilespmem:v17+s24+$0x0], $0xffff  }
0x4ee: {  	[tilespmem:v21+s6+$0x0] =	vst.idx.add.f32.msk $0xffff, v18;
	v18 =	vor.u32 v46, v9  }
0x4ef: {  	v21 =	vor.u32 v41, v13;
	v19 =	vld.idx.msk [tilespmem:v19+s24+$0x0], $0xffff  }
0x4f0: {  	[tilespmem:v23+s6+$0x0] =	vst.idx.add.f32.msk $0xffff, v20  }
0x4f1: {  	v23 =	vor.u32 v41, v15;
	v16 =	vld.idx.msk [tilespmem:v16+s24+$0x0], $0xffff  }
0x4f2: {  	[tilespmem:v22+s6+$0x0] =	vst.idx.add.f32.msk $0xffff, v17  }
0x4f3: {  	v20 =	vor.u32 v46, v11;
	v18 =	vld.idx.msk [tilespmem:v18+s24+$0x0], $0xffff  }
0x4f4: {  	[tilespmem:v21+s6+$0x0] =	vst.idx.add.f32.msk $0xffff, v19  }
0x4f5: {  	v19 =	vld [tilespmem:$0x1FC70]  }
0x4f6: {  	v17 =	vor.u32 v46, v14;
	[tilespmem:v23+s6+$0x0] =	vst.idx.add.f32.msk $0xffff, v16  }
0x4f7: {  	v16 =	vld [tilespmem:$0x1FC70]  }
0x4f8: {  	v22 =	vor.u32 v46, v12;
	v20 =	vld.idx.msk [tilespmem:v20+s24+$0x0], $0xffff  }
0x4f9: {  	v21 =	vor.u32 v46, v13;
	v23 =	vor.u32 v46, v15;
	v46 =	vld [tilespmem:$0x1FC70]  }
0x4fa: {  	v19 =	vor.u32 v19, v9  }
0x4fb: {  	v17 =	vld.idx.msk [tilespmem:v17+s24+$0x0], $0xffff  }
0x4fc: {  	v16 =	vor.u32 v16, v11  }
0x4fd: {  	[tilespmem:v22+s6+$0x0] =	vst.idx.add.f32.msk $0xffff, v18  }
0x4fe: {  	[tilespmem:v21+s6+$0x0] =	vst.idx.add.f32.msk $0xffff, v20;
	v18 =	vor.u32 v46, v14  }
0x4ff: {  	v22 =	vor.u32 v46, v12;
	v19 =	vld.idx.msk [tilespmem:v19+s24+$0x0], $0xffff  }
0x500: {  	v20 =	vor.u32 v47, v9;
	[tilespmem:v23+s6+$0x0] =	vst.idx.add.f32.msk $0xffff, v17  }
0x501: {  	v21 =	vor.u32 v46, v13;
	v16 =	vld.idx.msk [tilespmem:v16+s24+$0x0], $0xffff  }
0x502: {  	v23 =	vor.u32 v46, v15;
	v46 =	vld [tilespmem:$0x1FC90]  }
0x503: {  	v18 =	vld.idx.msk [tilespmem:v18+s24+$0x0], $0xffff  }
0x504: {  	[tilespmem:v22+s6+$0x0] =	vst.idx.add.f32.msk $0xffff, v19  }
0x505: {  	v19 =	vor.u32 v47, v14;
	v20 =	vld.idx.msk [tilespmem:v20+s24+$0x0], $0xffff  }
0x506: {  	v22 =	vor.u32 v47, v12;
	[tilespmem:v21+s6+$0x0] =	vst.idx.add.f32.msk $0xffff, v16  }
0x507: {  	v17 =	vor.u32 v47, v11;
	v16 =	vld [tilespmem:$0x1FC90]  }
0x508: {  	[tilespmem:v23+s6+$0x0] =	vst.idx.add.f32.msk $0xffff, v18  }
0x509: {  	v18 =	vld [tilespmem:$0x1FC90]  }
0x50a: {  	v23 =	vor.u32 v47, v15;
	v19 =	vld.idx.msk [tilespmem:v19+s24+$0x0], $0xffff  }
0x50b: {  	[tilespmem:v22+s6+$0x0] =	vst.idx.add.f32.msk $0xffff, v20;
	v20 =	vor.u32 v46, v14  }
0x50c: {  	v21 =	vor.u32 v47, v13;
	v17 =	vld.idx.msk [tilespmem:v17+s24+$0x0], $0xffff  }
0x50d: {  	v16 =	vor.u32 v16, v9  }
0x50e: {  	v18 =	vor.u32 v18, v11  }
0x50f: {  	[tilespmem:v23+s6+$0x0] =	vst.idx.add.f32.msk $0xffff, v19  }
0x510: {  	v23 =	vor.u32 v46, v15;
	v20 =	vld.idx.msk [tilespmem:v20+s24+$0x0], $0xffff  }
0x511: {  	[tilespmem:v21+s6+$0x0] =	vst.idx.add.f32.msk $0xffff, v17  }
0x512: {  	v22 =	vor.u32 v46, v12;
	v16 =	vld.idx.msk [tilespmem:v16+s24+$0x0], $0xffff  }
0x513: {  	v21 =	vor.u32 v46, v13;
	v18 =	vld.idx.msk [tilespmem:v18+s24+$0x0], $0xffff;
	_ =	sdelay $0x1  }
0x514: {  	[tilespmem:v23+s6+$0x0] =	vst.idx.add.f32.msk $0xffff, v20  }
0x515: {  	v17 =	vor.u32 v48, v9;
	v20 =	vld [tilespmem:$0x1FCB0]  }
0x516: {  	v19 =	vor.u32 v48, v11;
	[tilespmem:v22+s6+$0x0] =	vst.idx.add.f32.msk $0xffff, v16  }
0x517: {  	[tilespmem:v21+s6+$0x0] =	vst.idx.add.f32.msk $0xffff, v18  }
0x518: {  	v23 =	vor.u32 v48, v15;
	v18 =	vld [tilespmem:$0x1FCB0]  }
0x519: {  	v16 =	vor.u32 v48, v14;
	v22 =	vor.u32 v48, v12;
	v21 =	vor.u32 v48, v13;
	v48 =	vld [tilespmem:$0x1FCB0]  }
0x51a: {  	v17 =	vld.idx.msk [tilespmem:v17+s24+$0x0], $0xffff  }
0x51b: {  	v19 =	vld.idx.msk [tilespmem:v19+s24+$0x0], $0xffff  }
0x51c: {  	v20 =	vor.u32 v20, v11  }
0x51d: {  	v18 =	vor.u32 v18, v9  }
0x51e: {  	v16 =	vld.idx.msk [tilespmem:v16+s24+$0x0], $0xffff  }
0x51f: {  	[tilespmem:v22+s6+$0x0] =	vst.idx.add.f32.msk $0xffff, v17;
	v17 =	vor.u32 v48, v14  }
0x520: {  	[tilespmem:v21+s6+$0x0] =	vst.idx.add.f32.msk $0xffff, v19  }
0x521: {  	v21 =	vor.u32 v48, v13;
	v20 =	vld.idx.msk [tilespmem:v20+s24+$0x0], $0xffff  }
0x522: {  	v18 =	vld.idx.msk [tilespmem:v18+s24+$0x0], $0xffff  }
0x523: {  	v22 =	vor.u32 v48, v12;
	[tilespmem:v23+s6+$0x0] =	vst.idx.add.f32.msk $0xffff, v16  }
0x524: {  	v23 =	vor.u32 v48, v15;
	v17 =	vld.idx.msk [tilespmem:v17+s24+$0x0], $0xffff;
	_ =	sdelay $0x1  }
0x525: {  	v19 =	vor.u32 v49, v9;
	[tilespmem:v21+s6+$0x0] =	vst.idx.add.f32.msk $0xffff, v20  }
0x526: {  	v20 =	vld [tilespmem:$0x1FCD0]  }
0x527: {  	v16 =	vor.u32 v49, v11;
	[tilespmem:v22+s6+$0x0] =	vst.idx.add.f32.msk $0xffff, v18  }
0x528: {  	[tilespmem:v23+s6+$0x0] =	vst.idx.add.f32.msk $0xffff, v17  }
0x529: {  	v17 =	vld [tilespmem:$0x1FCD0]  }
0x52a: {  	v18 =	vor.u32 v49, v14;
	v19 =	vld.idx.msk [tilespmem:v19+s24+$0x0], $0xffff  }
0x52b: {  	v21 =	vor.u32 v49, v13;
	v22 =	vor.u32 v49, v12;
	v23 =	vor.u32 v49, v15;
	v49 =	vld [tilespmem:$0x1FCD0]  }
0x52c: {  	v16 =	vld.idx.msk [tilespmem:v16+s24+$0x0], $0xffff  }
0x52d: {  	v20 =	vor.u32 v20, v9  }
0x52e: {  	v17 =	vor.u32 v17, v11  }
0x52f: {  	v18 =	vld.idx.msk [tilespmem:v18+s24+$0x0], $0xffff  }
0x530: {  	[tilespmem:v22+s6+$0x0] =	vst.idx.add.f32.msk $0xffff, v19;
	v19 =	vor.u32 v49, v14  }
0x531: {  	[tilespmem:v21+s6+$0x0] =	vst.idx.add.f32.msk $0xffff, v16  }
0x532: {  	v22 =	vor.u32 v49, v12;
	v20 =	vld.idx.msk [tilespmem:v20+s24+$0x0], $0xffff  }
0x533: {  	v21 =	vor.u32 v49, v13;
	v17 =	vld.idx.msk [tilespmem:v17+s24+$0x0], $0xffff  }
0x534: {  	[tilespmem:v23+s6+$0x0] =	vst.idx.add.f32.msk $0xffff, v18  }
0x535: {  	v23 =	vor.u32 v49, v15;
	v19 =	vld.idx.msk [tilespmem:v19+s24+$0x0], $0xffff;
	_ =	sdelay $0x1  }
0x536: {  	v16 =	vor.u32 v51, v9;
	[tilespmem:v22+s6+$0x0] =	vst.idx.add.f32.msk $0xffff, v20  }
0x537: {  	[tilespmem:v21+s6+$0x0] =	vst.idx.add.f32.msk $0xffff, v17  }
0x538: {  	v18 =	vor.u32 v51, v11;
	v17 =	vld [tilespmem:$0x1FCF0]  }
0x539: {  	[tilespmem:v23+s6+$0x0] =	vst.idx.add.f32.msk $0xffff, v19  }
0x53a: {  	v19 =	vld [tilespmem:$0x1FCF0]  }
0x53b: {  	v20 =	vor.u32 v51, v14;
	v16 =	vld.idx.msk [tilespmem:v16+s24+$0x0], $0xffff  }
0x53c: {  	v22 =	vor.u32 v51, v12;
	v21 =	vor.u32 v51, v13;
	v23 =	vor.u32 v51, v15;
	v51 =	vld [tilespmem:$0x1FCF0]  }
0x53d: {  	v18 =	vld.idx.msk [tilespmem:v18+s24+$0x0], $0xffff  }
0x53e: {  	v17 =	vor.u32 v17, v9  }
0x53f: {  	v19 =	vor.u32 v19, v11  }
0x540: {  	v20 =	vld.idx.msk [tilespmem:v20+s24+$0x0], $0xffff  }
0x541: {  	[tilespmem:v22+s6+$0x0] =	vst.idx.add.f32.msk $0xffff, v16;
	v16 =	vor.u32 v51, v14  }
0x542: {  	[tilespmem:v21+s6+$0x0] =	vst.idx.add.f32.msk $0xffff, v18  }
0x543: {  	v22 =	vor.u32 v51, v12;
	v17 =	vld.idx.msk [tilespmem:v17+s24+$0x0], $0xffff  }
0x544: {  	v21 =	vor.u32 v51, v13;
	v19 =	vld.idx.msk [tilespmem:v19+s24+$0x0], $0xffff  }
0x545: {  	[tilespmem:v23+s6+$0x0] =	vst.idx.add.f32.msk $0xffff, v20  }
0x546: {  	v23 =	vor.u32 v51, v15;
	v16 =	vld.idx.msk [tilespmem:v16+s24+$0x0], $0xffff;
	_ =	sdelay $0x1  }
0x547: {  	[tilespmem:v22+s6+$0x0] =	vst.idx.add.f32.msk $0xffff, v17  }
0x548: {  	v18 =	vor.u32 v52, v9;
	[tilespmem:v21+s6+$0x0] =	vst.idx.add.f32.msk $0xffff, v19  }
0x549: {  	v20 =	vor.u32 v52, v11;
	v19 =	vld [tilespmem:$0x1FD10]  }
0x54a: {  	[tilespmem:v23+s6+$0x0] =	vst.idx.add.f32.msk $0xffff, v16  }
0x54b: {  	v17 =	vor.u32 v52, v14;
	v16 =	vld [tilespmem:$0x1FD10]  }
0x54c: {  	v22 =	vor.u32 v52, v12;
	v21 =	vor.u32 v52, v13;
	v23 =	vor.u32 v52, v15;
	v52 =	vld [tilespmem:$0x1FD10]  }
0x54d: {  	v18 =	vld.idx.msk [tilespmem:v18+s24+$0x0], $0xffff  }
0x54e: {  	v20 =	vld.idx.msk [tilespmem:v20+s24+$0x0], $0xffff  }
0x54f: {  	v19 =	vor.u32 v19, v9  }
0x550: {  	v16 =	vor.u32 v16, v11  }
0x551: {  	v17 =	vld.idx.msk [tilespmem:v17+s24+$0x0], $0xffff  }
0x552: {  	[tilespmem:v22+s6+$0x0] =	vst.idx.add.f32.msk $0xffff, v18  }
0x553: {  	v18 =	vor.u32 v52, v14;
	[tilespmem:v21+s6+$0x0] =	vst.idx.add.f32.msk $0xffff, v20  }
0x554: {  	v22 =	vor.u32 v52, v12;
	v19 =	vld.idx.msk [tilespmem:v19+s24+$0x0], $0xffff  }
0x555: {  	v21 =	vor.u32 v52, v13;
	v16 =	vld.idx.msk [tilespmem:v16+s24+$0x0], $0xffff;
	_ =	sdelay $0x1  }
0x556: {  	v20 =	vor.u32 v59, v9;
	[tilespmem:v23+s6+$0x0] =	vst.idx.add.f32.msk $0xffff, v17  }
0x557: {  	v23 =	vor.u32 v52, v15;
	v18 =	vld.idx.msk [tilespmem:v18+s24+$0x0], $0xffff  }
0x558: {  	[tilespmem:v22+s6+$0x0] =	vst.idx.add.f32.msk $0xffff, v19  }
0x559: {  	[tilespmem:v21+s6+$0x0] =	vst.idx.add.f32.msk $0xffff, v16  }
0x55a: {  	v16 =	vld [tilespmem:$0x1FD30]  }
0x55b: {  	v20 =	vld.idx.msk [tilespmem:v20+s24+$0x0], $0xffff  }
0x55c: {  	v17 =	vor.u32 v59, v11;
	v19 =	vor.u32 v59, v14;
	[tilespmem:v23+s6+$0x0] =	vst.idx.add.f32.msk $0xffff, v18  }
0x55d: {  	v22 =	vor.u32 v59, v12;
	v21 =	vor.u32 v59, v13;
	v23 =	vor.u32 v59, v15;
	v59 =	vld [tilespmem:$0x1FD30];
	_ =	sdelay $0x1  }
0x55e: {  	v18 =	vld [tilespmem:$0x1FD30]  }
0x55f: {  	v16 =	vor.u32 v16, v9  }
0x560: {  	v19 =	vld.idx.msk [tilespmem:v19+s24+$0x0], $0xffff  }
0x561: {  	[tilespmem:v22+s6+$0x0] =	vst.idx.add.f32.msk $0xffff, v20;
	v20 =	vor.u32 v59, v14  }
0x562: {  	v17 =	vld.idx.msk [tilespmem:v17+s24+$0x0], $0xffff  }
0x563: {  	v18 =	vor.u32 v18, v11  }
0x564: {  	v16 =	vld.idx.msk [tilespmem:v16+s24+$0x0], $0xffff  }
0x565: {  	v22 =	vor.u32 v59, v12;
	[tilespmem:v23+s6+$0x0] =	vst.idx.add.f32.msk $0xffff, v19  }
0x566: {  	v23 =	vor.u32 v59, v15;
	v20 =	vld.idx.msk [tilespmem:v20+s24+$0x0], $0xffff  }
0x567: {  	[tilespmem:v21+s6+$0x0] =	vst.idx.add.f32.msk $0xffff, v17  }
0x568: {  	v21 =	vor.u32 v59, v13;
	v18 =	vld.idx.msk [tilespmem:v18+s24+$0x0], $0xffff  }
0x569: {  	v48 =	vld [tilespmem:$0x1FD50]  }
0x56a: {  	v17 =	vor.u32 v61, v9;
	[tilespmem:v22+s6+$0x0] =	vst.idx.add.f32.msk $0xffff, v16  }
0x56b: {  	v19 =	vor.u32 v61, v11;
	[tilespmem:v23+s6+$0x0] =	vst.idx.add.f32.msk $0xffff, v20  }
0x56c: {  	v20 =	vld [tilespmem:$0x1FD50]  }
0x56d: {  	[tilespmem:v21+s6+$0x0] =	vst.idx.add.f32.msk $0xffff, v18  }
0x56e: {  	v16 =	vor.u32 v61, v14;
	v18 =	vld [tilespmem:$0x1FD50]  }
0x56f: {  	v22 =	vor.u32 v61, v12;
	v17 =	vld.idx.msk [tilespmem:v17+s24+$0x0], $0xffff  }
0x570: {  	v21 =	vor.u32 v61, v13;
	v19 =	vld.idx.msk [tilespmem:v19+s24+$0x0], $0xffff  }
0x571: {  	v20 =	vor.u32 v20, v11;
	_ =	sdelay $0x1  }
0x572: {  	v16 =	vld.idx.msk [tilespmem:v16+s24+$0x0], $0xffff;
	v18 =	vor.u32 v18, v9  }
0x573: {  	v23 =	vor.u32 v61, v15;
	[tilespmem:v22+s6+$0x0] =	vst.idx.add.f32.msk $0xffff, v17  }
0x574: {  	v17 =	vor.u32 v48, v14;
	[tilespmem:v21+s6+$0x0] =	vst.idx.add.f32.msk $0xffff, v19  }
0x575: {  	v21 =	vor.u32 v48, v13;
	v20 =	vld.idx.msk [tilespmem:v20+s24+$0x0], $0xffff  }
0x576: {  	v49 =	vld [tilespmem:$0x1FD70]  }
0x577: {  	v22 =	vor.u32 v48, v12;
	v18 =	vld.idx.msk [tilespmem:v18+s24+$0x0], $0xffff  }
0x578: {  	v19 =	vor.u32 v62, v9;
	[tilespmem:v23+s6+$0x0] =	vst.idx.add.f32.msk $0xffff, v16  }
0x579: {  	v23 =	vor.u32 v48, v15;
	v17 =	vld.idx.msk [tilespmem:v17+s24+$0x0], $0xffff  }
0x57a: {  	[tilespmem:v21+s6+$0x0] =	vst.idx.add.f32.msk $0xffff, v20  }
0x57b: {  	v20 =	vld [tilespmem:$0x1FD70]  }
0x57c: {  	[tilespmem:v22+s6+$0x0] =	vst.idx.add.f32.msk $0xffff, v18;
	v18 =	vor.u32 v62, v14  }
0x57d: {  	v22 =	vor.u32 v62, v12;
	v19 =	vld.idx.msk [tilespmem:v19+s24+$0x0], $0xffff  }
0x57e: {  	v16 =	vor.u32 v62, v11;
	[tilespmem:v23+s6+$0x0] =	vst.idx.add.f32.msk $0xffff, v17  }
0x57f: {  	v17 =	vld [tilespmem:$0x1FD70]  }
0x580: {  	v20 =	vor.u32 v20, v9  }
0x581: {  	v23 =	vor.u32 v62, v15;
	v18 =	vld.idx.msk [tilespmem:v18+s24+$0x0], $0xffff  }
0x582: {  	[tilespmem:v22+s6+$0x0] =	vst.idx.add.f32.msk $0xffff, v19;
	v19 =	vor.u32 v49, v14  }
0x583: {  	v21 =	vor.u32 v62, v13;
	v16 =	vld.idx.msk [tilespmem:v16+s24+$0x0], $0xffff  }
0x584: {  	v17 =	vor.u32 v17, v11  }
0x585: {  	v20 =	vld.idx.msk [tilespmem:v20+s24+$0x0], $0xffff  }
0x586: {  	v22 =	vor.u32 v49, v12;
	[tilespmem:v23+s6+$0x0] =	vst.idx.add.f32.msk $0xffff, v18  }
0x587: {  	v23 =	vor.u32 v49, v15;
	v19 =	vld.idx.msk [tilespmem:v19+s24+$0x0], $0xffff  }
0x588: {  	[tilespmem:v21+s6+$0x0] =	vst.idx.add.f32.msk $0xffff, v16  }
0x589: {  	v21 =	vor.u32 v49, v13;
	v17 =	vld.idx.msk [tilespmem:v17+s24+$0x0], $0xffff  }
0x58a: {  	v51 =	vld [tilespmem:$0x1FD90];
	v16 =	vor.u32 v63, v9  }
0x58b: {  	[tilespmem:v22+s6+$0x0] =	vst.idx.add.f32.msk $0xffff, v20  }
0x58c: {  	v18 =	vor.u32 v63, v11;
	[tilespmem:v23+s6+$0x0] =	vst.idx.add.f32.msk $0xffff, v19  }
0x58d: {  	v19 =	vld [tilespmem:$0x1FD90]  }
0x58e: {  	v20 =	vor.u32 v63, v14;
	[tilespmem:v21+s6+$0x0] =	vst.idx.add.f32.msk $0xffff, v17  }
0x58f: {  	v22 =	vor.u32 v63, v12;
	v16 =	vld.idx.msk [tilespmem:v16+s24+$0x0], $0xffff  }
0x590: {  	v17 =	vld [tilespmem:$0x1FD90]  }
0x591: {  	v21 =	vor.u32 v63, v13;
	v18 =	vld.idx.msk [tilespmem:v18+s24+$0x0], $0xffff  }
0x592: {  	v19 =	vor.u32 v19, v11  }
0x593: {  	v23 =	vor.u32 v63, v15;
	v20 =	vld.idx.msk [tilespmem:v20+s24+$0x0], $0xffff  }
0x594: {  	[tilespmem:v22+s6+$0x0] =	vst.idx.add.f32.msk $0xffff, v16;
	v16 =	vor.u32 v51, v14;
	_ =	sdelay $0x1  }
0x595: {  	v17 =	vor.u32 v17, v9;
	[tilespmem:v21+s6+$0x0] =	vst.idx.add.f32.msk $0xffff, v18  }
0x596: {  	v21 =	vor.u32 v51, v13;
	v19 =	vld.idx.msk [tilespmem:v19+s24+$0x0], $0xffff  }
0x597: {  	[tilespmem:v23+s6+$0x0] =	vst.idx.add.f32.msk $0xffff, v20  }
0x598: {  	v23 =	vor.u32 v51, v15;
	v16 =	vld.idx.msk [tilespmem:v16+s24+$0x0], $0xffff  }
0x599: {  	v52 =	vld [tilespmem:$0x1FDD0]  }
0x59a: {  	v22 =	vor.u32 v51, v12;
	v17 =	vld.idx.msk [tilespmem:v17+s24+$0x0], $0xffff  }
0x59b: {  	v18 =	vor.u32 v60, v9;
	[tilespmem:v21+s6+$0x0] =	vst.idx.add.f32.msk $0xffff, v19  }
0x59c: {  	v19 =	vld [tilespmem:$0x1FDD0]  }
0x59d: {  	v20 =	vor.u32 v60, v11;
	[tilespmem:v23+s6+$0x0] =	vst.idx.add.f32.msk $0xffff, v16  }
0x59e: {  	v16 =	vld [tilespmem:$0x1FDD0]  }
0x59f: {  	[tilespmem:v22+s6+$0x0] =	vst.idx.add.f32.msk $0xffff, v17;
	v17 =	vor.u32 v60, v14  }
0x5a0: {  	v22 =	vor.u32 v60, v12;
	v18 =	vld.idx.msk [tilespmem:v18+s24+$0x0], $0xffff  }
0x5a1: {  	v19 =	vor.u32 v19, v9  }
0x5a2: {  	v21 =	vor.u32 v60, v13;
	v20 =	vld.idx.msk [tilespmem:v20+s24+$0x0], $0xffff  }
0x5a3: {  	v59 =	vld [tilespmem:$0x1FE10];
	v16 =	vor.u32 v16, v11  }
0x5a4: {  	v23 =	vor.u32 v60, v15;
	v17 =	vld.idx.msk [tilespmem:v17+s24+$0x0], $0xffff  }
0x5a5: {  	[tilespmem:v22+s6+$0x0] =	vst.idx.add.f32.msk $0xffff, v18;
	v18 =	vor.u32 v52, v14  }
0x5a6: {  	v22 =	vor.u32 v52, v12;
	v19 =	vld.idx.msk [tilespmem:v19+s24+$0x0], $0xffff  }
0x5a7: {  	[tilespmem:v21+s6+$0x0] =	vst.idx.add.f32.msk $0xffff, v20;
	v20 =	vor.u32 v28, v9  }
0x5a8: {  	v21 =	vor.u32 v52, v13;
	v16 =	vld.idx.msk [tilespmem:v16+s24+$0x0], $0xffff  }
0x5a9: {  	[tilespmem:v23+s6+$0x0] =	vst.idx.add.f32.msk $0xffff, v17;
	v17 =	vor.u32 v28, v11  }
0x5aa: {  	v23 =	vor.u32 v52, v15;
	v18 =	vld.idx.msk [tilespmem:v18+s24+$0x0], $0xffff  }
0x5ab: {  	[tilespmem:v22+s6+$0x0] =	vst.idx.add.f32.msk $0xffff, v19;
	v19 =	vor.u32 v28, v14  }
0x5ac: {  	v22 =	vor.u32 v28, v12;
	v20 =	vld.idx.msk [tilespmem:v20+s24+$0x0], $0xffff  }
0x5ad: {  	[tilespmem:v21+s6+$0x0] =	vst.idx.add.f32.msk $0xffff, v16;
	v16 =	vor.u32 v29, v9  }
0x5ae: {  	v21 =	vor.u32 v28, v13;
	v17 =	vld.idx.msk [tilespmem:v17+s24+$0x0], $0xffff  }
0x5af: {  	[tilespmem:v23+s6+$0x0] =	vst.idx.add.f32.msk $0xffff, v18;
	v18 =	vor.u32 v29, v11  }
0x5b0: {  	v23 =	vor.u32 v28, v15;
	v19 =	vld.idx.msk [tilespmem:v19+s24+$0x0], $0xffff  }
0x5b1: {  	[tilespmem:v22+s6+$0x0] =	vst.idx.add.f32.msk $0xffff, v20;
	v20 =	vor.u32 v29, v14  }
0x5b2: {  	v22 =	vor.u32 v29, v12;
	v16 =	vld.idx.msk [tilespmem:v16+s24+$0x0], $0xffff  }
0x5b3: {  	[tilespmem:v21+s6+$0x0] =	vst.idx.add.f32.msk $0xffff, v17;
	v17 =	vor.u32 v30, v9  }
0x5b4: {  	v21 =	vor.u32 v29, v13;
	v18 =	vld.idx.msk [tilespmem:v18+s24+$0x0], $0xffff  }
0x5b5: {  	[tilespmem:v23+s6+$0x0] =	vst.idx.add.f32.msk $0xffff, v19;
	v19 =	vor.u32 v30, v11  }
0x5b6: {  	v23 =	vor.u32 v29, v15;
	v20 =	vld.idx.msk [tilespmem:v20+s24+$0x0], $0xffff  }
0x5b7: {  	[tilespmem:v22+s6+$0x0] =	vst.idx.add.f32.msk $0xffff, v16;
	v16 =	vor.u32 v30, v14  }
0x5b8: {  	v22 =	vor.u32 v30, v12;
	v17 =	vld.idx.msk [tilespmem:v17+s24+$0x0], $0xffff  }
0x5b9: {  	[tilespmem:v21+s6+$0x0] =	vst.idx.add.f32.msk $0xffff, v18;
	v18 =	vor.u32 v31, v9  }
0x5ba: {  	v21 =	vor.u32 v30, v13;
	v19 =	vld.idx.msk [tilespmem:v19+s24+$0x0], $0xffff  }
0x5bb: {  	[tilespmem:v23+s6+$0x0] =	vst.idx.add.f32.msk $0xffff, v20;
	v20 =	vor.u32 v31, v11  }
0x5bc: {  	v23 =	vor.u32 v30, v15;
	v16 =	vld.idx.msk [tilespmem:v16+s24+$0x0], $0xffff  }
0x5bd: {  	[tilespmem:v22+s6+$0x0] =	vst.idx.add.f32.msk $0xffff, v17;
	v17 =	vor.u32 v31, v14  }
0x5be: {  	v22 =	vor.u32 v31, v12;
	v18 =	vld.idx.msk [tilespmem:v18+s24+$0x0], $0xffff  }
0x5bf: {  	[tilespmem:v21+s6+$0x0] =	vst.idx.add.f32.msk $0xffff, v19;
	v19 =	vor.u32 v32, v9  }
0x5c0: {  	v21 =	vor.u32 v31, v13;
	v20 =	vld.idx.msk [tilespmem:v20+s24+$0x0], $0xffff  }
0x5c1: {  	[tilespmem:v23+s6+$0x0] =	vst.idx.add.f32.msk $0xffff, v16;
	v16 =	vor.u32 v32, v11  }
0x5c2: {  	v23 =	vor.u32 v31, v15;
	v17 =	vld.idx.msk [tilespmem:v17+s24+$0x0], $0xffff  }
0x5c3: {  	[tilespmem:v22+s6+$0x0] =	vst.idx.add.f32.msk $0xffff, v18;
	v18 =	vor.u32 v32, v14  }
0x5c4: {  	v22 =	vor.u32 v32, v12;
	v19 =	vld.idx.msk [tilespmem:v19+s24+$0x0], $0xffff  }
0x5c5: {  	[tilespmem:v21+s6+$0x0] =	vst.idx.add.f32.msk $0xffff, v20;
	v20 =	vor.u32 v33, v9  }
0x5c6: {  	v21 =	vor.u32 v32, v13;
	v16 =	vld.idx.msk [tilespmem:v16+s24+$0x0], $0xffff  }
0x5c7: {  	[tilespmem:v23+s6+$0x0] =	vst.idx.add.f32.msk $0xffff, v17;
	v17 =	vor.u32 v33, v11  }
0x5c8: {  	v23 =	vor.u32 v32, v15;
	v18 =	vld.idx.msk [tilespmem:v18+s24+$0x0], $0xffff  }
0x5c9: {  	[tilespmem:v22+s6+$0x0] =	vst.idx.add.f32.msk $0xffff, v19;
	v19 =	vor.u32 v33, v14  }
0x5ca: {  	v22 =	vor.u32 v33, v12;
	v20 =	vld.idx.msk [tilespmem:v20+s24+$0x0], $0xffff  }
0x5cb: {  	[tilespmem:v21+s6+$0x0] =	vst.idx.add.f32.msk $0xffff, v16;
	v16 =	vor.u32 v34, v9  }
0x5cc: {  	v21 =	vor.u32 v33, v13;
	v17 =	vld.idx.msk [tilespmem:v17+s24+$0x0], $0xffff  }
0x5cd: {  	[tilespmem:v23+s6+$0x0] =	vst.idx.add.f32.msk $0xffff, v18;
	v18 =	vor.u32 v34, v11  }
0x5ce: {  	v23 =	vor.u32 v33, v15;
	v19 =	vld.idx.msk [tilespmem:v19+s24+$0x0], $0xffff  }
0x5cf: {  	[tilespmem:v22+s6+$0x0] =	vst.idx.add.f32.msk $0xffff, v20;
	v20 =	vor.u32 v34, v14  }
0x5d0: {  	v22 =	vor.u32 v34, v12;
	v16 =	vld.idx.msk [tilespmem:v16+s24+$0x0], $0xffff  }
0x5d1: {  	[tilespmem:v21+s6+$0x0] =	vst.idx.add.f32.msk $0xffff, v17;
	v17 =	vor.u32 v35, v9  }
0x5d2: {  	v21 =	vor.u32 v34, v13;
	v18 =	vld.idx.msk [tilespmem:v18+s24+$0x0], $0xffff  }
0x5d3: {  	[tilespmem:v23+s6+$0x0] =	vst.idx.add.f32.msk $0xffff, v19;
	v19 =	vor.u32 v35, v11  }
0x5d4: {  	v23 =	vor.u32 v34, v15;
	v20 =	vld.idx.msk [tilespmem:v20+s24+$0x0], $0xffff  }
0x5d5: {  	[tilespmem:v22+s6+$0x0] =	vst.idx.add.f32.msk $0xffff, v16;
	v16 =	vor.u32 v35, v14  }
0x5d6: {  	v22 =	vor.u32 v35, v12;
	v17 =	vld.idx.msk [tilespmem:v17+s24+$0x0], $0xffff  }
0x5d7: {  	[tilespmem:v21+s6+$0x0] =	vst.idx.add.f32.msk $0xffff, v18;
	v18 =	vor.u32 v36, v9  }
0x5d8: {  	v21 =	vor.u32 v35, v13;
	v19 =	vld.idx.msk [tilespmem:v19+s24+$0x0], $0xffff  }
0x5d9: {  	[tilespmem:v23+s6+$0x0] =	vst.idx.add.f32.msk $0xffff, v20;
	v20 =	vor.u32 v36, v11  }
0x5da: {  	v23 =	vor.u32 v35, v15;
	v16 =	vld.idx.msk [tilespmem:v16+s24+$0x0], $0xffff  }
0x5db: {  	[tilespmem:v22+s6+$0x0] =	vst.idx.add.f32.msk $0xffff, v17;
	v17 =	vor.u32 v36, v14  }
0x5dc: {  	v22 =	vor.u32 v36, v12;
	v18 =	vld.idx.msk [tilespmem:v18+s24+$0x0], $0xffff  }
0x5dd: {  	[tilespmem:v21+s6+$0x0] =	vst.idx.add.f32.msk $0xffff, v19;
	v19 =	vor.u32 v39, v9  }
0x5de: {  	v21 =	vor.u32 v36, v13;
	v20 =	vld.idx.msk [tilespmem:v20+s24+$0x0], $0xffff  }
0x5df: {  	[tilespmem:v23+s6+$0x0] =	vst.idx.add.f32.msk $0xffff, v16;
	v16 =	vor.u32 v39, v11  }
0x5e0: {  	v23 =	vor.u32 v36, v15;
	v17 =	vld.idx.msk [tilespmem:v17+s24+$0x0], $0xffff  }
0x5e1: {  	[tilespmem:v22+s6+$0x0] =	vst.idx.add.f32.msk $0xffff, v18;
	v18 =	vor.u32 v39, v14  }
0x5e2: {  	v22 =	vor.u32 v39, v12;
	v19 =	vld.idx.msk [tilespmem:v19+s24+$0x0], $0xffff  }
0x5e3: {  	[tilespmem:v21+s6+$0x0] =	vst.idx.add.f32.msk $0xffff, v20;
	v20 =	vor.u32 v58, v9  }
0x5e4: {  	v21 =	vor.u32 v39, v13;
	v16 =	vld.idx.msk [tilespmem:v16+s24+$0x0], $0xffff  }
0x5e5: {  	[tilespmem:v23+s6+$0x0] =	vst.idx.add.f32.msk $0xffff, v17;
	v17 =	vor.u32 v58, v11  }
0x5e6: {  	v23 =	vor.u32 v39, v15;
	v18 =	vld.idx.msk [tilespmem:v18+s24+$0x0], $0xffff  }
0x5e7: {  	[tilespmem:v22+s6+$0x0] =	vst.idx.add.f32.msk $0xffff, v19;
	v19 =	vor.u32 v58, v14  }
0x5e8: {  	v22 =	vor.u32 v58, v12;
	v20 =	vld.idx.msk [tilespmem:v20+s24+$0x0], $0xffff  }
0x5e9: {  	[tilespmem:v21+s6+$0x0] =	vst.idx.add.f32.msk $0xffff, v16;
	v16 =	vor.u32 v56, v9  }
0x5ea: {  	v21 =	vor.u32 v58, v13;
	v17 =	vld.idx.msk [tilespmem:v17+s24+$0x0], $0xffff  }
0x5eb: {  	[tilespmem:v23+s6+$0x0] =	vst.idx.add.f32.msk $0xffff, v18;
	v18 =	vor.u32 v56, v11  }
0x5ec: {  	v23 =	vor.u32 v58, v15;
	v19 =	vld.idx.msk [tilespmem:v19+s24+$0x0], $0xffff  }
0x5ed: {  	[tilespmem:v22+s6+$0x0] =	vst.idx.add.f32.msk $0xffff, v20;
	v20 =	vor.u32 v56, v14  }
0x5ee: {  	v22 =	vor.u32 v56, v12;
	v16 =	vld.idx.msk [tilespmem:v16+s24+$0x0], $0xffff  }
0x5ef: {  	[tilespmem:v21+s6+$0x0] =	vst.idx.add.f32.msk $0xffff, v17  }
0x5f0: {  	v21 =	vor.u32 v56, v13;
	v18 =	vld.idx.msk [tilespmem:v18+s24+$0x0], $0xffff  }
0x5f1: {  	[tilespmem:v23+s6+$0x0] =	vst.idx.add.f32.msk $0xffff, v19;
	v19 =	vor.u32 v55, v11  }
0x5f2: {  	v23 =	vor.u32 v56, v15;
	v20 =	vld.idx.msk [tilespmem:v20+s24+$0x0], $0xffff  }
0x5f3: {  	[tilespmem:v22+s6+$0x0] =	vst.idx.add.f32.msk $0xffff, v16;
	v16 =	vor.u32 v55, v14  }
0x5f4: {  	v61 =	vld [tilespmem:$0x1FEB0]  }
0x5f5: {  	v17 =	vor.u32 v55, v9;
	[tilespmem:v21+s6+$0x0] =	vst.idx.add.f32.msk $0xffff, v18  }
0x5f6: {  	v21 =	vor.u32 v55, v13;
	v19 =	vld.idx.msk [tilespmem:v19+s24+$0x0], $0xffff  }
0x5f7: {  	[tilespmem:v23+s6+$0x0] =	vst.idx.add.f32.msk $0xffff, v20  }
0x5f8: {  	v23 =	vor.u32 v55, v15;
	v16 =	vld.idx.msk [tilespmem:v16+s24+$0x0], $0xffff  }
0x5f9: {  	v62 =	vld [tilespmem:$0x1FED0]  }
0x5fa: {  	v22 =	vor.u32 v55, v12;
	v17 =	vld.idx.msk [tilespmem:v17+s24+$0x0], $0xffff  }
0x5fb: {  	v18 =	vor.u32 v24, v9;
	[tilespmem:v21+s6+$0x0] =	vst.idx.add.f32.msk $0xffff, v19  }
0x5fc: {  	v19 =	vld [tilespmem:$0x1FE10]  }
0x5fd: {  	v20 =	vor.u32 v24, v11;
	[tilespmem:v23+s6+$0x0] =	vst.idx.add.f32.msk $0xffff, v16  }
0x5fe: {  	v16 =	vld [tilespmem:$0x1FE10]  }
0x5ff: {  	[tilespmem:v22+s6+$0x0] =	vst.idx.add.f32.msk $0xffff, v17;
	v17 =	vor.u32 v24, v14  }
0x600: {  	v22 =	vor.u32 v24, v12;
	v18 =	vld.idx.msk [tilespmem:v18+s24+$0x0], $0xffff  }
0x601: {  	v63 =	vld [tilespmem:$0x1FEE0];
	v19 =	vor.u32 v19, v9  }
0x602: {  	v21 =	vor.u32 v24, v13;
	v20 =	vld.idx.msk [tilespmem:v20+s24+$0x0], $0xffff  }
0x603: {  	v60 =	vld [tilespmem:$0x1FE70];
	v16 =	vor.u32 v16, v11  }
0x604: {  	v23 =	vor.u32 v24, v15;
	v17 =	vld.idx.msk [tilespmem:v17+s24+$0x0], $0xffff  }
0x605: {  	[tilespmem:v22+s6+$0x0] =	vst.idx.add.f32.msk $0xffff, v18;
	v18 =	vor.u32 v59, v14  }
0x606: {  	v22 =	vor.u32 v59, v12;
	v19 =	vld.idx.msk [tilespmem:v19+s24+$0x0], $0xffff  }
0x607: {  	[tilespmem:v21+s6+$0x0] =	vst.idx.add.f32.msk $0xffff, v20;
	v20 =	vor.u32 v42, v9  }
0x608: {  	v21 =	vor.u32 v59, v13;
	v16 =	vld.idx.msk [tilespmem:v16+s24+$0x0], $0xffff  }
0x609: {  	[tilespmem:v23+s6+$0x0] =	vst.idx.add.f32.msk $0xffff, v17;
	v17 =	vor.u32 v42, v11  }
0x60a: {  	v23 =	vor.u32 v59, v15;
	v18 =	vld.idx.msk [tilespmem:v18+s24+$0x0], $0xffff  }
0x60b: {  	[tilespmem:v22+s6+$0x0] =	vst.idx.add.f32.msk $0xffff, v19;
	v19 =	vor.u32 v42, v14  }
0x60c: {  	v22 =	vor.u32 v42, v12;
	v20 =	vld.idx.msk [tilespmem:v20+s24+$0x0], $0xffff  }
0x60d: {  	[tilespmem:v21+s6+$0x0] =	vst.idx.add.f32.msk $0xffff, v16;
	v16 =	vor.u32 v25, v9  }
0x60e: {  	v21 =	vor.u32 v42, v13;
	v17 =	vld.idx.msk [tilespmem:v17+s24+$0x0], $0xffff  }
0x60f: {  	[tilespmem:v23+s6+$0x0] =	vst.idx.add.f32.msk $0xffff, v18;
	v18 =	vor.u32 v25, v11  }
0x610: {  	v23 =	vor.u32 v42, v15;
	v19 =	vld.idx.msk [tilespmem:v19+s24+$0x0], $0xffff  }
0x611: {  	[tilespmem:v22+s6+$0x0] =	vst.idx.add.f32.msk $0xffff, v20;
	v20 =	vor.u32 v25, v14  }
0x612: {  	v22 =	vor.u32 v25, v12;
	v16 =	vld.idx.msk [tilespmem:v16+s24+$0x0], $0xffff  }
0x613: {  	[tilespmem:v21+s6+$0x0] =	vst.idx.add.f32.msk $0xffff, v17;
	v17 =	vor.u32 v43, v9  }
0x614: {  	v21 =	vor.u32 v25, v13;
	v18 =	vld.idx.msk [tilespmem:v18+s24+$0x0], $0xffff  }
0x615: {  	[tilespmem:v23+s6+$0x0] =	vst.idx.add.f32.msk $0xffff, v19;
	v19 =	vor.u32 v43, v11  }
0x616: {  	v23 =	vor.u32 v25, v15;
	v20 =	vld.idx.msk [tilespmem:v20+s24+$0x0], $0xffff  }
0x617: {  	[tilespmem:v22+s6+$0x0] =	vst.idx.add.f32.msk $0xffff, v16;
	v16 =	vor.u32 v43, v14  }
0x618: {  	v22 =	vor.u32 v43, v12;
	v17 =	vld.idx.msk [tilespmem:v17+s24+$0x0], $0xffff  }
0x619: {  	[tilespmem:v21+s6+$0x0] =	vst.idx.add.f32.msk $0xffff, v18;
	v18 =	vor.u32 v44, v9  }
0x61a: {  	v21 =	vor.u32 v43, v13;
	v19 =	vld.idx.msk [tilespmem:v19+s24+$0x0], $0xffff  }
0x61b: {  	[tilespmem:v23+s6+$0x0] =	vst.idx.add.f32.msk $0xffff, v20;
	v20 =	vor.u32 v44, v11  }
0x61c: {  	v23 =	vor.u32 v43, v15;
	v16 =	vld.idx.msk [tilespmem:v16+s24+$0x0], $0xffff  }
0x61d: {  	[tilespmem:v22+s6+$0x0] =	vst.idx.add.f32.msk $0xffff, v17;
	v17 =	vor.u32 v44, v14  }
0x61e: {  	v22 =	vor.u32 v44, v12;
	v18 =	vld.idx.msk [tilespmem:v18+s24+$0x0], $0xffff  }
0x61f: {  	[tilespmem:v21+s6+$0x0] =	vst.idx.add.f32.msk $0xffff, v19;
	v19 =	vor.u32 v45, v9  }
0x620: {  	v21 =	vor.u32 v44, v13;
	v20 =	vld.idx.msk [tilespmem:v20+s24+$0x0], $0xffff  }
0x621: {  	[tilespmem:v23+s6+$0x0] =	vst.idx.add.f32.msk $0xffff, v16;
	v16 =	vor.u32 v45, v11  }
0x622: {  	v23 =	vor.u32 v44, v15;
	v17 =	vld.idx.msk [tilespmem:v17+s24+$0x0], $0xffff  }
0x623: {  	[tilespmem:v22+s6+$0x0] =	vst.idx.add.f32.msk $0xffff, v18;
	v18 =	vor.u32 v45, v14  }
0x624: {  	v22 =	vor.u32 v45, v12;
	v19 =	vld.idx.msk [tilespmem:v19+s24+$0x0], $0xffff  }
0x625: {  	[tilespmem:v21+s6+$0x0] =	vst.idx.add.f32.msk $0xffff, v20;
	v20 =	vor.u32 v50, v9  }
0x626: {  	v21 =	vor.u32 v45, v13;
	v16 =	vld.idx.msk [tilespmem:v16+s24+$0x0], $0xffff  }
0x627: {  	[tilespmem:v23+s6+$0x0] =	vst.idx.add.f32.msk $0xffff, v17;
	v17 =	vor.u32 v50, v11  }
0x628: {  	v23 =	vor.u32 v45, v15;
	v18 =	vld.idx.msk [tilespmem:v18+s24+$0x0], $0xffff  }
0x629: {  	[tilespmem:v22+s6+$0x0] =	vst.idx.add.f32.msk $0xffff, v19;
	v19 =	vor.u32 v50, v14  }
0x62a: {  	v22 =	vor.u32 v50, v12;
	v20 =	vld.idx.msk [tilespmem:v20+s24+$0x0], $0xffff  }
0x62b: {  	[tilespmem:v21+s6+$0x0] =	vst.idx.add.f32.msk $0xffff, v16;
	v16 =	vor.u32 v60, v9  }
0x62c: {  	v21 =	vor.u32 v50, v13;
	v17 =	vld.idx.msk [tilespmem:v17+s24+$0x0], $0xffff  }
0x62d: {  	[tilespmem:v23+s6+$0x0] =	vst.idx.add.f32.msk $0xffff, v18;
	v18 =	vor.u32 v60, v11  }
0x62e: {  	v23 =	vor.u32 v50, v15;
	v19 =	vld.idx.msk [tilespmem:v19+s24+$0x0], $0xffff  }
0x62f: {  	[tilespmem:v22+s6+$0x0] =	vst.idx.add.f32.msk $0xffff, v20;
	v20 =	vor.u32 v60, v14  }
0x630: {  	v22 =	vor.u32 v60, v12;
	v16 =	vld.idx.msk [tilespmem:v16+s24+$0x0], $0xffff  }
0x631: {  	[tilespmem:v21+s6+$0x0] =	vst.idx.add.f32.msk $0xffff, v17;
	v17 =	vor.u32 v26, v9  }
0x632: {  	v21 =	vor.u32 v60, v13;
	v18 =	vld.idx.msk [tilespmem:v18+s24+$0x0], $0xffff  }
0x633: {  	[tilespmem:v23+s6+$0x0] =	vst.idx.add.f32.msk $0xffff, v19;
	v19 =	vor.u32 v26, v11  }
0x634: {  	v23 =	vor.u32 v60, v15;
	v20 =	vld.idx.msk [tilespmem:v20+s24+$0x0], $0xffff  }
0x635: {  	[tilespmem:v22+s6+$0x0] =	vst.idx.add.f32.msk $0xffff, v16;
	v16 =	vor.u32 v26, v14  }
0x636: {  	v22 =	vor.u32 v26, v12;
	v17 =	vld.idx.msk [tilespmem:v17+s24+$0x0], $0xffff  }
0x637: {  	[tilespmem:v21+s6+$0x0] =	vst.idx.add.f32.msk $0xffff, v18;
	v18 =	vor.u32 v54, v9  }
0x638: {  	v21 =	vor.u32 v26, v13;
	v19 =	vld.idx.msk [tilespmem:v19+s24+$0x0], $0xffff  }
0x639: {  	[tilespmem:v23+s6+$0x0] =	vst.idx.add.f32.msk $0xffff, v20;
	v20 =	vor.u32 v54, v11  }
0x63a: {  	v23 =	vor.u32 v26, v15;
	v16 =	vld.idx.msk [tilespmem:v16+s24+$0x0], $0xffff  }
0x63b: {  	[tilespmem:v22+s6+$0x0] =	vst.idx.add.f32.msk $0xffff, v17;
	v17 =	vor.u32 v54, v14  }
0x63c: {  	v22 =	vor.u32 v54, v12;
	v18 =	vld.idx.msk [tilespmem:v18+s24+$0x0], $0xffff  }
0x63d: {  	[tilespmem:v21+s6+$0x0] =	vst.idx.add.f32.msk $0xffff, v19;
	v19 =	vor.u32 v61, v9  }
0x63e: {  	v21 =	vor.u32 v54, v13;
	v20 =	vld.idx.msk [tilespmem:v20+s24+$0x0], $0xffff  }
0x63f: {  	[tilespmem:v23+s6+$0x0] =	vst.idx.add.f32.msk $0xffff, v16;
	v16 =	vor.u32 v61, v11  }
0x640: {  	v23 =	vor.u32 v54, v15;
	v17 =	vld.idx.msk [tilespmem:v17+s24+$0x0], $0xffff  }
0x641: {  	[tilespmem:v22+s6+$0x0] =	vst.idx.add.f32.msk $0xffff, v18;
	v18 =	vor.u32 v61, v14  }
0x642: {  	v22 =	vor.u32 v61, v12;
	v19 =	vld.idx.msk [tilespmem:v19+s24+$0x0], $0xffff  }
0x643: {  	[tilespmem:v21+s6+$0x0] =	vst.idx.add.f32.msk $0xffff, v20;
	v20 =	vor.u32 v27, v9  }
0x644: {  	v21 =	vor.u32 v61, v13;
	v16 =	vld.idx.msk [tilespmem:v16+s24+$0x0], $0xffff  }
0x645: {  	[tilespmem:v23+s6+$0x0] =	vst.idx.add.f32.msk $0xffff, v17  }
0x646: {  	v17 =	vor.u32 v27, v11;
	v18 =	vld.idx.msk [tilespmem:v18+s24+$0x0], $0xffff  }
0x647: {  	v23 =	vor.u32 v61, v15;
	[tilespmem:v22+s6+$0x0] =	vst.idx.add.f32.msk $0xffff, v19  }
0x648: {  	v20 =	vld.idx.msk [tilespmem:v20+s24+$0x0], $0xffff  }
0x649: {  	v19 =	vor.u32 v27, v14;
	[tilespmem:v21+s6+$0x0] =	vst.idx.add.f32.msk $0xffff, v16  }
0x64a: {  	v22 =	vor.u32 v27, v12;
	v16 =	vld [tilespmem:$0x1FED0]  }
0x64b: {  	v17 =	vld.idx.msk [tilespmem:v17+s24+$0x0], $0xffff  }
0x64c: {  	[tilespmem:v23+s6+$0x0] =	vst.idx.add.f32.msk $0xffff, v18  }
0x64d: {  	v21 =	vor.u32 v27, v13;
	v18 =	vld [tilespmem:$0x1FED0]  }
0x64e: {  	v23 =	vor.u32 v27, v15;
	v19 =	vld.idx.msk [tilespmem:v19+s24+$0x0], $0xffff  }
0x64f: {  	[tilespmem:v22+s6+$0x0] =	vst.idx.add.f32.msk $0xffff, v20;
	v20 =	vor.u32 v62, v14  }
0x650: {  	v22 =	vor.u32 v62, v5  }
0x651: {  	v1 =	vld [tilespmem:$0x1FBC0];
	v16 =	vor.u32 v16, v9  }
0x652: {  	v6 =	vor.u32 v63, v6;
	[tilespmem:v21+s6+$0x0] =	vst.idx.add.f32.msk $0xffff, v17  }
0x653: {  	v18 =	vor.u32 v18, v11;
	[tilespmem:v23+s6+$0x0] =	vst.idx.add.f32.msk $0xffff, v19  }
0x654: {  	v19 =	vld.idx.msk [tilespmem:v20+s24+$0x0], $0xffff;
	v20 =	vor.u32 v62, v15  }
0x655: {  	[tilespmem:v22+s6+$0x0] =	vst.idx.add.f32.msk $0xffff, v2  }
0x656: {  	v17 =	vor.u32 v62, v12;
	v16 =	vld.idx.msk [tilespmem:v16+s24+$0x0], $0xffff  }
0x657: {  	v14 =	vor.u32 v63, v14;
	v6 =	vld.idx.msk [tilespmem:v6+s24+$0x0], $0xffff  }
0x658: {  	v5 =	vor.u32 v63, v5;
	v18 =	vld.idx.msk [tilespmem:v18+s24+$0x0], $0xffff  }
0x659: {  	v9 =	vor.u32 v63, v9;
	[tilespmem:v20+s6+$0x0] =	vst.idx.add.f32.msk $0xffff, v19  }
0x65a: {  	v21 =	vor.u32 v62, v13;
	v20 =	vld [tilespmem:$0x1FC30]  }
0x65b: {  	v11 =	vor.u32 v63, v11;
	[tilespmem:v17+s6+$0x0] =	vst.idx.add.f32.msk $0xffff, v16  }
0x65c: {  	v14 =	vld.idx.msk [tilespmem:v14+s24+$0x0], $0xffff  }
0x65d: {  	v15 =	vor.u32 v63, v15;
	[tilespmem:v5+s6+$0x0] =	vst.idx.add.f32.msk $0xffff, v6  }
0x65e: {  	v16 =	vshll.u32 @!p1 v4, $0x9;
	v9 =	vld.idx.msk [tilespmem:v9+s24+$0x0], $0xffff  }
0x65f: {  	v12 =	vor.u32 v63, v12;
	v4 =	vshra.s32 @!p1 v4, $0x1;
	v16 =	vand.u32 @!p1 $0x200, v16;
	[tilespmem:v21+s6+$0x0] =	vst.idx.add.f32.msk $0xffff, v18  }
0x660: {  	v17 =	vshll.u32 @!p1 v7, $0x9;
	v4 =	vadd.s32 @!p1 v4, v16;
	v16 =	vshll.u32 @!p1 v8, $0x9;
	v11 =	vld.idx.msk [tilespmem:v11+s24+$0x0], $0xffff  }
0x661: {  	v7 =	vshra.s32 @!p1 v7, $0x1;
	v17 =	vand.u32 @!p1 $0x200, v17;
	v5 =	vand.u32 @!p1 $0x200, v16;
	v16 =	vld [tilespmem:$0x1FBD0]  }
0x662: {  	v7 =	vadd.s32 @!p1 v7, v17;
	[tilespmem:v15+s6+$0x0] =	vst.idx.add.f32.msk $0xffff, v14  }
0x663: {  	v13 =	vor.u32 v63, v13;
	v6 =	vshra.s32 @!p1 v8, $0x1;
	v8 =	vshll.u32 @!p1 v10, $0x9;
	v14 =	vld [tilespmem:$0x1FBB0]  }
0x664: {  	v5 =	vadd.s32 @!p1 v6, v5;
	v6 =	vand.u32 @!p1 $0x200, v8;
	v8 =	vshra.s32 @!p1 v10, $0x1;
	[tilespmem:v12+s6+$0x0] =	vst.idx.add.f32.msk $0xffff, v9  }
0x665: {  	s0 =	sadd.s32 $0x4, s0;
	s3 =	simm.s32 @!p1 $0x10000;
	v6 =	vadd.s32 @!p1 v8, v6;
	v8 =	vimm.f32 @!p1 $1.000000000e+00;
	v12 =	vld [tilespmem:$0x1FB90]  }
0x666: {  	p2 =	slt.u32 s0, $0xC;
	[tilespmem:v4+s3+$0x0] =	vst.idx.add.f32.msk @!p1 $0xffff, v8  }
.Ltmp3:
0x667: {  	[tilespmem:v7+s3+$0x0] =	vst.idx.add.f32.msk @!p1 $0xffff, v8;
	(pc) =	sbr.rel @p2 .LBB2_9-.Ltmp3, $4  }
0x668: {  	[tilespmem:v13+s6+$0x0] =	vst.idx.add.f32.msk $0xffff, v11  }
0x669: {  	v11 =	vld [tilespmem:$0x1FB80]  }
0x66a: {  	v23 =	vlaneseq.u32;
	v22 =	vmov v41;
	v19 =	vmov v38;
	[tilespmem:v5+s3+$0x0] =	vst.idx.add.f32.msk @!p1 $0xffff, v8  }
0x66b: {  	s11 =	sadd.s32 $0x40, s11;
	s10 =	sadd.s32 $0x40, s10;
	v21 =	vmovc v40;
	v18 =	vmovc v37;
	v17 =	vmov v3;
	v10 =	vmov v0;
	v13 =	vmov v57;
	[tilespmem:v6+s3+$0x0] =	vst.idx.add.f32.msk @!p1 $0xffff, v8  }
0x66c: {  	s12 =	sadd.s32 $0x1, s12  }
0x66d: {  	p2 =	sne.s32 s12, $0xC  }
.Ltmp4:
0x66e: {  	_ = 	snop;
	(pc) =	sbr.rel @p2 .LBB2_6-.Ltmp4, $2  }
0x66f: {  	_ =	sdelay $0x2  }
0x670: {  	s18 =	sadd.s32 $0x200, s18;
	s20 =	sadd.s32 $0x200, s20  }
0x671: {  	_ =	swait.ge [sflag:s29], $0x4000  }
0x672: {  	[sflag:s29] =	ssyncset.done $0x0  }
0x673: {  	[sflag:s29] =	ssyncadd.s32 $0xFFFFC000  }
0x674: {  	_ =	swait.ge [sflag:s30], $0x100  }
0x675: {  	[tilespmem:$0x1FAD0] =	vst v42  }
0x676: {  	[tilespmem:$0x1FAE0] =	vst v43  }
0x677: {  	[tilespmem:$0x1FAF0] =	vst v44  }
0x678: {  	[tilespmem:$0x1FB00] =	vst v45  }
0x679: {  	s0 =	simm.s32 $0xFFFFFFFC;
	[sflag:s30] =	ssyncset.done $0x0;
	[tilespmem:$0x1FB10] =	vst v50  }
0x67a: {  	s5 =	simm.s32 $0x0;
	s10 =	simm.s32 $0x18420;
	[tilespmem:$0x1FB20] =	vst v54;
	[sflag:s30] =	ssyncadd.s32 $0xFFFFFF00  }
.LBB2_12:
0x67b: {  	v4 =	vmov s5;
	v22 =	vld [tilespmem:$0x1FC20]  }
0x67c: {  	v5 =	vld [tilespmem:s10+$0xFFFFFFE0];
	v4 =	vshll.u32 v4, $0x6  }
0x67d: {  	v4 =	vor.u32 v20, v4  }
0x67e: {  	s3 =	sadd.s32 s5, s21;
	v6 =	vor.u32 v23, v4  }
0x67f: {  	v53 =	vld [tilespmem:$0x1FB60];
	v7 =	vmov s3  }
0x680: {  	vm1 =	vlt.s32 v7, v22  }
0x681: {  	v0 =	vsel vm1, $0x3E8, v5  }
0x682: {  	v5 =	vshll.u32 v0, $0x6  }
0x683: {  	v50 =	vor.u32 v23, v5;
	v6 =	vld.idx.msk [tilespmem:v6+s24+$0x0], $0xffff  }
0x684: {  	v8 =	vor.u32 v53, v4  }
0x685: {  	v3 =	vld [tilespmem:$0x1FB70];
	_ =	sdelay $0x2  }
0x686: {  	[tilespmem:v50+s6+$0x0] =	vst.idx.add.f32.msk $0xffff, v6  }
0x687: {  	v55 =	vor.u32 v53, v5;
	v6 =	vld.idx.msk [tilespmem:v8+s24+$0x0], $0xffff  }
0x688: {  	v56 =	vor.u32 v3, v4  }
0x689: {  	v54 =	vld [tilespmem:$0x1FB80];
	_ =	sdelay $0x2  }
0x68a: {  	[tilespmem:v55+s6+$0x0] =	vst.idx.add.f32.msk $0xffff, v6  }
0x68b: {  	v57 =	vor.u32 v3, v5;
	v6 =	vld.idx.msk [tilespmem:v56+s24+$0x0], $0xffff  }
0x68c: {  	v58 =	vor.u32 v54, v4  }
0x68d: {  	v37 =	vld [tilespmem:$0x1FB90];
	_ =	sdelay $0x2  }
0x68e: {  	[tilespmem:v57+s6+$0x0] =	vst.idx.add.f32.msk $0xffff, v6  }
0x68f: {  	v59 =	vor.u32 v54, v5;
	v6 =	vld.idx.msk [tilespmem:v58+s24+$0x0], $0xffff  }
0x690: {  	v60 =	vor.u32 v37, v4  }
0x691: {  	v55 =	vld [tilespmem:$0x1FBA0];
	_ =	sdelay $0x2  }
0x692: {  	[tilespmem:v59+s6+$0x0] =	vst.idx.add.f32.msk $0xffff, v6  }
0x693: {  	v61 =	vor.u32 v37, v5;
	v6 =	vld.idx.msk [tilespmem:v60+s24+$0x0], $0xffff  }
0x694: {  	v62 =	vor.u32 v55, v4  }
0x695: {  	v2 =	vld [tilespmem:$0x1FBB0];
	_ =	sdelay $0x2  }
0x696: {  	[tilespmem:v61+s6+$0x0] =	vst.idx.add.f32.msk $0xffff, v6  }
0x697: {  	v63 =	vor.u32 v55, v5;
	v6 =	vld.idx.msk [tilespmem:v62+s24+$0x0], $0xffff  }
0x698: {  	v1 =	vor.u32 v2, v4  }
0x699: {  	v56 =	vld [tilespmem:$0x1FBC0];
	_ =	sdelay $0x2  }
0x69a: {  	[tilespmem:v63+s6+$0x0] =	vst.idx.add.f32.msk $0xffff, v6  }
0x69b: {  	v12 =	vor.u32 v2, v5;
	v6 =	vld.idx.msk [tilespmem:v1+s24+$0x0], $0xffff  }
0x69c: {  	v13 =	vor.u32 v56, v4  }
0x69d: {  	v40 =	vld [tilespmem:$0x1FBD0];
	_ =	sdelay $0x2  }
0x69e: {  	[tilespmem:v12+s6+$0x0] =	vst.idx.add.f32.msk $0xffff, v6  }
0x69f: {  	v14 =	vor.u32 v56, v5;
	v6 =	vld.idx.msk [tilespmem:v13+s24+$0x0], $0xffff  }
0x6a0: {  	v15 =	vor.u32 v40, v4  }
0x6a1: {  	v57 =	vld [tilespmem:$0x1FBE0];
	_ =	sdelay $0x2  }
0x6a2: {  	[tilespmem:v14+s6+$0x0] =	vst.idx.add.f32.msk $0xffff, v6  }
0x6a3: {  	v16 =	vor.u32 v40, v5;
	v6 =	vld.idx.msk [tilespmem:v15+s24+$0x0], $0xffff  }
0x6a4: {  	v17 =	vor.u32 v57, v4  }
0x6a5: {  	v41 =	vld [tilespmem:$0x1FBF0];
	_ =	sdelay $0x2  }
0x6a6: {  	[tilespmem:v16+s6+$0x0] =	vst.idx.add.f32.msk $0xffff, v6  }
0x6a7: {  	v24 =	vor.u32 v57, v5;
	v6 =	vld.idx.msk [tilespmem:v17+s24+$0x0], $0xffff  }
0x6a8: {  	v25 =	vor.u32 v41, v4  }
0x6a9: {  	v58 =	vld [tilespmem:$0x1FC00];
	_ =	sdelay $0x2  }
0x6aa: {  	[tilespmem:v24+s6+$0x0] =	vst.idx.add.f32.msk $0xffff, v6  }
0x6ab: {  	v26 =	vor.u32 v41, v5;
	v6 =	vld.idx.msk [tilespmem:v25+s24+$0x0], $0xffff  }
0x6ac: {  	v27 =	vor.u32 v58, v4  }
0x6ad: {  	v47 =	vld [tilespmem:$0x1FC40];
	_ =	sdelay $0x2  }
0x6ae: {  	[tilespmem:v26+s6+$0x0] =	vst.idx.add.f32.msk $0xffff, v6  }
0x6af: {  	v28 =	vor.u32 v58, v5;
	v6 =	vld.idx.msk [tilespmem:v27+s24+$0x0], $0xffff  }
0x6b0: {  	v29 =	vor.u32 v47, v4  }
0x6b1: {  	v35 =	vld [tilespmem:$0x1FC50];
	_ =	sdelay $0x2  }
0x6b2: {  	[tilespmem:v28+s6+$0x0] =	vst.idx.add.f32.msk $0xffff, v6  }
0x6b3: {  	v30 =	vor.u32 v47, v5;
	v6 =	vld.idx.msk [tilespmem:v29+s24+$0x0], $0xffff  }
0x6b4: {  	v31 =	vor.u32 v35, v4  }
0x6b5: {  	v52 =	vld [tilespmem:$0x1FC60];
	_ =	sdelay $0x2  }
0x6b6: {  	[tilespmem:v30+s6+$0x0] =	vst.idx.add.f32.msk $0xffff, v6  }
0x6b7: {  	v32 =	vor.u32 v35, v5;
	v6 =	vld.idx.msk [tilespmem:v31+s24+$0x0], $0xffff  }
0x6b8: {  	v33 =	vor.u32 v52, v4  }
0x6b9: {  	v38 =	vld [tilespmem:$0x1FC70];
	_ =	sdelay $0x2  }
0x6ba: {  	[tilespmem:v32+s6+$0x0] =	vst.idx.add.f32.msk $0xffff, v6  }
0x6bb: {  	v34 =	vor.u32 v52, v5;
	v6 =	vld.idx.msk [tilespmem:v33+s24+$0x0], $0xffff  }
0x6bc: {  	v36 =	vor.u32 v38, v4  }
0x6bd: {  	v46 =	vld [tilespmem:$0x1FC80];
	_ =	sdelay $0x2  }
0x6be: {  	[tilespmem:v34+s6+$0x0] =	vst.idx.add.f32.msk $0xffff, v6  }
0x6bf: {  	v39 =	vor.u32 v38, v5;
	v6 =	vld.idx.msk [tilespmem:v36+s24+$0x0], $0xffff  }
0x6c0: {  	v42 =	vor.u32 v46, v4  }
0x6c1: {  	v61 =	vld [tilespmem:$0x1FC90];
	_ =	sdelay $0x2  }
0x6c2: {  	[tilespmem:v39+s6+$0x0] =	vst.idx.add.f32.msk $0xffff, v6  }
0x6c3: {  	v43 =	vor.u32 v46, v5;
	v6 =	vld.idx.msk [tilespmem:v42+s24+$0x0], $0xffff  }
0x6c4: {  	v44 =	vor.u32 v61, v4  }
0x6c5: {  	v48 =	vld [tilespmem:$0x1FCA0];
	_ =	sdelay $0x2  }
0x6c6: {  	[tilespmem:v43+s6+$0x0] =	vst.idx.add.f32.msk $0xffff, v6  }
0x6c7: {  	v45 =	vor.u32 v61, v5;
	v6 =	vld.idx.msk [tilespmem:v44+s24+$0x0], $0xffff  }
0x6c8: {  	v51 =	vor.u32 v48, v4  }
0x6c9: {  	v49 =	vld [tilespmem:$0x1FCB0];
	_ =	sdelay $0x2  }
0x6ca: {  	[tilespmem:v45+s6+$0x0] =	vst.idx.add.f32.msk $0xffff, v6  }
0x6cb: {  	v59 =	vor.u32 v48, v5;
	v6 =	vld.idx.msk [tilespmem:v51+s24+$0x0], $0xffff  }
0x6cc: {  	v60 =	vor.u32 v49, v4  }
0x6cd: {  	v26 =	vld [tilespmem:$0x1FCC0];
	_ =	sdelay $0x2  }
0x6ce: {  	[tilespmem:v59+s6+$0x0] =	vst.idx.add.f32.msk $0xffff, v6  }
0x6cf: {  	v62 =	vor.u32 v49, v5;
	v6 =	vld.idx.msk [tilespmem:v60+s24+$0x0], $0xffff  }
0x6d0: {  	v63 =	vor.u32 v26, v4  }
0x6d1: {  	v39 =	vld [tilespmem:$0x1FCD0];
	_ =	sdelay $0x2  }
0x6d2: {  	[tilespmem:v62+s6+$0x0] =	vst.idx.add.f32.msk $0xffff, v6  }
0x6d3: {  	[tilespmem:$0x1FAC0] =	vst v0;
	v0 =	vor.u32 v26, v5;
	v6 =	vld.idx.msk [tilespmem:v63+s24+$0x0], $0xffff  }
0x6d4: {  	v1 =	vor.u32 v39, v4  }
0x6d5: {  	v43 =	vld [tilespmem:$0x1FCE0];
	_ =	sdelay $0x2  }
0x6d6: {  	[tilespmem:v0+s6+$0x0] =	vst.idx.add.f32.msk $0xffff, v6  }
0x6d7: {  	v12 =	vor.u32 v39, v5;
	v6 =	vld.idx.msk [tilespmem:v1+s24+$0x0], $0xffff  }
0x6d8: {  	v13 =	vor.u32 v43, v4  }
0x6d9: {  	v44 =	vld [tilespmem:$0x1FCF0];
	_ =	sdelay $0x2  }
0x6da: {  	[tilespmem:v12+s6+$0x0] =	vst.idx.add.f32.msk $0xffff, v6  }
0x6db: {  	v14 =	vor.u32 v43, v5;
	v6 =	vld.idx.msk [tilespmem:v13+s24+$0x0], $0xffff  }
0x6dc: {  	v15 =	vor.u32 v44, v4  }
0x6dd: {  	v45 =	vld [tilespmem:$0x1FD00];
	_ =	sdelay $0x2  }
0x6de: {  	[tilespmem:v14+s6+$0x0] =	vst.idx.add.f32.msk $0xffff, v6  }
0x6df: {  	v16 =	vor.u32 v44, v5;
	v6 =	vld.idx.msk [tilespmem:v15+s24+$0x0], $0xffff  }
0x6e0: {  	v17 =	vor.u32 v45, v4  }
0x6e1: {  	v50 =	vld [tilespmem:$0x1FD10];
	_ =	sdelay $0x2  }
0x6e2: {  	[tilespmem:v16+s6+$0x0] =	vst.idx.add.f32.msk $0xffff, v6  }
0x6e3: {  	v24 =	vor.u32 v45, v5;
	v6 =	vld.idx.msk [tilespmem:v17+s24+$0x0], $0xffff  }
0x6e4: {  	v25 =	vor.u32 v50, v4  }
0x6e5: {  	v0 =	vld [tilespmem:$0x1FD20];
	_ =	sdelay $0x2  }
0x6e6: {  	[tilespmem:v24+s6+$0x0] =	vst.idx.add.f32.msk $0xffff, v6  }
0x6e7: {  	v27 =	vor.u32 v50, v5;
	v6 =	vld.idx.msk [tilespmem:v25+s24+$0x0], $0xffff  }
0x6e8: {  	v28 =	vor.u32 v0, v4  }
0x6e9: {  	v1 =	vld [tilespmem:$0x1FD30];
	_ =	sdelay $0x2  }
0x6ea: {  	[tilespmem:v27+s6+$0x0] =	vst.idx.add.f32.msk $0xffff, v6  }
0x6eb: {  	v29 =	vor.u32 v0, v5;
	v6 =	vld.idx.msk [tilespmem:v28+s24+$0x0], $0xffff  }
0x6ec: {  	v30 =	vor.u32 v1, v4  }
0x6ed: {  	v24 =	vld [tilespmem:$0x1FD40];
	_ =	sdelay $0x2  }
0x6ee: {  	[tilespmem:v29+s6+$0x0] =	vst.idx.add.f32.msk $0xffff, v6  }
0x6ef: {  	v31 =	vor.u32 v1, v5;
	v6 =	vld.idx.msk [tilespmem:v30+s24+$0x0], $0xffff  }
0x6f0: {  	v32 =	vor.u32 v24, v4  }
0x6f1: {  	v25 =	vld [tilespmem:$0x1FD50];
	_ =	sdelay $0x2  }
0x6f2: {  	[tilespmem:v31+s6+$0x0] =	vst.idx.add.f32.msk $0xffff, v6  }
0x6f3: {  	v33 =	vor.u32 v24, v5;
	v6 =	vld.idx.msk [tilespmem:v32+s24+$0x0], $0xffff  }
0x6f4: {  	v34 =	vor.u32 v25, v4  }
0x6f5: {  	v27 =	vld [tilespmem:$0x1FD60];
	_ =	sdelay $0x2  }
0x6f6: {  	[tilespmem:v33+s6+$0x0] =	vst.idx.add.f32.msk $0xffff, v6  }
0x6f7: {  	v36 =	vor.u32 v25, v5;
	v6 =	vld.idx.msk [tilespmem:v34+s24+$0x0], $0xffff  }
0x6f8: {  	v42 =	vor.u32 v27, v4  }
0x6f9: {  	v28 =	vld [tilespmem:$0x1FD70];
	_ =	sdelay $0x2  }
0x6fa: {  	[tilespmem:v36+s6+$0x0] =	vst.idx.add.f32.msk $0xffff, v6  }
0x6fb: {  	v51 =	vor.u32 v27, v5;
	v6 =	vld.idx.msk [tilespmem:v42+s24+$0x0], $0xffff  }
0x6fc: {  	v59 =	vor.u32 v28, v4  }
0x6fd: {  	v29 =	vld [tilespmem:$0x1FD80];
	_ =	sdelay $0x2  }
0x6fe: {  	[tilespmem:v51+s6+$0x0] =	vst.idx.add.f32.msk $0xffff, v6  }
0x6ff: {  	v60 =	vor.u32 v28, v5;
	v6 =	vld.idx.msk [tilespmem:v59+s24+$0x0], $0xffff  }
0x700: {  	v62 =	vor.u32 v29, v4  }
0x701: {  	v30 =	vld [tilespmem:$0x1FD90];
	_ =	sdelay $0x2  }
0x702: {  	[tilespmem:v60+s6+$0x0] =	vst.idx.add.f32.msk $0xffff, v6  }
0x703: {  	v63 =	vor.u32 v29, v5;
	v6 =	vld.idx.msk [tilespmem:v62+s24+$0x0], $0xffff  }
0x704: {  	v12 =	vor.u32 v30, v4  }
0x705: {  	v31 =	vld [tilespmem:$0x1FDC0];
	_ =	sdelay $0x2  }
0x706: {  	[tilespmem:v63+s6+$0x0] =	vst.idx.add.f32.msk $0xffff, v6  }
0x707: {  	v13 =	vor.u32 v30, v5;
	v6 =	vld.idx.msk [tilespmem:v12+s24+$0x0], $0xffff  }
0x708: {  	v14 =	vor.u32 v31, v4;
	_ =	sdelay $0x3  }
0x709: {  	[tilespmem:v13+s6+$0x0] =	vst.idx.add.f32.msk $0xffff, v6  }
0x70a: {  	v6 =	vld.idx.msk [tilespmem:v14+s24+$0x0], $0xffff  }
0x70b: {  	v32 =	vld [tilespmem:$0x1FDD0];
	_ =	sdelay $0x3  }
0x70c: {  	v15 =	vor.u32 v31, v5  }
0x70d: {  	v16 =	vor.u32 v32, v4  }
0x70e: {  	v33 =	vld [tilespmem:$0x1FEF0];
	_ =	sdelay $0x2  }
0x70f: {  	[tilespmem:v15+s6+$0x0] =	vst.idx.add.f32.msk $0xffff, v6  }
0x710: {  	v17 =	vor.u32 v32, v5;
	v6 =	vld.idx.msk [tilespmem:v16+s24+$0x0], $0xffff  }
0x711: {  	v34 =	vor.u32 v33, v4;
	_ =	sdelay $0x3  }
0x712: {  	[tilespmem:v17+s6+$0x0] =	vst.idx.add.f32.msk $0xffff, v6  }
0x713: {  	v6 =	vld.idx.msk [tilespmem:v34+s24+$0x0], $0xffff  }
0x714: {  	v36 =	vor.u32 v33, v5;
	v34 =	vld [tilespmem:$0x1FF30];
	_ =	sdelay $0x4  }
0x715: {  	v42 =	vor.u32 v34, v4;
	[tilespmem:v36+s6+$0x0] =	vst.idx.add.f32.msk $0xffff, v6  }
0x716: {  	v36 =	vld [tilespmem:$0x1FF40];
	_ =	sdelay $0x3  }
0x717: {  	v51 =	vor.u32 v34, v5;
	v6 =	vld.idx.msk [tilespmem:v42+s24+$0x0], $0xffff  }
0x718: {  	v59 =	vor.u32 v36, v4  }
0x719: {  	v42 =	vld [tilespmem:$0x1FF50];
	_ =	sdelay $0x2  }
0x71a: {  	[tilespmem:v51+s6+$0x0] =	vst.idx.add.f32.msk $0xffff, v6  }
0x71b: {  	v60 =	vor.u32 v36, v5;
	v6 =	vld.idx.msk [tilespmem:v59+s24+$0x0], $0xffff  }
0x71c: {  	v62 =	vor.u32 v42, v4  }
0x71d: {  	v51 =	vld [tilespmem:$0x1FF60];
	_ =	sdelay $0x2  }
0x71e: {  	[tilespmem:v60+s6+$0x0] =	vst.idx.add.f32.msk $0xffff, v6  }
0x71f: {  	v63 =	vor.u32 v42, v5;
	v6 =	vld.idx.msk [tilespmem:v62+s24+$0x0], $0xffff  }
0x720: {  	v12 =	vor.u32 v51, v4  }
0x721: {  	v59 =	vld [tilespmem:$0x1FF70];
	_ =	sdelay $0x2  }
0x722: {  	[tilespmem:v63+s6+$0x0] =	vst.idx.add.f32.msk $0xffff, v6  }
0x723: {  	v13 =	vor.u32 v51, v5;
	v6 =	vld.idx.msk [tilespmem:v12+s24+$0x0], $0xffff  }
0x724: {  	v14 =	vor.u32 v59, v4  }
0x725: {  	v60 =	vld [tilespmem:$0x1FF90];
	_ =	sdelay $0x2  }
0x726: {  	[tilespmem:v13+s6+$0x0] =	vst.idx.add.f32.msk $0xffff, v6  }
0x727: {  	v15 =	vor.u32 v59, v5;
	v6 =	vld.idx.msk [tilespmem:v14+s24+$0x0], $0xffff  }
0x728: {  	v16 =	vor.u32 v60, v4  }
0x729: {  	v62 =	vld [tilespmem:$0x1FC10];
	_ =	sdelay $0x2  }
0x72a: {  	[tilespmem:v15+s6+$0x0] =	vst.idx.add.f32.msk $0xffff, v6  }
0x72b: {  	v17 =	vor.u32 v60, v5;
	v6 =	vld.idx.msk [tilespmem:v16+s24+$0x0], $0xffff  }
0x72c: {  	v12 =	vor.u32 v62, v4  }
0x72d: {  	v63 =	vld [tilespmem:$0x1FFB0];
	_ =	sdelay $0x2  }
0x72e: {  	[tilespmem:v17+s6+$0x0] =	vst.idx.add.f32.msk $0xffff, v6  }
0x72f: {  	v13 =	vor.u32 v62, v5;
	v6 =	vld.idx.msk [tilespmem:v12+s24+$0x0], $0xffff  }
0x730: {  	v14 =	vor.u32 v63, v4  }
0x731: {  	v9 =	vld [tilespmem:$0x1FFC0];
	_ =	sdelay $0x2  }
0x732: {  	[tilespmem:v13+s6+$0x0] =	vst.idx.add.f32.msk $0xffff, v6  }
0x733: {  	v15 =	vor.u32 v63, v5;
	v6 =	vld.idx.msk [tilespmem:v14+s24+$0x0], $0xffff  }
0x734: {  	v16 =	vor.u32 v9, v4  }
0x735: {  	v12 =	vld [tilespmem:$0x1FFF0];
	_ =	sdelay $0x2  }
0x736: {  	[tilespmem:v15+s6+$0x0] =	vst.idx.add.f32.msk $0xffff, v6  }
0x737: {  	v17 =	vor.u32 v9, v5;
	v6 =	vld.idx.msk [tilespmem:v16+s24+$0x0], $0xffff  }
0x738: {  	v13 =	vor.u32 v12, v4  }
0x739: {  	v15 =	vld [tilespmem:$0x1FFE0];
	_ =	sdelay $0x2  }
0x73a: {  	[tilespmem:v17+s6+$0x0] =	vst.idx.add.f32.msk $0xffff, v6  }
0x73b: {  	v14 =	vor.u32 v12, v5;
	v6 =	vld.idx.msk [tilespmem:v13+s24+$0x0], $0xffff  }
0x73c: {  	v16 =	vor.u32 v15, v4  }
0x73d: {  	v12 =	vld [tilespmem:$0x1FFD0];
	_ =	sdelay $0x2  }
0x73e: {  	[tilespmem:v14+s6+$0x0] =	vst.idx.add.f32.msk $0xffff, v6  }
0x73f: {  	v17 =	vor.u32 v15, v5;
	v6 =	vld.idx.msk [tilespmem:v16+s24+$0x0], $0xffff  }
0x740: {  	v13 =	vor.u32 v12, v4  }
0x741: {  	v15 =	vld [tilespmem:$0x1FDE0];
	_ =	sdelay $0x2  }
0x742: {  	[tilespmem:v17+s6+$0x0] =	vst.idx.add.f32.msk $0xffff, v6  }
0x743: {  	v14 =	vor.u32 v12, v5;
	v6 =	vld.idx.msk [tilespmem:v13+s24+$0x0], $0xffff  }
0x744: {  	v16 =	vor.u32 v15, v4  }
0x745: {  	v12 =	vld [tilespmem:$0x1FE10];
	_ =	sdelay $0x2  }
0x746: {  	[tilespmem:v14+s6+$0x0] =	vst.idx.add.f32.msk $0xffff, v6  }
0x747: {  	v17 =	vor.u32 v15, v5;
	v6 =	vld.idx.msk [tilespmem:v16+s24+$0x0], $0xffff  }
0x748: {  	v13 =	vor.u32 v12, v4  }
0x749: {  	v15 =	vld [tilespmem:$0x1FAD0];
	_ =	sdelay $0x2  }
0x74a: {  	[tilespmem:v17+s6+$0x0] =	vst.idx.add.f32.msk $0xffff, v6  }
0x74b: {  	v14 =	vor.u32 v12, v5;
	v6 =	vld.idx.msk [tilespmem:v13+s24+$0x0], $0xffff  }
0x74c: {  	v16 =	vor.u32 v15, v4  }
0x74d: {  	v12 =	vld [tilespmem:$0x1FE60];
	_ =	sdelay $0x2  }
0x74e: {  	[tilespmem:v14+s6+$0x0] =	vst.idx.add.f32.msk $0xffff, v6  }
0x74f: {  	v17 =	vor.u32 v15, v5;
	v6 =	vld.idx.msk [tilespmem:v16+s24+$0x0], $0xffff  }
0x750: {  	v13 =	vor.u32 v12, v4  }
0x751: {  	v15 =	vld [tilespmem:$0x1FAE0];
	_ =	sdelay $0x2  }
0x752: {  	[tilespmem:v17+s6+$0x0] =	vst.idx.add.f32.msk $0xffff, v6  }
0x753: {  	v14 =	vor.u32 v12, v5;
	v6 =	vld.idx.msk [tilespmem:v13+s24+$0x0], $0xffff  }
0x754: {  	v16 =	vor.u32 v15, v4  }
0x755: {  	v12 =	vld [tilespmem:$0x1FAF0];
	_ =	sdelay $0x2  }
0x756: {  	[tilespmem:v14+s6+$0x0] =	vst.idx.add.f32.msk $0xffff, v6  }
0x757: {  	v17 =	vor.u32 v15, v5;
	v6 =	vld.idx.msk [tilespmem:v16+s24+$0x0], $0xffff  }
0x758: {  	v13 =	vor.u32 v12, v4  }
0x759: {  	v15 =	vld [tilespmem:$0x1FB00];
	_ =	sdelay $0x2  }
0x75a: {  	[tilespmem:v17+s6+$0x0] =	vst.idx.add.f32.msk $0xffff, v6  }
0x75b: {  	v14 =	vor.u32 v12, v5;
	v6 =	vld.idx.msk [tilespmem:v13+s24+$0x0], $0xffff  }
0x75c: {  	v16 =	vor.u32 v15, v4  }
0x75d: {  	v12 =	vld [tilespmem:$0x1FB10];
	_ =	sdelay $0x2  }
0x75e: {  	[tilespmem:v14+s6+$0x0] =	vst.idx.add.f32.msk $0xffff, v6  }
0x75f: {  	v17 =	vor.u32 v15, v5;
	v6 =	vld.idx.msk [tilespmem:v16+s24+$0x0], $0xffff  }
0x760: {  	v13 =	vor.u32 v12, v4  }
0x761: {  	v15 =	vld [tilespmem:$0x1FE70];
	_ =	sdelay $0x2  }
0x762: {  	[tilespmem:v17+s6+$0x0] =	vst.idx.add.f32.msk $0xffff, v6  }
0x763: {  	v14 =	vor.u32 v12, v5;
	v6 =	vld.idx.msk [tilespmem:v13+s24+$0x0], $0xffff  }
0x764: {  	v16 =	vor.u32 v15, v4  }
0x765: {  	v12 =	vld [tilespmem:$0x1FEA0];
	_ =	sdelay $0x2  }
0x766: {  	[tilespmem:v14+s6+$0x0] =	vst.idx.add.f32.msk $0xffff, v6  }
0x767: {  	v17 =	vor.u32 v15, v5;
	v6 =	vld.idx.msk [tilespmem:v16+s24+$0x0], $0xffff  }
0x768: {  	v13 =	vor.u32 v12, v4  }
0x769: {  	v15 =	vld [tilespmem:$0x1FB20];
	_ =	sdelay $0x2  }
0x76a: {  	[tilespmem:v17+s6+$0x0] =	vst.idx.add.f32.msk $0xffff, v6  }
0x76b: {  	v14 =	vor.u32 v12, v5;
	v6 =	vld.idx.msk [tilespmem:v13+s24+$0x0], $0xffff  }
0x76c: {  	v16 =	vor.u32 v15, v4  }
0x76d: {  	v12 =	vld [tilespmem:$0x1FEB0];
	_ =	sdelay $0x2  }
0x76e: {  	[tilespmem:v14+s6+$0x0] =	vst.idx.add.f32.msk $0xffff, v6  }
0x76f: {  	v17 =	vor.u32 v15, v5;
	v6 =	vld.idx.msk [tilespmem:v16+s24+$0x0], $0xffff  }
0x770: {  	v13 =	vor.u32 v12, v4;
	_ =	sdelay $0x1  }
0x771: {  	v10 =	vld [tilespmem:$0x1FEC0];
	_ =	sdelay $0x1  }
0x772: {  	[tilespmem:v17+s6+$0x0] =	vst.idx.add.f32.msk $0xffff, v6  }
0x773: {  	v14 =	vor.u32 v12, v5;
	v6 =	vld.idx.msk [tilespmem:v13+s24+$0x0], $0xffff  }
0x774: {  	s20 =	sadd.s32 $0x10, s5  }
0x775: {  	v8 =	vor.u32 v10, v4;
	v15 =	vmov s20;
	v16 =	vld [tilespmem:$0x1FED0]  }
0x776: {  	v9 =	vshll.u32 v15, $0x6  }
0x777: {  	s11 =	sadd.s32 $0x20, s5;
	v11 =	vld [tilespmem:s10+$0xFFFFFFF0];
	v7 =	vor.u32 v20, v9  }
0x778: {  	s3 =	sadd.s32 s21, s20;
	v9 =	vor.u32 v23, v7;
	[tilespmem:v14+s6+$0x0] =	vst.idx.add.f32.msk $0xffff, v6;
	v6 =	vmov s11  }
0x779: {  	s12 =	sadd.s32 $0x30, s5;
	v15 =	vld [tilespmem:s10+$0x0];
	v12 =	vor.u32 v10, v5;
	v17 =	vmov s3;
	v6 =	vshll.u32 v6, $0x6  }
0x77a: {  	v13 =	vmov s12;
	v14 =	vor.u32 v16, v4;
	v16 =	vld.idx.msk [tilespmem:v8+s24+$0x0], $0xffff;
	v10 =	vor.u32 v20, v6  }
0x77b: {  	s26 =	sadd.s32 s21, s11;
	v18 =	vld [tilespmem:s10+$0x10];
	vm1 =	vlt.s32 v17, v22;
	v13 =	vshll.u32 v13, $0x6;
	v17 =	vor.u32 v23, v10  }
0x77c: {  	v19 =	vmov s26;
	v13 =	vor.u32 v20, v13;
	v6 =	vsel vm1, $0x3E8, v11  }
0x77d: {  	s28 =	sadd.s32 s21, s12;
	vm1 =	vlt.s32 v19, v22;
	v19 =	vor.u32 v23, v13;
	v11 =	vshll.u32 v6, $0x6  }
0x77e: {  	v20 =	vld.idx.msk [tilespmem:v9+s24+$0x0], $0xffff;
	v9 =	vmov s28;
	v8 =	vsel vm1, $0x3E8, v15;
	v21 =	vor.u32 v23, v11  }
0x77f: {  	vm1 =	vlt.s32 v9, v22;
	[tilespmem:v12+s6+$0x0] =	vst.idx.add.f32.msk $0xffff, v16;
	v16 =	vor.u32 v53, v7;
	v12 =	vshll.u32 v8, $0x6  }
0x780: {  	v9 =	vsel vm1, $0x3E8, v18;
	v22 =	vor.u32 v23, v12;
	v17 =	vld.idx.msk [tilespmem:v17+s24+$0x0], $0xffff  }
0x781: {  	v18 =	vor.u32 v53, v10;
	v15 =	vld.idx.msk [tilespmem:v14+s24+$0x0], $0xffff;
	v14 =	vshll.u32 v9, $0x6;
	v23 =	vlaneseq.u32  }
0x782: {  	v19 =	vld.idx.msk [tilespmem:v19+s24+$0x0], $0xffff;
	v23 =	vor.u32 v23, v14  }
0x783: {  	[tilespmem:v21+s6+$0x0] =	vst.idx.add.f32.msk $0xffff, v20;
	v20 =	vor.u32 v53, v13  }
0x784: {  	v21 =	vor.u32 v53, v11;
	v16 =	vld.idx.msk [tilespmem:v16+s24+$0x0], $0xffff  }
0x785: {  	[tilespmem:v22+s6+$0x0] =	vst.idx.add.f32.msk $0xffff, v17;
	v17 =	vor.u32 v3, v7  }
0x786: {  	v22 =	vor.u32 v53, v12;
	v18 =	vld.idx.msk [tilespmem:v18+s24+$0x0], $0xffff  }
0x787: {  	[tilespmem:v23+s6+$0x0] =	vst.idx.add.f32.msk $0xffff, v19;
	v19 =	vor.u32 v3, v10  }
0x788: {  	v23 =	vor.u32 v53, v14;
	v20 =	vld.idx.msk [tilespmem:v20+s24+$0x0], $0xffff  }
0x789: {  	v53 =	vor.u32 v3, v13;
	[tilespmem:v21+s6+$0x0] =	vst.idx.add.f32.msk $0xffff, v16  }
0x78a: {  	v21 =	vor.u32 v3, v11;
	v17 =	vld.idx.msk [tilespmem:v17+s24+$0x0], $0xffff  }
0x78b: {  	[tilespmem:v22+s6+$0x0] =	vst.idx.add.f32.msk $0xffff, v18;
	v18 =	vor.u32 v54, v7  }
0x78c: {  	v22 =	vor.u32 v3, v12;
	v19 =	vld.idx.msk [tilespmem:v19+s24+$0x0], $0xffff  }
0x78d: {  	[tilespmem:v23+s6+$0x0] =	vst.idx.add.f32.msk $0xffff, v20;
	v20 =	vor.u32 v54, v10  }
0x78e: {  	v23 =	vor.u32 v3, v14;
	v16 =	vld.idx.msk [tilespmem:v53+s24+$0x0], $0xffff  }
0x78f: {  	v3 =	vor.u32 v54, v13;
	[tilespmem:v21+s6+$0x0] =	vst.idx.add.f32.msk $0xffff, v17  }
0x790: {  	v21 =	vor.u32 v54, v11;
	v18 =	vld.idx.msk [tilespmem:v18+s24+$0x0], $0xffff  }
0x791: {  	[tilespmem:v22+s6+$0x0] =	vst.idx.add.f32.msk $0xffff, v19;
	v19 =	vor.u32 v37, v7  }
0x792: {  	v22 =	vor.u32 v54, v12;
	v20 =	vld.idx.msk [tilespmem:v20+s24+$0x0], $0xffff  }
0x793: {  	v53 =	vor.u32 v37, v10;
	[tilespmem:v23+s6+$0x0] =	vst.idx.add.f32.msk $0xffff, v16  }
0x794: {  	v23 =	vor.u32 v54, v14;
	v17 =	vld.idx.msk [tilespmem:v3+s24+$0x0], $0xffff  }
0x795: {  	[tilespmem:v21+s6+$0x0] =	vst.idx.add.f32.msk $0xffff, v18;
	v18 =	vor.u32 v37, v13  }
0x796: {  	v21 =	vor.u32 v37, v11;
	v19 =	vld.idx.msk [tilespmem:v19+s24+$0x0], $0xffff  }
0x797: {  	[tilespmem:v22+s6+$0x0] =	vst.idx.add.f32.msk $0xffff, v20;
	v20 =	vor.u32 v55, v7  }
0x798: {  	v22 =	vor.u32 v37, v12;
	v16 =	vld.idx.msk [tilespmem:v53+s24+$0x0], $0xffff  }
0x799: {  	v54 =	vor.u32 v55, v10;
	[tilespmem:v23+s6+$0x0] =	vst.idx.add.f32.msk $0xffff, v17  }
0x79a: {  	v23 =	vor.u32 v37, v14;
	v18 =	vld.idx.msk [tilespmem:v18+s24+$0x0], $0xffff  }
0x79b: {  	[tilespmem:v21+s6+$0x0] =	vst.idx.add.f32.msk $0xffff, v19;
	v19 =	vor.u32 v55, v13  }
0x79c: {  	v21 =	vor.u32 v55, v11;
	v20 =	vld.idx.msk [tilespmem:v20+s24+$0x0], $0xffff  }
0x79d: {  	v3 =	vor.u32 v2, v7;
	[tilespmem:v22+s6+$0x0] =	vst.idx.add.f32.msk $0xffff, v16  }
0x79e: {  	v22 =	vor.u32 v55, v12;
	v17 =	vld.idx.msk [tilespmem:v54+s24+$0x0], $0xffff  }
0x79f: {  	[tilespmem:v23+s6+$0x0] =	vst.idx.add.f32.msk $0xffff, v18;
	v18 =	vor.u32 v2, v10  }
0x7a0: {  	v23 =	vor.u32 v55, v14;
	v19 =	vld.idx.msk [tilespmem:v19+s24+$0x0], $0xffff  }
0x7a1: {  	[tilespmem:v21+s6+$0x0] =	vst.idx.add.f32.msk $0xffff, v20;
	v20 =	vor.u32 v2, v13  }
0x7a2: {  	v21 =	vor.u32 v2, v11;
	v16 =	vld.idx.msk [tilespmem:v3+s24+$0x0], $0xffff  }
0x7a3: {  	v37 =	vor.u32 v56, v7;
	[tilespmem:v22+s6+$0x0] =	vst.idx.add.f32.msk $0xffff, v17  }
0x7a4: {  	v22 =	vor.u32 v2, v12;
	v18 =	vld.idx.msk [tilespmem:v18+s24+$0x0], $0xffff  }
0x7a5: {  	[tilespmem:v23+s6+$0x0] =	vst.idx.add.f32.msk $0xffff, v19;
	v19 =	vor.u32 v56, v10  }
0x7a6: {  	v23 =	vor.u32 v2, v14;
	v20 =	vld.idx.msk [tilespmem:v20+s24+$0x0], $0xffff  }
0x7a7: {  	v53 =	vor.u32 v56, v13;
	[tilespmem:v21+s6+$0x0] =	vst.idx.add.f32.msk $0xffff, v16  }
0x7a8: {  	v21 =	vor.u32 v56, v11;
	v17 =	vld.idx.msk [tilespmem:v37+s24+$0x0], $0xffff  }
0x7a9: {  	[tilespmem:v22+s6+$0x0] =	vst.idx.add.f32.msk $0xffff, v18;
	v18 =	vor.u32 v40, v7  }
0x7aa: {  	v22 =	vor.u32 v56, v12;
	v19 =	vld.idx.msk [tilespmem:v19+s24+$0x0], $0xffff  }
0x7ab: {  	[tilespmem:v23+s6+$0x0] =	vst.idx.add.f32.msk $0xffff, v20;
	v20 =	vor.u32 v40, v10  }
0x7ac: {  	v23 =	vor.u32 v56, v14;
	v16 =	vld.idx.msk [tilespmem:v53+s24+$0x0], $0xffff  }
0x7ad: {  	v54 =	vor.u32 v40, v13;
	[tilespmem:v21+s6+$0x0] =	vst.idx.add.f32.msk $0xffff, v17  }
0x7ae: {  	v21 =	vor.u32 v40, v11;
	v18 =	vld.idx.msk [tilespmem:v18+s24+$0x0], $0xffff  }
0x7af: {  	[tilespmem:v22+s6+$0x0] =	vst.idx.add.f32.msk $0xffff, v19;
	v19 =	vor.u32 v57, v7  }
0x7b0: {  	v22 =	vor.u32 v40, v12;
	v20 =	vld.idx.msk [tilespmem:v20+s24+$0x0], $0xffff  }
0x7b1: {  	v55 =	vor.u32 v57, v10;
	[tilespmem:v23+s6+$0x0] =	vst.idx.add.f32.msk $0xffff, v16  }
0x7b2: {  	v23 =	vor.u32 v40, v14;
	v17 =	vld.idx.msk [tilespmem:v54+s24+$0x0], $0xffff  }
0x7b3: {  	[tilespmem:v21+s6+$0x0] =	vst.idx.add.f32.msk $0xffff, v18;
	v18 =	vor.u32 v57, v13  }
0x7b4: {  	v21 =	vor.u32 v57, v11;
	v19 =	vld.idx.msk [tilespmem:v19+s24+$0x0], $0xffff  }
0x7b5: {  	[tilespmem:v22+s6+$0x0] =	vst.idx.add.f32.msk $0xffff, v20;
	v20 =	vor.u32 v41, v7  }
0x7b6: {  	v22 =	vor.u32 v57, v12;
	v16 =	vld.idx.msk [tilespmem:v55+s24+$0x0], $0xffff  }
0x7b7: {  	v56 =	vor.u32 v41, v10;
	[tilespmem:v23+s6+$0x0] =	vst.idx.add.f32.msk $0xffff, v17  }
0x7b8: {  	v23 =	vor.u32 v57, v14;
	v18 =	vld.idx.msk [tilespmem:v18+s24+$0x0], $0xffff  }
0x7b9: {  	[tilespmem:v21+s6+$0x0] =	vst.idx.add.f32.msk $0xffff, v19;
	v19 =	vor.u32 v41, v13  }
0x7ba: {  	v21 =	vor.u32 v41, v11;
	v20 =	vld.idx.msk [tilespmem:v20+s24+$0x0], $0xffff  }
0x7bb: {  	v2 =	vor.u32 v58, v7;
	[tilespmem:v22+s6+$0x0] =	vst.idx.add.f32.msk $0xffff, v16  }
0x7bc: {  	v22 =	vor.u32 v41, v12;
	v17 =	vld.idx.msk [tilespmem:v56+s24+$0x0], $0xffff  }
0x7bd: {  	[tilespmem:v23+s6+$0x0] =	vst.idx.add.f32.msk $0xffff, v18;
	v18 =	vor.u32 v58, v10  }
0x7be: {  	v23 =	vor.u32 v41, v14;
	v19 =	vld.idx.msk [tilespmem:v19+s24+$0x0], $0xffff  }
0x7bf: {  	[tilespmem:v21+s6+$0x0] =	vst.idx.add.f32.msk $0xffff, v20;
	v20 =	vor.u32 v58, v13  }
0x7c0: {  	v21 =	vor.u32 v58, v11;
	v16 =	vld.idx.msk [tilespmem:v2+s24+$0x0], $0xffff  }
0x7c1: {  	v3 =	vor.u32 v47, v7;
	[tilespmem:v22+s6+$0x0] =	vst.idx.add.f32.msk $0xffff, v17  }
0x7c2: {  	v22 =	vor.u32 v58, v12;
	v18 =	vld.idx.msk [tilespmem:v18+s24+$0x0], $0xffff  }
0x7c3: {  	[tilespmem:v23+s6+$0x0] =	vst.idx.add.f32.msk $0xffff, v19;
	v19 =	vor.u32 v47, v10  }
0x7c4: {  	v23 =	vor.u32 v58, v14;
	v20 =	vld.idx.msk [tilespmem:v20+s24+$0x0], $0xffff  }
0x7c5: {  	v37 =	vor.u32 v47, v13;
	[tilespmem:v21+s6+$0x0] =	vst.idx.add.f32.msk $0xffff, v16  }
0x7c6: {  	v21 =	vor.u32 v47, v11;
	v17 =	vld.idx.msk [tilespmem:v3+s24+$0x0], $0xffff  }
0x7c7: {  	[tilespmem:v22+s6+$0x0] =	vst.idx.add.f32.msk $0xffff, v18;
	v18 =	vor.u32 v35, v7  }
0x7c8: {  	v22 =	vor.u32 v47, v12;
	v19 =	vld.idx.msk [tilespmem:v19+s24+$0x0], $0xffff  }
0x7c9: {  	[tilespmem:v23+s6+$0x0] =	vst.idx.add.f32.msk $0xffff, v20;
	v20 =	vor.u32 v35, v10  }
0x7ca: {  	v23 =	vor.u32 v47, v14;
	v16 =	vld.idx.msk [tilespmem:v37+s24+$0x0], $0xffff  }
0x7cb: {  	v40 =	vor.u32 v35, v13;
	[tilespmem:v21+s6+$0x0] =	vst.idx.add.f32.msk $0xffff, v17  }
0x7cc: {  	v21 =	vor.u32 v35, v11;
	v18 =	vld.idx.msk [tilespmem:v18+s24+$0x0], $0xffff  }
0x7cd: {  	[tilespmem:v22+s6+$0x0] =	vst.idx.add.f32.msk $0xffff, v19;
	v19 =	vor.u32 v52, v7  }
0x7ce: {  	v22 =	vor.u32 v35, v12;
	v20 =	vld.idx.msk [tilespmem:v20+s24+$0x0], $0xffff  }
0x7cf: {  	v41 =	vor.u32 v52, v10;
	[tilespmem:v23+s6+$0x0] =	vst.idx.add.f32.msk $0xffff, v16  }
0x7d0: {  	v23 =	vor.u32 v35, v14;
	v17 =	vld.idx.msk [tilespmem:v40+s24+$0x0], $0xffff  }
0x7d1: {  	[tilespmem:v21+s6+$0x0] =	vst.idx.add.f32.msk $0xffff, v18;
	v18 =	vor.u32 v52, v13  }
0x7d2: {  	v21 =	vor.u32 v52, v11;
	v19 =	vld.idx.msk [tilespmem:v19+s24+$0x0], $0xffff  }
0x7d3: {  	[tilespmem:v22+s6+$0x0] =	vst.idx.add.f32.msk $0xffff, v20;
	v20 =	vor.u32 v38, v7  }
0x7d4: {  	v22 =	vor.u32 v52, v12;
	v16 =	vld.idx.msk [tilespmem:v41+s24+$0x0], $0xffff  }
0x7d5: {  	v47 =	vor.u32 v38, v10;
	[tilespmem:v23+s6+$0x0] =	vst.idx.add.f32.msk $0xffff, v17  }
0x7d6: {  	v23 =	vor.u32 v52, v14;
	v18 =	vld.idx.msk [tilespmem:v18+s24+$0x0], $0xffff  }
0x7d7: {  	[tilespmem:v21+s6+$0x0] =	vst.idx.add.f32.msk $0xffff, v19;
	v19 =	vor.u32 v38, v13  }
0x7d8: {  	v21 =	vor.u32 v38, v11;
	v20 =	vld.idx.msk [tilespmem:v20+s24+$0x0], $0xffff  }
0x7d9: {  	v52 =	vor.u32 v46, v7;
	[tilespmem:v22+s6+$0x0] =	vst.idx.add.f32.msk $0xffff, v16  }
0x7da: {  	v22 =	vor.u32 v38, v12;
	v17 =	vld.idx.msk [tilespmem:v47+s24+$0x0], $0xffff  }
0x7db: {  	[tilespmem:v23+s6+$0x0] =	vst.idx.add.f32.msk $0xffff, v18;
	v18 =	vor.u32 v46, v10  }
0x7dc: {  	v23 =	vor.u32 v38, v14;
	v19 =	vld.idx.msk [tilespmem:v19+s24+$0x0], $0xffff  }
0x7dd: {  	[tilespmem:v21+s6+$0x0] =	vst.idx.add.f32.msk $0xffff, v20;
	v20 =	vor.u32 v46, v13  }
0x7de: {  	v21 =	vor.u32 v46, v11;
	v16 =	vld.idx.msk [tilespmem:v52+s24+$0x0], $0xffff  }
0x7df: {  	v53 =	vor.u32 v61, v7;
	[tilespmem:v22+s6+$0x0] =	vst.idx.add.f32.msk $0xffff, v17  }
0x7e0: {  	v22 =	vor.u32 v46, v12;
	v18 =	vld.idx.msk [tilespmem:v18+s24+$0x0], $0xffff  }
0x7e1: {  	[tilespmem:v23+s6+$0x0] =	vst.idx.add.f32.msk $0xffff, v19;
	v19 =	vor.u32 v61, v10  }
0x7e2: {  	v23 =	vor.u32 v46, v14;
	v20 =	vld.idx.msk [tilespmem:v20+s24+$0x0], $0xffff  }
0x7e3: {  	v54 =	vor.u32 v61, v13;
	[tilespmem:v21+s6+$0x0] =	vst.idx.add.f32.msk $0xffff, v16  }
0x7e4: {  	v21 =	vor.u32 v61, v11;
	v17 =	vld.idx.msk [tilespmem:v53+s24+$0x0], $0xffff  }
0x7e5: {  	[tilespmem:v22+s6+$0x0] =	vst.idx.add.f32.msk $0xffff, v18;
	v18 =	vor.u32 v48, v7  }
0x7e6: {  	v22 =	vor.u32 v61, v12;
	v19 =	vld.idx.msk [tilespmem:v19+s24+$0x0], $0xffff  }
0x7e7: {  	[tilespmem:v23+s6+$0x0] =	vst.idx.add.f32.msk $0xffff, v20;
	v20 =	vor.u32 v48, v10  }
0x7e8: {  	v23 =	vor.u32 v61, v14;
	v16 =	vld.idx.msk [tilespmem:v54+s24+$0x0], $0xffff  }
0x7e9: {  	v55 =	vor.u32 v48, v13;
	[tilespmem:v21+s6+$0x0] =	vst.idx.add.f32.msk $0xffff, v17  }
0x7ea: {  	v21 =	vor.u32 v48, v11;
	v18 =	vld.idx.msk [tilespmem:v18+s24+$0x0], $0xffff  }
0x7eb: {  	[tilespmem:v22+s6+$0x0] =	vst.idx.add.f32.msk $0xffff, v19;
	v19 =	vor.u32 v49, v7  }
0x7ec: {  	v22 =	vor.u32 v48, v12;
	v20 =	vld.idx.msk [tilespmem:v20+s24+$0x0], $0xffff  }
0x7ed: {  	v56 =	vor.u32 v49, v10;
	[tilespmem:v23+s6+$0x0] =	vst.idx.add.f32.msk $0xffff, v16  }
0x7ee: {  	v23 =	vor.u32 v48, v14;
	v17 =	vld.idx.msk [tilespmem:v55+s24+$0x0], $0xffff  }
0x7ef: {  	[tilespmem:v21+s6+$0x0] =	vst.idx.add.f32.msk $0xffff, v18;
	v18 =	vor.u32 v49, v13  }
0x7f0: {  	v21 =	vor.u32 v49, v11;
	v19 =	vld.idx.msk [tilespmem:v19+s24+$0x0], $0xffff  }
0x7f1: {  	[tilespmem:v22+s6+$0x0] =	vst.idx.add.f32.msk $0xffff, v20;
	v20 =	vor.u32 v26, v7  }
0x7f2: {  	v22 =	vor.u32 v49, v12;
	v16 =	vld.idx.msk [tilespmem:v56+s24+$0x0], $0xffff  }
0x7f3: {  	v57 =	vor.u32 v26, v10;
	[tilespmem:v23+s6+$0x0] =	vst.idx.add.f32.msk $0xffff, v17  }
0x7f4: {  	v23 =	vor.u32 v49, v14;
	v18 =	vld.idx.msk [tilespmem:v18+s24+$0x0], $0xffff  }
0x7f5: {  	[tilespmem:v21+s6+$0x0] =	vst.idx.add.f32.msk $0xffff, v19;
	v19 =	vor.u32 v26, v13  }
0x7f6: {  	v21 =	vor.u32 v26, v11;
	v20 =	vld.idx.msk [tilespmem:v20+s24+$0x0], $0xffff  }
0x7f7: {  	v58 =	vor.u32 v39, v7;
	[tilespmem:v22+s6+$0x0] =	vst.idx.add.f32.msk $0xffff, v16  }
0x7f8: {  	v22 =	vor.u32 v26, v12;
	v17 =	vld.idx.msk [tilespmem:v57+s24+$0x0], $0xffff  }
0x7f9: {  	[tilespmem:v23+s6+$0x0] =	vst.idx.add.f32.msk $0xffff, v18;
	v18 =	vor.u32 v39, v10  }
0x7fa: {  	v23 =	vor.u32 v26, v14;
	v19 =	vld.idx.msk [tilespmem:v19+s24+$0x0], $0xffff  }
0x7fb: {  	[tilespmem:v21+s6+$0x0] =	vst.idx.add.f32.msk $0xffff, v20;
	v20 =	vor.u32 v39, v13  }
0x7fc: {  	v21 =	vor.u32 v39, v11;
	v16 =	vld.idx.msk [tilespmem:v58+s24+$0x0], $0xffff  }
0x7fd: {  	v61 =	vor.u32 v43, v7;
	[tilespmem:v22+s6+$0x0] =	vst.idx.add.f32.msk $0xffff, v17  }
0x7fe: {  	v22 =	vor.u32 v39, v12;
	v18 =	vld.idx.msk [tilespmem:v18+s24+$0x0], $0xffff  }
0x7ff: {  	[tilespmem:v23+s6+$0x0] =	vst.idx.add.f32.msk $0xffff, v19;
	v19 =	vor.u32 v43, v10  }
0x800: {  	v23 =	vor.u32 v39, v14;
	v20 =	vld.idx.msk [tilespmem:v20+s24+$0x0], $0xffff  }
0x801: {  	v2 =	vor.u32 v43, v13;
	[tilespmem:v21+s6+$0x0] =	vst.idx.add.f32.msk $0xffff, v16  }
0x802: {  	v21 =	vor.u32 v43, v11;
	v17 =	vld.idx.msk [tilespmem:v61+s24+$0x0], $0xffff  }
0x803: {  	[tilespmem:v22+s6+$0x0] =	vst.idx.add.f32.msk $0xffff, v18;
	v18 =	vor.u32 v44, v7  }
0x804: {  	v22 =	vor.u32 v43, v12;
	v19 =	vld.idx.msk [tilespmem:v19+s24+$0x0], $0xffff  }
0x805: {  	[tilespmem:v23+s6+$0x0] =	vst.idx.add.f32.msk $0xffff, v20;
	v20 =	vor.u32 v44, v10  }
0x806: {  	v23 =	vor.u32 v43, v14;
	v16 =	vld.idx.msk [tilespmem:v2+s24+$0x0], $0xffff  }
0x807: {  	v3 =	vor.u32 v44, v13;
	[tilespmem:v21+s6+$0x0] =	vst.idx.add.f32.msk $0xffff, v17  }
0x808: {  	v21 =	vor.u32 v44, v11;
	v18 =	vld.idx.msk [tilespmem:v18+s24+$0x0], $0xffff  }
0x809: {  	[tilespmem:v22+s6+$0x0] =	vst.idx.add.f32.msk $0xffff, v19;
	v19 =	vor.u32 v45, v7  }
0x80a: {  	v22 =	vor.u32 v44, v12;
	v20 =	vld.idx.msk [tilespmem:v20+s24+$0x0], $0xffff  }
0x80b: {  	v26 =	vor.u32 v45, v10;
	[tilespmem:v23+s6+$0x0] =	vst.idx.add.f32.msk $0xffff, v16  }
0x80c: {  	v23 =	vor.u32 v44, v14;
	v17 =	vld.idx.msk [tilespmem:v3+s24+$0x0], $0xffff  }
0x80d: {  	[tilespmem:v21+s6+$0x0] =	vst.idx.add.f32.msk $0xffff, v18;
	v18 =	vor.u32 v45, v13  }
0x80e: {  	v21 =	vor.u32 v45, v11;
	v19 =	vld.idx.msk [tilespmem:v19+s24+$0x0], $0xffff  }
0x80f: {  	[tilespmem:v22+s6+$0x0] =	vst.idx.add.f32.msk $0xffff, v20;
	v20 =	vor.u32 v50, v7  }
0x810: {  	v22 =	vor.u32 v45, v12;
	v16 =	vld.idx.msk [tilespmem:v26+s24+$0x0], $0xffff  }
0x811: {  	v35 =	vor.u32 v50, v10;
	[tilespmem:v23+s6+$0x0] =	vst.idx.add.f32.msk $0xffff, v17  }
0x812: {  	v23 =	vor.u32 v45, v14;
	v18 =	vld.idx.msk [tilespmem:v18+s24+$0x0], $0xffff  }
0x813: {  	[tilespmem:v21+s6+$0x0] =	vst.idx.add.f32.msk $0xffff, v19;
	v19 =	vor.u32 v50, v13  }
0x814: {  	v21 =	vor.u32 v50, v11;
	v20 =	vld.idx.msk [tilespmem:v20+s24+$0x0], $0xffff  }
0x815: {  	v37 =	vor.u32 v0, v7;
	[tilespmem:v22+s6+$0x0] =	vst.idx.add.f32.msk $0xffff, v16  }
0x816: {  	v22 =	vor.u32 v50, v12;
	v17 =	vld.idx.msk [tilespmem:v35+s24+$0x0], $0xffff  }
0x817: {  	[tilespmem:v23+s6+$0x0] =	vst.idx.add.f32.msk $0xffff, v18;
	v18 =	vor.u32 v0, v10  }
0x818: {  	v23 =	vor.u32 v50, v14;
	v19 =	vld.idx.msk [tilespmem:v19+s24+$0x0], $0xffff  }
0x819: {  	[tilespmem:v21+s6+$0x0] =	vst.idx.add.f32.msk $0xffff, v20  }
0x81a: {  	v20 =	vor.u32 v0, v13;
	v16 =	vld.idx.msk [tilespmem:v37+s24+$0x0], $0xffff  }
0x81b: {  	v21 =	vor.u32 v0, v11;
	[tilespmem:v22+s6+$0x0] =	vst.idx.add.f32.msk $0xffff, v17  }
0x81c: {  	v38 =	vor.u32 v1, v7;
	v18 =	vld.idx.msk [tilespmem:v18+s24+$0x0], $0xffff  }
0x81d: {  	[tilespmem:v23+s6+$0x0] =	vst.idx.add.f32.msk $0xffff, v19  }
0x81e: {  	v22 =	vor.u32 v0, v12;
	v23 =	vor.u32 v0, v14;
	v0 =	vld [tilespmem:$0x1FAC0]  }
0x81f: {  	v19 =	vor.u32 v1, v10;
	v20 =	vld.idx.msk [tilespmem:v20+s24+$0x0], $0xffff  }
0x820: {  	[tilespmem:v21+s6+$0x0] =	vst.idx.add.f32.msk $0xffff, v16  }
0x821: {  	v39 =	vor.u32 v1, v13;
	v17 =	vld.idx.msk [tilespmem:v38+s24+$0x0], $0xffff  }
0x822: {  	v21 =	vor.u32 v1, v11;
	v38 =	vld [tilespmem:$0x1FE60]  }
0x823: {  	[tilespmem:v22+s6+$0x0] =	vst.idx.add.f32.msk $0xffff, v18;
	v18 =	vor.u32 v24, v7  }
0x824: {  	v22 =	vor.u32 v1, v12;
	v19 =	vld.idx.msk [tilespmem:v19+s24+$0x0], $0xffff  }
0x825: {  	[tilespmem:v23+s6+$0x0] =	vst.idx.add.f32.msk $0xffff, v20;
	v20 =	vor.u32 v24, v10  }
0x826: {  	v23 =	vor.u32 v1, v14;
	v16 =	vld.idx.msk [tilespmem:v39+s24+$0x0], $0xffff  }
0x827: {  	v40 =	vor.u32 v24, v13;
	[tilespmem:v21+s6+$0x0] =	vst.idx.add.f32.msk $0xffff, v17  }
0x828: {  	v21 =	vor.u32 v24, v11;
	v18 =	vld.idx.msk [tilespmem:v18+s24+$0x0], $0xffff  }
0x829: {  	[tilespmem:v22+s6+$0x0] =	vst.idx.add.f32.msk $0xffff, v19;
	v19 =	vor.u32 v25, v7  }
0x82a: {  	v22 =	vor.u32 v24, v12;
	v20 =	vld.idx.msk [tilespmem:v20+s24+$0x0], $0xffff  }
0x82b: {  	v41 =	vor.u32 v25, v10;
	[tilespmem:v23+s6+$0x0] =	vst.idx.add.f32.msk $0xffff, v16  }
0x82c: {  	v17 =	vld.idx.msk [tilespmem:v40+s24+$0x0], $0xffff  }
0x82d: {  	v23 =	vor.u32 v24, v14;
	[tilespmem:v21+s6+$0x0] =	vst.idx.add.f32.msk $0xffff, v18  }
0x82e: {  	v19 =	vld.idx.msk [tilespmem:v19+s24+$0x0], $0xffff  }
0x82f: {  	v18 =	vor.u32 v25, v13;
	[tilespmem:v22+s6+$0x0] =	vst.idx.add.f32.msk $0xffff, v20  }
0x830: {  	v21 =	vor.u32 v25, v11;
	v16 =	vld.idx.msk [tilespmem:v41+s24+$0x0], $0xffff  }
0x831: {  	v20 =	vor.u32 v27, v7;
	v41 =	vld [tilespmem:$0x1FAE0]  }
0x832: {  	v22 =	vor.u32 v25, v12;
	[tilespmem:v23+s6+$0x0] =	vst.idx.add.f32.msk $0xffff, v17  }
0x833: {  	v43 =	vor.u32 v27, v10;
	v23 =	vor.u32 v25, v14;
	v25 =	vld [tilespmem:$0x1FFF0]  }
0x834: {  	v18 =	vld.idx.msk [tilespmem:v18+s24+$0x0], $0xffff  }
0x835: {  	[tilespmem:v21+s6+$0x0] =	vst.idx.add.f32.msk $0xffff, v19  }
0x836: {  	v20 =	vld.idx.msk [tilespmem:v20+s24+$0x0], $0xffff  }
0x837: {  	v19 =	vor.u32 v27, v13;
	[tilespmem:v22+s6+$0x0] =	vst.idx.add.f32.msk $0xffff, v16  }
0x838: {  	v21 =	vor.u32 v27, v11;
	v17 =	vld.idx.msk [tilespmem:v43+s24+$0x0], $0xffff  }
0x839: {  	v44 =	vor.u32 v28, v7;
	v43 =	vld [tilespmem:$0x1FAF0]  }
0x83a: {  	v22 =	vor.u32 v27, v12;
	[tilespmem:v23+s6+$0x0] =	vst.idx.add.f32.msk $0xffff, v18  }
0x83b: {  	v18 =	vor.u32 v28, v10;
	v23 =	vor.u32 v27, v14;
	v27 =	vld [tilespmem:$0x1FFE0]  }
0x83c: {  	v19 =	vld.idx.msk [tilespmem:v19+s24+$0x0], $0xffff  }
0x83d: {  	[tilespmem:v21+s6+$0x0] =	vst.idx.add.f32.msk $0xffff, v20;
	v20 =	vor.u32 v28, v13  }
0x83e: {  	v21 =	vor.u32 v28, v11;
	v16 =	vld.idx.msk [tilespmem:v44+s24+$0x0], $0xffff  }
0x83f: {  	v45 =	vor.u32 v29, v7;
	[tilespmem:v22+s6+$0x0] =	vst.idx.add.f32.msk $0xffff, v17  }
0x840: {  	v18 =	vld.idx.msk [tilespmem:v18+s24+$0x0], $0xffff  }
0x841: {  	v22 =	vor.u32 v28, v12;
	[tilespmem:v23+s6+$0x0] =	vst.idx.add.f32.msk $0xffff, v19  }
0x842: {  	v19 =	vor.u32 v29, v10;
	v20 =	vld.idx.msk [tilespmem:v20+s24+$0x0], $0xffff  }
0x843: {  	v23 =	vor.u32 v28, v14;
	[tilespmem:v21+s6+$0x0] =	vst.idx.add.f32.msk $0xffff, v16  }
0x844: {  	v46 =	vor.u32 v29, v13;
	v17 =	vld.idx.msk [tilespmem:v45+s24+$0x0], $0xffff  }
0x845: {  	v21 =	vor.u32 v29, v11;
	v45 =	vld [tilespmem:$0x1FB00]  }
0x846: {  	[tilespmem:v22+s6+$0x0] =	vst.idx.add.f32.msk $0xffff, v18;
	v18 =	vor.u32 v30, v7  }
0x847: {  	v22 =	vor.u32 v29, v12;
	v19 =	vld.idx.msk [tilespmem:v19+s24+$0x0], $0xffff  }
0x848: {  	[tilespmem:v23+s6+$0x0] =	vst.idx.add.f32.msk $0xffff, v20;
	v20 =	vor.u32 v30, v10  }
0x849: {  	v23 =	vor.u32 v29, v14;
	v16 =	vld.idx.msk [tilespmem:v46+s24+$0x0], $0xffff  }
0x84a: {  	[tilespmem:v21+s6+$0x0] =	vst.idx.add.f32.msk $0xffff, v17  }
0x84b: {  	v47 =	vor.u32 v30, v13;
	v18 =	vld.idx.msk [tilespmem:v18+s24+$0x0], $0xffff  }
0x84c: {  	[tilespmem:v22+s6+$0x0] =	vst.idx.add.f32.msk $0xffff, v19  }
0x84d: {  	v21 =	vor.u32 v30, v11;
	v20 =	vld.idx.msk [tilespmem:v20+s24+$0x0], $0xffff  }
0x84e: {  	v19 =	vor.u32 v31, v7;
	[tilespmem:v23+s6+$0x0] =	vst.idx.add.f32.msk $0xffff, v16  }
0x84f: {  	v22 =	vor.u32 v30, v12;
	v23 =	vor.u32 v30, v14;
	v30 =	vld [tilespmem:$0x1FFD0]  }
0x850: {  	v48 =	vor.u32 v31, v10;
	v17 =	vld.idx.msk [tilespmem:v47+s24+$0x0], $0xffff  }
0x851: {  	v47 =	vld [tilespmem:$0x1FB10]  }
0x852: {  	[tilespmem:v21+s6+$0x0] =	vst.idx.add.f32.msk $0xffff, v18;
	v18 =	vor.u32 v31, v13  }
0x853: {  	v21 =	vor.u32 v31, v11;
	v19 =	vld.idx.msk [tilespmem:v19+s24+$0x0], $0xffff  }
0x854: {  	[tilespmem:v22+s6+$0x0] =	vst.idx.add.f32.msk $0xffff, v20;
	v20 =	vor.u32 v32, v7  }
0x855: {  	v22 =	vor.u32 v31, v12;
	v16 =	vld.idx.msk [tilespmem:v48+s24+$0x0], $0xffff  }
0x856: {  	v49 =	vor.u32 v32, v10;
	[tilespmem:v23+s6+$0x0] =	vst.idx.add.f32.msk $0xffff, v17  }
0x857: {  	v18 =	vld.idx.msk [tilespmem:v18+s24+$0x0], $0xffff  }
0x858: {  	v23 =	vor.u32 v31, v14;
	[tilespmem:v21+s6+$0x0] =	vst.idx.add.f32.msk $0xffff, v19  }
0x859: {  	v20 =	vld.idx.msk [tilespmem:v20+s24+$0x0], $0xffff  }
0x85a: {  	v19 =	vor.u32 v32, v13;
	[tilespmem:v22+s6+$0x0] =	vst.idx.add.f32.msk $0xffff, v16  }
0x85b: {  	v21 =	vor.u32 v32, v11;
	v17 =	vld.idx.msk [tilespmem:v49+s24+$0x0], $0xffff  }
0x85c: {  	v50 =	vor.u32 v33, v7;
	v49 =	vld [tilespmem:$0x1FE70]  }
0x85d: {  	v22 =	vor.u32 v32, v12;
	[tilespmem:v23+s6+$0x0] =	vst.idx.add.f32.msk $0xffff, v18  }
0x85e: {  	v18 =	vor.u32 v33, v10;
	v23 =	vor.u32 v32, v14;
	v32 =	vld [tilespmem:$0x1FDE0]  }
0x85f: {  	v19 =	vld.idx.msk [tilespmem:v19+s24+$0x0], $0xffff  }
0x860: {  	[tilespmem:v21+s6+$0x0] =	vst.idx.add.f32.msk $0xffff, v20;
	v20 =	vor.u32 v33, v13  }
0x861: {  	v21 =	vor.u32 v33, v11;
	v16 =	vld.idx.msk [tilespmem:v50+s24+$0x0], $0xffff  }
0x862: {  	v52 =	vor.u32 v34, v7;
	[tilespmem:v22+s6+$0x0] =	vst.idx.add.f32.msk $0xffff, v17  }
0x863: {  	v18 =	vld.idx.msk [tilespmem:v18+s24+$0x0], $0xffff  }
0x864: {  	v22 =	vor.u32 v33, v12;
	[tilespmem:v23+s6+$0x0] =	vst.idx.add.f32.msk $0xffff, v19  }
0x865: {  	v19 =	vor.u32 v34, v10;
	v20 =	vld.idx.msk [tilespmem:v20+s24+$0x0], $0xffff  }
0x866: {  	v23 =	vor.u32 v33, v14;
	[tilespmem:v21+s6+$0x0] =	vst.idx.add.f32.msk $0xffff, v16  }
0x867: {  	v17 =	vld.idx.msk [tilespmem:v52+s24+$0x0], $0xffff  }
0x868: {  	v53 =	vor.u32 v34, v13;
	v52 =	vld [tilespmem:$0x1FEA0]  }
0x869: {  	v21 =	vor.u32 v34, v11;
	[tilespmem:v22+s6+$0x0] =	vst.idx.add.f32.msk $0xffff, v18  }
0x86a: {  	v18 =	vor.u32 v36, v7;
	v19 =	vld.idx.msk [tilespmem:v19+s24+$0x0], $0xffff  }
0x86b: {  	v22 =	vor.u32 v34, v12;
	[tilespmem:v23+s6+$0x0] =	vst.idx.add.f32.msk $0xffff, v20  }
0x86c: {  	v20 =	vor.u32 v36, v10;
	v23 =	vor.u32 v34, v14;
	v34 =	vld [tilespmem:$0x1FE10]  }
0x86d: {  	v16 =	vld.idx.msk [tilespmem:v53+s24+$0x0], $0xffff  }
0x86e: {  	[tilespmem:v21+s6+$0x0] =	vst.idx.add.f32.msk $0xffff, v17  }
0x86f: {  	v54 =	vor.u32 v36, v13;
	v18 =	vld.idx.msk [tilespmem:v18+s24+$0x0], $0xffff  }
0x870: {  	[tilespmem:v22+s6+$0x0] =	vst.idx.add.f32.msk $0xffff, v19  }
0x871: {  	v21 =	vor.u32 v36, v11;
	v20 =	vld.idx.msk [tilespmem:v20+s24+$0x0], $0xffff  }
0x872: {  	v19 =	vor.u32 v42, v7;
	[tilespmem:v23+s6+$0x0] =	vst.idx.add.f32.msk $0xffff, v16  }
0x873: {  	v22 =	vor.u32 v36, v12;
	v23 =	vor.u32 v36, v14;
	v36 =	vld [tilespmem:$0x1FAD0]  }
0x874: {  	v55 =	vor.u32 v42, v10;
	v17 =	vld.idx.msk [tilespmem:v54+s24+$0x0], $0xffff  }
0x875: {  	v54 =	vld [tilespmem:$0x1FB20]  }
0x876: {  	[tilespmem:v21+s6+$0x0] =	vst.idx.add.f32.msk $0xffff, v18;
	v18 =	vor.u32 v42, v13  }
0x877: {  	v21 =	vor.u32 v42, v11;
	v19 =	vld.idx.msk [tilespmem:v19+s24+$0x0], $0xffff  }
0x878: {  	[tilespmem:v22+s6+$0x0] =	vst.idx.add.f32.msk $0xffff, v20;
	v20 =	vor.u32 v51, v7  }
0x879: {  	v22 =	vor.u32 v42, v12;
	v16 =	vld.idx.msk [tilespmem:v55+s24+$0x0], $0xffff  }
0x87a: {  	v56 =	vor.u32 v51, v10;
	[tilespmem:v23+s6+$0x0] =	vst.idx.add.f32.msk $0xffff, v17  }
0x87b: {  	v18 =	vld.idx.msk [tilespmem:v18+s24+$0x0], $0xffff  }
0x87c: {  	v23 =	vor.u32 v42, v14;
	[tilespmem:v21+s6+$0x0] =	vst.idx.add.f32.msk $0xffff, v19  }
0x87d: {  	v19 =	vor.u32 v51, v13;
	v20 =	vld.idx.msk [tilespmem:v20+s24+$0x0], $0xffff  }
0x87e: {  	v21 =	vor.u32 v51, v11;
	[tilespmem:v22+s6+$0x0] =	vst.idx.add.f32.msk $0xffff, v16  }
0x87f: {  	v57 =	vor.u32 v59, v7;
	v17 =	vld.idx.msk [tilespmem:v56+s24+$0x0], $0xffff  }
0x880: {  	v22 =	vor.u32 v51, v12;
	v56 =	vld [tilespmem:$0x1FEB0]  }
0x881: {  	[tilespmem:v23+s6+$0x0] =	vst.idx.add.f32.msk $0xffff, v18;
	v18 =	vor.u32 v59, v10  }
0x882: {  	v23 =	vor.u32 v51, v14;
	v19 =	vld.idx.msk [tilespmem:v19+s24+$0x0], $0xffff  }
0x883: {  	[tilespmem:v21+s6+$0x0] =	vst.idx.add.f32.msk $0xffff, v20;
	v20 =	vor.u32 v59, v13  }
0x884: {  	v21 =	vor.u32 v59, v11;
	v16 =	vld.idx.msk [tilespmem:v57+s24+$0x0], $0xffff  }
0x885: {  	v58 =	vor.u32 v60, v7;
	[tilespmem:v22+s6+$0x0] =	vst.idx.add.f32.msk $0xffff, v17  }
0x886: {  	v18 =	vld.idx.msk [tilespmem:v18+s24+$0x0], $0xffff  }
0x887: {  	v22 =	vor.u32 v59, v12;
	[tilespmem:v23+s6+$0x0] =	vst.idx.add.f32.msk $0xffff, v19  }
0x888: {  	v19 =	vor.u32 v60, v10;
	v20 =	vld.idx.msk [tilespmem:v20+s24+$0x0], $0xffff  }
0x889: {  	v23 =	vor.u32 v59, v14;
	[tilespmem:v21+s6+$0x0] =	vst.idx.add.f32.msk $0xffff, v16  }
0x88a: {  	v59 =	vor.u32 v60, v13;
	v17 =	vld.idx.msk [tilespmem:v58+s24+$0x0], $0xffff  }
0x88b: {  	v21 =	vor.u32 v60, v11;
	v58 =	vld [tilespmem:$0x1FEC0]  }
0x88c: {  	[tilespmem:v22+s6+$0x0] =	vst.idx.add.f32.msk $0xffff, v18;
	v18 =	vor.u32 v62, v7  }
0x88d: {  	v22 =	vor.u32 v60, v12;
	v19 =	vld.idx.msk [tilespmem:v19+s24+$0x0], $0xffff  }
0x88e: {  	[tilespmem:v23+s6+$0x0] =	vst.idx.add.f32.msk $0xffff, v20;
	v20 =	vor.u32 v62, v10  }
0x88f: {  	v23 =	vor.u32 v60, v14;
	v16 =	vld.idx.msk [tilespmem:v59+s24+$0x0], $0xffff  }
0x890: {  	[tilespmem:v21+s6+$0x0] =	vst.idx.add.f32.msk $0xffff, v17  }
0x891: {  	v60 =	vor.u32 v62, v13;
	v18 =	vld.idx.msk [tilespmem:v18+s24+$0x0], $0xffff  }
0x892: {  	[tilespmem:v22+s6+$0x0] =	vst.idx.add.f32.msk $0xffff, v19  }
0x893: {  	v21 =	vor.u32 v62, v11;
	v20 =	vld.idx.msk [tilespmem:v20+s24+$0x0], $0xffff  }
0x894: {  	v19 =	vor.u32 v63, v7;
	[tilespmem:v23+s6+$0x0] =	vst.idx.add.f32.msk $0xffff, v16  }
0x895: {  	v22 =	vor.u32 v62, v12;
	v23 =	vor.u32 v62, v14;
	v62 =	vld [tilespmem:$0x1FFC0]  }
0x896: {  	v61 =	vor.u32 v63, v10;
	v17 =	vld.idx.msk [tilespmem:v60+s24+$0x0], $0xffff  }
0x897: {  	v60 =	vld [tilespmem:$0x1FED0]  }
0x898: {  	[tilespmem:v21+s6+$0x0] =	vst.idx.add.f32.msk $0xffff, v18  }
0x899: {  	v18 =	vor.u32 v63, v13;
	v19 =	vld.idx.msk [tilespmem:v19+s24+$0x0], $0xffff  }
0x89a: {  	v21 =	vor.u32 v63, v11;
	[tilespmem:v22+s6+$0x0] =	vst.idx.add.f32.msk $0xffff, v20  }
0x89b: {  	v20 =	vor.u32 v62, v7;
	v16 =	vld.idx.msk [tilespmem:v61+s24+$0x0], $0xffff  }
0x89c: {  	v22 =	vor.u32 v63, v12;
	[tilespmem:v23+s6+$0x0] =	vst.idx.add.f32.msk $0xffff, v17  }
0x89d: {  	v24 =	vor.u32 v62, v10;
	v23 =	vor.u32 v63, v14;
	v63 =	vld [tilespmem:$0x1FEE0]  }
0x89e: {  	v18 =	vld.idx.msk [tilespmem:v18+s24+$0x0], $0xffff  }
0x89f: {  	[tilespmem:v21+s6+$0x0] =	vst.idx.add.f32.msk $0xffff, v19;
	v19 =	vor.u32 v62, v13  }
0x8a0: {  	v21 =	vor.u32 v62, v11;
	v20 =	vld.idx.msk [tilespmem:v20+s24+$0x0], $0xffff  }
0x8a1: {  	v26 =	vor.u32 v25, v7;
	[tilespmem:v22+s6+$0x0] =	vst.idx.add.f32.msk $0xffff, v16  }
0x8a2: {  	v22 =	vor.u32 v62, v12;
	v17 =	vld.idx.msk [tilespmem:v24+s24+$0x0], $0xffff  }
0x8a3: {  	[tilespmem:v23+s6+$0x0] =	vst.idx.add.f32.msk $0xffff, v18;
	v18 =	vor.u32 v25, v10  }
0x8a4: {  	v23 =	vor.u32 v62, v14;
	v19 =	vld.idx.msk [tilespmem:v19+s24+$0x0], $0xffff  }
0x8a5: {  	[tilespmem:v21+s6+$0x0] =	vst.idx.add.f32.msk $0xffff, v20;
	v20 =	vor.u32 v25, v13  }
0x8a6: {  	v21 =	vor.u32 v25, v11;
	v16 =	vld.idx.msk [tilespmem:v26+s24+$0x0], $0xffff  }
0x8a7: {  	v28 =	vor.u32 v27, v7;
	[tilespmem:v22+s6+$0x0] =	vst.idx.add.f32.msk $0xffff, v17  }
0x8a8: {  	v22 =	vor.u32 v25, v12;
	v18 =	vld.idx.msk [tilespmem:v18+s24+$0x0], $0xffff  }
0x8a9: {  	[tilespmem:v23+s6+$0x0] =	vst.idx.add.f32.msk $0xffff, v19;
	v19 =	vor.u32 v27, v10  }
0x8aa: {  	v23 =	vor.u32 v25, v14;
	v20 =	vld.idx.msk [tilespmem:v20+s24+$0x0], $0xffff  }
0x8ab: {  	v29 =	vor.u32 v27, v13;
	[tilespmem:v21+s6+$0x0] =	vst.idx.add.f32.msk $0xffff, v16  }
0x8ac: {  	v21 =	vor.u32 v27, v11;
	v17 =	vld.idx.msk [tilespmem:v28+s24+$0x0], $0xffff  }
0x8ad: {  	[tilespmem:v22+s6+$0x0] =	vst.idx.add.f32.msk $0xffff, v18;
	v18 =	vor.u32 v30, v7  }
0x8ae: {  	v22 =	vor.u32 v27, v12;
	v19 =	vld.idx.msk [tilespmem:v19+s24+$0x0], $0xffff  }
0x8af: {  	[tilespmem:v23+s6+$0x0] =	vst.idx.add.f32.msk $0xffff, v20;
	v20 =	vor.u32 v30, v10  }
0x8b0: {  	v23 =	vor.u32 v27, v14;
	v16 =	vld.idx.msk [tilespmem:v29+s24+$0x0], $0xffff  }
0x8b1: {  	v31 =	vor.u32 v30, v13;
	[tilespmem:v21+s6+$0x0] =	vst.idx.add.f32.msk $0xffff, v17  }
0x8b2: {  	v21 =	vor.u32 v30, v11;
	v18 =	vld.idx.msk [tilespmem:v18+s24+$0x0], $0xffff  }
0x8b3: {  	[tilespmem:v22+s6+$0x0] =	vst.idx.add.f32.msk $0xffff, v19;
	v19 =	vor.u32 v32, v7  }
0x8b4: {  	v22 =	vor.u32 v30, v12;
	v20 =	vld.idx.msk [tilespmem:v20+s24+$0x0], $0xffff  }
0x8b5: {  	v33 =	vor.u32 v32, v10;
	[tilespmem:v23+s6+$0x0] =	vst.idx.add.f32.msk $0xffff, v16  }
0x8b6: {  	v23 =	vor.u32 v30, v14;
	v17 =	vld.idx.msk [tilespmem:v31+s24+$0x0], $0xffff  }
0x8b7: {  	[tilespmem:v21+s6+$0x0] =	vst.idx.add.f32.msk $0xffff, v18;
	v18 =	vor.u32 v32, v13  }
0x8b8: {  	v21 =	vor.u32 v32, v11;
	v19 =	vld.idx.msk [tilespmem:v19+s24+$0x0], $0xffff  }
0x8b9: {  	[tilespmem:v22+s6+$0x0] =	vst.idx.add.f32.msk $0xffff, v20;
	v20 =	vor.u32 v34, v7  }
0x8ba: {  	v22 =	vor.u32 v32, v12;
	v16 =	vld.idx.msk [tilespmem:v33+s24+$0x0], $0xffff  }
0x8bb: {  	v35 =	vor.u32 v34, v10;
	[tilespmem:v23+s6+$0x0] =	vst.idx.add.f32.msk $0xffff, v17  }
0x8bc: {  	v23 =	vor.u32 v32, v14;
	v18 =	vld.idx.msk [tilespmem:v18+s24+$0x0], $0xffff  }
0x8bd: {  	[tilespmem:v21+s6+$0x0] =	vst.idx.add.f32.msk $0xffff, v19;
	v19 =	vor.u32 v34, v13  }
0x8be: {  	v21 =	vor.u32 v34, v11;
	v20 =	vld.idx.msk [tilespmem:v20+s24+$0x0], $0xffff  }
0x8bf: {  	v37 =	vor.u32 v36, v7;
	[tilespmem:v22+s6+$0x0] =	vst.idx.add.f32.msk $0xffff, v16  }
0x8c0: {  	v22 =	vor.u32 v34, v12;
	v17 =	vld.idx.msk [tilespmem:v35+s24+$0x0], $0xffff  }
0x8c1: {  	[tilespmem:v23+s6+$0x0] =	vst.idx.add.f32.msk $0xffff, v18;
	v18 =	vor.u32 v36, v10  }
0x8c2: {  	v23 =	vor.u32 v34, v14;
	v19 =	vld.idx.msk [tilespmem:v19+s24+$0x0], $0xffff  }
0x8c3: {  	[tilespmem:v21+s6+$0x0] =	vst.idx.add.f32.msk $0xffff, v20;
	v20 =	vor.u32 v36, v13  }
0x8c4: {  	v21 =	vor.u32 v36, v11;
	v16 =	vld.idx.msk [tilespmem:v37+s24+$0x0], $0xffff  }
0x8c5: {  	v39 =	vor.u32 v38, v7;
	[tilespmem:v22+s6+$0x0] =	vst.idx.add.f32.msk $0xffff, v17  }
0x8c6: {  	v22 =	vor.u32 v36, v12;
	v18 =	vld.idx.msk [tilespmem:v18+s24+$0x0], $0xffff  }
0x8c7: {  	[tilespmem:v23+s6+$0x0] =	vst.idx.add.f32.msk $0xffff, v19;
	v19 =	vor.u32 v38, v10  }
0x8c8: {  	v23 =	vor.u32 v36, v14;
	v20 =	vld.idx.msk [tilespmem:v20+s24+$0x0], $0xffff  }
0x8c9: {  	v40 =	vor.u32 v38, v13;
	[tilespmem:v21+s6+$0x0] =	vst.idx.add.f32.msk $0xffff, v16  }
0x8ca: {  	v21 =	vor.u32 v38, v11;
	v17 =	vld.idx.msk [tilespmem:v39+s24+$0x0], $0xffff  }
0x8cb: {  	[tilespmem:v22+s6+$0x0] =	vst.idx.add.f32.msk $0xffff, v18;
	v18 =	vor.u32 v41, v7  }
0x8cc: {  	v22 =	vor.u32 v38, v12;
	v19 =	vld.idx.msk [tilespmem:v19+s24+$0x0], $0xffff  }
0x8cd: {  	[tilespmem:v23+s6+$0x0] =	vst.idx.add.f32.msk $0xffff, v20;
	v20 =	vor.u32 v41, v10  }
0x8ce: {  	v23 =	vor.u32 v38, v14;
	v16 =	vld.idx.msk [tilespmem:v40+s24+$0x0], $0xffff  }
0x8cf: {  	v42 =	vor.u32 v41, v13;
	[tilespmem:v21+s6+$0x0] =	vst.idx.add.f32.msk $0xffff, v17  }
0x8d0: {  	v21 =	vor.u32 v41, v11;
	v18 =	vld.idx.msk [tilespmem:v18+s24+$0x0], $0xffff  }
0x8d1: {  	[tilespmem:v22+s6+$0x0] =	vst.idx.add.f32.msk $0xffff, v19;
	v19 =	vor.u32 v43, v7  }
0x8d2: {  	v22 =	vor.u32 v41, v12;
	v20 =	vld.idx.msk [tilespmem:v20+s24+$0x0], $0xffff  }
0x8d3: {  	v44 =	vor.u32 v43, v10;
	[tilespmem:v23+s6+$0x0] =	vst.idx.add.f32.msk $0xffff, v16  }
0x8d4: {  	v23 =	vor.u32 v41, v14;
	v17 =	vld.idx.msk [tilespmem:v42+s24+$0x0], $0xffff  }
0x8d5: {  	[tilespmem:v21+s6+$0x0] =	vst.idx.add.f32.msk $0xffff, v18;
	v18 =	vor.u32 v43, v13  }
0x8d6: {  	v21 =	vor.u32 v43, v11;
	v19 =	vld.idx.msk [tilespmem:v19+s24+$0x0], $0xffff  }
0x8d7: {  	[tilespmem:v22+s6+$0x0] =	vst.idx.add.f32.msk $0xffff, v20;
	v20 =	vor.u32 v45, v7  }
0x8d8: {  	v22 =	vor.u32 v43, v12;
	v16 =	vld.idx.msk [tilespmem:v44+s24+$0x0], $0xffff  }
0x8d9: {  	v46 =	vor.u32 v45, v10;
	[tilespmem:v23+s6+$0x0] =	vst.idx.add.f32.msk $0xffff, v17  }
0x8da: {  	v23 =	vor.u32 v43, v14;
	v18 =	vld.idx.msk [tilespmem:v18+s24+$0x0], $0xffff  }
0x8db: {  	[tilespmem:v21+s6+$0x0] =	vst.idx.add.f32.msk $0xffff, v19;
	v19 =	vor.u32 v45, v13  }
0x8dc: {  	v21 =	vor.u32 v45, v11;
	v20 =	vld.idx.msk [tilespmem:v20+s24+$0x0], $0xffff  }
0x8dd: {  	v48 =	vor.u32 v47, v7;
	[tilespmem:v22+s6+$0x0] =	vst.idx.add.f32.msk $0xffff, v16  }
0x8de: {  	v22 =	vor.u32 v45, v12;
	v17 =	vld.idx.msk [tilespmem:v46+s24+$0x0], $0xffff  }
0x8df: {  	[tilespmem:v23+s6+$0x0] =	vst.idx.add.f32.msk $0xffff, v18;
	v18 =	vor.u32 v47, v10  }
0x8e0: {  	v23 =	vor.u32 v45, v14;
	v19 =	vld.idx.msk [tilespmem:v19+s24+$0x0], $0xffff  }
0x8e1: {  	[tilespmem:v21+s6+$0x0] =	vst.idx.add.f32.msk $0xffff, v20;
	v20 =	vor.u32 v47, v13  }
0x8e2: {  	v21 =	vor.u32 v47, v11;
	v16 =	vld.idx.msk [tilespmem:v48+s24+$0x0], $0xffff  }
0x8e3: {  	v50 =	vor.u32 v49, v7;
	[tilespmem:v22+s6+$0x0] =	vst.idx.add.f32.msk $0xffff, v17  }
0x8e4: {  	v22 =	vor.u32 v47, v12;
	v18 =	vld.idx.msk [tilespmem:v18+s24+$0x0], $0xffff  }
0x8e5: {  	[tilespmem:v23+s6+$0x0] =	vst.idx.add.f32.msk $0xffff, v19;
	v19 =	vor.u32 v49, v10  }
0x8e6: {  	v23 =	vor.u32 v47, v14;
	v20 =	vld.idx.msk [tilespmem:v20+s24+$0x0], $0xffff  }
0x8e7: {  	v51 =	vor.u32 v49, v13;
	[tilespmem:v21+s6+$0x0] =	vst.idx.add.f32.msk $0xffff, v16  }
0x8e8: {  	v21 =	vor.u32 v49, v11;
	v17 =	vld.idx.msk [tilespmem:v50+s24+$0x0], $0xffff  }
0x8e9: {  	[tilespmem:v22+s6+$0x0] =	vst.idx.add.f32.msk $0xffff, v18;
	v18 =	vor.u32 v52, v7  }
0x8ea: {  	v22 =	vor.u32 v49, v12;
	v19 =	vld.idx.msk [tilespmem:v19+s24+$0x0], $0xffff  }
0x8eb: {  	[tilespmem:v23+s6+$0x0] =	vst.idx.add.f32.msk $0xffff, v20;
	v20 =	vor.u32 v52, v10  }
0x8ec: {  	v23 =	vor.u32 v49, v14;
	v16 =	vld.idx.msk [tilespmem:v51+s24+$0x0], $0xffff  }
0x8ed: {  	v53 =	vor.u32 v52, v13;
	[tilespmem:v21+s6+$0x0] =	vst.idx.add.f32.msk $0xffff, v17  }
0x8ee: {  	v21 =	vor.u32 v52, v11;
	v18 =	vld.idx.msk [tilespmem:v18+s24+$0x0], $0xffff  }
0x8ef: {  	[tilespmem:v22+s6+$0x0] =	vst.idx.add.f32.msk $0xffff, v19;
	v19 =	vor.u32 v54, v7  }
0x8f0: {  	v22 =	vor.u32 v52, v12;
	v20 =	vld.idx.msk [tilespmem:v20+s24+$0x0], $0xffff  }
0x8f1: {  	v55 =	vor.u32 v54, v10;
	[tilespmem:v23+s6+$0x0] =	vst.idx.add.f32.msk $0xffff, v16  }
0x8f2: {  	v23 =	vor.u32 v52, v14;
	v17 =	vld.idx.msk [tilespmem:v53+s24+$0x0], $0xffff  }
0x8f3: {  	[tilespmem:v21+s6+$0x0] =	vst.idx.add.f32.msk $0xffff, v18;
	v18 =	vor.u32 v54, v13  }
0x8f4: {  	v21 =	vor.u32 v54, v11;
	v19 =	vld.idx.msk [tilespmem:v19+s24+$0x0], $0xffff  }
0x8f5: {  	[tilespmem:v22+s6+$0x0] =	vst.idx.add.f32.msk $0xffff, v20;
	v20 =	vor.u32 v56, v7  }
0x8f6: {  	v22 =	vor.u32 v54, v12;
	v16 =	vld.idx.msk [tilespmem:v55+s24+$0x0], $0xffff  }
0x8f7: {  	v57 =	vor.u32 v56, v10;
	[tilespmem:v23+s6+$0x0] =	vst.idx.add.f32.msk $0xffff, v17  }
0x8f8: {  	v23 =	vor.u32 v54, v14;
	v18 =	vld.idx.msk [tilespmem:v18+s24+$0x0], $0xffff  }
0x8f9: {  	[tilespmem:v21+s6+$0x0] =	vst.idx.add.f32.msk $0xffff, v19;
	v19 =	vor.u32 v56, v13  }
0x8fa: {  	v21 =	vor.u32 v56, v11;
	v20 =	vld.idx.msk [tilespmem:v20+s24+$0x0], $0xffff  }
0x8fb: {  	v59 =	vor.u32 v58, v7;
	[tilespmem:v22+s6+$0x0] =	vst.idx.add.f32.msk $0xffff, v16  }
0x8fc: {  	v22 =	vor.u32 v56, v12;
	v17 =	vld.idx.msk [tilespmem:v57+s24+$0x0], $0xffff  }
0x8fd: {  	[tilespmem:v23+s6+$0x0] =	vst.idx.add.f32.msk $0xffff, v18;
	v18 =	vor.u32 v58, v10  }
0x8fe: {  	v23 =	vor.u32 v56, v14;
	v19 =	vld.idx.msk [tilespmem:v19+s24+$0x0], $0xffff  }
0x8ff: {  	[tilespmem:v21+s6+$0x0] =	vst.idx.add.f32.msk $0xffff, v20;
	v20 =	vor.u32 v58, v13  }
0x900: {  	v21 =	vor.u32 v58, v11;
	v16 =	vld.idx.msk [tilespmem:v59+s24+$0x0], $0xffff  }
0x901: {  	v61 =	vor.u32 v60, v7;
	[tilespmem:v22+s6+$0x0] =	vst.idx.add.f32.msk $0xffff, v17  }
0x902: {  	v22 =	vor.u32 v58, v12;
	v18 =	vld.idx.msk [tilespmem:v18+s24+$0x0], $0xffff  }
0x903: {  	[tilespmem:v23+s6+$0x0] =	vst.idx.add.f32.msk $0xffff, v19;
	v19 =	vor.u32 v60, v10  }
0x904: {  	v23 =	vor.u32 v58, v14;
	v20 =	vld.idx.msk [tilespmem:v20+s24+$0x0], $0xffff  }
0x905: {  	v62 =	vor.u32 v60, v13;
	[tilespmem:v21+s6+$0x0] =	vst.idx.add.f32.msk $0xffff, v16  }
0x906: {  	v21 =	vor.u32 v60, v5;
	v17 =	vld.idx.msk [tilespmem:v61+s24+$0x0], $0xffff  }
0x907: {  	v4 =	vor.u32 v63, v4;
	[tilespmem:v22+s6+$0x0] =	vst.idx.add.f32.msk $0xffff, v18  }
0x908: {  	v18 =	vor.u32 v60, v11;
	v19 =	vld.idx.msk [tilespmem:v19+s24+$0x0], $0xffff  }
0x909: {  	v22 =	vor.u32 v60, v12;
	[tilespmem:v23+s6+$0x0] =	vst.idx.add.f32.msk $0xffff, v20  }
0x90a: {  	v7 =	vor.u32 v63, v7;
	v16 =	vld.idx.msk [tilespmem:v62+s24+$0x0], $0xffff  }
0x90b: {  	v10 =	vor.u32 v63, v10;
	[tilespmem:v21+s6+$0x0] =	vst.idx.add.f32.msk $0xffff, v15  }
0x90c: {  	v20 =	vor.u32 v60, v14;
	v4 =	vld.idx.msk [tilespmem:v4+s24+$0x0], $0xffff  }
0x90d: {  	[tilespmem:v18+s6+$0x0] =	vst.idx.add.f32.msk $0xffff, v17  }
0x90e: {  	v13 =	vor.u32 v63, v13;
	[tilespmem:v22+s6+$0x0] =	vst.idx.add.f32.msk $0xffff, v19  }
0x90f: {  	v5 =	vor.u32 v63, v5;
	v7 =	vld.idx.msk [tilespmem:v7+s24+$0x0], $0xffff  }
0x910: {  	v11 =	vor.u32 v63, v11;
	v12 =	vor.u32 v63, v12;
	v17 =	vshll.u32 @!p1 v6, $0x9;
	v10 =	vld.idx.msk [tilespmem:v10+s24+$0x0], $0xffff  }
0x911: {  	v15 =	vshll.u32 @!p1 v0, $0x9;
	v6 =	vshra.s32 @!p1 v6, $0x1;
	v17 =	vand.u32 @!p1 $0x200, v17;
	[tilespmem:v20+s6+$0x0] =	vst.idx.add.f32.msk $0xffff, v16  }
0x912: {  	v15 =	vand.u32 @!p1 $0x200, v15;
	v6 =	vadd.s32 @!p1 v6, v17;
	v20 =	vld [tilespmem:$0x1FC30];
	v16 =	vshra.s32 @!p1 v0, $0x1  }
0x913: {  	v14 =	vor.u32 v63, v14;
	v13 =	vld.idx.msk [tilespmem:v13+s24+$0x0], $0xffff;
	v15 =	vadd.s32 @!p1 v16, v15;
	v16 =	vshll.u32 @!p1 v8, $0x9  }
0x914: {  	[tilespmem:v5+s6+$0x0] =	vst.idx.add.f32.msk $0xffff, v4;
	v5 =	vshra.s32 @!p1 v8, $0x1;
	v8 =	vshll.u32 @!p1 v9, $0x9;
	v4 =	vand.u32 @!p1 $0x200, v16  }
0x915: {  	s0 =	sadd.s32 $0x4, s0;
	[tilespmem:v11+s6+$0x0] =	vst.idx.add.f32.msk $0xffff, v7;
	v4 =	vadd.s32 @!p1 v5, v4;
	v5 =	vand.u32 @!p1 $0x200, v8;
	v7 =	vshra.s32 @!p1 v9, $0x1  }
0x916: {  	p2 =	slt.u32 s0, $0xC;
	s11 =	simm.s32 @!p1 $0x10000;
	[tilespmem:v12+s6+$0x0] =	vst.idx.add.f32.msk $0xffff, v10;
	v5 =	vadd.s32 @!p1 v7, v5;
	v7 =	vimm.f32 @!p1 $1.000000000e+00  }
.Ltmp5:
0x917: {  	[tilespmem:v6+s11+$0x0] =	vst.idx.add.f32.msk @!p1 $0xffff, v7;
	(pc) =	sbr.rel @p2 .LBB2_12-.Ltmp5, $4  }
0x918: {  	[tilespmem:v14+s6+$0x0] =	vst.idx.add.f32.msk $0xffff, v13  }
0x919: {  	[tilespmem:v15+s11+$0x0] =	vst.idx.add.f32.msk @!p1 $0xffff, v7  }
0x91a: {  	[tilespmem:v4+s11+$0x0] =	vst.idx.add.f32.msk @!p1 $0xffff, v7  }
0x91b: {  	s5 =	sadd.s32 $0x40, s5;
	s10 =	sadd.s32 $0x40, s10;
	v23 =	vlaneseq.u32;
	[tilespmem:v5+s11+$0x0] =	vst.idx.add.f32.msk @!p1 $0xffff, v7  }
0x91c: {  	s0 =	rddreg [dreg:$0x9];
	s26 =	simm.s32 $0x6  }
0x91d: {  	[hbm4b:s0+s6] =	stream.linear.scatter [tilespmem:s6], [sflag:$0x6], $0x10000, $0x38;
	[tilespmem:$0x18700] =	vst v63  }
0x91e: {  	_ =	swait.ge [sflag:s26], $0x10000  }
0x91f: {  	[sflag:s26] =	ssyncset.done $0x0  }
0x920: {  	s0 =	simm.s32 @!p1 $0x0;
	s3 =	rddreg [dreg:$0xa];
	[sflag:s26] =	ssyncadd.s32 $0xFFFF0000  }
0x921: {  	[hbm4b:s3+s0] =	stream.linear.scatter @!p1 [tilespmem:s11], [sflag:$0x6], $0x400, $0x38;
	[tilespmem:$0x18700] =	vst v63  }
0x922: {  	s0 =	simm.s32 @!p1 $0x6  }
0x923: {  	_ =	swait.ge @!p1 [sflag:s0], $0x400  }
0x924: {  	s5 =	rddreg [dreg:$0xe]  }
0x925: {  	s28 =	rddreg [dreg:$0xb];
	s5 =	sadd.s32 $0x1, s5  }
0x926: {  	p2 =	sne.s32 s5, s28  }
.Ltmp6:
0x927: {  	_ = 	snop;
	(pc) =	sbr.rel @p2 .LBB2_1-.Ltmp6, $3  }
0x928: {  	_ =	sdelay $0x1  }
0x929: {  	[sflag:s0] =	ssyncset.done @!p1 $0x0  }
0x92a: {  	v12 =	vimm.f32 $0.0e+00;
	[sflag:s0] =	ssyncadd.s32 @!p1 $0xFFFFFC00  }
0x92b: {  	_ =	sfence.sel $0x180000  }
0x92c: {  	[bflag:$0x0] =	sbarrier.arrive $0xFFFF  }
0x92d: {  	_ =	strace $0x9000004A  }
0x92e: {  	s0 =	stileid.u32;
	[bflag:$0x2] =	sbarrier.arrive $0xFFFF  }
0x92f: {  	p0 =	sne.s32 s0, $0x0;
	s0 =	rddreg [dreg:$0x4]  }
0x930: {  	s0 =	sadd.s32 @!p0 $0x100000, s0  }
0x931: {  	[sflag:s0] =	ssyncadd.tile.s32 @!p0 $0x1;
	_ =	shalt  }
.Lfunc_end2:
_tile_overlayer_lowered:
.L_overlay_start_2:
0x932: {  	(tag) =	ssettag $0x2  }
0x933: {  	s0 =	rddreg [dreg:$0x0];
	s2 =	stileid.u32  }
0x934: {  	s1 =	rddreg [dreg:$0x1];
	p0 =	sne.s32 s2, $0x0  }
0x935: {  	s3 =	rddreg [dreg:$0x2];
	[bflag:$0x3] =	sbarrier.arrive $0xFFFF;
	s2 =	simm.s32 @!p0 $0x1C06  }
0x936: {  	[timem:s3], [sflag:s2] =	dma.local @!p0 [hbm:s0], s1  }
0x937: {  	s0 =	simm.s32 @!p0 $0x6  }
0x938: {  	_ =	swait.ge @!p0 [sflag:s0], s1  }
0x939: {  	s1 =	ssub.s32 @!p0 $0x0, s1;
	[sflag:s0] =	ssyncset.done @!p0 $0x0  }
0x93a: {  	[sflag:s0] =	ssyncadd.s32 @!p0 s1  }
0x93b: {  	[bflag:$0x3] =	sbarrier.arrive $0xFFFF  }
0x93c: {  	_ =	shalt  }

// kernel: sparse-core-data-format-call.cloned.1.call-start
scs
called_computation_lowered:
.L_overlay_start_0:
0x0: {  	s2 =	sld [smem:$0x3FD9]  }
0x1: {  	s3 =	sld [smem:$0x3FFE];
	_ =	sdelay $0x1  }
0x2: {  	s1 =	srdreg.scid  }
0x3: {  	s0 =	sand.u32 $0x1, s1  }
0x4: {  	s18 =	sshll.u32 s0, $0xA;
	s2 =	sadd.s32 s3, s2  }
0x5: {  	s2 =	sadd.s32 s2, s18  }
0x6: {  	[smem:$0x3FC5] =	sst s2  }
0x7: {  	_ = 	snop  }
0x8: {  	s2 =	sld [smem:$0x3FC9];
	(tm) =	ssettm $0x1  }
0x9: {  	s19 =	sld [smem:$0x3FFB];
	_ =	sdelay $0x3  }
0xa: {  	_ =	strace s19  }
0xb: {  	s3 =	sld [smem:$0x3FFC];
	_ =	sdelay $0x3  }
0xc: {  	_ =	strace s3  }
0xd: {  	s3 =	sld [smem:$0x3FFD];
	_ =	sdelay $0x3  }
0xe: {  	_ =	strace s3  }
0xf: {  	_ =	strace $0x8FFFFFFF  }
0x10: {  	s20 =	sld [smem:$0x3FDB];
	_ =	sdelay $0x1  }
0x11: {  	s4 =	simm.s32 $_scs_section_size  }
0x12: {  	s5 =	simm.s32 $_size__tile_overlayer_lowered;
	s6 =	simm.s32 $_tile_overlayer_lowered  }
0x13: {  	s23 =	simm.s32 $0x1BFF;
	s22 =	sshll.u32 s6, $0x1;
	s3 =	sadd.s32 s4, s20  }
0x14: {  	s7 =	simm.s32 $0x0;
	s21 =	sshll.u32 s5, $0x1;
	s5 =	sadd.s32 s22, s3  }
0x15: {  	[timem:s7], [sflag:s23] =	dma.local [hbm:s5], s21  }
0x16: {  	_ =	swait.ge [sflag:s23], s21  }
0x17: {  	s4 =	ssub.s32 $0x0, s21;
	[sflag:s23] =	ssyncset.done $0x0  }
0x18: {  	[sflag:s23] =	ssyncadd.s32 s4;
	_ =	sdelay $0x1  }
0x19: {  	s24 =	simm.s32 $0x1B8B  }
0x1a: {  	_ =	swait.ge [sflag:s24], $0x1  }
0x1b: {  	[sflag:s24] =	ssyncset.done $0x0  }
0x1c: {  	s26 =	simm.s32 $0x1B8E;
	s25 =	sld [smem:$0x3FFE];
	[sflag:s24] =	ssyncadd.s32 $0xFFFFFFFF  }
0x1d: {  	s27 =	simm.s32 $execute0_lowered;
	[smem:$0x3FD2] =	sst s26  }
0x1e: {  	s5 =	sshll.u32 s27, $0x1;
	_ =	strace $0x80000046;
	[dreg:$0x1] =	wrdreg $0xFFFFFFFF  }
0x1f: {  	s28 =	simm.s32 $_size_execute0_lowered;
	s3 =	sadd.s32 s3, s5;
	[dreg:$0x0] =	wrdreg $0x0  }
0x20: {  	s5 =	sshll.u32 s28, $0x1;
	[dreg:$0x2] =	wrdreg s3  }
0x21: {  	[dreg:$0x3] =	wrdreg s5  }
0x22: {  	[dreg:$0x4] =	wrdreg $0xC0  }
0x23: {  	_ =	task [dreg:s7], $0x5FFFF  }
0x24: {  	[dreg:$0x1] =	wrdreg $0xFFFFFFFF  }
0x25: {  	[dreg:$0x0] =	wrdreg $0x60  }
0x26: {  	[dreg:$0x2] =	wrdreg s2  }
0x27: {  	[dreg:$0x3] =	wrdreg s25  }
0x28: {  	[dreg:$0x4] =	wrdreg $0x9  }
0x29: {  	_ =	task.clear_ibuf [dreg:s7], $0x5FFFF;
	_ =	strace $0x90000046  }
0x2a: {  	s29 =	simm.s32 $0x9;
	_ =	strace $0x80000048  }
0x2b: {  	_ =	swait.ge [sflag:s29], $0x1  }
0x2c: {  	[sflag:s29] =	ssyncadd.s32 $0xFFFFFFFF  }
0x2d: {  	_ =	strace $0x90000048  }
0x2e: {  	_ =	sfence  }
0x2f: {  	s30 =	sld [smem:$0x0];
	_ =	sdelay $0x2  }
0x30: {  	s31 =	sshll.u32 s1, $0xD;
	s1 =	sshrl.u32 s1, $0x2  }
0x31: {  	s3 =	sand.u32 $0x4000, s31;
	s1 =	sadd.s32 s1, s30  }
0x32: {  	s0 =	sor.u32 s3, s0;
	s1 =	sshll.u32 s1, $0x11  }
0x33: {  	s0 =	sor.u32 s1, s0  }
0x34: {  	s0 =	sadd.s32 $0x8F2B, s0  }
0x35: {  	[sflag:s0] =	ssyncadd.remote.s32 $0x1  }
0x36: {  	_ =	sfence.sel $0xFFFF  }
0x37: {  	[dreg:$0x0] =	wrdreg $0xFFFFFFFF;
	(pc) =	sbr.abs _section_cstart, $3  }
0x38: {  	[dreg:$0x1] =	wrdreg $0xFFFFFFFF  }
0x39: {  	_ =	task.clear_ibuf [dreg:s7], $0x2FFFF;
	_ =	strace $0x9FFFFFFF  }
0x3a: {  	(tm) =	ssettm $0x7FFFFFFF  }
0x3b: {  	_ =	shalt  }
tec
execute0_lowered:
.L_overlay_start_1:
0x0: {  	(tag) =	ssettag $0x1  }
0x1: {  	s0 =	srdreg.scid;
	s2 =	rddreg [dreg:$0x0]  }
0x2: {  	s5 =	rddreg [dreg:$0x1];
	s1 =	stileid.u32  }
0x3: {  	s4 =	simm.s32 $0x1;
	s6 =	simm.s32 $0x2;
	s0 =	sshll.u32 s0, $0x4  }
0x4: {  	s8 =	simm.s32 $0x0;
	s9 =	simm.s32 $0x0;
	s3 =	sand.u32 $0x10, s0  }
.Ltmp0:
0x5: {  	s13 =	simm.s32 $0x0;
	s3 =	sor.u32 s1, s3;
	(pc) =	sbr.rel .LBB1_1-.Ltmp0, $4  }
0x6: {  	s0 =	rddreg [dreg:$0x2];
	_ =	strace $0x80000047;
	s3 =	sshll.u32 s3, $0x3  }
0x7: {  	s10 =	simm.s32 $0x0;
	[sflag:s4] =	ssyncpa.u1 $0x0;
	s7 =	ssub.s32 $0x1868, s3  }
0x8: {  	s12 =	simm.s32 $0x0;
	[sflag:s6] =	ssyncpa.u1 $0x0;
	s6 =	sshrl.u32 s7, $0x8  }
0x9: {  	s5 =	sadd.s32 $0xC00, s5;
	s11 =	smov.u32 s3;
	s7 =	sadd.s32 $0x2, s6  }
.LBB1_9:
0xa: {  	s15 =	sshll.u32 s12, $0xE  }
0xb: {  	s16 =	sshll.u32 s10, $0x8;
	s15 =	sand.u32 $0x4000, s15  }
0xc: {  	s16 =	sadd.s32 s5, s16;
	s15 =	sor.u32 $0x8000, s15  }
0xd: {  	[hbm4b:s16+s8] =	stream.linear.scatter [tilespmem:s15], [sflag:$0x2], s14, $0x38;
	[tilespmem:$0x10000] =	vst v63  }
.LBB1_10:
0xe: {  	p0 =	slt.u32 s12, $0x2  }
0xf: {  	p1 =	sgt.s32 @!p0 s13, $0x1862  }
0x10: {  	s14 =	smov.u32 s13;
	s15 =	sshra.s32 @!p0 s13, $0x1F;
	p1 =	por !p1, p0  }
0x11: {  	s13 =	sand.u32 @!p0 s15, s13;
	s14 =	simm.s32 @p1 $0x1862  }
0x12: {  	s13 =	ssub.s32 @!p0 s14, s13  }
0x13: {  	s13 =	sadd.s32 @!p0 $0xFFFFE79E, s13  }
0x14: {  	s14 =	sshll.u32 @!p0 s13, $0xD  }
0x15: {  	p1 =	sgt.s32 @!p0 s13, $0x7;
	s13 =	ssub.s32 @!p0 $0x10000, s14  }
0x16: {  	s15 =	sadd.s32 $0x100, s11;
	p1 =	por !p1, p0;
	s13 =	sshrl.u32 @!p0 s13, $0x2  }
0x17: {  	s13 =	simm.s32 @!p1 $0x0;
	p1 =	sgt.s32 s15, $0x1869  }
0x18: {  	s15 =	smov.u32 @p1 s3;
	p1 =	sne.s32 s12, s7  }
.Ltmp1:
0x19: {  	_ = 	snop;
	(pc) =	sbr.rel @!p1 .LBB1_11-.Ltmp1, $4  }
0x1a: {  	s14 =	simm.s32 @!p0 $0x2  }
0x1b: {  	s9 =	sadd.s32 $0x4000, s9;
	_ =	swait.ge @!p0 [sflag:s14], s13;
	s16 =	ssub.s32 @!p0 $0x0, s13  }
0x1c: {  	s13 =	smov.u32 s10;
	s12 =	sadd.s32 $0x1, s12;
	[sflag:s14] =	ssyncset.done @!p0 $0x0  }
0x1d: {  	s10 =	smov.u32 s11;
	s11 =	smov.u32 s15;
	[sflag:s14] =	ssyncadd.s32 @!p0 s16  }
.LBB1_1:
0x1e: {  	p0 =	sgt.u32 s12, s6  }
0x1f: {  	p1 =	sgt.s32 @!p0 s11, $0x1862  }
0x20: {  	s14 =	smov.u32 s11;
	s15 =	sshra.s32 @!p0 s11, $0x1F;
	p1 =	por !p1, p0  }
0x21: {  	s15 =	sand.u32 @!p0 s15, s11;
	s14 =	simm.s32 @p1 $0x1862  }
0x22: {  	s14 =	ssub.s32 @!p0 s14, s15  }
0x23: {  	s14 =	sadd.s32 @!p0 $0xFFFFE79E, s14  }
0x24: {  	s17 =	simm.s32 @!p0 $0x0;
	s15 =	sxor.u32 @!p0 $0xFFFFFFFF, s12;
	s16 =	sshll.u32 @!p0 s14, $0xD  }
0x25: {  	s15 =	sshll.u32 @!p0 s15, $0xE;
	p1 =	sgt.s32 @!p0 s14, $0x7;
	s14 =	ssub.s32 @!p0 $0x10000, s16  }
0x26: {  	p1 =	por !p1, p0;
	s16 =	sshll.u32 @!p0 s11, $0x8;
	s14 =	sshrl.u32 @!p0 s14, $0x2  }
0x27: {  	s15 =	sand.u32 @!p0 $0x4000, s15;
	s16 =	sadd.s32 @!p0 s2, s16;
	s14 =	simm.s32 @!p1 $0x0  }
0x28: {  	[tilespmem:s15], [sflag:$0x1] =	stream.linear.gather @!p0 [hbm4b:s16+s17], s14, $0x38;
	[tilespmem:$0x10000] =	vst v63  }
0x29: {  	p0 =	seq.s32 s12, $0x0  }
0x2a: {  	p1 =	sge.u32 @!p0 s12, s7  }
0x2b: {  	p0 =	por p0, p1  }
.Ltmp2:
0x2c: {  	_ = 	snop;
	(pc) =	sbr.rel @p0 .LBB1_10-.Ltmp2, $1  }
0x2d: {  	_ =	sdelay $0x3  }
0x2e: {  	p0 =	sgt.s32 s10, $0x1862;
	s14 =	smov.u32 s10;
	s15 =	sshra.s32 s10, $0x1F  }
0x2f: {  	s14 =	simm.s32 @!p0 $0x1862;
	s15 =	sand.u32 s15, s10  }
0x30: {  	s14 =	ssub.s32 s14, s15  }
0x31: {  	s16 =	sadd.s32 $0x8, s10;
	s14 =	sadd.s32 $0xFFFFE79E, s14  }
0x32: {  	p1 =	slt.s32 s16, $0x186A;
	s30 =	sshll.u32 s14, $0xD  }
0x33: {  	s16 =	simm.s32 @!p1 $0x186A;
	s15 =	ssub.s32 $0x10000, s30  }
0x34: {  	p0 =	sgt.s32 s14, $0x7;
	s14 =	sshrl.u32 s15, $0x2;
	s15 =	ssub.s32 s16, s10  }
0x35: {  	s14 =	simm.s32 @p0 $0x0;
	p0 =	slt.s32 s15, $0x1  }
.Ltmp3:
0x36: {  	_ = 	snop;
	(pc) =	sbr.rel @p0 .LBB1_9-.Ltmp3, $4  }
0x37: {  	_ = 	snop  }
0x38: {  	_ =	swait.ge [sflag:s4], s14  }
0x39: {  	s31 =	ssub.s32 $0x0, s14;
	[sflag:s4] =	ssyncset.done $0x0  }
0x3a: {  	[sflag:s4] =	ssyncadd.s32 s31  }
0x3b: {  	s16 =	sshll.u32 s9, $0x2  }
0x3c: {  	s16 =	sand.u32 $0x10000, s16  }
0x3d: {  	s16 =	sshrl.u32 s16, $0x2  }
0x3e: {  	s18 =	simm.s32 $0x0;
	s19 =	simm.s32 $0x0;
	s17 =	sor.u32 $0x8000, s16  }
.LBB1_4:
0x3f: {  	s20 =	sshra.s32 s18, $0x2  }
0x40: {  	v0 =	vmov s20;
	_ =	sdelay $0x3  }
0x41: {  	p1 =	por $0x1, $0x1;
	s20 =	simm.s32 $0x0  }
.LBB1_5:
0x42: {  	_ = 	snop  }
0x43: {  	s21 =	sshll.u32 s20, $0xA  }
0x44: {  	s21 =	sand.u32 $0x3FFFFC00, s21  }
0x45: {  	s21 =	sadd.s32 s21, s16  }
0x46: {  	v5 =	vld.idx.msk [tilespmem:v0+s21+$0x70 ss:$0x1], $0xffff  }
0x47: {  	v6 =	vld.idx.msk [tilespmem:v0+s21+$0x10 ss:$0x1], $0xffff  }
0x48: {  	v7 =	vld.idx.msk [tilespmem:v0+s21+$0x20 ss:$0x1], $0xffff  }
0x49: {  	s31 =	sshll.u32 s20, $0x7;
	v1 =	vld.idx.msk [tilespmem:v0+s21+$0x30 ss:$0x1], $0xffff  }
0x4a: {  	s20 =	sand.u32 $0x3FFFFF80, s31;
	v2 =	vld.idx.msk [tilespmem:v0+s21+$0x40 ss:$0x1], $0xffff  }
0x4b: {  	s20 =	sadd.s32 s20, s17;
	v3 =	vld.idx.msk [tilespmem:v0+s21+$0x50 ss:$0x1], $0xffff  }
0x4c: {  	v4 =	vld.idx.msk [tilespmem:v0+s21+$0x60 ss:$0x1], $0xffff;
	[tilespmem:v0+s20+$0x70 ss:$0x1] =	vst.idx.msk $0xffff, v5  }
0x4d: {  	v5 =	vld.idx.msk [tilespmem:v0+s21+$0x0 ss:$0x1], $0xffff;
	[tilespmem:v0+s20+$0x10 ss:$0x1] =	vst.idx.msk $0xffff, v6;
	s21 =	sadd.s32 $0x80, s21  }
0x4e: {  	p0 =	por p1, p1;
	s22 =	simm.s32 $0x6;
	[tilespmem:v0+s20+$0x20 ss:$0x1] =	vst.idx.msk $0xffff, v7;
	v6 =	vld.idx.msk [tilespmem:v0+s21+$0x70 ss:$0x1], $0xffff  }
.LBB1_6:
0x4f: {  	p1 =	sne.s32 s22, $0x1;
	v7 =	vld.idx.msk [tilespmem:v0+s21+$0x10 ss:$0x1], $0xffff;
	[tilespmem:v0+s20+$0x30 ss:$0x1] =	vst.idx.msk $0xffff, v1  }
0x50: {  	v8 =	vld.idx.msk [tilespmem:v0+s21+$0x20 ss:$0x1], $0xffff;
	[tilespmem:v0+s20+$0x40 ss:$0x1] =	vst.idx.msk $0xffff, v2  }
0x51: {  	v1 =	vld.idx.msk [tilespmem:v0+s21+$0x30 ss:$0x1], $0xffff;
	[tilespmem:v0+s20+$0x50 ss:$0x1] =	vst.idx.msk $0xffff, v3  }
.Ltmp4:
0x52: {  	v2 =	vld.idx.msk [tilespmem:v0+s21+$0x40 ss:$0x1], $0xffff;
	[tilespmem:v0+s20+$0x60 ss:$0x1] =	vst.idx.msk $0xffff, v4;
	(pc) =	sbr.rel @p1 .LBB1_6-.Ltmp4, $4  }
0x53: {  	v3 =	vld.idx.msk [tilespmem:v0+s21+$0x50 ss:$0x1], $0xffff;
	[tilespmem:v0+s20+$0x0 ss:$0x1] =	vst.idx.msk $0xffff, v5;
	s20 =	sadd.s32 $0x100, s20  }
0x54: {  	v4 =	vld.idx.msk [tilespmem:v0+s21+$0x60 ss:$0x1], $0xffff;
	[tilespmem:v0+s20+$0x70 ss:$0x1] =	vst.idx.msk $0xffff, v6  }
0x55: {  	v5 =	vld.idx.msk [tilespmem:v0+s21+$0x0 ss:$0x1], $0xffff;
	[tilespmem:v0+s20+$0x10 ss:$0x1] =	vst.idx.msk $0xffff, v7;
	s21 =	sadd.s32 $0x80, s21  }
0x56: {  	s22 =	sadd.s32 $0xFFFFFFFF, s22;
	v6 =	vld.idx.msk [tilespmem:v0+s21+$0x70 ss:$0x1], $0xffff;
	[tilespmem:v0+s20+$0x20 ss:$0x1] =	vst.idx.msk $0xffff, v8  }
0x57: {  	_ =	sdelay $0x3  }
0x58: {  	[tilespmem:v0+s20+$0x30 ss:$0x1] =	vst.idx.msk $0xffff, v1  }
0x59: {  	v1 =	vld.idx.msk [tilespmem:v0+s21+$0x10 ss:$0x1], $0xffff;
	[tilespmem:v0+s20+$0x40 ss:$0x1] =	vst.idx.msk $0xffff, v2  }
0x5a: {  	v2 =	vld.idx.msk [tilespmem:v0+s21+$0x20 ss:$0x1], $0xffff;
	[tilespmem:v0+s20+$0x50 ss:$0x1] =	vst.idx.msk $0xffff, v3  }
0x5b: {  	v61 =	vld.idx.msk [tilespmem:v0+s21+$0x40 ss:$0x1], $0xffff;
	[tilespmem:v0+s20+$0x60 ss:$0x1] =	vst.idx.msk $0xffff, v4  }
0x5c: {  	s31 =	sadd.s32 $0x100, s20;
	v62 =	vld.idx.msk [tilespmem:v0+s21+$0x50 ss:$0x1], $0xffff;
	[tilespmem:v0+s20+$0x0 ss:$0x1] =	vst.idx.msk $0xffff, v5  }
0x5d: {  	v63 =	vld.idx.msk [tilespmem:v0+s21+$0x60 ss:$0x1], $0xffff;
	[tilespmem:v0+s31+$0x70 ss:$0x1] =	vst.idx.msk $0xffff, v6  }
0x5e: {  	v3 =	vld.idx.msk [tilespmem:v0+s21+$0x30 ss:$0x1], $0xffff;
	[tilespmem:v0+s31+$0x10 ss:$0x1] =	vst.idx.msk $0xffff, v1  }
0x5f: {  	v1 =	vld.idx.msk [tilespmem:v0+s21+$0x0 ss:$0x1], $0xffff;
	[tilespmem:v0+s31+$0x20 ss:$0x1] =	vst.idx.msk $0xffff, v2  }
.Ltmp5:
0x60: {  	[tilespmem:v0+s31+$0x40 ss:$0x1] =	vst.idx.msk $0xffff, v61;
	(pc) =	sbr.rel @p0 .LBB1_5-.Ltmp5, $4  }
0x61: {  	[tilespmem:v0+s31+$0x50 ss:$0x1] =	vst.idx.msk $0xffff, v62  }
0x62: {  	[tilespmem:v0+s31+$0x60 ss:$0x1] =	vst.idx.msk $0xffff, v63  }
0x63: {  	[tilespmem:v0+s31+$0x30 ss:$0x1] =	vst.idx.msk $0xffff, v3  }
0x64: {  	p1 =	por $0x0, $0x0;
	s20 =	simm.s32 $0x1;
	[tilespmem:v0+s31+$0x0 ss:$0x1] =	vst.idx.msk $0xffff, v1  }
0x65: {  	s19 =	sadd.s32 $0x1, s19  }
0x66: {  	p0 =	sne.s32 s19, s15  }
.Ltmp6:
0x67: {  	_ = 	snop;
	(pc) =	sbr.rel @p0 .LBB1_4-.Ltmp6, $4  }
.Ltmp7:
0x68: {  	_ = 	snop;
	(pc) =	sbr.rel @!p0 .LBB1_9-.Ltmp7, $4  }
0x69: {  	_ = 	snop  }
0x6a: {  	_ = 	snop  }
0x6b: {  	s18 =	sadd.s32 $0x2000, s18  }
0x6c: {  	_ = 	snop  }
.LBB1_11:
0x6d: {  	_ =	sfence.sel $0x180000  }
0x6e: {  	s2 =	simm.s32 $0x1;
	[bflag:$0x0] =	sbarrier.arrive $0xFFFF  }
0x6f: {  	s31 =	simm.s32 $0x2;
	[sflag:s2] =	ssyncpa.u1 $0x1  }
0x70: {  	[sflag:s31] =	ssyncpa.u1 $0x1  }
0x71: {  	p0 =	sne.s32 s1, $0x0;
	_ =	strace $0x90000047  }
0x72: {  	s0 =	sadd.s32 @!p0 $0x100000, s0;
	[bflag:$0x2] =	sbarrier.arrive $0xFFFF  }
0x73: {  	[sflag:s0] =	ssyncadd.tile.s32 @!p0 $0x1;
	_ =	shalt  }
.Lfunc_end1:
_tile_overlayer_lowered:
.L_overlay_start_2:
0x74: {  	(tag) =	ssettag $0x2  }
0x75: {  	s0 =	rddreg [dreg:$0x0];
	s2 =	stileid.u32  }
0x76: {  	s1 =	rddreg [dreg:$0x1];
	p0 =	sne.s32 s2, $0x0  }
0x77: {  	s3 =	rddreg [dreg:$0x2];
	[bflag:$0x3] =	sbarrier.arrive $0xFFFF;
	s2 =	simm.s32 @!p0 $0x1C01  }
0x78: {  	[timem:s3], [sflag:s2] =	dma.local @!p0 [hbm:s0], s1  }
0x79: {  	s0 =	simm.s32 @!p0 $0x1  }
0x7a: {  	_ =	swait.ge @!p0 [sflag:s0], s1  }
0x7b: {  	s1 =	ssub.s32 @!p0 $0x0, s1;
	[sflag:s0] =	ssyncset.done @!p0 $0x0  }
0x7c: {  	[sflag:s0] =	ssyncadd.s32 @!p0 s1  }
0x7d: {  	[bflag:$0x3] =	sbarrier.arrive $0xFFFF  }
0x7e: {  	_ =	shalt  }

</sc_bundles>
